<compile_context>
chip_gen: v7x
topology: tpu7x:2x2x1
jax: 0.10.2.dev20260603
libtpu: 0.0.44.dev20260713+nightly
codegen_flags: <defaults>
</compile_context>

<pallas_src>
import jax
import jax.numpy as jnp
from jax import lax
from jax.experimental import pallas as pl
from jax.experimental.pallas import tpu as pltpu
from jax.experimental.pallas import tpu_sc as plsc

VOCAB = 100000
EMBED_DIM = 128
BATCH = 4096
HIST = 50

ROW_BLK = 16384
NUM_BLK = (VOCAB + ROW_BLK - 1) // ROW_BLK
S_LEN = NUM_BLK * ROW_BLK
GROUPS = ROW_BLK // EMBED_DIM
HALF_G = GROUPS // 2
BLK_SHIFT = ROW_BLK.bit_length() - 1
HALF_BLK = ROW_BLK // 2

NUM_WORKERS = 32
ROWS_PER_W = BATCH // NUM_WORKERS
CHUNK = ROWS_PER_W * HIST
VECS = CHUNK // 16
PERIOD = 400 // 16


def _rne_bf16_bits(x):
    bits = jax.lax.bitcast_convert_type(x, jnp.int32)
    rnd = bits + 0x7FFF + lax.bitwise_and(lax.shift_right_logical(bits, 16), 1)
    return lax.shift_right_logical(rnd, 16)


def _scores_body(tab_ref, w_ref, b_ref, out_ref):
    def group_scores(g):
        seg = tab_ref[pl.ds(g * EMBED_DIM, EMBED_DIM), :]
        return (
            jax.lax.dot_general(
                w_ref[...], seg, (((1,), (1,)), ((), ())),
                preferred_element_type=jnp.float32,
            )
            + b_ref[0]
        )

    for g in range(HALF_G):
        lo = _rne_bf16_bits(group_scores(g))
        hi = _rne_bf16_bits(group_scores(g + HALF_G))
        out_ref[pl.ds(g, 1), :] = lax.bitwise_or(lo, lax.shift_left(hi, 16))


def _scores(emb_table, w, b):
    return pl.pallas_call(
        _scores_body,
        grid=(NUM_BLK,),
        in_specs=[
            pl.BlockSpec((ROW_BLK, EMBED_DIM), lambda i: (i, 0)),
            pl.BlockSpec((1, EMBED_DIM), lambda i: (0, 0)),
            pl.BlockSpec((1,), lambda i: (0,)),
        ],
        out_specs=pl.BlockSpec((HALF_G, EMBED_DIM), lambda i: (i, 0)),
        out_shape=jax.ShapeDtypeStruct((NUM_BLK * HALF_G, EMBED_DIM), jnp.int32),
    )(emb_table, w, b)


def _pool_body(s_hbm, sent_hbm, out_hbm, s_shr, s_v, sent_v, a0, a1, a2, a3, sem):
    sid = lax.axis_index("s")
    wid = sid * 2 + lax.axis_index("c")

    @pl.when(sid == 0)
    def _():
        pltpu.sync_copy(s_hbm, s_shr)

    pltpu.sync_copy(sent_hbm.at[pl.ds(wid * ROWS_PER_W, ROWS_PER_W), :], sent_v)
    plsc.subcore_barrier()
    s_copy = pltpu.async_copy(s_shr, s_v, sem)
    banks = (a0, a1, a2, a3)
    for a in banks:
        for c in range(4):
            a[pl.ds(c * 16, 16)] = jnp.zeros((16,), jnp.float32)
    s_copy.wait()

    def rc_vecs(u):
        start = (u * 16) % HIST
        rstart = (u * 16) // HIST
        raw = start + lax.iota(jnp.int32, 16)
        wrap = raw >= HIST
        col = jnp.where(wrap, raw - HIST, raw)
        r_off = rstart + jnp.where(wrap, 1, 0)
        return r_off, col

    def half_group(j, u0, u1):
        jrow = j * 8
        idxs = []
        for u in range(u0, u1):
            r_off, col = rc_vecs(u)
            idxs.append(plsc.load_gather(sent_v, [jrow + r_off, col]))
        words = [
            plsc.load_gather(
                s_v,
                [lax.bitwise_or(
                    lax.shift_left(
                        lax.shift_right_logical(ix, BLK_SHIFT), BLK_SHIFT - 1
                    ),
                    lax.bitwise_and(ix, HALF_BLK - 1),
                )],
            )
            for ix in idxs
        ]
        for k, u in enumerate(range(u0, u1)):
            _, col = rc_vecs(u)
            w = words[k]
            hi = lax.bitwise_and(w, jnp.int32(-65536))
            lo = lax.shift_left(w, 16)
            is_hi = (
                lax.bitwise_and(lax.shift_right_logical(idxs[k], BLK_SHIFT - 1), 1)
                == 1
            )
            vals = plsc.bitcast(jnp.where(is_hi, hi, lo), jnp.float32)
            plsc.addupdate_scatter(banks[u % 4], [col], vals)

    def body(j, carry):
        half_group(j, 0, PERIOD // 2)
        half_group(j, PERIOD // 2, PERIOD)
        return carry

    lax.fori_loop(0, VECS // PERIOD, body, 0)
    for c in range(4):
        d = pl.ds(c * 16, 16)
        a0[d] = a0[d] + a1[d] + a2[d] + a3[d]
    pltpu.sync_copy(a0, out_hbm.at[wid])


_pool = pl.kernel(
    _pool_body,
    out_type=jax.ShapeDtypeStruct((NUM_WORKERS, 64), jnp.float32),
    mesh=plsc.VectorSubcoreMesh(core_axis_name="c", subcore_axis_name="s"),
    scratch_types=[
        pltpu.VMEM_SHARED((S_LEN // 2,), jnp.int32),
        pltpu.VMEM((S_LEN // 2,), jnp.int32),
        pltpu.VMEM((ROWS_PER_W, HIST), jnp.int32),
        pltpu.VMEM((64,), jnp.float32),
        pltpu.VMEM((64,), jnp.float32),
        pltpu.VMEM((64,), jnp.float32),
        pltpu.VMEM((64,), jnp.float32),
        pltpu.SemaphoreType.DMA,
    ],
    compiler_params=pltpu.CompilerParams(needs_layout_passes=False),
)


def _finalize_body(p_ref, out_ref):
    tot = jnp.sum(p_ref[...], axis=0) * (1.0 / BATCH)
    out_ref[...] = jax.nn.sigmoid(tot)


def _finalize(partials):
    return pl.pallas_call(
        _finalize_body,
        out_shape=jax.ShapeDtypeStruct((64,), jnp.float32),
    )(partials)


def kernel(sentence, emb_table, W, b):
    s_pack = _scores(emb_table, W, b).reshape(S_LEN // 2)
    partials = _pool(s_pack, sentence.astype(jnp.int32))
    out64 = _finalize(partials)
    return out64[:HIST].reshape(HIST, 1)

# --- scband reference (transcript-rebuilt; emitter-appended) ---
"""Pipeline reference for scband-wac-26036091748839 (READ-ONLY COPY).

The authoritative reference and input builder live on the scoring server;
editing this copy changes nothing except your own understanding.
"""

import jax, jax.numpy as jnp
import numpy as np

VOCAB = 100000
EMBED_DIM = 128
BATCH = 4096
HIST = 50

def setup_inputs(seed: int = 0) -> dict:
    key = jax.random.key(seed)
    k1, k2, k3, k4 = jax.random.split(key, 4)
    sentence = jax.random.randint(k1, (BATCH, HIST), 0, VOCAB, dtype=jnp.int64 if jax.config.jax_enable_x64 else jnp.int32)
    emb_table = jax.random.normal(k2, (VOCAB, EMBED_DIM), dtype=jnp.float32)
    W = jax.random.normal(k3, (1, EMBED_DIM), dtype=jnp.float32) * (1.0 / np.sqrt(EMBED_DIM))
    b = jax.random.normal(k4, (1,), dtype=jnp.float32) * 0.01
    return {"sentence": sentence, "emb_table": emb_table, "W": W, "b": b}

def reference(sentence, emb_table, W, b):
    # nn.Embedding lookup (gather)
    embeds = jnp.take(emb_table, sentence, axis=0)  # [B, L, D]
    # mean over dim 0 (as in the torch module)
    embeds_ave = embeds.mean(axis=0)  # [L, D]
    # linear: [L, D] @ [D, 1] + [1]
    score = embeds_ave @ W.T + b  # [L, 1]
    prob = jax.nn.sigmoid(score)
    return prob

if __name__ == "__main__":
    import jax
    _d = setup_inputs()
    print(jax.jit(kernel)(*tuple(_d.values())))

</pallas_src>

<mosaic_0001>
#map = affine_map<(d0, d1) -> (0)>
#map1 = affine_map<(d0, d1) -> (0, 0)>
module attributes {stable_mosaic.version = 14 : i64} {
  func.func @_pool_body(%arg0: i32, %arg1: i32, %arg2: memref<57344xi32, #tpu.memory_space<hbm>>, %arg3: memref<4096x50xi32, #tpu.memory_space<hbm>>, %arg4: memref<32x64xf32, #tpu.memory_space<hbm>>, %arg5: memref<57344xi32, #tpu.memory_space<vmem_shared>>, %arg6: memref<57344xi32, #tpu.memory_space<vmem>>, %arg7: memref<128x50xi32, #tpu.memory_space<vmem>>, %arg8: memref<64xf32, #tpu.memory_space<vmem>>, %arg9: memref<64xf32, #tpu.memory_space<vmem>>, %arg10: memref<64xf32, #tpu.memory_space<vmem>>, %arg11: memref<64xf32, #tpu.memory_space<vmem>>, %arg12: memref<!tpu.dma_semaphore, #tpu.memory_space<semaphore_mem>>) attributes {dimension_semantics = [#tpu.dimension_semantics<core_parallel>, #tpu.dimension_semantics<subcore_parallel>], iteration_bounds = array<i64: 2, 16>, scalar_prefetch = 0 : i64, scratch_operands = 8 : i64, tpu.core_type = #tpu.core_type<sc_vector_subcore>, window_params = [{transform_indices = #map}, {transform_indices = #map1}, {transform_indices = #map1}]} {
    %mul3A = arith.constant 2 : i32
    %mul3A_0 = arith.muli %arg1, %mul3A : i32
    %add3A = arith.addi %mul3A_0, %arg0 : i32
    %eq3A = arith.constant 0 : i32
    %eq3A_1 = arith.cmpi eq, %arg1, %eq3A : i32
    %convert_element_type3A = arith.extui %eq3A_1 : i1 to i32
    %cond3A = arith.constant 0 : i32
    %cond3A_2 = arith.cmpi ne, %convert_element_type3A, %cond3A : i32
    scf.if %cond3A_2 {
      "tpu.region"() ({
        %run_scoped3A = tpu.sem_alloc : memref<!tpu.dma_semaphore, #tpu.memory_space<semaphore_mem>>
        tpu.enqueue_dma source(%arg2 : memref<57344xi32, #tpu.memory_space<hbm>>) target(%arg5 : memref<57344xi32, #tpu.memory_space<vmem_shared>>) target_semaphore(%run_scoped3A : memref<!tpu.dma_semaphore, #tpu.memory_space<semaphore_mem>>)
        tpu.wait_dma2 semaphore(%run_scoped3A : memref<!tpu.dma_semaphore, #tpu.memory_space<semaphore_mem>>) src(%arg2 : memref<57344xi32, #tpu.memory_space<hbm>>) dst(%arg5 : memref<57344xi32, #tpu.memory_space<vmem_shared>>)
        tpu.yield
      }) : () -> ()
    } else {
    }
    %mul3A_3 = arith.constant 128 : i32
    %mul3A_4 = arith.muli %add3A, %mul3A_3 : i32
    "tpu.region"() ({
      %run_scoped3A = tpu.sem_alloc : memref<!tpu.dma_semaphore, #tpu.memory_space<semaphore_mem>>
      %dma_start3A = arith.constant 0 : i32
      %dma_start3A_123 = tpu.memref_slice %arg3[%mul3A_4, %dma_start3A] : memref<4096x50xi32, #tpu.memory_space<hbm>> -> memref<128x50xi32, #tpu.memory_space<hbm>>
      %dma_start3A_124 = arith.constant 0 : i32
      %dma_start3A_125 = tpu.memref_slice %arg3[%mul3A_4, %dma_start3A_124] : memref<4096x50xi32, #tpu.memory_space<hbm>> -> memref<128x50xi32, #tpu.memory_space<hbm>>
      tpu.enqueue_dma source(%dma_start3A_125 : memref<128x50xi32, #tpu.memory_space<hbm>>) target(%arg7 : memref<128x50xi32, #tpu.memory_space<vmem>>) target_semaphore(%run_scoped3A : memref<!tpu.dma_semaphore, #tpu.memory_space<semaphore_mem>>)
      %dma_wait3A = arith.constant 0 : i32
      %dma_wait3A_126 = tpu.memref_slice %arg3[%mul3A_4, %dma_wait3A] : memref<4096x50xi32, #tpu.memory_space<hbm>> -> memref<128x50xi32, #tpu.memory_space<hbm>>
      %dma_wait3A_127 = arith.constant 0 : i32
      %dma_wait3A_128 = tpu.memref_slice %arg3[%mul3A_4, %dma_wait3A_127] : memref<4096x50xi32, #tpu.memory_space<hbm>> -> memref<128x50xi32, #tpu.memory_space<hbm>>
      tpu.wait_dma2 semaphore(%run_scoped3A : memref<!tpu.dma_semaphore, #tpu.memory_space<semaphore_mem>>) src(%dma_wait3A_128 : memref<128x50xi32, #tpu.memory_space<hbm>>) dst(%arg7 : memref<128x50xi32, #tpu.memory_space<vmem>>)
      tpu.yield
    }) : () -> ()
    %barrier3A = arith.constant 0 : index
    tpu.barrier barrier_id(%barrier3A)
    tpu.enqueue_dma source(%arg5 : memref<57344xi32, #tpu.memory_space<vmem_shared>>) target(%arg6 : memref<57344xi32, #tpu.memory_space<vmem>>) target_semaphore(%arg12 : memref<!tpu.dma_semaphore, #tpu.memory_space<semaphore_mem>>)
    %broadcast_in_dim3A = arith.constant 0.000000e+00 : f32
    %broadcast_in_dim3A_5 = vector.broadcast %broadcast_in_dim3A : f32 to vector<16xf32>
    %swap3A = arith.constant 0 : index
    %swap3A_6 = tpu.vector_load %arg8[%swap3A] {strides = array<i32>} : memref<64xf32, #tpu.memory_space<vmem>>, vector<16xf32>,
    tpu.vector_store %arg8[%swap3A], %broadcast_in_dim3A_5 {strides = array<i32>} : memref<64xf32, #tpu.memory_space<vmem>>, vector<16xf32>,
    %broadcast_in_dim3A_7 = arith.constant 0.000000e+00 : f32
    %broadcast_in_dim3A_8 = vector.broadcast %broadcast_in_dim3A_7 : f32 to vector<16xf32>
    %swap3A_9 = arith.constant 16 : index
    %swap3A_10 = tpu.vector_load %arg8[%swap3A_9] {strides = array<i32>} : memref<64xf32, #tpu.memory_space<vmem>>, vector<16xf32>,
    tpu.vector_store %arg8[%swap3A_9], %broadcast_in_dim3A_8 {strides = array<i32>} : memref<64xf32, #tpu.memory_space<vmem>>, vector<16xf32>,
    %broadcast_in_dim3A_11 = arith.constant 0.000000e+00 : f32
    %broadcast_in_dim3A_12 = vector.broadcast %broadcast_in_dim3A_11 : f32 to vector<16xf32>
    %swap3A_13 = arith.constant 32 : index
    %swap3A_14 = tpu.vector_load %arg8[%swap3A_13] {strides = array<i32>} : memref<64xf32, #tpu.memory_space<vmem>>, vector<16xf32>,
    tpu.vector_store %arg8[%swap3A_13], %broadcast_in_dim3A_12 {strides = array<i32>} : memref<64xf32, #tpu.memory_space<vmem>>, vector<16xf32>,
    %broadcast_in_dim3A_15 = arith.constant 0.000000e+00 : f32
    %broadcast_in_dim3A_16 = vector.broadcast %broadcast_in_dim3A_15 : f32 to vector<16xf32>
    %swap3A_17 = arith.constant 48 : index
    %swap3A_18 = tpu.vector_load %arg8[%swap3A_17] {strides = array<i32>} : memref<64xf32, #tpu.memory_space<vmem>>, vector<16xf32>,
    tpu.vector_store %arg8[%swap3A_17], %broadcast_in_dim3A_16 {strides = array<i32>} : memref<64xf32, #tpu.memory_space<vmem>>, vector<16xf32>,
    %broadcast_in_dim3A_19 = arith.constant 0.000000e+00 : f32
    %broadcast_in_dim3A_20 = vector.broadcast %broadcast_in_dim3A_19 : f32 to vector<16xf32>
    %swap3A_21 = arith.constant 0 : index
    %swap3A_22 = tpu.vector_load %arg9[%swap3A_21] {strides = array<i32>} : memref<64xf32, #tpu.memory_space<vmem>>, vector<16xf32>,
    tpu.vector_store %arg9[%swap3A_21], %broadcast_in_dim3A_20 {strides = array<i32>} : memref<64xf32, #tpu.memory_space<vmem>>, vector<16xf32>,
    %broadcast_in_dim3A_23 = arith.constant 0.000000e+00 : f32
    %broadcast_in_dim3A_24 = vector.broadcast %broadcast_in_dim3A_23 : f32 to vector<16xf32>
    %swap3A_25 = arith.constant 16 : index
    %swap3A_26 = tpu.vector_load %arg9[%swap3A_25] {strides = array<i32>} : memref<64xf32, #tpu.memory_space<vmem>>, vector<16xf32>,
    tpu.vector_store %arg9[%swap3A_25], %broadcast_in_dim3A_24 {strides = array<i32>} : memref<64xf32, #tpu.memory_space<vmem>>, vector<16xf32>,
    %broadcast_in_dim3A_27 = arith.constant 0.000000e+00 : f32
    %broadcast_in_dim3A_28 = vector.broadcast %broadcast_in_dim3A_27 : f32 to vector<16xf32>
    %swap3A_29 = arith.constant 32 : index
    %swap3A_30 = tpu.vector_load %arg9[%swap3A_29] {strides = array<i32>} : memref<64xf32, #tpu.memory_space<vmem>>, vector<16xf32>,
    tpu.vector_store %arg9[%swap3A_29], %broadcast_in_dim3A_28 {strides = array<i32>} : memref<64xf32, #tpu.memory_space<vmem>>, vector<16xf32>,
    %broadcast_in_dim3A_31 = arith.constant 0.000000e+00 : f32
    %broadcast_in_dim3A_32 = vector.broadcast %broadcast_in_dim3A_31 : f32 to vector<16xf32>
    %swap3A_33 = arith.constant 48 : index
    %swap3A_34 = tpu.vector_load %arg9[%swap3A_33] {strides = array<i32>} : memref<64xf32, #tpu.memory_space<vmem>>, vector<16xf32>,
    tpu.vector_store %arg9[%swap3A_33], %broadcast_in_dim3A_32 {strides = array<i32>} : memref<64xf32, #tpu.memory_space<vmem>>, vector<16xf32>,
    %broadcast_in_dim3A_35 = arith.constant 0.000000e+00 : f32
    %broadcast_in_dim3A_36 = vector.broadcast %broadcast_in_dim3A_35 : f32 to vector<16xf32>
    %swap3A_37 = arith.constant 0 : index
    %swap3A_38 = tpu.vector_load %arg10[%swap3A_37] {strides = array<i32>} : memref<64xf32, #tpu.memory_space<vmem>>, vector<16xf32>,
    tpu.vector_store %arg10[%swap3A_37], %broadcast_in_dim3A_36 {strides = array<i32>} : memref<64xf32, #tpu.memory_space<vmem>>, vector<16xf32>,
    %broadcast_in_dim3A_39 = arith.constant 0.000000e+00 : f32
    %broadcast_in_dim3A_40 = vector.broadcast %broadcast_in_dim3A_39 : f32 to vector<16xf32>
    %swap3A_41 = arith.constant 16 : index
    %swap3A_42 = tpu.vector_load %arg10[%swap3A_41] {strides = array<i32>} : memref<64xf32, #tpu.memory_space<vmem>>, vector<16xf32>,
    tpu.vector_store %arg10[%swap3A_41], %broadcast_in_dim3A_40 {strides = array<i32>} : memref<64xf32, #tpu.memory_space<vmem>>, vector<16xf32>,
    %broadcast_in_dim3A_43 = arith.constant 0.000000e+00 : f32
    %broadcast_in_dim3A_44 = vector.broadcast %broadcast_in_dim3A_43 : f32 to vector<16xf32>
    %swap3A_45 = arith.constant 32 : index
    %swap3A_46 = tpu.vector_load %arg10[%swap3A_45] {strides = array<i32>} : memref<64xf32, #tpu.memory_space<vmem>>, vector<16xf32>,
    tpu.vector_store %arg10[%swap3A_45], %broadcast_in_dim3A_44 {strides = array<i32>} : memref<64xf32, #tpu.memory_space<vmem>>, vector<16xf32>,
    %broadcast_in_dim3A_47 = arith.constant 0.000000e+00 : f32
    %broadcast_in_dim3A_48 = vector.broadcast %broadcast_in_dim3A_47 : f32 to vector<16xf32>
    %swap3A_49 = arith.constant 48 : index
    %swap3A_50 = tpu.vector_load %arg10[%swap3A_49] {strides = array<i32>} : memref<64xf32, #tpu.memory_space<vmem>>, vector<16xf32>,
    tpu.vector_store %arg10[%swap3A_49], %broadcast_in_dim3A_48 {strides = array<i32>} : memref<64xf32, #tpu.memory_space<vmem>>, vector<16xf32>,
    %broadcast_in_dim3A_51 = arith.constant 0.000000e+00 : f32
    %broadcast_in_dim3A_52 = vector.broadcast %broadcast_in_dim3A_51 : f32 to vector<16xf32>
    %swap3A_53 = arith.constant 0 : index
    %swap3A_54 = tpu.vector_load %arg11[%swap3A_53] {strides = array<i32>} : memref<64xf32, #tpu.memory_space<vmem>>, vector<16xf32>,
    tpu.vector_store %arg11[%swap3A_53], %broadcast_in_dim3A_52 {strides = array<i32>} : memref<64xf32, #tpu.memory_space<vmem>>, vector<16xf32>,
    %broadcast_in_dim3A_55 = arith.constant 0.000000e+00 : f32
    %broadcast_in_dim3A_56 = vector.broadcast %broadcast_in_dim3A_55 : f32 to vector<16xf32>
    %swap3A_57 = arith.constant 16 : index
    %swap3A_58 = tpu.vector_load %arg11[%swap3A_57] {strides = array<i32>} : memref<64xf32, #tpu.memory_space<vmem>>, vector<16xf32>,
    tpu.vector_store %arg11[%swap3A_57], %broadcast_in_dim3A_56 {strides = array<i32>} : memref<64xf32, #tpu.memory_space<vmem>>, vector<16xf32>,
    %broadcast_in_dim3A_59 = arith.constant 0.000000e+00 : f32
    %broadcast_in_dim3A_60 = vector.broadcast %broadcast_in_dim3A_59 : f32 to vector<16xf32>
    %swap3A_61 = arith.constant 32 : index
    %swap3A_62 = tpu.vector_load %arg11[%swap3A_61] {strides = array<i32>} : memref<64xf32, #tpu.memory_space<vmem>>, vector<16xf32>,
    tpu.vector_store %arg11[%swap3A_61], %broadcast_in_dim3A_60 {strides = array<i32>} : memref<64xf32, #tpu.memory_space<vmem>>, vector<16xf32>,
    %broadcast_in_dim3A_63 = arith.constant 0.000000e+00 : f32
    %broadcast_in_dim3A_64 = vector.broadcast %broadcast_in_dim3A_63 : f32 to vector<16xf32>
    %swap3A_65 = arith.constant 48 : index
    %swap3A_66 = tpu.vector_load %arg11[%swap3A_65] {strides = array<i32>} : memref<64xf32, #tpu.memory_space<vmem>>, vector<16xf32>,
    tpu.vector_store %arg11[%swap3A_65], %broadcast_in_dim3A_64 {strides = array<i32>} : memref<64xf32, #tpu.memory_space<vmem>>, vector<16xf32>,
    tpu.wait_dma2 semaphore(%arg12 : memref<!tpu.dma_semaphore, #tpu.memory_space<semaphore_mem>>) src(%arg5 : memref<57344xi32, #tpu.memory_space<vmem_shared>>) dst(%arg6 : memref<57344xi32, #tpu.memory_space<vmem>>)
    %scan3A = arith.constant 0 : i32
    %scan3A_67 = arith.constant 0 : i32
    %scan3A_68 = arith.constant 16 : i32
    %scan3A_69 = arith.addi %scan3A_67, %scan3A_68 : i32
    %scan3A_70 = arith.constant 1 : i32
    scf.for %scan3A_123 = %scan3A_67 to %scan3A_69 step %scan3A_70  : i32 {
      %mul3A_124 = arith.constant 8 : i32
      %mul3A_125 = arith.muli %scan3A_123, %mul3A_124 : i32
      %iota3A = tpu.iota {dimensions = array<i32: 0>} : vector<16xi32>
      %add3A_126 = arith.constant 0 : i32
      %add3A_127 = vector.broadcast %add3A_126 : i32 to vector<16xi32>
      %add3A_128 = arith.addi %add3A_127, %iota3A : vector<16xi32>
      %ge3A = arith.constant 50 : i32
      %ge3A_129 = vector.broadcast %ge3A : i32 to vector<16xi32>
      %ge3A_130 = arith.cmpi sge, %add3A_128, %ge3A_129 : vector<16xi32>
      %sub3A = arith.constant 50 : i32
      %sub3A_131 = vector.broadcast %sub3A : i32 to vector<16xi32>
      %sub3A_132 = arith.subi %add3A_128, %sub3A_131 : vector<16xi32>
      %select_n3A = arith.select %ge3A_130, %sub3A_132, %add3A_128 : vector<16xi1>, vector<16xi32>
      %jit3A = arith.constant 1 : i32
      %jit3A_133 = arith.constant 0 : i32
      %broadcast_in_dim3A_134 = vector.broadcast %jit3A : i32 to vector<16xi32>
      %broadcast_in_dim3A_135 = vector.broadcast %jit3A_133 : i32 to vector<16xi32>
      %select_n3A_136 = arith.select %ge3A_130, %broadcast_in_dim3A_134, %broadcast_in_dim3A_135 : vector<16xi1>, vector<16xi32>
      %add3A_137 = arith.constant 0 : i32
      %add3A_138 = vector.broadcast %add3A_137 : i32 to vector<16xi32>
      %add3A_139 = arith.addi %add3A_138, %select_n3A_136 : vector<16xi32>
      %add3A_140 = vector.broadcast %mul3A_125 : i32 to vector<16xi32>
      %add3A_141 = arith.addi %add3A_140, %add3A_139 : vector<16xi32>
      %gather3A = tpu.vector_load_idx %arg7[%add3A_141, %select_n3A] : memref<128x50xi32, #tpu.memory_space<vmem>>[vector<16xi32>, vector<16xi32>], vector<16xi32>,
      %iota3A_142 = tpu.iota {dimensions = array<i32: 0>} : vector<16xi32>
      %add3A_143 = arith.constant 16 : i32
      %add3A_144 = vector.broadcast %add3A_143 : i32 to vector<16xi32>
      %add3A_145 = arith.addi %add3A_144, %iota3A_142 : vector<16xi32>
      %ge3A_146 = arith.constant 50 : i32
      %ge3A_147 = vector.broadcast %ge3A_146 : i32 to vector<16xi32>
      %ge3A_148 = arith.cmpi sge, %add3A_145, %ge3A_147 : vector<16xi32>
      %sub3A_149 = arith.constant 50 : i32
      %sub3A_150 = vector.broadcast %sub3A_149 : i32 to vector<16xi32>
      %sub3A_151 = arith.subi %add3A_145, %sub3A_150 : vector<16xi32>
      %select_n3A_152 = arith.select %ge3A_148, %sub3A_151, %add3A_145 : vector<16xi1>, vector<16xi32>
      %jit3A_153 = arith.constant 1 : i32
      %jit3A_154 = arith.constant 0 : i32
      %broadcast_in_dim3A_155 = vector.broadcast %jit3A_153 : i32 to vector<16xi32>
      %broadcast_in_dim3A_156 = vector.broadcast %jit3A_154 : i32 to vector<16xi32>
      %select_n3A_157 = arith.select %ge3A_148, %broadcast_in_dim3A_155, %broadcast_in_dim3A_156 : vector<16xi1>, vector<16xi32>
      %add3A_158 = arith.constant 0 : i32
      %add3A_159 = vector.broadcast %add3A_158 : i32 to vector<16xi32>
      %add3A_160 = arith.addi %add3A_159, %select_n3A_157 : vector<16xi32>
      %add3A_161 = vector.broadcast %mul3A_125 : i32 to vector<16xi32>
      %add3A_162 = arith.addi %add3A_161, %add3A_160 : vector<16xi32>
      %gather3A_163 = tpu.vector_load_idx %arg7[%add3A_162, %select_n3A_152] : memref<128x50xi32, #tpu.memory_space<vmem>>[vector<16xi32>, vector<16xi32>], vector<16xi32>,
      %iota3A_164 = tpu.iota {dimensions = array<i32: 0>} : vector<16xi32>
      %add3A_165 = arith.constant 32 : i32
      %add3A_166 = vector.broadcast %add3A_165 : i32 to vector<16xi32>
      %add3A_167 = arith.addi %add3A_166, %iota3A_164 : vector<16xi32>
      %ge3A_168 = arith.constant 50 : i32
      %ge3A_169 = vector.broadcast %ge3A_168 : i32 to vector<16xi32>
      %ge3A_170 = arith.cmpi sge, %add3A_167, %ge3A_169 : vector<16xi32>
      %sub3A_171 = arith.constant 50 : i32
      %sub3A_172 = vector.broadcast %sub3A_171 : i32 to vector<16xi32>
      %sub3A_173 = arith.subi %add3A_167, %sub3A_172 : vector<16xi32>
      %select_n3A_174 = arith.select %ge3A_170, %sub3A_173, %add3A_167 : vector<16xi1>, vector<16xi32>
      %jit3A_175 = arith.constant 1 : i32
      %jit3A_176 = arith.constant 0 : i32
      %broadcast_in_dim3A_177 = vector.broadcast %jit3A_175 : i32 to vector<16xi32>
      %broadcast_in_dim3A_178 = vector.broadcast %jit3A_176 : i32 to vector<16xi32>
      %select_n3A_179 = arith.select %ge3A_170, %broadcast_in_dim3A_177, %broadcast_in_dim3A_178 : vector<16xi1>, vector<16xi32>
      %add3A_180 = arith.constant 0 : i32
      %add3A_181 = vector.broadcast %add3A_180 : i32 to vector<16xi32>
      %add3A_182 = arith.addi %add3A_181, %select_n3A_179 : vector<16xi32>
      %add3A_183 = vector.broadcast %mul3A_125 : i32 to vector<16xi32>
      %add3A_184 = arith.addi %add3A_183, %add3A_182 : vector<16xi32>
      %gather3A_185 = tpu.vector_load_idx %arg7[%add3A_184, %select_n3A_174] : memref<128x50xi32, #tpu.memory_space<vmem>>[vector<16xi32>, vector<16xi32>], vector<16xi32>,
      %iota3A_186 = tpu.iota {dimensions = array<i32: 0>} : vector<16xi32>
      %add3A_187 = arith.constant 48 : i32
      %add3A_188 = vector.broadcast %add3A_187 : i32 to vector<16xi32>
      %add3A_189 = arith.addi %add3A_188, %iota3A_186 : vector<16xi32>
      %ge3A_190 = arith.constant 50 : i32
      %ge3A_191 = vector.broadcast %ge3A_190 : i32 to vector<16xi32>
      %ge3A_192 = arith.cmpi sge, %add3A_189, %ge3A_191 : vector<16xi32>
      %sub3A_193 = arith.constant 50 : i32
      %sub3A_194 = vector.broadcast %sub3A_193 : i32 to vector<16xi32>
      %sub3A_195 = arith.subi %add3A_189, %sub3A_194 : vector<16xi32>
      %select_n3A_196 = arith.select %ge3A_192, %sub3A_195, %add3A_189 : vector<16xi1>, vector<16xi32>
      %jit3A_197 = arith.constant 1 : i32
      %jit3A_198 = arith.constant 0 : i32
      %broadcast_in_dim3A_199 = vector.broadcast %jit3A_197 : i32 to vector<16xi32>
      %broadcast_in_dim3A_200 = vector.broadcast %jit3A_198 : i32 to vector<16xi32>
      %select_n3A_201 = arith.select %ge3A_192, %broadcast_in_dim3A_199, %broadcast_in_dim3A_200 : vector<16xi1>, vector<16xi32>
      %add3A_202 = arith.constant 0 : i32
      %add3A_203 = vector.broadcast %add3A_202 : i32 to vector<16xi32>
      %add3A_204 = arith.addi %add3A_203, %select_n3A_201 : vector<16xi32>
      %add3A_205 = vector.broadcast %mul3A_125 : i32 to vector<16xi32>
      %add3A_206 = arith.addi %add3A_205, %add3A_204 : vector<16xi32>
      %gather3A_207 = tpu.vector_load_idx %arg7[%add3A_206, %select_n3A_196] : memref<128x50xi32, #tpu.memory_space<vmem>>[vector<16xi32>, vector<16xi32>], vector<16xi32>,
      %iota3A_208 = tpu.iota {dimensions = array<i32: 0>} : vector<16xi32>
      %add3A_209 = arith.constant 14 : i32
      %add3A_210 = vector.broadcast %add3A_209 : i32 to vector<16xi32>
      %add3A_211 = arith.addi %add3A_210, %iota3A_208 : vector<16xi32>
      %ge3A_212 = arith.constant 50 : i32
      %ge3A_213 = vector.broadcast %ge3A_212 : i32 to vector<16xi32>
      %ge3A_214 = arith.cmpi sge, %add3A_211, %ge3A_213 : vector<16xi32>
      %sub3A_215 = arith.constant 50 : i32
      %sub3A_216 = vector.broadcast %sub3A_215 : i32 to vector<16xi32>
      %sub3A_217 = arith.subi %add3A_211, %sub3A_216 : vector<16xi32>
      %select_n3A_218 = arith.select %ge3A_214, %sub3A_217, %add3A_211 : vector<16xi1>, vector<16xi32>
      %jit3A_219 = arith.constant 1 : i32
      %jit3A_220 = arith.constant 0 : i32
      %broadcast_in_dim3A_221 = vector.broadcast %jit3A_219 : i32 to vector<16xi32>
      %broadcast_in_dim3A_222 = vector.broadcast %jit3A_220 : i32 to vector<16xi32>
      %select_n3A_223 = arith.select %ge3A_214, %broadcast_in_dim3A_221, %broadcast_in_dim3A_222 : vector<16xi1>, vector<16xi32>
      %add3A_224 = arith.constant 1 : i32
      %add3A_225 = vector.broadcast %add3A_224 : i32 to vector<16xi32>
      %add3A_226 = arith.addi %add3A_225, %select_n3A_223 : vector<16xi32>
      %add3A_227 = vector.broadcast %mul3A_125 : i32 to vector<16xi32>
      %add3A_228 = arith.addi %add3A_227, %add3A_226 : vector<16xi32>
      %gather3A_229 = tpu.vector_load_idx %arg7[%add3A_228, %select_n3A_218] : memref<128x50xi32, #tpu.memory_space<vmem>>[vector<16xi32>, vector<16xi32>], vector<16xi32>,
      %iota3A_230 = tpu.iota {dimensions = array<i32: 0>} : vector<16xi32>
      %add3A_231 = arith.constant 30 : i32
      %add3A_232 = vector.broadcast %add3A_231 : i32 to vector<16xi32>
      %add3A_233 = arith.addi %add3A_232, %iota3A_230 : vector<16xi32>
      %ge3A_234 = arith.constant 50 : i32
      %ge3A_235 = vector.broadcast %ge3A_234 : i32 to vector<16xi32>
      %ge3A_236 = arith.cmpi sge, %add3A_233, %ge3A_235 : vector<16xi32>
      %sub3A_237 = arith.constant 50 : i32
      %sub3A_238 = vector.broadcast %sub3A_237 : i32 to vector<16xi32>
      %sub3A_239 = arith.subi %add3A_233, %sub3A_238 : vector<16xi32>
      %select_n3A_240 = arith.select %ge3A_236, %sub3A_239, %add3A_233 : vector<16xi1>, vector<16xi32>
      %jit3A_241 = arith.constant 1 : i32
      %jit3A_242 = arith.constant 0 : i32
      %broadcast_in_dim3A_243 = vector.broadcast %jit3A_241 : i32 to vector<16xi32>
      %broadcast_in_dim3A_244 = vector.broadcast %jit3A_242 : i32 to vector<16xi32>
      %select_n3A_245 = arith.select %ge3A_236, %broadcast_in_dim3A_243, %broadcast_in_dim3A_244 : vector<16xi1>, vector<16xi32>
      %add3A_246 = arith.constant 1 : i32
      %add3A_247 = vector.broadcast %add3A_246 : i32 to vector<16xi32>
      %add3A_248 = arith.addi %add3A_247, %select_n3A_245 : vector<16xi32>
      %add3A_249 = vector.broadcast %mul3A_125 : i32 to vector<16xi32>
      %add3A_250 = arith.addi %add3A_249, %add3A_248 : vector<16xi32>
      %gather3A_251 = tpu.vector_load_idx %arg7[%add3A_250, %select_n3A_240] : memref<128x50xi32, #tpu.memory_space<vmem>>[vector<16xi32>, vector<16xi32>], vector<16xi32>,
      %iota3A_252 = tpu.iota {dimensions = array<i32: 0>} : vector<16xi32>
      %add3A_253 = arith.constant 46 : i32
      %add3A_254 = vector.broadcast %add3A_253 : i32 to vector<16xi32>
      %add3A_255 = arith.addi %add3A_254, %iota3A_252 : vector<16xi32>
      %ge3A_256 = arith.constant 50 : i32
      %ge3A_257 = vector.broadcast %ge3A_256 : i32 to vector<16xi32>
      %ge3A_258 = arith.cmpi sge, %add3A_255, %ge3A_257 : vector<16xi32>
      %sub3A_259 = arith.constant 50 : i32
      %sub3A_260 = vector.broadcast %sub3A_259 : i32 to vector<16xi32>
      %sub3A_261 = arith.subi %add3A_255, %sub3A_260 : vector<16xi32>
      %select_n3A_262 = arith.select %ge3A_258, %sub3A_261, %add3A_255 : vector<16xi1>, vector<16xi32>
      %jit3A_263 = arith.constant 1 : i32
      %jit3A_264 = arith.constant 0 : i32
      %broadcast_in_dim3A_265 = vector.broadcast %jit3A_263 : i32 to vector<16xi32>
      %broadcast_in_dim3A_266 = vector.broadcast %jit3A_264 : i32 to vector<16xi32>
      %select_n3A_267 = arith.select %ge3A_258, %broadcast_in_dim3A_265, %broadcast_in_dim3A_266 : vector<16xi1>, vector<16xi32>
      %add3A_268 = arith.constant 1 : i32
      %add3A_269 = vector.broadcast %add3A_268 : i32 to vector<16xi32>
      %add3A_270 = arith.addi %add3A_269, %select_n3A_267 : vector<16xi32>
      %add3A_271 = vector.broadcast %mul3A_125 : i32 to vector<16xi32>
      %add3A_272 = arith.addi %add3A_271, %add3A_270 : vector<16xi32>
      %gather3A_273 = tpu.vector_load_idx %arg7[%add3A_272, %select_n3A_262] : memref<128x50xi32, #tpu.memory_space<vmem>>[vector<16xi32>, vector<16xi32>], vector<16xi32>,
      %iota3A_274 = tpu.iota {dimensions = array<i32: 0>} : vector<16xi32>
      %add3A_275 = arith.constant 12 : i32
      %add3A_276 = vector.broadcast %add3A_275 : i32 to vector<16xi32>
      %add3A_277 = arith.addi %add3A_276, %iota3A_274 : vector<16xi32>
      %ge3A_278 = arith.constant 50 : i32
      %ge3A_279 = vector.broadcast %ge3A_278 : i32 to vector<16xi32>
      %ge3A_280 = arith.cmpi sge, %add3A_277, %ge3A_279 : vector<16xi32>
      %sub3A_281 = arith.constant 50 : i32
      %sub3A_282 = vector.broadcast %sub3A_281 : i32 to vector<16xi32>
      %sub3A_283 = arith.subi %add3A_277, %sub3A_282 : vector<16xi32>
      %select_n3A_284 = arith.select %ge3A_280, %sub3A_283, %add3A_277 : vector<16xi1>, vector<16xi32>
      %jit3A_285 = arith.constant 1 : i32
      %jit3A_286 = arith.constant 0 : i32
      %broadcast_in_dim3A_287 = vector.broadcast %jit3A_285 : i32 to vector<16xi32>
      %broadcast_in_dim3A_288 = vector.broadcast %jit3A_286 : i32 to vector<16xi32>
      %select_n3A_289 = arith.select %ge3A_280, %broadcast_in_dim3A_287, %broadcast_in_dim3A_288 : vector<16xi1>, vector<16xi32>
      %add3A_290 = arith.constant 2 : i32
      %add3A_291 = vector.broadcast %add3A_290 : i32 to vector<16xi32>
      %add3A_292 = arith.addi %add3A_291, %select_n3A_289 : vector<16xi32>
      %add3A_293 = vector.broadcast %mul3A_125 : i32 to vector<16xi32>
      %add3A_294 = arith.addi %add3A_293, %add3A_292 : vector<16xi32>
      %gather3A_295 = tpu.vector_load_idx %arg7[%add3A_294, %select_n3A_284] : memref<128x50xi32, #tpu.memory_space<vmem>>[vector<16xi32>, vector<16xi32>], vector<16xi32>,
      %iota3A_296 = tpu.iota {dimensions = array<i32: 0>} : vector<16xi32>
      %add3A_297 = arith.constant 28 : i32
      %add3A_298 = vector.broadcast %add3A_297 : i32 to vector<16xi32>
      %add3A_299 = arith.addi %add3A_298, %iota3A_296 : vector<16xi32>
      %ge3A_300 = arith.constant 50 : i32
      %ge3A_301 = vector.broadcast %ge3A_300 : i32 to vector<16xi32>
      %ge3A_302 = arith.cmpi sge, %add3A_299, %ge3A_301 : vector<16xi32>
      %sub3A_303 = arith.constant 50 : i32
      %sub3A_304 = vector.broadcast %sub3A_303 : i32 to vector<16xi32>
      %sub3A_305 = arith.subi %add3A_299, %sub3A_304 : vector<16xi32>
      %select_n3A_306 = arith.select %ge3A_302, %sub3A_305, %add3A_299 : vector<16xi1>, vector<16xi32>
      %jit3A_307 = arith.constant 1 : i32
      %jit3A_308 = arith.constant 0 : i32
      %broadcast_in_dim3A_309 = vector.broadcast %jit3A_307 : i32 to vector<16xi32>
      %broadcast_in_dim3A_310 = vector.broadcast %jit3A_308 : i32 to vector<16xi32>
      %select_n3A_311 = arith.select %ge3A_302, %broadcast_in_dim3A_309, %broadcast_in_dim3A_310 : vector<16xi1>, vector<16xi32>
      %add3A_312 = arith.constant 2 : i32
      %add3A_313 = vector.broadcast %add3A_312 : i32 to vector<16xi32>
      %add3A_314 = arith.addi %add3A_313, %select_n3A_311 : vector<16xi32>
      %add3A_315 = vector.broadcast %mul3A_125 : i32 to vector<16xi32>
      %add3A_316 = arith.addi %add3A_315, %add3A_314 : vector<16xi32>
      %gather3A_317 = tpu.vector_load_idx %arg7[%add3A_316, %select_n3A_306] : memref<128x50xi32, #tpu.memory_space<vmem>>[vector<16xi32>, vector<16xi32>], vector<16xi32>,
      %iota3A_318 = tpu.iota {dimensions = array<i32: 0>} : vector<16xi32>
      %add3A_319 = arith.constant 44 : i32
      %add3A_320 = vector.broadcast %add3A_319 : i32 to vector<16xi32>
      %add3A_321 = arith.addi %add3A_320, %iota3A_318 : vector<16xi32>
      %ge3A_322 = arith.constant 50 : i32
      %ge3A_323 = vector.broadcast %ge3A_322 : i32 to vector<16xi32>
      %ge3A_324 = arith.cmpi sge, %add3A_321, %ge3A_323 : vector<16xi32>
      %sub3A_325 = arith.constant 50 : i32
      %sub3A_326 = vector.broadcast %sub3A_325 : i32 to vector<16xi32>
      %sub3A_327 = arith.subi %add3A_321, %sub3A_326 : vector<16xi32>
      %select_n3A_328 = arith.select %ge3A_324, %sub3A_327, %add3A_321 : vector<16xi1>, vector<16xi32>
      %jit3A_329 = arith.constant 1 : i32
      %jit3A_330 = arith.constant 0 : i32
      %broadcast_in_dim3A_331 = vector.broadcast %jit3A_329 : i32 to vector<16xi32>
      %broadcast_in_dim3A_332 = vector.broadcast %jit3A_330 : i32 to vector<16xi32>
      %select_n3A_333 = arith.select %ge3A_324, %broadcast_in_dim3A_331, %broadcast_in_dim3A_332 : vector<16xi1>, vector<16xi32>
      %add3A_334 = arith.constant 2 : i32
      %add3A_335 = vector.broadcast %add3A_334 : i32 to vector<16xi32>
      %add3A_336 = arith.addi %add3A_335, %select_n3A_333 : vector<16xi32>
      %add3A_337 = vector.broadcast %mul3A_125 : i32 to vector<16xi32>
      %add3A_338 = arith.addi %add3A_337, %add3A_336 : vector<16xi32>
      %gather3A_339 = tpu.vector_load_idx %arg7[%add3A_338, %select_n3A_328] : memref<128x50xi32, #tpu.memory_space<vmem>>[vector<16xi32>, vector<16xi32>], vector<16xi32>,
      %iota3A_340 = tpu.iota {dimensions = array<i32: 0>} : vector<16xi32>
      %add3A_341 = arith.constant 10 : i32
      %add3A_342 = vector.broadcast %add3A_341 : i32 to vector<16xi32>
      %add3A_343 = arith.addi %add3A_342, %iota3A_340 : vector<16xi32>
      %ge3A_344 = arith.constant 50 : i32
      %ge3A_345 = vector.broadcast %ge3A_344 : i32 to vector<16xi32>
      %ge3A_346 = arith.cmpi sge, %add3A_343, %ge3A_345 : vector<16xi32>
      %sub3A_347 = arith.constant 50 : i32
      %sub3A_348 = vector.broadcast %sub3A_347 : i32 to vector<16xi32>
      %sub3A_349 = arith.subi %add3A_343, %sub3A_348 : vector<16xi32>
      %select_n3A_350 = arith.select %ge3A_346, %sub3A_349, %add3A_343 : vector<16xi1>, vector<16xi32>
      %jit3A_351 = arith.constant 1 : i32
      %jit3A_352 = arith.constant 0 : i32
      %broadcast_in_dim3A_353 = vector.broadcast %jit3A_351 : i32 to vector<16xi32>
      %broadcast_in_dim3A_354 = vector.broadcast %jit3A_352 : i32 to vector<16xi32>
      %select_n3A_355 = arith.select %ge3A_346, %broadcast_in_dim3A_353, %broadcast_in_dim3A_354 : vector<16xi1>, vector<16xi32>
      %add3A_356 = arith.constant 3 : i32
      %add3A_357 = vector.broadcast %add3A_356 : i32 to vector<16xi32>
      %add3A_358 = arith.addi %add3A_357, %select_n3A_355 : vector<16xi32>
      %add3A_359 = vector.broadcast %mul3A_125 : i32 to vector<16xi32>
      %add3A_360 = arith.addi %add3A_359, %add3A_358 : vector<16xi32>
      %gather3A_361 = tpu.vector_load_idx %arg7[%add3A_360, %select_n3A_350] : memref<128x50xi32, #tpu.memory_space<vmem>>[vector<16xi32>, vector<16xi32>], vector<16xi32>,
      %iota3A_362 = tpu.iota {dimensions = array<i32: 0>} : vector<16xi32>
      %add3A_363 = arith.constant 26 : i32
      %add3A_364 = vector.broadcast %add3A_363 : i32 to vector<16xi32>
      %add3A_365 = arith.addi %add3A_364, %iota3A_362 : vector<16xi32>
      %ge3A_366 = arith.constant 50 : i32
      %ge3A_367 = vector.broadcast %ge3A_366 : i32 to vector<16xi32>
      %ge3A_368 = arith.cmpi sge, %add3A_365, %ge3A_367 : vector<16xi32>
      %sub3A_369 = arith.constant 50 : i32
      %sub3A_370 = vector.broadcast %sub3A_369 : i32 to vector<16xi32>
      %sub3A_371 = arith.subi %add3A_365, %sub3A_370 : vector<16xi32>
      %select_n3A_372 = arith.select %ge3A_368, %sub3A_371, %add3A_365 : vector<16xi1>, vector<16xi32>
      %jit3A_373 = arith.constant 1 : i32
      %jit3A_374 = arith.constant 0 : i32
      %broadcast_in_dim3A_375 = vector.broadcast %jit3A_373 : i32 to vector<16xi32>
      %broadcast_in_dim3A_376 = vector.broadcast %jit3A_374 : i32 to vector<16xi32>
      %select_n3A_377 = arith.select %ge3A_368, %broadcast_in_dim3A_375, %broadcast_in_dim3A_376 : vector<16xi1>, vector<16xi32>
      %add3A_378 = arith.constant 3 : i32
      %add3A_379 = vector.broadcast %add3A_378 : i32 to vector<16xi32>
      %add3A_380 = arith.addi %add3A_379, %select_n3A_377 : vector<16xi32>
      %add3A_381 = vector.broadcast %mul3A_125 : i32 to vector<16xi32>
      %add3A_382 = arith.addi %add3A_381, %add3A_380 : vector<16xi32>
      %gather3A_383 = tpu.vector_load_idx %arg7[%add3A_382, %select_n3A_372] : memref<128x50xi32, #tpu.memory_space<vmem>>[vector<16xi32>, vector<16xi32>], vector<16xi32>,
      %shift_right_logical3A = arith.constant 14 : i32
      %shift_right_logical3A_384 = vector.broadcast %shift_right_logical3A : i32 to vector<16xi32>
      %shift_right_logical3A_385 = arith.shrui %gather3A, %shift_right_logical3A_384 : vector<16xi32>
      %shift_left3A = arith.constant 13 : i32
      %shift_left3A_386 = vector.broadcast %shift_left3A : i32 to vector<16xi32>
      %shift_left3A_387 = arith.shli %shift_right_logical3A_385, %shift_left3A_386 : vector<16xi32>
      %and3A = arith.constant 8191 : i32
      %and3A_388 = vector.broadcast %and3A : i32 to vector<16xi32>
      %and3A_389 = arith.andi %gather3A, %and3A_388 : vector<16xi32>
      %or3A = arith.ori %shift_left3A_387, %and3A_389 : vector<16xi32>
      %gather3A_390 = tpu.vector_load_idx %arg6[%or3A] : memref<57344xi32, #tpu.memory_space<vmem>>[vector<16xi32>], vector<16xi32>,
      %shift_right_logical3A_391 = arith.constant 14 : i32
      %shift_right_logical3A_392 = vector.broadcast %shift_right_logical3A_391 : i32 to vector<16xi32>
      %shift_right_logical3A_393 = arith.shrui %gather3A_163, %shift_right_logical3A_392 : vector<16xi32>
      %shift_left3A_394 = arith.constant 13 : i32
      %shift_left3A_395 = vector.broadcast %shift_left3A_394 : i32 to vector<16xi32>
      %shift_left3A_396 = arith.shli %shift_right_logical3A_393, %shift_left3A_395 : vector<16xi32>
      %and3A_397 = arith.constant 8191 : i32
      %and3A_398 = vector.broadcast %and3A_397 : i32 to vector<16xi32>
      %and3A_399 = arith.andi %gather3A_163, %and3A_398 : vector<16xi32>
      %or3A_400 = arith.ori %shift_left3A_396, %and3A_399 : vector<16xi32>
      %gather3A_401 = tpu.vector_load_idx %arg6[%or3A_400] : memref<57344xi32, #tpu.memory_space<vmem>>[vector<16xi32>], vector<16xi32>,
      %shift_right_logical3A_402 = arith.constant 14 : i32
      %shift_right_logical3A_403 = vector.broadcast %shift_right_logical3A_402 : i32 to vector<16xi32>
      %shift_right_logical3A_404 = arith.shrui %gather3A_185, %shift_right_logical3A_403 : vector<16xi32>
      %shift_left3A_405 = arith.constant 13 : i32
      %shift_left3A_406 = vector.broadcast %shift_left3A_405 : i32 to vector<16xi32>
      %shift_left3A_407 = arith.shli %shift_right_logical3A_404, %shift_left3A_406 : vector<16xi32>
      %and3A_408 = arith.constant 8191 : i32
      %and3A_409 = vector.broadcast %and3A_408 : i32 to vector<16xi32>
      %and3A_410 = arith.andi %gather3A_185, %and3A_409 : vector<16xi32>
      %or3A_411 = arith.ori %shift_left3A_407, %and3A_410 : vector<16xi32>
      %gather3A_412 = tpu.vector_load_idx %arg6[%or3A_411] : memref<57344xi32, #tpu.memory_space<vmem>>[vector<16xi32>], vector<16xi32>,
      %shift_right_logical3A_413 = arith.constant 14 : i32
      %shift_right_logical3A_414 = vector.broadcast %shift_right_logical3A_413 : i32 to vector<16xi32>
      %shift_right_logical3A_415 = arith.shrui %gather3A_207, %shift_right_logical3A_414 : vector<16xi32>
      %shift_left3A_416 = arith.constant 13 : i32
      %shift_left3A_417 = vector.broadcast %shift_left3A_416 : i32 to vector<16xi32>
      %shift_left3A_418 = arith.shli %shift_right_logical3A_415, %shift_left3A_417 : vector<16xi32>
      %and3A_419 = arith.constant 8191 : i32
      %and3A_420 = vector.broadcast %and3A_419 : i32 to vector<16xi32>
      %and3A_421 = arith.andi %gather3A_207, %and3A_420 : vector<16xi32>
      %or3A_422 = arith.ori %shift_left3A_418, %and3A_421 : vector<16xi32>
      %gather3A_423 = tpu.vector_load_idx %arg6[%or3A_422] : memref<57344xi32, #tpu.memory_space<vmem>>[vector<16xi32>], vector<16xi32>,
      %shift_right_logical3A_424 = arith.constant 14 : i32
      %shift_right_logical3A_425 = vector.broadcast %shift_right_logical3A_424 : i32 to vector<16xi32>
      %shift_right_logical3A_426 = arith.shrui %gather3A_229, %shift_right_logical3A_425 : vector<16xi32>
      %shift_left3A_427 = arith.constant 13 : i32
      %shift_left3A_428 = vector.broadcast %shift_left3A_427 : i32 to vector<16xi32>
      %shift_left3A_429 = arith.shli %shift_right_logical3A_426, %shift_left3A_428 : vector<16xi32>
      %and3A_430 = arith.constant 8191 : i32
      %and3A_431 = vector.broadcast %and3A_430 : i32 to vector<16xi32>
      %and3A_432 = arith.andi %gather3A_229, %and3A_431 : vector<16xi32>
      %or3A_433 = arith.ori %shift_left3A_429, %and3A_432 : vector<16xi32>
      %gather3A_434 = tpu.vector_load_idx %arg6[%or3A_433] : memref<57344xi32, #tpu.memory_space<vmem>>[vector<16xi32>], vector<16xi32>,
      %shift_right_logical3A_435 = arith.constant 14 : i32
      %shift_right_logical3A_436 = vector.broadcast %shift_right_logical3A_435 : i32 to vector<16xi32>
      %shift_right_logical3A_437 = arith.shrui %gather3A_251, %shift_right_logical3A_436 : vector<16xi32>
      %shift_left3A_438 = arith.constant 13 : i32
      %shift_left3A_439 = vector.broadcast %shift_left3A_438 : i32 to vector<16xi32>
      %shift_left3A_440 = arith.shli %shift_right_logical3A_437, %shift_left3A_439 : vector<16xi32>
      %and3A_441 = arith.constant 8191 : i32
      %and3A_442 = vector.broadcast %and3A_441 : i32 to vector<16xi32>
      %and3A_443 = arith.andi %gather3A_251, %and3A_442 : vector<16xi32>
      %or3A_444 = arith.ori %shift_left3A_440, %and3A_443 : vector<16xi32>
      %gather3A_445 = tpu.vector_load_idx %arg6[%or3A_444] : memref<57344xi32, #tpu.memory_space<vmem>>[vector<16xi32>], vector<16xi32>,
      %shift_right_logical3A_446 = arith.constant 14 : i32
      %shift_right_logical3A_447 = vector.broadcast %shift_right_logical3A_446 : i32 to vector<16xi32>
      %shift_right_logical3A_448 = arith.shrui %gather3A_273, %shift_right_logical3A_447 : vector<16xi32>
      %shift_left3A_449 = arith.constant 13 : i32
      %shift_left3A_450 = vector.broadcast %shift_left3A_449 : i32 to vector<16xi32>
      %shift_left3A_451 = arith.shli %shift_right_logical3A_448, %shift_left3A_450 : vector<16xi32>
      %and3A_452 = arith.constant 8191 : i32
      %and3A_453 = vector.broadcast %and3A_452 : i32 to vector<16xi32>
      %and3A_454 = arith.andi %gather3A_273, %and3A_453 : vector<16xi32>
      %or3A_455 = arith.ori %shift_left3A_451, %and3A_454 : vector<16xi32>
      %gather3A_456 = tpu.vector_load_idx %arg6[%or3A_455] : memref<57344xi32, #tpu.memory_space<vmem>>[vector<16xi32>], vector<16xi32>,
      %shift_right_logical3A_457 = arith.constant 14 : i32
      %shift_right_logical3A_458 = vector.broadcast %shift_right_logical3A_457 : i32 to vector<16xi32>
      %shift_right_logical3A_459 = arith.shrui %gather3A_295, %shift_right_logical3A_458 : vector<16xi32>
      %shift_left3A_460 = arith.constant 13 : i32
      %shift_left3A_461 = vector.broadcast %shift_left3A_460 : i32 to vector<16xi32>
      %shift_left3A_462 = arith.shli %shift_right_logical3A_459, %shift_left3A_461 : vector<16xi32>
      %and3A_463 = arith.constant 8191 : i32
      %and3A_464 = vector.broadcast %and3A_463 : i32 to vector<16xi32>
      %and3A_465 = arith.andi %gather3A_295, %and3A_464 : vector<16xi32>
      %or3A_466 = arith.ori %shift_left3A_462, %and3A_465 : vector<16xi32>
      %gather3A_467 = tpu.vector_load_idx %arg6[%or3A_466] : memref<57344xi32, #tpu.memory_space<vmem>>[vector<16xi32>], vector<16xi32>,
      %shift_right_logical3A_468 = arith.constant 14 : i32
      %shift_right_logical3A_469 = vector.broadcast %shift_right_logical3A_468 : i32 to vector<16xi32>
      %shift_right_logical3A_470 = arith.shrui %gather3A_317, %shift_right_logical3A_469 : vector<16xi32>
      %shift_left3A_471 = arith.constant 13 : i32
      %shift_left3A_472 = vector.broadcast %shift_left3A_471 : i32 to vector<16xi32>
      %shift_left3A_473 = arith.shli %shift_right_logical3A_470, %shift_left3A_472 : vector<16xi32>
      %and3A_474 = arith.constant 8191 : i32
      %and3A_475 = vector.broadcast %and3A_474 : i32 to vector<16xi32>
      %and3A_476 = arith.andi %gather3A_317, %and3A_475 : vector<16xi32>
      %or3A_477 = arith.ori %shift_left3A_473, %and3A_476 : vector<16xi32>
      %gather3A_478 = tpu.vector_load_idx %arg6[%or3A_477] : memref<57344xi32, #tpu.memory_space<vmem>>[vector<16xi32>], vector<16xi32>,
      %shift_right_logical3A_479 = arith.constant 14 : i32
      %shift_right_logical3A_480 = vector.broadcast %shift_right_logical3A_479 : i32 to vector<16xi32>
      %shift_right_logical3A_481 = arith.shrui %gather3A_339, %shift_right_logical3A_480 : vector<16xi32>
      %shift_left3A_482 = arith.constant 13 : i32
      %shift_left3A_483 = vector.broadcast %shift_left3A_482 : i32 to vector<16xi32>
      %shift_left3A_484 = arith.shli %shift_right_logical3A_481, %shift_left3A_483 : vector<16xi32>
      %and3A_485 = arith.constant 8191 : i32
      %and3A_486 = vector.broadcast %and3A_485 : i32 to vector<16xi32>
      %and3A_487 = arith.andi %gather3A_339, %and3A_486 : vector<16xi32>
      %or3A_488 = arith.ori %shift_left3A_484, %and3A_487 : vector<16xi32>
      %gather3A_489 = tpu.vector_load_idx %arg6[%or3A_488] : memref<57344xi32, #tpu.memory_space<vmem>>[vector<16xi32>], vector<16xi32>,
      %shift_right_logical3A_490 = arith.constant 14 : i32
      %shift_right_logical3A_491 = vector.broadcast %shift_right_logical3A_490 : i32 to vector<16xi32>
      %shift_right_logical3A_492 = arith.shrui %gather3A_361, %shift_right_logical3A_491 : vector<16xi32>
      %shift_left3A_493 = arith.constant 13 : i32
      %shift_left3A_494 = vector.broadcast %shift_left3A_493 : i32 to vector<16xi32>
      %shift_left3A_495 = arith.shli %shift_right_logical3A_492, %shift_left3A_494 : vector<16xi32>
      %and3A_496 = arith.constant 8191 : i32
      %and3A_497 = vector.broadcast %and3A_496 : i32 to vector<16xi32>
      %and3A_498 = arith.andi %gather3A_361, %and3A_497 : vector<16xi32>
      %or3A_499 = arith.ori %shift_left3A_495, %and3A_498 : vector<16xi32>
      %gather3A_500 = tpu.vector_load_idx %arg6[%or3A_499] : memref<57344xi32, #tpu.memory_space<vmem>>[vector<16xi32>], vector<16xi32>,
      %shift_right_logical3A_501 = arith.constant 14 : i32
      %shift_right_logical3A_502 = vector.broadcast %shift_right_logical3A_501 : i32 to vector<16xi32>
      %shift_right_logical3A_503 = arith.shrui %gather3A_383, %shift_right_logical3A_502 : vector<16xi32>
      %shift_left3A_504 = arith.constant 13 : i32
      %shift_left3A_505 = vector.broadcast %shift_left3A_504 : i32 to vector<16xi32>
      %shift_left3A_506 = arith.shli %shift_right_logical3A_503, %shift_left3A_505 : vector<16xi32>
      %and3A_507 = arith.constant 8191 : i32
      %and3A_508 = vector.broadcast %and3A_507 : i32 to vector<16xi32>
      %and3A_509 = arith.andi %gather3A_383, %and3A_508 : vector<16xi32>
      %or3A_510 = arith.ori %shift_left3A_506, %and3A_509 : vector<16xi32>
      %gather3A_511 = tpu.vector_load_idx %arg6[%or3A_510] : memref<57344xi32, #tpu.memory_space<vmem>>[vector<16xi32>], vector<16xi32>,
      %iota3A_512 = tpu.iota {dimensions = array<i32: 0>} : vector<16xi32>
      %add3A_513 = arith.constant 0 : i32
      %add3A_514 = vector.broadcast %add3A_513 : i32 to vector<16xi32>
      %add3A_515 = arith.addi %add3A_514, %iota3A_512 : vector<16xi32>
      %ge3A_516 = arith.constant 50 : i32
      %ge3A_517 = vector.broadcast %ge3A_516 : i32 to vector<16xi32>
      %ge3A_518 = arith.cmpi sge, %add3A_515, %ge3A_517 : vector<16xi32>
      %sub3A_519 = arith.constant 50 : i32
      %sub3A_520 = vector.broadcast %sub3A_519 : i32 to vector<16xi32>
      %sub3A_521 = arith.subi %add3A_515, %sub3A_520 : vector<16xi32>
      %select_n3A_522 = arith.select %ge3A_518, %sub3A_521, %add3A_515 : vector<16xi1>, vector<16xi32>
      %jit3A_523 = arith.constant 1 : i32
      %jit3A_524 = arith.constant 0 : i32
      %broadcast_in_dim3A_525 = vector.broadcast %jit3A_523 : i32 to vector<16xi32>
      %broadcast_in_dim3A_526 = vector.broadcast %jit3A_524 : i32 to vector<16xi32>
      %select_n3A_527 = arith.select %ge3A_518, %broadcast_in_dim3A_525, %broadcast_in_dim3A_526 : vector<16xi1>, vector<16xi32>
      %add3A_528 = arith.constant 0 : i32
      %add3A_529 = vector.broadcast %add3A_528 : i32 to vector<16xi32>
      %add3A_530 = arith.addi %add3A_529, %select_n3A_527 : vector<16xi32>
      %and3A_531 = arith.constant -65536 : i32
      %and3A_532 = vector.broadcast %and3A_531 : i32 to vector<16xi32>
      %and3A_533 = arith.andi %gather3A_390, %and3A_532 : vector<16xi32>
      %shift_left3A_534 = arith.constant 16 : i32
      %shift_left3A_535 = vector.broadcast %shift_left3A_534 : i32 to vector<16xi32>
      %shift_left3A_536 = arith.shli %gather3A_390, %shift_left3A_535 : vector<16xi32>
      %shift_right_logical3A_537 = arith.constant 13 : i32
      %shift_right_logical3A_538 = vector.broadcast %shift_right_logical3A_537 : i32 to vector<16xi32>
      %shift_right_logical3A_539 = arith.shrui %gather3A, %shift_right_logical3A_538 : vector<16xi32>
      %and3A_540 = arith.constant 1 : i32
      %and3A_541 = vector.broadcast %and3A_540 : i32 to vector<16xi32>
      %and3A_542 = arith.andi %shift_right_logical3A_539, %and3A_541 : vector<16xi32>
      %eq3A_543 = arith.constant 1 : i32
      %eq3A_544 = vector.broadcast %eq3A_543 : i32 to vector<16xi32>
      %eq3A_545 = arith.cmpi eq, %and3A_542, %eq3A_544 : vector<16xi32>
      %select_n3A_546 = arith.select %eq3A_545, %and3A_533, %shift_left3A_536 : vector<16xi1>, vector<16xi32>
      %bitcast3A = vector.bitcast %select_n3A_546 : vector<16xi32> to vector<16xf32>
      tpu.vector_store_idx %arg8[%select_n3A_522], %bitcast3A {add = true} : memref<64xf32, #tpu.memory_space<vmem>>[vector<16xi32>], vector<16xf32>,
      %iota3A_547 = tpu.iota {dimensions = array<i32: 0>} : vector<16xi32>
      %add3A_548 = arith.constant 16 : i32
      %add3A_549 = vector.broadcast %add3A_548 : i32 to vector<16xi32>
      %add3A_550 = arith.addi %add3A_549, %iota3A_547 : vector<16xi32>
      %ge3A_551 = arith.constant 50 : i32
      %ge3A_552 = vector.broadcast %ge3A_551 : i32 to vector<16xi32>
      %ge3A_553 = arith.cmpi sge, %add3A_550, %ge3A_552 : vector<16xi32>
      %sub3A_554 = arith.constant 50 : i32
      %sub3A_555 = vector.broadcast %sub3A_554 : i32 to vector<16xi32>
      %sub3A_556 = arith.subi %add3A_550, %sub3A_555 : vector<16xi32>
      %select_n3A_557 = arith.select %ge3A_553, %sub3A_556, %add3A_550 : vector<16xi1>, vector<16xi32>
      %jit3A_558 = arith.constant 1 : i32
      %jit3A_559 = arith.constant 0 : i32
      %broadcast_in_dim3A_560 = vector.broadcast %jit3A_558 : i32 to vector<16xi32>
      %broadcast_in_dim3A_561 = vector.broadcast %jit3A_559 : i32 to vector<16xi32>
      %select_n3A_562 = arith.select %ge3A_553, %broadcast_in_dim3A_560, %broadcast_in_dim3A_561 : vector<16xi1>, vector<16xi32>
      %add3A_563 = arith.constant 0 : i32
      %add3A_564 = vector.broadcast %add3A_563 : i32 to vector<16xi32>
      %add3A_565 = arith.addi %add3A_564, %select_n3A_562 : vector<16xi32>
      %and3A_566 = arith.constant -65536 : i32
      %and3A_567 = vector.broadcast %and3A_566 : i32 to vector<16xi32>
      %and3A_568 = arith.andi %gather3A_401, %and3A_567 : vector<16xi32>
      %shift_left3A_569 = arith.constant 16 : i32
      %shift_left3A_570 = vector.broadcast %shift_left3A_569 : i32 to vector<16xi32>
      %shift_left3A_571 = arith.shli %gather3A_401, %shift_left3A_570 : vector<16xi32>
      %shift_right_logical3A_572 = arith.constant 13 : i32
      %shift_right_logical3A_573 = vector.broadcast %shift_right_logical3A_572 : i32 to vector<16xi32>
      %shift_right_logical3A_574 = arith.shrui %gather3A_163, %shift_right_logical3A_573 : vector<16xi32>
      %and3A_575 = arith.constant 1 : i32
      %and3A_576 = vector.broadcast %and3A_575 : i32 to vector<16xi32>
      %and3A_577 = arith.andi %shift_right_logical3A_574, %and3A_576 : vector<16xi32>
      %eq3A_578 = arith.constant 1 : i32
      %eq3A_579 = vector.broadcast %eq3A_578 : i32 to vector<16xi32>
      %eq3A_580 = arith.cmpi eq, %and3A_577, %eq3A_579 : vector<16xi32>
      %select_n3A_581 = arith.select %eq3A_580, %and3A_568, %shift_left3A_571 : vector<16xi1>, vector<16xi32>
      %bitcast3A_582 = vector.bitcast %select_n3A_581 : vector<16xi32> to vector<16xf32>
      tpu.vector_store_idx %arg9[%select_n3A_557], %bitcast3A_582 {add = true} : memref<64xf32, #tpu.memory_space<vmem>>[vector<16xi32>], vector<16xf32>,
      %iota3A_583 = tpu.iota {dimensions = array<i32: 0>} : vector<16xi32>
      %add3A_584 = arith.constant 32 : i32
      %add3A_585 = vector.broadcast %add3A_584 : i32 to vector<16xi32>
      %add3A_586 = arith.addi %add3A_585, %iota3A_583 : vector<16xi32>
      %ge3A_587 = arith.constant 50 : i32
      %ge3A_588 = vector.broadcast %ge3A_587 : i32 to vector<16xi32>
      %ge3A_589 = arith.cmpi sge, %add3A_586, %ge3A_588 : vector<16xi32>
      %sub3A_590 = arith.constant 50 : i32
      %sub3A_591 = vector.broadcast %sub3A_590 : i32 to vector<16xi32>
      %sub3A_592 = arith.subi %add3A_586, %sub3A_591 : vector<16xi32>
      %select_n3A_593 = arith.select %ge3A_589, %sub3A_592, %add3A_586 : vector<16xi1>, vector<16xi32>
      %jit3A_594 = arith.constant 1 : i32
      %jit3A_595 = arith.constant 0 : i32
      %broadcast_in_dim3A_596 = vector.broadcast %jit3A_594 : i32 to vector<16xi32>
      %broadcast_in_dim3A_597 = vector.broadcast %jit3A_595 : i32 to vector<16xi32>
      %select_n3A_598 = arith.select %ge3A_589, %broadcast_in_dim3A_596, %broadcast_in_dim3A_597 : vector<16xi1>, vector<16xi32>
      %add3A_599 = arith.constant 0 : i32
      %add3A_600 = vector.broadcast %add3A_599 : i32 to vector<16xi32>
      %add3A_601 = arith.addi %add3A_600, %select_n3A_598 : vector<16xi32>
      %and3A_602 = arith.constant -65536 : i32
      %and3A_603 = vector.broadcast %and3A_602 : i32 to vector<16xi32>
      %and3A_604 = arith.andi %gather3A_412, %and3A_603 : vector<16xi32>
      %shift_left3A_605 = arith.constant 16 : i32
      %shift_left3A_606 = vector.broadcast %shift_left3A_605 : i32 to vector<16xi32>
      %shift_left3A_607 = arith.shli %gather3A_412, %shift_left3A_606 : vector<16xi32>
      %shift_right_logical3A_608 = arith.constant 13 : i32
      %shift_right_logical3A_609 = vector.broadcast %shift_right_logical3A_608 : i32 to vector<16xi32>
      %shift_right_logical3A_610 = arith.shrui %gather3A_185, %shift_right_logical3A_609 : vector<16xi32>
      %and3A_611 = arith.constant 1 : i32
      %and3A_612 = vector.broadcast %and3A_611 : i32 to vector<16xi32>
      %and3A_613 = arith.andi %shift_right_logical3A_610, %and3A_612 : vector<16xi32>
      %eq3A_614 = arith.constant 1 : i32
      %eq3A_615 = vector.broadcast %eq3A_614 : i32 to vector<16xi32>
      %eq3A_616 = arith.cmpi eq, %and3A_613, %eq3A_615 : vector<16xi32>
      %select_n3A_617 = arith.select %eq3A_616, %and3A_604, %shift_left3A_607 : vector<16xi1>, vector<16xi32>
      %bitcast3A_618 = vector.bitcast %select_n3A_617 : vector<16xi32> to vector<16xf32>
      tpu.vector_store_idx %arg10[%select_n3A_593], %bitcast3A_618 {add = true} : memref<64xf32, #tpu.memory_space<vmem>>[vector<16xi32>], vector<16xf32>,
      %iota3A_619 = tpu.iota {dimensions = array<i32: 0>} : vector<16xi32>
      %add3A_620 = arith.constant 48 : i32
      %add3A_621 = vector.broadcast %add3A_620 : i32 to vector<16xi32>
      %add3A_622 = arith.addi %add3A_621, %iota3A_619 : vector<16xi32>
      %ge3A_623 = arith.constant 50 : i32
      %ge3A_624 = vector.broadcast %ge3A_623 : i32 to vector<16xi32>
      %ge3A_625 = arith.cmpi sge, %add3A_622, %ge3A_624 : vector<16xi32>
      %sub3A_626 = arith.constant 50 : i32
      %sub3A_627 = vector.broadcast %sub3A_626 : i32 to vector<16xi32>
      %sub3A_628 = arith.subi %add3A_622, %sub3A_627 : vector<16xi32>
      %select_n3A_629 = arith.select %ge3A_625, %sub3A_628, %add3A_622 : vector<16xi1>, vector<16xi32>
      %jit3A_630 = arith.constant 1 : i32
      %jit3A_631 = arith.constant 0 : i32
      %broadcast_in_dim3A_632 = vector.broadcast %jit3A_630 : i32 to vector<16xi32>
      %broadcast_in_dim3A_633 = vector.broadcast %jit3A_631 : i32 to vector<16xi32>
      %select_n3A_634 = arith.select %ge3A_625, %broadcast_in_dim3A_632, %broadcast_in_dim3A_633 : vector<16xi1>, vector<16xi32>
      %add3A_635 = arith.constant 0 : i32
      %add3A_636 = vector.broadcast %add3A_635 : i32 to vector<16xi32>
      %add3A_637 = arith.addi %add3A_636, %select_n3A_634 : vector<16xi32>
      %and3A_638 = arith.constant -65536 : i32
      %and3A_639 = vector.broadcast %and3A_638 : i32 to vector<16xi32>
      %and3A_640 = arith.andi %gather3A_423, %and3A_639 : vector<16xi32>
      %shift_left3A_641 = arith.constant 16 : i32
      %shift_left3A_642 = vector.broadcast %shift_left3A_641 : i32 to vector<16xi32>
      %shift_left3A_643 = arith.shli %gather3A_423, %shift_left3A_642 : vector<16xi32>
      %shift_right_logical3A_644 = arith.constant 13 : i32
      %shift_right_logical3A_645 = vector.broadcast %shift_right_logical3A_644 : i32 to vector<16xi32>
      %shift_right_logical3A_646 = arith.shrui %gather3A_207, %shift_right_logical3A_645 : vector<16xi32>
      %and3A_647 = arith.constant 1 : i32
      %and3A_648 = vector.broadcast %and3A_647 : i32 to vector<16xi32>
      %and3A_649 = arith.andi %shift_right_logical3A_646, %and3A_648 : vector<16xi32>
      %eq3A_650 = arith.constant 1 : i32
      %eq3A_651 = vector.broadcast %eq3A_650 : i32 to vector<16xi32>
      %eq3A_652 = arith.cmpi eq, %and3A_649, %eq3A_651 : vector<16xi32>
      %select_n3A_653 = arith.select %eq3A_652, %and3A_640, %shift_left3A_643 : vector<16xi1>, vector<16xi32>
      %bitcast3A_654 = vector.bitcast %select_n3A_653 : vector<16xi32> to vector<16xf32>
      tpu.vector_store_idx %arg11[%select_n3A_629], %bitcast3A_654 {add = true} : memref<64xf32, #tpu.memory_space<vmem>>[vector<16xi32>], vector<16xf32>,
      %iota3A_655 = tpu.iota {dimensions = array<i32: 0>} : vector<16xi32>
      %add3A_656 = arith.constant 14 : i32
      %add3A_657 = vector.broadcast %add3A_656 : i32 to vector<16xi32>
      %add3A_658 = arith.addi %add3A_657, %iota3A_655 : vector<16xi32>
      %ge3A_659 = arith.constant 50 : i32
      %ge3A_660 = vector.broadcast %ge3A_659 : i32 to vector<16xi32>
      %ge3A_661 = arith.cmpi sge, %add3A_658, %ge3A_660 : vector<16xi32>
      %sub3A_662 = arith.constant 50 : i32
      %sub3A_663 = vector.broadcast %sub3A_662 : i32 to vector<16xi32>
      %sub3A_664 = arith.subi %add3A_658, %sub3A_663 : vector<16xi32>
      %select_n3A_665 = arith.select %ge3A_661, %sub3A_664, %add3A_658 : vector<16xi1>, vector<16xi32>
      %jit3A_666 = arith.constant 1 : i32
      %jit3A_667 = arith.constant 0 : i32
      %broadcast_in_dim3A_668 = vector.broadcast %jit3A_666 : i32 to vector<16xi32>
      %broadcast_in_dim3A_669 = vector.broadcast %jit3A_667 : i32 to vector<16xi32>
      %select_n3A_670 = arith.select %ge3A_661, %broadcast_in_dim3A_668, %broadcast_in_dim3A_669 : vector<16xi1>, vector<16xi32>
      %add3A_671 = arith.constant 1 : i32
      %add3A_672 = vector.broadcast %add3A_671 : i32 to vector<16xi32>
      %add3A_673 = arith.addi %add3A_672, %select_n3A_670 : vector<16xi32>
      %and3A_674 = arith.constant -65536 : i32
      %and3A_675 = vector.broadcast %and3A_674 : i32 to vector<16xi32>
      %and3A_676 = arith.andi %gather3A_434, %and3A_675 : vector<16xi32>
      %shift_left3A_677 = arith.constant 16 : i32
      %shift_left3A_678 = vector.broadcast %shift_left3A_677 : i32 to vector<16xi32>
      %shift_left3A_679 = arith.shli %gather3A_434, %shift_left3A_678 : vector<16xi32>
      %shift_right_logical3A_680 = arith.constant 13 : i32
      %shift_right_logical3A_681 = vector.broadcast %shift_right_logical3A_680 : i32 to vector<16xi32>
      %shift_right_logical3A_682 = arith.shrui %gather3A_229, %shift_right_logical3A_681 : vector<16xi32>
      %and3A_683 = arith.constant 1 : i32
      %and3A_684 = vector.broadcast %and3A_683 : i32 to vector<16xi32>
      %and3A_685 = arith.andi %shift_right_logical3A_682, %and3A_684 : vector<16xi32>
      %eq3A_686 = arith.constant 1 : i32
      %eq3A_687 = vector.broadcast %eq3A_686 : i32 to vector<16xi32>
      %eq3A_688 = arith.cmpi eq, %and3A_685, %eq3A_687 : vector<16xi32>
      %select_n3A_689 = arith.select %eq3A_688, %and3A_676, %shift_left3A_679 : vector<16xi1>, vector<16xi32>
      %bitcast3A_690 = vector.bitcast %select_n3A_689 : vector<16xi32> to vector<16xf32>
      tpu.vector_store_idx %arg8[%select_n3A_665], %bitcast3A_690 {add = true} : memref<64xf32, #tpu.memory_space<vmem>>[vector<16xi32>], vector<16xf32>,
      %iota3A_691 = tpu.iota {dimensions = array<i32: 0>} : vector<16xi32>
      %add3A_692 = arith.constant 30 : i32
      %add3A_693 = vector.broadcast %add3A_692 : i32 to vector<16xi32>
      %add3A_694 = arith.addi %add3A_693, %iota3A_691 : vector<16xi32>
      %ge3A_695 = arith.constant 50 : i32
      %ge3A_696 = vector.broadcast %ge3A_695 : i32 to vector<16xi32>
      %ge3A_697 = arith.cmpi sge, %add3A_694, %ge3A_696 : vector<16xi32>
      %sub3A_698 = arith.constant 50 : i32
      %sub3A_699 = vector.broadcast %sub3A_698 : i32 to vector<16xi32>
      %sub3A_700 = arith.subi %add3A_694, %sub3A_699 : vector<16xi32>
      %select_n3A_701 = arith.select %ge3A_697, %sub3A_700, %add3A_694 : vector<16xi1>, vector<16xi32>
      %jit3A_702 = arith.constant 1 : i32
      %jit3A_703 = arith.constant 0 : i32
      %broadcast_in_dim3A_704 = vector.broadcast %jit3A_702 : i32 to vector<16xi32>
      %broadcast_in_dim3A_705 = vector.broadcast %jit3A_703 : i32 to vector<16xi32>
      %select_n3A_706 = arith.select %ge3A_697, %broadcast_in_dim3A_704, %broadcast_in_dim3A_705 : vector<16xi1>, vector<16xi32>
      %add3A_707 = arith.constant 1 : i32
      %add3A_708 = vector.broadcast %add3A_707 : i32 to vector<16xi32>
      %add3A_709 = arith.addi %add3A_708, %select_n3A_706 : vector<16xi32>
      %and3A_710 = arith.constant -65536 : i32
      %and3A_711 = vector.broadcast %and3A_710 : i32 to vector<16xi32>
      %and3A_712 = arith.andi %gather3A_445, %and3A_711 : vector<16xi32>
      %shift_left3A_713 = arith.constant 16 : i32
      %shift_left3A_714 = vector.broadcast %shift_left3A_713 : i32 to vector<16xi32>
      %shift_left3A_715 = arith.shli %gather3A_445, %shift_left3A_714 : vector<16xi32>
      %shift_right_logical3A_716 = arith.constant 13 : i32
      %shift_right_logical3A_717 = vector.broadcast %shift_right_logical3A_716 : i32 to vector<16xi32>
      %shift_right_logical3A_718 = arith.shrui %gather3A_251, %shift_right_logical3A_717 : vector<16xi32>
      %and3A_719 = arith.constant 1 : i32
      %and3A_720 = vector.broadcast %and3A_719 : i32 to vector<16xi32>
      %and3A_721 = arith.andi %shift_right_logical3A_718, %and3A_720 : vector<16xi32>
      %eq3A_722 = arith.constant 1 : i32
      %eq3A_723 = vector.broadcast %eq3A_722 : i32 to vector<16xi32>
      %eq3A_724 = arith.cmpi eq, %and3A_721, %eq3A_723 : vector<16xi32>
      %select_n3A_725 = arith.select %eq3A_724, %and3A_712, %shift_left3A_715 : vector<16xi1>, vector<16xi32>
      %bitcast3A_726 = vector.bitcast %select_n3A_725 : vector<16xi32> to vector<16xf32>
      tpu.vector_store_idx %arg9[%select_n3A_701], %bitcast3A_726 {add = true} : memref<64xf32, #tpu.memory_space<vmem>>[vector<16xi32>], vector<16xf32>,
      %iota3A_727 = tpu.iota {dimensions = array<i32: 0>} : vector<16xi32>
      %add3A_728 = arith.constant 46 : i32
      %add3A_729 = vector.broadcast %add3A_728 : i32 to vector<16xi32>
      %add3A_730 = arith.addi %add3A_729, %iota3A_727 : vector<16xi32>
      %ge3A_731 = arith.constant 50 : i32
      %ge3A_732 = vector.broadcast %ge3A_731 : i32 to vector<16xi32>
      %ge3A_733 = arith.cmpi sge, %add3A_730, %ge3A_732 : vector<16xi32>
      %sub3A_734 = arith.constant 50 : i32
      %sub3A_735 = vector.broadcast %sub3A_734 : i32 to vector<16xi32>
      %sub3A_736 = arith.subi %add3A_730, %sub3A_735 : vector<16xi32>
      %select_n3A_737 = arith.select %ge3A_733, %sub3A_736, %add3A_730 : vector<16xi1>, vector<16xi32>
      %jit3A_738 = arith.constant 1 : i32
      %jit3A_739 = arith.constant 0 : i32
      %broadcast_in_dim3A_740 = vector.broadcast %jit3A_738 : i32 to vector<16xi32>
      %broadcast_in_dim3A_741 = vector.broadcast %jit3A_739 : i32 to vector<16xi32>
      %select_n3A_742 = arith.select %ge3A_733, %broadcast_in_dim3A_740, %broadcast_in_dim3A_741 : vector<16xi1>, vector<16xi32>
      %add3A_743 = arith.constant 1 : i32
      %add3A_744 = vector.broadcast %add3A_743 : i32 to vector<16xi32>
      %add3A_745 = arith.addi %add3A_744, %select_n3A_742 : vector<16xi32>
      %and3A_746 = arith.constant -65536 : i32
      %and3A_747 = vector.broadcast %and3A_746 : i32 to vector<16xi32>
      %and3A_748 = arith.andi %gather3A_456, %and3A_747 : vector<16xi32>
      %shift_left3A_749 = arith.constant 16 : i32
      %shift_left3A_750 = vector.broadcast %shift_left3A_749 : i32 to vector<16xi32>
      %shift_left3A_751 = arith.shli %gather3A_456, %shift_left3A_750 : vector<16xi32>
      %shift_right_logical3A_752 = arith.constant 13 : i32
      %shift_right_logical3A_753 = vector.broadcast %shift_right_logical3A_752 : i32 to vector<16xi32>
      %shift_right_logical3A_754 = arith.shrui %gather3A_273, %shift_right_logical3A_753 : vector<16xi32>
      %and3A_755 = arith.constant 1 : i32
      %and3A_756 = vector.broadcast %and3A_755 : i32 to vector<16xi32>
      %and3A_757 = arith.andi %shift_right_logical3A_754, %and3A_756 : vector<16xi32>
      %eq3A_758 = arith.constant 1 : i32
      %eq3A_759 = vector.broadcast %eq3A_758 : i32 to vector<16xi32>
      %eq3A_760 = arith.cmpi eq, %and3A_757, %eq3A_759 : vector<16xi32>
      %select_n3A_761 = arith.select %eq3A_760, %and3A_748, %shift_left3A_751 : vector<16xi1>, vector<16xi32>
      %bitcast3A_762 = vector.bitcast %select_n3A_761 : vector<16xi32> to vector<16xf32>
      tpu.vector_store_idx %arg10[%select_n3A_737], %bitcast3A_762 {add = true} : memref<64xf32, #tpu.memory_space<vmem>>[vector<16xi32>], vector<16xf32>,
      %iota3A_763 = tpu.iota {dimensions = array<i32: 0>} : vector<16xi32>
      %add3A_764 = arith.constant 12 : i32
      %add3A_765 = vector.broadcast %add3A_764 : i32 to vector<16xi32>
      %add3A_766 = arith.addi %add3A_765, %iota3A_763 : vector<16xi32>
      %ge3A_767 = arith.constant 50 : i32
      %ge3A_768 = vector.broadcast %ge3A_767 : i32 to vector<16xi32>
      %ge3A_769 = arith.cmpi sge, %add3A_766, %ge3A_768 : vector<16xi32>
      %sub3A_770 = arith.constant 50 : i32
      %sub3A_771 = vector.broadcast %sub3A_770 : i32 to vector<16xi32>
      %sub3A_772 = arith.subi %add3A_766, %sub3A_771 : vector<16xi32>
      %select_n3A_773 = arith.select %ge3A_769, %sub3A_772, %add3A_766 : vector<16xi1>, vector<16xi32>
      %jit3A_774 = arith.constant 1 : i32
      %jit3A_775 = arith.constant 0 : i32
      %broadcast_in_dim3A_776 = vector.broadcast %jit3A_774 : i32 to vector<16xi32>
      %broadcast_in_dim3A_777 = vector.broadcast %jit3A_775 : i32 to vector<16xi32>
      %select_n3A_778 = arith.select %ge3A_769, %broadcast_in_dim3A_776, %broadcast_in_dim3A_777 : vector<16xi1>, vector<16xi32>
      %add3A_779 = arith.constant 2 : i32
      %add3A_780 = vector.broadcast %add3A_779 : i32 to vector<16xi32>
      %add3A_781 = arith.addi %add3A_780, %select_n3A_778 : vector<16xi32>
      %and3A_782 = arith.constant -65536 : i32
      %and3A_783 = vector.broadcast %and3A_782 : i32 to vector<16xi32>
      %and3A_784 = arith.andi %gather3A_467, %and3A_783 : vector<16xi32>
      %shift_left3A_785 = arith.constant 16 : i32
      %shift_left3A_786 = vector.broadcast %shift_left3A_785 : i32 to vector<16xi32>
      %shift_left3A_787 = arith.shli %gather3A_467, %shift_left3A_786 : vector<16xi32>
      %shift_right_logical3A_788 = arith.constant 13 : i32
      %shift_right_logical3A_789 = vector.broadcast %shift_right_logical3A_788 : i32 to vector<16xi32>
      %shift_right_logical3A_790 = arith.shrui %gather3A_295, %shift_right_logical3A_789 : vector<16xi32>
      %and3A_791 = arith.constant 1 : i32
      %and3A_792 = vector.broadcast %and3A_791 : i32 to vector<16xi32>
      %and3A_793 = arith.andi %shift_right_logical3A_790, %and3A_792 : vector<16xi32>
      %eq3A_794 = arith.constant 1 : i32
      %eq3A_795 = vector.broadcast %eq3A_794 : i32 to vector<16xi32>
      %eq3A_796 = arith.cmpi eq, %and3A_793, %eq3A_795 : vector<16xi32>
      %select_n3A_797 = arith.select %eq3A_796, %and3A_784, %shift_left3A_787 : vector<16xi1>, vector<16xi32>
      %bitcast3A_798 = vector.bitcast %select_n3A_797 : vector<16xi32> to vector<16xf32>
      tpu.vector_store_idx %arg11[%select_n3A_773], %bitcast3A_798 {add = true} : memref<64xf32, #tpu.memory_space<vmem>>[vector<16xi32>], vector<16xf32>,
      %iota3A_799 = tpu.iota {dimensions = array<i32: 0>} : vector<16xi32>
      %add3A_800 = arith.constant 28 : i32
      %add3A_801 = vector.broadcast %add3A_800 : i32 to vector<16xi32>
      %add3A_802 = arith.addi %add3A_801, %iota3A_799 : vector<16xi32>
      %ge3A_803 = arith.constant 50 : i32
      %ge3A_804 = vector.broadcast %ge3A_803 : i32 to vector<16xi32>
      %ge3A_805 = arith.cmpi sge, %add3A_802, %ge3A_804 : vector<16xi32>
      %sub3A_806 = arith.constant 50 : i32
      %sub3A_807 = vector.broadcast %sub3A_806 : i32 to vector<16xi32>
      %sub3A_808 = arith.subi %add3A_802, %sub3A_807 : vector<16xi32>
      %select_n3A_809 = arith.select %ge3A_805, %sub3A_808, %add3A_802 : vector<16xi1>, vector<16xi32>
      %jit3A_810 = arith.constant 1 : i32
      %jit3A_811 = arith.constant 0 : i32
      %broadcast_in_dim3A_812 = vector.broadcast %jit3A_810 : i32 to vector<16xi32>
      %broadcast_in_dim3A_813 = vector.broadcast %jit3A_811 : i32 to vector<16xi32>
      %select_n3A_814 = arith.select %ge3A_805, %broadcast_in_dim3A_812, %broadcast_in_dim3A_813 : vector<16xi1>, vector<16xi32>
      %add3A_815 = arith.constant 2 : i32
      %add3A_816 = vector.broadcast %add3A_815 : i32 to vector<16xi32>
      %add3A_817 = arith.addi %add3A_816, %select_n3A_814 : vector<16xi32>
      %and3A_818 = arith.constant -65536 : i32
      %and3A_819 = vector.broadcast %and3A_818 : i32 to vector<16xi32>
      %and3A_820 = arith.andi %gather3A_478, %and3A_819 : vector<16xi32>
      %shift_left3A_821 = arith.constant 16 : i32
      %shift_left3A_822 = vector.broadcast %shift_left3A_821 : i32 to vector<16xi32>
      %shift_left3A_823 = arith.shli %gather3A_478, %shift_left3A_822 : vector<16xi32>
      %shift_right_logical3A_824 = arith.constant 13 : i32
      %shift_right_logical3A_825 = vector.broadcast %shift_right_logical3A_824 : i32 to vector<16xi32>
      %shift_right_logical3A_826 = arith.shrui %gather3A_317, %shift_right_logical3A_825 : vector<16xi32>
      %and3A_827 = arith.constant 1 : i32
      %and3A_828 = vector.broadcast %and3A_827 : i32 to vector<16xi32>
      %and3A_829 = arith.andi %shift_right_logical3A_826, %and3A_828 : vector<16xi32>
      %eq3A_830 = arith.constant 1 : i32
      %eq3A_831 = vector.broadcast %eq3A_830 : i32 to vector<16xi32>
      %eq3A_832 = arith.cmpi eq, %and3A_829, %eq3A_831 : vector<16xi32>
      %select_n3A_833 = arith.select %eq3A_832, %and3A_820, %shift_left3A_823 : vector<16xi1>, vector<16xi32>
      %bitcast3A_834 = vector.bitcast %select_n3A_833 : vector<16xi32> to vector<16xf32>
      tpu.vector_store_idx %arg8[%select_n3A_809], %bitcast3A_834 {add = true} : memref<64xf32, #tpu.memory_space<vmem>>[vector<16xi32>], vector<16xf32>,
      %iota3A_835 = tpu.iota {dimensions = array<i32: 0>} : vector<16xi32>
      %add3A_836 = arith.constant 44 : i32
      %add3A_837 = vector.broadcast %add3A_836 : i32 to vector<16xi32>
      %add3A_838 = arith.addi %add3A_837, %iota3A_835 : vector<16xi32>
      %ge3A_839 = arith.constant 50 : i32
      %ge3A_840 = vector.broadcast %ge3A_839 : i32 to vector<16xi32>
      %ge3A_841 = arith.cmpi sge, %add3A_838, %ge3A_840 : vector<16xi32>
      %sub3A_842 = arith.constant 50 : i32
      %sub3A_843 = vector.broadcast %sub3A_842 : i32 to vector<16xi32>
      %sub3A_844 = arith.subi %add3A_838, %sub3A_843 : vector<16xi32>
      %select_n3A_845 = arith.select %ge3A_841, %sub3A_844, %add3A_838 : vector<16xi1>, vector<16xi32>
      %jit3A_846 = arith.constant 1 : i32
      %jit3A_847 = arith.constant 0 : i32
      %broadcast_in_dim3A_848 = vector.broadcast %jit3A_846 : i32 to vector<16xi32>
      %broadcast_in_dim3A_849 = vector.broadcast %jit3A_847 : i32 to vector<16xi32>
      %select_n3A_850 = arith.select %ge3A_841, %broadcast_in_dim3A_848, %broadcast_in_dim3A_849 : vector<16xi1>, vector<16xi32>
      %add3A_851 = arith.constant 2 : i32
      %add3A_852 = vector.broadcast %add3A_851 : i32 to vector<16xi32>
      %add3A_853 = arith.addi %add3A_852, %select_n3A_850 : vector<16xi32>
      %and3A_854 = arith.constant -65536 : i32
      %and3A_855 = vector.broadcast %and3A_854 : i32 to vector<16xi32>
      %and3A_856 = arith.andi %gather3A_489, %and3A_855 : vector<16xi32>
      %shift_left3A_857 = arith.constant 16 : i32
      %shift_left3A_858 = vector.broadcast %shift_left3A_857 : i32 to vector<16xi32>
      %shift_left3A_859 = arith.shli %gather3A_489, %shift_left3A_858 : vector<16xi32>
      %shift_right_logical3A_860 = arith.constant 13 : i32
      %shift_right_logical3A_861 = vector.broadcast %shift_right_logical3A_860 : i32 to vector<16xi32>
      %shift_right_logical3A_862 = arith.shrui %gather3A_339, %shift_right_logical3A_861 : vector<16xi32>
      %and3A_863 = arith.constant 1 : i32
      %and3A_864 = vector.broadcast %and3A_863 : i32 to vector<16xi32>
      %and3A_865 = arith.andi %shift_right_logical3A_862, %and3A_864 : vector<16xi32>
      %eq3A_866 = arith.constant 1 : i32
      %eq3A_867 = vector.broadcast %eq3A_866 : i32 to vector<16xi32>
      %eq3A_868 = arith.cmpi eq, %and3A_865, %eq3A_867 : vector<16xi32>
      %select_n3A_869 = arith.select %eq3A_868, %and3A_856, %shift_left3A_859 : vector<16xi1>, vector<16xi32>
      %bitcast3A_870 = vector.bitcast %select_n3A_869 : vector<16xi32> to vector<16xf32>
      tpu.vector_store_idx %arg9[%select_n3A_845], %bitcast3A_870 {add = true} : memref<64xf32, #tpu.memory_space<vmem>>[vector<16xi32>], vector<16xf32>,
      %iota3A_871 = tpu.iota {dimensions = array<i32: 0>} : vector<16xi32>
      %add3A_872 = arith.constant 10 : i32
      %add3A_873 = vector.broadcast %add3A_872 : i32 to vector<16xi32>
      %add3A_874 = arith.addi %add3A_873, %iota3A_871 : vector<16xi32>
      %ge3A_875 = arith.constant 50 : i32
      %ge3A_876 = vector.broadcast %ge3A_875 : i32 to vector<16xi32>
      %ge3A_877 = arith.cmpi sge, %add3A_874, %ge3A_876 : vector<16xi32>
      %sub3A_878 = arith.constant 50 : i32
      %sub3A_879 = vector.broadcast %sub3A_878 : i32 to vector<16xi32>
      %sub3A_880 = arith.subi %add3A_874, %sub3A_879 : vector<16xi32>
      %select_n3A_881 = arith.select %ge3A_877, %sub3A_880, %add3A_874 : vector<16xi1>, vector<16xi32>
      %jit3A_882 = arith.constant 1 : i32
      %jit3A_883 = arith.constant 0 : i32
      %broadcast_in_dim3A_884 = vector.broadcast %jit3A_882 : i32 to vector<16xi32>
      %broadcast_in_dim3A_885 = vector.broadcast %jit3A_883 : i32 to vector<16xi32>
      %select_n3A_886 = arith.select %ge3A_877, %broadcast_in_dim3A_884, %broadcast_in_dim3A_885 : vector<16xi1>, vector<16xi32>
      %add3A_887 = arith.constant 3 : i32
      %add3A_888 = vector.broadcast %add3A_887 : i32 to vector<16xi32>
      %add3A_889 = arith.addi %add3A_888, %select_n3A_886 : vector<16xi32>
      %and3A_890 = arith.constant -65536 : i32
      %and3A_891 = vector.broadcast %and3A_890 : i32 to vector<16xi32>
      %and3A_892 = arith.andi %gather3A_500, %and3A_891 : vector<16xi32>
      %shift_left3A_893 = arith.constant 16 : i32
      %shift_left3A_894 = vector.broadcast %shift_left3A_893 : i32 to vector<16xi32>
      %shift_left3A_895 = arith.shli %gather3A_500, %shift_left3A_894 : vector<16xi32>
      %shift_right_logical3A_896 = arith.constant 13 : i32
      %shift_right_logical3A_897 = vector.broadcast %shift_right_logical3A_896 : i32 to vector<16xi32>
      %shift_right_logical3A_898 = arith.shrui %gather3A_361, %shift_right_logical3A_897 : vector<16xi32>
      %and3A_899 = arith.constant 1 : i32
      %and3A_900 = vector.broadcast %and3A_899 : i32 to vector<16xi32>
      %and3A_901 = arith.andi %shift_right_logical3A_898, %and3A_900 : vector<16xi32>
      %eq3A_902 = arith.constant 1 : i32
      %eq3A_903 = vector.broadcast %eq3A_902 : i32 to vector<16xi32>
      %eq3A_904 = arith.cmpi eq, %and3A_901, %eq3A_903 : vector<16xi32>
      %select_n3A_905 = arith.select %eq3A_904, %and3A_892, %shift_left3A_895 : vector<16xi1>, vector<16xi32>
      %bitcast3A_906 = vector.bitcast %select_n3A_905 : vector<16xi32> to vector<16xf32>
      tpu.vector_store_idx %arg10[%select_n3A_881], %bitcast3A_906 {add = true} : memref<64xf32, #tpu.memory_space<vmem>>[vector<16xi32>], vector<16xf32>,
      %iota3A_907 = tpu.iota {dimensions = array<i32: 0>} : vector<16xi32>
      %add3A_908 = arith.constant 26 : i32
      %add3A_909 = vector.broadcast %add3A_908 : i32 to vector<16xi32>
      %add3A_910 = arith.addi %add3A_909, %iota3A_907 : vector<16xi32>
      %ge3A_911 = arith.constant 50 : i32
      %ge3A_912 = vector.broadcast %ge3A_911 : i32 to vector<16xi32>
      %ge3A_913 = arith.cmpi sge, %add3A_910, %ge3A_912 : vector<16xi32>
      %sub3A_914 = arith.constant 50 : i32
      %sub3A_915 = vector.broadcast %sub3A_914 : i32 to vector<16xi32>
      %sub3A_916 = arith.subi %add3A_910, %sub3A_915 : vector<16xi32>
      %select_n3A_917 = arith.select %ge3A_913, %sub3A_916, %add3A_910 : vector<16xi1>, vector<16xi32>
      %jit3A_918 = arith.constant 1 : i32
      %jit3A_919 = arith.constant 0 : i32
      %broadcast_in_dim3A_920 = vector.broadcast %jit3A_918 : i32 to vector<16xi32>
      %broadcast_in_dim3A_921 = vector.broadcast %jit3A_919 : i32 to vector<16xi32>
      %select_n3A_922 = arith.select %ge3A_913, %broadcast_in_dim3A_920, %broadcast_in_dim3A_921 : vector<16xi1>, vector<16xi32>
      %add3A_923 = arith.constant 3 : i32
      %add3A_924 = vector.broadcast %add3A_923 : i32 to vector<16xi32>
      %add3A_925 = arith.addi %add3A_924, %select_n3A_922 : vector<16xi32>
      %and3A_926 = arith.constant -65536 : i32
      %and3A_927 = vector.broadcast %and3A_926 : i32 to vector<16xi32>
      %and3A_928 = arith.andi %gather3A_511, %and3A_927 : vector<16xi32>
      %shift_left3A_929 = arith.constant 16 : i32
      %shift_left3A_930 = vector.broadcast %shift_left3A_929 : i32 to vector<16xi32>
      %shift_left3A_931 = arith.shli %gather3A_511, %shift_left3A_930 : vector<16xi32>
      %shift_right_logical3A_932 = arith.constant 13 : i32
      %shift_right_logical3A_933 = vector.broadcast %shift_right_logical3A_932 : i32 to vector<16xi32>
      %shift_right_logical3A_934 = arith.shrui %gather3A_383, %shift_right_logical3A_933 : vector<16xi32>
      %and3A_935 = arith.constant 1 : i32
      %and3A_936 = vector.broadcast %and3A_935 : i32 to vector<16xi32>
      %and3A_937 = arith.andi %shift_right_logical3A_934, %and3A_936 : vector<16xi32>
      %eq3A_938 = arith.constant 1 : i32
      %eq3A_939 = vector.broadcast %eq3A_938 : i32 to vector<16xi32>
      %eq3A_940 = arith.cmpi eq, %and3A_937, %eq3A_939 : vector<16xi32>
      %select_n3A_941 = arith.select %eq3A_940, %and3A_928, %shift_left3A_931 : vector<16xi1>, vector<16xi32>
      %bitcast3A_942 = vector.bitcast %select_n3A_941 : vector<16xi32> to vector<16xf32>
      tpu.vector_store_idx %arg11[%select_n3A_917], %bitcast3A_942 {add = true} : memref<64xf32, #tpu.memory_space<vmem>>[vector<16xi32>], vector<16xf32>,
      %mul3A_943 = arith.constant 8 : i32
      %mul3A_944 = arith.muli %scan3A_123, %mul3A_943 : i32
      %iota3A_945 = tpu.iota {dimensions = array<i32: 0>} : vector<16xi32>
      %add3A_946 = arith.constant 42 : i32
      %add3A_947 = vector.broadcast %add3A_946 : i32 to vector<16xi32>
      %add3A_948 = arith.addi %add3A_947, %iota3A_945 : vector<16xi32>
      %ge3A_949 = arith.constant 50 : i32
      %ge3A_950 = vector.broadcast %ge3A_949 : i32 to vector<16xi32>
      %ge3A_951 = arith.cmpi sge, %add3A_948, %ge3A_950 : vector<16xi32>
      %sub3A_952 = arith.constant 50 : i32
      %sub3A_953 = vector.broadcast %sub3A_952 : i32 to vector<16xi32>
      %sub3A_954 = arith.subi %add3A_948, %sub3A_953 : vector<16xi32>
      %select_n3A_955 = arith.select %ge3A_951, %sub3A_954, %add3A_948 : vector<16xi1>, vector<16xi32>
      %jit3A_956 = arith.constant 1 : i32
      %jit3A_957 = arith.constant 0 : i32
      %broadcast_in_dim3A_958 = vector.broadcast %jit3A_956 : i32 to vector<16xi32>
      %broadcast_in_dim3A_959 = vector.broadcast %jit3A_957 : i32 to vector<16xi32>
      %select_n3A_960 = arith.select %ge3A_951, %broadcast_in_dim3A_958, %broadcast_in_dim3A_959 : vector<16xi1>, vector<16xi32>
      %add3A_961 = arith.constant 3 : i32
      %add3A_962 = vector.broadcast %add3A_961 : i32 to vector<16xi32>
      %add3A_963 = arith.addi %add3A_962, %select_n3A_960 : vector<16xi32>
      %add3A_964 = vector.broadcast %mul3A_944 : i32 to vector<16xi32>
      %add3A_965 = arith.addi %add3A_964, %add3A_963 : vector<16xi32>
      %gather3A_966 = tpu.vector_load_idx %arg7[%add3A_965, %select_n3A_955] : memref<128x50xi32, #tpu.memory_space<vmem>>[vector<16xi32>, vector<16xi32>], vector<16xi32>,
      %iota3A_967 = tpu.iota {dimensions = array<i32: 0>} : vector<16xi32>
      %add3A_968 = arith.constant 8 : i32
      %add3A_969 = vector.broadcast %add3A_968 : i32 to vector<16xi32>
      %add3A_970 = arith.addi %add3A_969, %iota3A_967 : vector<16xi32>
      %ge3A_971 = arith.constant 50 : i32
      %ge3A_972 = vector.broadcast %ge3A_971 : i32 to vector<16xi32>
      %ge3A_973 = arith.cmpi sge, %add3A_970, %ge3A_972 : vector<16xi32>
      %sub3A_974 = arith.constant 50 : i32
      %sub3A_975 = vector.broadcast %sub3A_974 : i32 to vector<16xi32>
      %sub3A_976 = arith.subi %add3A_970, %sub3A_975 : vector<16xi32>
      %select_n3A_977 = arith.select %ge3A_973, %sub3A_976, %add3A_970 : vector<16xi1>, vector<16xi32>
      %jit3A_978 = arith.constant 1 : i32
      %jit3A_979 = arith.constant 0 : i32
      %broadcast_in_dim3A_980 = vector.broadcast %jit3A_978 : i32 to vector<16xi32>
      %broadcast_in_dim3A_981 = vector.broadcast %jit3A_979 : i32 to vector<16xi32>
      %select_n3A_982 = arith.select %ge3A_973, %broadcast_in_dim3A_980, %broadcast_in_dim3A_981 : vector<16xi1>, vector<16xi32>
      %add3A_983 = arith.constant 4 : i32
      %add3A_984 = vector.broadcast %add3A_983 : i32 to vector<16xi32>
      %add3A_985 = arith.addi %add3A_984, %select_n3A_982 : vector<16xi32>
      %add3A_986 = vector.broadcast %mul3A_944 : i32 to vector<16xi32>
      %add3A_987 = arith.addi %add3A_986, %add3A_985 : vector<16xi32>
      %gather3A_988 = tpu.vector_load_idx %arg7[%add3A_987, %select_n3A_977] : memref<128x50xi32, #tpu.memory_space<vmem>>[vector<16xi32>, vector<16xi32>], vector<16xi32>,
      %iota3A_989 = tpu.iota {dimensions = array<i32: 0>} : vector<16xi32>
      %add3A_990 = arith.constant 24 : i32
      %add3A_991 = vector.broadcast %add3A_990 : i32 to vector<16xi32>
      %add3A_992 = arith.addi %add3A_991, %iota3A_989 : vector<16xi32>
      %ge3A_993 = arith.constant 50 : i32
      %ge3A_994 = vector.broadcast %ge3A_993 : i32 to vector<16xi32>
      %ge3A_995 = arith.cmpi sge, %add3A_992, %ge3A_994 : vector<16xi32>
      %sub3A_996 = arith.constant 50 : i32
      %sub3A_997 = vector.broadcast %sub3A_996 : i32 to vector<16xi32>
      %sub3A_998 = arith.subi %add3A_992, %sub3A_997 : vector<16xi32>
      %select_n3A_999 = arith.select %ge3A_995, %sub3A_998, %add3A_992 : vector<16xi1>, vector<16xi32>
      %jit3A_1000 = arith.constant 1 : i32
      %jit3A_1001 = arith.constant 0 : i32
      %broadcast_in_dim3A_1002 = vector.broadcast %jit3A_1000 : i32 to vector<16xi32>
      %broadcast_in_dim3A_1003 = vector.broadcast %jit3A_1001 : i32 to vector<16xi32>
      %select_n3A_1004 = arith.select %ge3A_995, %broadcast_in_dim3A_1002, %broadcast_in_dim3A_1003 : vector<16xi1>, vector<16xi32>
      %add3A_1005 = arith.constant 4 : i32
      %add3A_1006 = vector.broadcast %add3A_1005 : i32 to vector<16xi32>
      %add3A_1007 = arith.addi %add3A_1006, %select_n3A_1004 : vector<16xi32>
      %add3A_1008 = vector.broadcast %mul3A_944 : i32 to vector<16xi32>
      %add3A_1009 = arith.addi %add3A_1008, %add3A_1007 : vector<16xi32>
      %gather3A_1010 = tpu.vector_load_idx %arg7[%add3A_1009, %select_n3A_999] : memref<128x50xi32, #tpu.memory_space<vmem>>[vector<16xi32>, vector<16xi32>], vector<16xi32>,
      %iota3A_1011 = tpu.iota {dimensions = array<i32: 0>} : vector<16xi32>
      %add3A_1012 = arith.constant 40 : i32
      %add3A_1013 = vector.broadcast %add3A_1012 : i32 to vector<16xi32>
      %add3A_1014 = arith.addi %add3A_1013, %iota3A_1011 : vector<16xi32>
      %ge3A_1015 = arith.constant 50 : i32
      %ge3A_1016 = vector.broadcast %ge3A_1015 : i32 to vector<16xi32>
      %ge3A_1017 = arith.cmpi sge, %add3A_1014, %ge3A_1016 : vector<16xi32>
      %sub3A_1018 = arith.constant 50 : i32
      %sub3A_1019 = vector.broadcast %sub3A_1018 : i32 to vector<16xi32>
      %sub3A_1020 = arith.subi %add3A_1014, %sub3A_1019 : vector<16xi32>
      %select_n3A_1021 = arith.select %ge3A_1017, %sub3A_1020, %add3A_1014 : vector<16xi1>, vector<16xi32>
      %jit3A_1022 = arith.constant 1 : i32
      %jit3A_1023 = arith.constant 0 : i32
      %broadcast_in_dim3A_1024 = vector.broadcast %jit3A_1022 : i32 to vector<16xi32>
      %broadcast_in_dim3A_1025 = vector.broadcast %jit3A_1023 : i32 to vector<16xi32>
      %select_n3A_1026 = arith.select %ge3A_1017, %broadcast_in_dim3A_1024, %broadcast_in_dim3A_1025 : vector<16xi1>, vector<16xi32>
      %add3A_1027 = arith.constant 4 : i32
      %add3A_1028 = vector.broadcast %add3A_1027 : i32 to vector<16xi32>
      %add3A_1029 = arith.addi %add3A_1028, %select_n3A_1026 : vector<16xi32>
      %add3A_1030 = vector.broadcast %mul3A_944 : i32 to vector<16xi32>
      %add3A_1031 = arith.addi %add3A_1030, %add3A_1029 : vector<16xi32>
      %gather3A_1032 = tpu.vector_load_idx %arg7[%add3A_1031, %select_n3A_1021] : memref<128x50xi32, #tpu.memory_space<vmem>>[vector<16xi32>, vector<16xi32>], vector<16xi32>,
      %iota3A_1033 = tpu.iota {dimensions = array<i32: 0>} : vector<16xi32>
      %add3A_1034 = arith.constant 6 : i32
      %add3A_1035 = vector.broadcast %add3A_1034 : i32 to vector<16xi32>
      %add3A_1036 = arith.addi %add3A_1035, %iota3A_1033 : vector<16xi32>
      %ge3A_1037 = arith.constant 50 : i32
      %ge3A_1038 = vector.broadcast %ge3A_1037 : i32 to vector<16xi32>
      %ge3A_1039 = arith.cmpi sge, %add3A_1036, %ge3A_1038 : vector<16xi32>
      %sub3A_1040 = arith.constant 50 : i32
      %sub3A_1041 = vector.broadcast %sub3A_1040 : i32 to vector<16xi32>
      %sub3A_1042 = arith.subi %add3A_1036, %sub3A_1041 : vector<16xi32>
      %select_n3A_1043 = arith.select %ge3A_1039, %sub3A_1042, %add3A_1036 : vector<16xi1>, vector<16xi32>
      %jit3A_1044 = arith.constant 1 : i32
      %jit3A_1045 = arith.constant 0 : i32
      %broadcast_in_dim3A_1046 = vector.broadcast %jit3A_1044 : i32 to vector<16xi32>
      %broadcast_in_dim3A_1047 = vector.broadcast %jit3A_1045 : i32 to vector<16xi32>
      %select_n3A_1048 = arith.select %ge3A_1039, %broadcast_in_dim3A_1046, %broadcast_in_dim3A_1047 : vector<16xi1>, vector<16xi32>
      %add3A_1049 = arith.constant 5 : i32
      %add3A_1050 = vector.broadcast %add3A_1049 : i32 to vector<16xi32>
      %add3A_1051 = arith.addi %add3A_1050, %select_n3A_1048 : vector<16xi32>
      %add3A_1052 = vector.broadcast %mul3A_944 : i32 to vector<16xi32>
      %add3A_1053 = arith.addi %add3A_1052, %add3A_1051 : vector<16xi32>
      %gather3A_1054 = tpu.vector_load_idx %arg7[%add3A_1053, %select_n3A_1043] : memref<128x50xi32, #tpu.memory_space<vmem>>[vector<16xi32>, vector<16xi32>], vector<16xi32>,
      %iota3A_1055 = tpu.iota {dimensions = array<i32: 0>} : vector<16xi32>
      %add3A_1056 = arith.constant 22 : i32
      %add3A_1057 = vector.broadcast %add3A_1056 : i32 to vector<16xi32>
      %add3A_1058 = arith.addi %add3A_1057, %iota3A_1055 : vector<16xi32>
      %ge3A_1059 = arith.constant 50 : i32
      %ge3A_1060 = vector.broadcast %ge3A_1059 : i32 to vector<16xi32>
      %ge3A_1061 = arith.cmpi sge, %add3A_1058, %ge3A_1060 : vector<16xi32>
      %sub3A_1062 = arith.constant 50 : i32
      %sub3A_1063 = vector.broadcast %sub3A_1062 : i32 to vector<16xi32>
      %sub3A_1064 = arith.subi %add3A_1058, %sub3A_1063 : vector<16xi32>
      %select_n3A_1065 = arith.select %ge3A_1061, %sub3A_1064, %add3A_1058 : vector<16xi1>, vector<16xi32>
      %jit3A_1066 = arith.constant 1 : i32
      %jit3A_1067 = arith.constant 0 : i32
      %broadcast_in_dim3A_1068 = vector.broadcast %jit3A_1066 : i32 to vector<16xi32>
      %broadcast_in_dim3A_1069 = vector.broadcast %jit3A_1067 : i32 to vector<16xi32>
      %select_n3A_1070 = arith.select %ge3A_1061, %broadcast_in_dim3A_1068, %broadcast_in_dim3A_1069 : vector<16xi1>, vector<16xi32>
      %add3A_1071 = arith.constant 5 : i32
      %add3A_1072 = vector.broadcast %add3A_1071 : i32 to vector<16xi32>
      %add3A_1073 = arith.addi %add3A_1072, %select_n3A_1070 : vector<16xi32>
      %add3A_1074 = vector.broadcast %mul3A_944 : i32 to vector<16xi32>
      %add3A_1075 = arith.addi %add3A_1074, %add3A_1073 : vector<16xi32>
      %gather3A_1076 = tpu.vector_load_idx %arg7[%add3A_1075, %select_n3A_1065] : memref<128x50xi32, #tpu.memory_space<vmem>>[vector<16xi32>, vector<16xi32>], vector<16xi32>,
      %iota3A_1077 = tpu.iota {dimensions = array<i32: 0>} : vector<16xi32>
      %add3A_1078 = arith.constant 38 : i32
      %add3A_1079 = vector.broadcast %add3A_1078 : i32 to vector<16xi32>
      %add3A_1080 = arith.addi %add3A_1079, %iota3A_1077 : vector<16xi32>
      %ge3A_1081 = arith.constant 50 : i32
      %ge3A_1082 = vector.broadcast %ge3A_1081 : i32 to vector<16xi32>
      %ge3A_1083 = arith.cmpi sge, %add3A_1080, %ge3A_1082 : vector<16xi32>
      %sub3A_1084 = arith.constant 50 : i32
      %sub3A_1085 = vector.broadcast %sub3A_1084 : i32 to vector<16xi32>
      %sub3A_1086 = arith.subi %add3A_1080, %sub3A_1085 : vector<16xi32>
      %select_n3A_1087 = arith.select %ge3A_1083, %sub3A_1086, %add3A_1080 : vector<16xi1>, vector<16xi32>
      %jit3A_1088 = arith.constant 1 : i32
      %jit3A_1089 = arith.constant 0 : i32
      %broadcast_in_dim3A_1090 = vector.broadcast %jit3A_1088 : i32 to vector<16xi32>
      %broadcast_in_dim3A_1091 = vector.broadcast %jit3A_1089 : i32 to vector<16xi32>
      %select_n3A_1092 = arith.select %ge3A_1083, %broadcast_in_dim3A_1090, %broadcast_in_dim3A_1091 : vector<16xi1>, vector<16xi32>
      %add3A_1093 = arith.constant 5 : i32
      %add3A_1094 = vector.broadcast %add3A_1093 : i32 to vector<16xi32>
      %add3A_1095 = arith.addi %add3A_1094, %select_n3A_1092 : vector<16xi32>
      %add3A_1096 = vector.broadcast %mul3A_944 : i32 to vector<16xi32>
      %add3A_1097 = arith.addi %add3A_1096, %add3A_1095 : vector<16xi32>
      %gather3A_1098 = tpu.vector_load_idx %arg7[%add3A_1097, %select_n3A_1087] : memref<128x50xi32, #tpu.memory_space<vmem>>[vector<16xi32>, vector<16xi32>], vector<16xi32>,
      %iota3A_1099 = tpu.iota {dimensions = array<i32: 0>} : vector<16xi32>
      %add3A_1100 = arith.constant 4 : i32
      %add3A_1101 = vector.broadcast %add3A_1100 : i32 to vector<16xi32>
      %add3A_1102 = arith.addi %add3A_1101, %iota3A_1099 : vector<16xi32>
      %ge3A_1103 = arith.constant 50 : i32
      %ge3A_1104 = vector.broadcast %ge3A_1103 : i32 to vector<16xi32>
      %ge3A_1105 = arith.cmpi sge, %add3A_1102, %ge3A_1104 : vector<16xi32>
      %sub3A_1106 = arith.constant 50 : i32
      %sub3A_1107 = vector.broadcast %sub3A_1106 : i32 to vector<16xi32>
      %sub3A_1108 = arith.subi %add3A_1102, %sub3A_1107 : vector<16xi32>
      %select_n3A_1109 = arith.select %ge3A_1105, %sub3A_1108, %add3A_1102 : vector<16xi1>, vector<16xi32>
      %jit3A_1110 = arith.constant 1 : i32
      %jit3A_1111 = arith.constant 0 : i32
      %broadcast_in_dim3A_1112 = vector.broadcast %jit3A_1110 : i32 to vector<16xi32>
      %broadcast_in_dim3A_1113 = vector.broadcast %jit3A_1111 : i32 to vector<16xi32>
      %select_n3A_1114 = arith.select %ge3A_1105, %broadcast_in_dim3A_1112, %broadcast_in_dim3A_1113 : vector<16xi1>, vector<16xi32>
      %add3A_1115 = arith.constant 6 : i32
      %add3A_1116 = vector.broadcast %add3A_1115 : i32 to vector<16xi32>
      %add3A_1117 = arith.addi %add3A_1116, %select_n3A_1114 : vector<16xi32>
      %add3A_1118 = vector.broadcast %mul3A_944 : i32 to vector<16xi32>
      %add3A_1119 = arith.addi %add3A_1118, %add3A_1117 : vector<16xi32>
      %gather3A_1120 = tpu.vector_load_idx %arg7[%add3A_1119, %select_n3A_1109] : memref<128x50xi32, #tpu.memory_space<vmem>>[vector<16xi32>, vector<16xi32>], vector<16xi32>,
      %iota3A_1121 = tpu.iota {dimensions = array<i32: 0>} : vector<16xi32>
      %add3A_1122 = arith.constant 20 : i32
      %add3A_1123 = vector.broadcast %add3A_1122 : i32 to vector<16xi32>
      %add3A_1124 = arith.addi %add3A_1123, %iota3A_1121 : vector<16xi32>
      %ge3A_1125 = arith.constant 50 : i32
      %ge3A_1126 = vector.broadcast %ge3A_1125 : i32 to vector<16xi32>
      %ge3A_1127 = arith.cmpi sge, %add3A_1124, %ge3A_1126 : vector<16xi32>
      %sub3A_1128 = arith.constant 50 : i32
      %sub3A_1129 = vector.broadcast %sub3A_1128 : i32 to vector<16xi32>
      %sub3A_1130 = arith.subi %add3A_1124, %sub3A_1129 : vector<16xi32>
      %select_n3A_1131 = arith.select %ge3A_1127, %sub3A_1130, %add3A_1124 : vector<16xi1>, vector<16xi32>
      %jit3A_1132 = arith.constant 1 : i32
      %jit3A_1133 = arith.constant 0 : i32
      %broadcast_in_dim3A_1134 = vector.broadcast %jit3A_1132 : i32 to vector<16xi32>
      %broadcast_in_dim3A_1135 = vector.broadcast %jit3A_1133 : i32 to vector<16xi32>
      %select_n3A_1136 = arith.select %ge3A_1127, %broadcast_in_dim3A_1134, %broadcast_in_dim3A_1135 : vector<16xi1>, vector<16xi32>
      %add3A_1137 = arith.constant 6 : i32
      %add3A_1138 = vector.broadcast %add3A_1137 : i32 to vector<16xi32>
      %add3A_1139 = arith.addi %add3A_1138, %select_n3A_1136 : vector<16xi32>
      %add3A_1140 = vector.broadcast %mul3A_944 : i32 to vector<16xi32>
      %add3A_1141 = arith.addi %add3A_1140, %add3A_1139 : vector<16xi32>
      %gather3A_1142 = tpu.vector_load_idx %arg7[%add3A_1141, %select_n3A_1131] : memref<128x50xi32, #tpu.memory_space<vmem>>[vector<16xi32>, vector<16xi32>], vector<16xi32>,
      %iota3A_1143 = tpu.iota {dimensions = array<i32: 0>} : vector<16xi32>
      %add3A_1144 = arith.constant 36 : i32
      %add3A_1145 = vector.broadcast %add3A_1144 : i32 to vector<16xi32>
      %add3A_1146 = arith.addi %add3A_1145, %iota3A_1143 : vector<16xi32>
      %ge3A_1147 = arith.constant 50 : i32
      %ge3A_1148 = vector.broadcast %ge3A_1147 : i32 to vector<16xi32>
      %ge3A_1149 = arith.cmpi sge, %add3A_1146, %ge3A_1148 : vector<16xi32>
      %sub3A_1150 = arith.constant 50 : i32
      %sub3A_1151 = vector.broadcast %sub3A_1150 : i32 to vector<16xi32>
      %sub3A_1152 = arith.subi %add3A_1146, %sub3A_1151 : vector<16xi32>
      %select_n3A_1153 = arith.select %ge3A_1149, %sub3A_1152, %add3A_1146 : vector<16xi1>, vector<16xi32>
      %jit3A_1154 = arith.constant 1 : i32
      %jit3A_1155 = arith.constant 0 : i32
      %broadcast_in_dim3A_1156 = vector.broadcast %jit3A_1154 : i32 to vector<16xi32>
      %broadcast_in_dim3A_1157 = vector.broadcast %jit3A_1155 : i32 to vector<16xi32>
      %select_n3A_1158 = arith.select %ge3A_1149, %broadcast_in_dim3A_1156, %broadcast_in_dim3A_1157 : vector<16xi1>, vector<16xi32>
      %add3A_1159 = arith.constant 6 : i32
      %add3A_1160 = vector.broadcast %add3A_1159 : i32 to vector<16xi32>
      %add3A_1161 = arith.addi %add3A_1160, %select_n3A_1158 : vector<16xi32>
      %add3A_1162 = vector.broadcast %mul3A_944 : i32 to vector<16xi32>
      %add3A_1163 = arith.addi %add3A_1162, %add3A_1161 : vector<16xi32>
      %gather3A_1164 = tpu.vector_load_idx %arg7[%add3A_1163, %select_n3A_1153] : memref<128x50xi32, #tpu.memory_space<vmem>>[vector<16xi32>, vector<16xi32>], vector<16xi32>,
      %iota3A_1165 = tpu.iota {dimensions = array<i32: 0>} : vector<16xi32>
      %add3A_1166 = arith.constant 2 : i32
      %add3A_1167 = vector.broadcast %add3A_1166 : i32 to vector<16xi32>
      %add3A_1168 = arith.addi %add3A_1167, %iota3A_1165 : vector<16xi32>
      %ge3A_1169 = arith.constant 50 : i32
      %ge3A_1170 = vector.broadcast %ge3A_1169 : i32 to vector<16xi32>
      %ge3A_1171 = arith.cmpi sge, %add3A_1168, %ge3A_1170 : vector<16xi32>
      %sub3A_1172 = arith.constant 50 : i32
      %sub3A_1173 = vector.broadcast %sub3A_1172 : i32 to vector<16xi32>
      %sub3A_1174 = arith.subi %add3A_1168, %sub3A_1173 : vector<16xi32>
      %select_n3A_1175 = arith.select %ge3A_1171, %sub3A_1174, %add3A_1168 : vector<16xi1>, vector<16xi32>
      %jit3A_1176 = arith.constant 1 : i32
      %jit3A_1177 = arith.constant 0 : i32
      %broadcast_in_dim3A_1178 = vector.broadcast %jit3A_1176 : i32 to vector<16xi32>
      %broadcast_in_dim3A_1179 = vector.broadcast %jit3A_1177 : i32 to vector<16xi32>
      %select_n3A_1180 = arith.select %ge3A_1171, %broadcast_in_dim3A_1178, %broadcast_in_dim3A_1179 : vector<16xi1>, vector<16xi32>
      %add3A_1181 = arith.constant 7 : i32
      %add3A_1182 = vector.broadcast %add3A_1181 : i32 to vector<16xi32>
      %add3A_1183 = arith.addi %add3A_1182, %select_n3A_1180 : vector<16xi32>
      %add3A_1184 = vector.broadcast %mul3A_944 : i32 to vector<16xi32>
      %add3A_1185 = arith.addi %add3A_1184, %add3A_1183 : vector<16xi32>
      %gather3A_1186 = tpu.vector_load_idx %arg7[%add3A_1185, %select_n3A_1175] : memref<128x50xi32, #tpu.memory_space<vmem>>[vector<16xi32>, vector<16xi32>], vector<16xi32>,
      %iota3A_1187 = tpu.iota {dimensions = array<i32: 0>} : vector<16xi32>
      %add3A_1188 = arith.constant 18 : i32
      %add3A_1189 = vector.broadcast %add3A_1188 : i32 to vector<16xi32>
      %add3A_1190 = arith.addi %add3A_1189, %iota3A_1187 : vector<16xi32>
      %ge3A_1191 = arith.constant 50 : i32
      %ge3A_1192 = vector.broadcast %ge3A_1191 : i32 to vector<16xi32>
      %ge3A_1193 = arith.cmpi sge, %add3A_1190, %ge3A_1192 : vector<16xi32>
      %sub3A_1194 = arith.constant 50 : i32
      %sub3A_1195 = vector.broadcast %sub3A_1194 : i32 to vector<16xi32>
      %sub3A_1196 = arith.subi %add3A_1190, %sub3A_1195 : vector<16xi32>
      %select_n3A_1197 = arith.select %ge3A_1193, %sub3A_1196, %add3A_1190 : vector<16xi1>, vector<16xi32>
      %jit3A_1198 = arith.constant 1 : i32
      %jit3A_1199 = arith.constant 0 : i32
      %broadcast_in_dim3A_1200 = vector.broadcast %jit3A_1198 : i32 to vector<16xi32>
      %broadcast_in_dim3A_1201 = vector.broadcast %jit3A_1199 : i32 to vector<16xi32>
      %select_n3A_1202 = arith.select %ge3A_1193, %broadcast_in_dim3A_1200, %broadcast_in_dim3A_1201 : vector<16xi1>, vector<16xi32>
      %add3A_1203 = arith.constant 7 : i32
      %add3A_1204 = vector.broadcast %add3A_1203 : i32 to vector<16xi32>
      %add3A_1205 = arith.addi %add3A_1204, %select_n3A_1202 : vector<16xi32>
      %add3A_1206 = vector.broadcast %mul3A_944 : i32 to vector<16xi32>
      %add3A_1207 = arith.addi %add3A_1206, %add3A_1205 : vector<16xi32>
      %gather3A_1208 = tpu.vector_load_idx %arg7[%add3A_1207, %select_n3A_1197] : memref<128x50xi32, #tpu.memory_space<vmem>>[vector<16xi32>, vector<16xi32>], vector<16xi32>,
      %iota3A_1209 = tpu.iota {dimensions = array<i32: 0>} : vector<16xi32>
      %add3A_1210 = arith.constant 34 : i32
      %add3A_1211 = vector.broadcast %add3A_1210 : i32 to vector<16xi32>
      %add3A_1212 = arith.addi %add3A_1211, %iota3A_1209 : vector<16xi32>
      %ge3A_1213 = arith.constant 50 : i32
      %ge3A_1214 = vector.broadcast %ge3A_1213 : i32 to vector<16xi32>
      %ge3A_1215 = arith.cmpi sge, %add3A_1212, %ge3A_1214 : vector<16xi32>
      %sub3A_1216 = arith.constant 50 : i32
      %sub3A_1217 = vector.broadcast %sub3A_1216 : i32 to vector<16xi32>
      %sub3A_1218 = arith.subi %add3A_1212, %sub3A_1217 : vector<16xi32>
      %select_n3A_1219 = arith.select %ge3A_1215, %sub3A_1218, %add3A_1212 : vector<16xi1>, vector<16xi32>
      %jit3A_1220 = arith.constant 1 : i32
      %jit3A_1221 = arith.constant 0 : i32
      %broadcast_in_dim3A_1222 = vector.broadcast %jit3A_1220 : i32 to vector<16xi32>
      %broadcast_in_dim3A_1223 = vector.broadcast %jit3A_1221 : i32 to vector<16xi32>
      %select_n3A_1224 = arith.select %ge3A_1215, %broadcast_in_dim3A_1222, %broadcast_in_dim3A_1223 : vector<16xi1>, vector<16xi32>
      %add3A_1225 = arith.constant 7 : i32
      %add3A_1226 = vector.broadcast %add3A_1225 : i32 to vector<16xi32>
      %add3A_1227 = arith.addi %add3A_1226, %select_n3A_1224 : vector<16xi32>
      %add3A_1228 = vector.broadcast %mul3A_944 : i32 to vector<16xi32>
      %add3A_1229 = arith.addi %add3A_1228, %add3A_1227 : vector<16xi32>
      %gather3A_1230 = tpu.vector_load_idx %arg7[%add3A_1229, %select_n3A_1219] : memref<128x50xi32, #tpu.memory_space<vmem>>[vector<16xi32>, vector<16xi32>], vector<16xi32>,
      %shift_right_logical3A_1231 = arith.constant 14 : i32
      %shift_right_logical3A_1232 = vector.broadcast %shift_right_logical3A_1231 : i32 to vector<16xi32>
      %shift_right_logical3A_1233 = arith.shrui %gather3A_966, %shift_right_logical3A_1232 : vector<16xi32>
      %shift_left3A_1234 = arith.constant 13 : i32
      %shift_left3A_1235 = vector.broadcast %shift_left3A_1234 : i32 to vector<16xi32>
      %shift_left3A_1236 = arith.shli %shift_right_logical3A_1233, %shift_left3A_1235 : vector<16xi32>
      %and3A_1237 = arith.constant 8191 : i32
      %and3A_1238 = vector.broadcast %and3A_1237 : i32 to vector<16xi32>
      %and3A_1239 = arith.andi %gather3A_966, %and3A_1238 : vector<16xi32>
      %or3A_1240 = arith.ori %shift_left3A_1236, %and3A_1239 : vector<16xi32>
      %gather3A_1241 = tpu.vector_load_idx %arg6[%or3A_1240] : memref<57344xi32, #tpu.memory_space<vmem>>[vector<16xi32>], vector<16xi32>,
      %shift_right_logical3A_1242 = arith.constant 14 : i32
      %shift_right_logical3A_1243 = vector.broadcast %shift_right_logical3A_1242 : i32 to vector<16xi32>
      %shift_right_logical3A_1244 = arith.shrui %gather3A_988, %shift_right_logical3A_1243 : vector<16xi32>
      %shift_left3A_1245 = arith.constant 13 : i32
      %shift_left3A_1246 = vector.broadcast %shift_left3A_1245 : i32 to vector<16xi32>
      %shift_left3A_1247 = arith.shli %shift_right_logical3A_1244, %shift_left3A_1246 : vector<16xi32>
      %and3A_1248 = arith.constant 8191 : i32
      %and3A_1249 = vector.broadcast %and3A_1248 : i32 to vector<16xi32>
      %and3A_1250 = arith.andi %gather3A_988, %and3A_1249 : vector<16xi32>
      %or3A_1251 = arith.ori %shift_left3A_1247, %and3A_1250 : vector<16xi32>
      %gather3A_1252 = tpu.vector_load_idx %arg6[%or3A_1251] : memref<57344xi32, #tpu.memory_space<vmem>>[vector<16xi32>], vector<16xi32>,
      %shift_right_logical3A_1253 = arith.constant 14 : i32
      %shift_right_logical3A_1254 = vector.broadcast %shift_right_logical3A_1253 : i32 to vector<16xi32>
      %shift_right_logical3A_1255 = arith.shrui %gather3A_1010, %shift_right_logical3A_1254 : vector<16xi32>
      %shift_left3A_1256 = arith.constant 13 : i32
      %shift_left3A_1257 = vector.broadcast %shift_left3A_1256 : i32 to vector<16xi32>
      %shift_left3A_1258 = arith.shli %shift_right_logical3A_1255, %shift_left3A_1257 : vector<16xi32>
      %and3A_1259 = arith.constant 8191 : i32
      %and3A_1260 = vector.broadcast %and3A_1259 : i32 to vector<16xi32>
      %and3A_1261 = arith.andi %gather3A_1010, %and3A_1260 : vector<16xi32>
      %or3A_1262 = arith.ori %shift_left3A_1258, %and3A_1261 : vector<16xi32>
      %gather3A_1263 = tpu.vector_load_idx %arg6[%or3A_1262] : memref<57344xi32, #tpu.memory_space<vmem>>[vector<16xi32>], vector<16xi32>,
      %shift_right_logical3A_1264 = arith.constant 14 : i32
      %shift_right_logical3A_1265 = vector.broadcast %shift_right_logical3A_1264 : i32 to vector<16xi32>
      %shift_right_logical3A_1266 = arith.shrui %gather3A_1032, %shift_right_logical3A_1265 : vector<16xi32>
      %shift_left3A_1267 = arith.constant 13 : i32
      %shift_left3A_1268 = vector.broadcast %shift_left3A_1267 : i32 to vector<16xi32>
      %shift_left3A_1269 = arith.shli %shift_right_logical3A_1266, %shift_left3A_1268 : vector<16xi32>
      %and3A_1270 = arith.constant 8191 : i32
      %and3A_1271 = vector.broadcast %and3A_1270 : i32 to vector<16xi32>
      %and3A_1272 = arith.andi %gather3A_1032, %and3A_1271 : vector<16xi32>
      %or3A_1273 = arith.ori %shift_left3A_1269, %and3A_1272 : vector<16xi32>
      %gather3A_1274 = tpu.vector_load_idx %arg6[%or3A_1273] : memref<57344xi32, #tpu.memory_space<vmem>>[vector<16xi32>], vector<16xi32>,
      %shift_right_logical3A_1275 = arith.constant 14 : i32
      %shift_right_logical3A_1276 = vector.broadcast %shift_right_logical3A_1275 : i32 to vector<16xi32>
      %shift_right_logical3A_1277 = arith.shrui %gather3A_1054, %shift_right_logical3A_1276 : vector<16xi32>
      %shift_left3A_1278 = arith.constant 13 : i32
      %shift_left3A_1279 = vector.broadcast %shift_left3A_1278 : i32 to vector<16xi32>
      %shift_left3A_1280 = arith.shli %shift_right_logical3A_1277, %shift_left3A_1279 : vector<16xi32>
      %and3A_1281 = arith.constant 8191 : i32
      %and3A_1282 = vector.broadcast %and3A_1281 : i32 to vector<16xi32>
      %and3A_1283 = arith.andi %gather3A_1054, %and3A_1282 : vector<16xi32>
      %or3A_1284 = arith.ori %shift_left3A_1280, %and3A_1283 : vector<16xi32>
      %gather3A_1285 = tpu.vector_load_idx %arg6[%or3A_1284] : memref<57344xi32, #tpu.memory_space<vmem>>[vector<16xi32>], vector<16xi32>,
      %shift_right_logical3A_1286 = arith.constant 14 : i32
      %shift_right_logical3A_1287 = vector.broadcast %shift_right_logical3A_1286 : i32 to vector<16xi32>
      %shift_right_logical3A_1288 = arith.shrui %gather3A_1076, %shift_right_logical3A_1287 : vector<16xi32>
      %shift_left3A_1289 = arith.constant 13 : i32
      %shift_left3A_1290 = vector.broadcast %shift_left3A_1289 : i32 to vector<16xi32>
      %shift_left3A_1291 = arith.shli %shift_right_logical3A_1288, %shift_left3A_1290 : vector<16xi32>
      %and3A_1292 = arith.constant 8191 : i32
      %and3A_1293 = vector.broadcast %and3A_1292 : i32 to vector<16xi32>
      %and3A_1294 = arith.andi %gather3A_1076, %and3A_1293 : vector<16xi32>
      %or3A_1295 = arith.ori %shift_left3A_1291, %and3A_1294 : vector<16xi32>
      %gather3A_1296 = tpu.vector_load_idx %arg6[%or3A_1295] : memref<57344xi32, #tpu.memory_space<vmem>>[vector<16xi32>], vector<16xi32>,
      %shift_right_logical3A_1297 = arith.constant 14 : i32
      %shift_right_logical3A_1298 = vector.broadcast %shift_right_logical3A_1297 : i32 to vector<16xi32>
      %shift_right_logical3A_1299 = arith.shrui %gather3A_1098, %shift_right_logical3A_1298 : vector<16xi32>
      %shift_left3A_1300 = arith.constant 13 : i32
      %shift_left3A_1301 = vector.broadcast %shift_left3A_1300 : i32 to vector<16xi32>
      %shift_left3A_1302 = arith.shli %shift_right_logical3A_1299, %shift_left3A_1301 : vector<16xi32>
      %and3A_1303 = arith.constant 8191 : i32
      %and3A_1304 = vector.broadcast %and3A_1303 : i32 to vector<16xi32>
      %and3A_1305 = arith.andi %gather3A_1098, %and3A_1304 : vector<16xi32>
      %or3A_1306 = arith.ori %shift_left3A_1302, %and3A_1305 : vector<16xi32>
      %gather3A_1307 = tpu.vector_load_idx %arg6[%or3A_1306] : memref<57344xi32, #tpu.memory_space<vmem>>[vector<16xi32>], vector<16xi32>,
      %shift_right_logical3A_1308 = arith.constant 14 : i32
      %shift_right_logical3A_1309 = vector.broadcast %shift_right_logical3A_1308 : i32 to vector<16xi32>
      %shift_right_logical3A_1310 = arith.shrui %gather3A_1120, %shift_right_logical3A_1309 : vector<16xi32>
      %shift_left3A_1311 = arith.constant 13 : i32
      %shift_left3A_1312 = vector.broadcast %shift_left3A_1311 : i32 to vector<16xi32>
      %shift_left3A_1313 = arith.shli %shift_right_logical3A_1310, %shift_left3A_1312 : vector<16xi32>
      %and3A_1314 = arith.constant 8191 : i32
      %and3A_1315 = vector.broadcast %and3A_1314 : i32 to vector<16xi32>
      %and3A_1316 = arith.andi %gather3A_1120, %and3A_1315 : vector<16xi32>
      %or3A_1317 = arith.ori %shift_left3A_1313, %and3A_1316 : vector<16xi32>
      %gather3A_1318 = tpu.vector_load_idx %arg6[%or3A_1317] : memref<57344xi32, #tpu.memory_space<vmem>>[vector<16xi32>], vector<16xi32>,
      %shift_right_logical3A_1319 = arith.constant 14 : i32
      %shift_right_logical3A_1320 = vector.broadcast %shift_right_logical3A_1319 : i32 to vector<16xi32>
      %shift_right_logical3A_1321 = arith.shrui %gather3A_1142, %shift_right_logical3A_1320 : vector<16xi32>
      %shift_left3A_1322 = arith.constant 13 : i32
      %shift_left3A_1323 = vector.broadcast %shift_left3A_1322 : i32 to vector<16xi32>
      %shift_left3A_1324 = arith.shli %shift_right_logical3A_1321, %shift_left3A_1323 : vector<16xi32>
      %and3A_1325 = arith.constant 8191 : i32
      %and3A_1326 = vector.broadcast %and3A_1325 : i32 to vector<16xi32>
      %and3A_1327 = arith.andi %gather3A_1142, %and3A_1326 : vector<16xi32>
      %or3A_1328 = arith.ori %shift_left3A_1324, %and3A_1327 : vector<16xi32>
      %gather3A_1329 = tpu.vector_load_idx %arg6[%or3A_1328] : memref<57344xi32, #tpu.memory_space<vmem>>[vector<16xi32>], vector<16xi32>,
      %shift_right_logical3A_1330 = arith.constant 14 : i32
      %shift_right_logical3A_1331 = vector.broadcast %shift_right_logical3A_1330 : i32 to vector<16xi32>
      %shift_right_logical3A_1332 = arith.shrui %gather3A_1164, %shift_right_logical3A_1331 : vector<16xi32>
      %shift_left3A_1333 = arith.constant 13 : i32
      %shift_left3A_1334 = vector.broadcast %shift_left3A_1333 : i32 to vector<16xi32>
      %shift_left3A_1335 = arith.shli %shift_right_logical3A_1332, %shift_left3A_1334 : vector<16xi32>
      %and3A_1336 = arith.constant 8191 : i32
      %and3A_1337 = vector.broadcast %and3A_1336 : i32 to vector<16xi32>
      %and3A_1338 = arith.andi %gather3A_1164, %and3A_1337 : vector<16xi32>
      %or3A_1339 = arith.ori %shift_left3A_1335, %and3A_1338 : vector<16xi32>
      %gather3A_1340 = tpu.vector_load_idx %arg6[%or3A_1339] : memref<57344xi32, #tpu.memory_space<vmem>>[vector<16xi32>], vector<16xi32>,
      %shift_right_logical3A_1341 = arith.constant 14 : i32
      %shift_right_logical3A_1342 = vector.broadcast %shift_right_logical3A_1341 : i32 to vector<16xi32>
      %shift_right_logical3A_1343 = arith.shrui %gather3A_1186, %shift_right_logical3A_1342 : vector<16xi32>
      %shift_left3A_1344 = arith.constant 13 : i32
      %shift_left3A_1345 = vector.broadcast %shift_left3A_1344 : i32 to vector<16xi32>
      %shift_left3A_1346 = arith.shli %shift_right_logical3A_1343, %shift_left3A_1345 : vector<16xi32>
      %and3A_1347 = arith.constant 8191 : i32
      %and3A_1348 = vector.broadcast %and3A_1347 : i32 to vector<16xi32>
      %and3A_1349 = arith.andi %gather3A_1186, %and3A_1348 : vector<16xi32>
      %or3A_1350 = arith.ori %shift_left3A_1346, %and3A_1349 : vector<16xi32>
      %gather3A_1351 = tpu.vector_load_idx %arg6[%or3A_1350] : memref<57344xi32, #tpu.memory_space<vmem>>[vector<16xi32>], vector<16xi32>,
      %shift_right_logical3A_1352 = arith.constant 14 : i32
      %shift_right_logical3A_1353 = vector.broadcast %shift_right_logical3A_1352 : i32 to vector<16xi32>
      %shift_right_logical3A_1354 = arith.shrui %gather3A_1208, %shift_right_logical3A_1353 : vector<16xi32>
      %shift_left3A_1355 = arith.constant 13 : i32
      %shift_left3A_1356 = vector.broadcast %shift_left3A_1355 : i32 to vector<16xi32>
      %shift_left3A_1357 = arith.shli %shift_right_logical3A_1354, %shift_left3A_1356 : vector<16xi32>
      %and3A_1358 = arith.constant 8191 : i32
      %and3A_1359 = vector.broadcast %and3A_1358 : i32 to vector<16xi32>
      %and3A_1360 = arith.andi %gather3A_1208, %and3A_1359 : vector<16xi32>
      %or3A_1361 = arith.ori %shift_left3A_1357, %and3A_1360 : vector<16xi32>
      %gather3A_1362 = tpu.vector_load_idx %arg6[%or3A_1361] : memref<57344xi32, #tpu.memory_space<vmem>>[vector<16xi32>], vector<16xi32>,
      %shift_right_logical3A_1363 = arith.constant 14 : i32
      %shift_right_logical3A_1364 = vector.broadcast %shift_right_logical3A_1363 : i32 to vector<16xi32>
      %shift_right_logical3A_1365 = arith.shrui %gather3A_1230, %shift_right_logical3A_1364 : vector<16xi32>
      %shift_left3A_1366 = arith.constant 13 : i32
      %shift_left3A_1367 = vector.broadcast %shift_left3A_1366 : i32 to vector<16xi32>
      %shift_left3A_1368 = arith.shli %shift_right_logical3A_1365, %shift_left3A_1367 : vector<16xi32>
      %and3A_1369 = arith.constant 8191 : i32
      %and3A_1370 = vector.broadcast %and3A_1369 : i32 to vector<16xi32>
      %and3A_1371 = arith.andi %gather3A_1230, %and3A_1370 : vector<16xi32>
      %or3A_1372 = arith.ori %shift_left3A_1368, %and3A_1371 : vector<16xi32>
      %gather3A_1373 = tpu.vector_load_idx %arg6[%or3A_1372] : memref<57344xi32, #tpu.memory_space<vmem>>[vector<16xi32>], vector<16xi32>,
      %iota3A_1374 = tpu.iota {dimensions = array<i32: 0>} : vector<16xi32>
      %add3A_1375 = arith.constant 42 : i32
      %add3A_1376 = vector.broadcast %add3A_1375 : i32 to vector<16xi32>
      %add3A_1377 = arith.addi %add3A_1376, %iota3A_1374 : vector<16xi32>
      %ge3A_1378 = arith.constant 50 : i32
      %ge3A_1379 = vector.broadcast %ge3A_1378 : i32 to vector<16xi32>
      %ge3A_1380 = arith.cmpi sge, %add3A_1377, %ge3A_1379 : vector<16xi32>
      %sub3A_1381 = arith.constant 50 : i32
      %sub3A_1382 = vector.broadcast %sub3A_1381 : i32 to vector<16xi32>
      %sub3A_1383 = arith.subi %add3A_1377, %sub3A_1382 : vector<16xi32>
      %select_n3A_1384 = arith.select %ge3A_1380, %sub3A_1383, %add3A_1377 : vector<16xi1>, vector<16xi32>
      %jit3A_1385 = arith.constant 1 : i32
      %jit3A_1386 = arith.constant 0 : i32
      %broadcast_in_dim3A_1387 = vector.broadcast %jit3A_1385 : i32 to vector<16xi32>
      %broadcast_in_dim3A_1388 = vector.broadcast %jit3A_1386 : i32 to vector<16xi32>
      %select_n3A_1389 = arith.select %ge3A_1380, %broadcast_in_dim3A_1387, %broadcast_in_dim3A_1388 : vector<16xi1>, vector<16xi32>
      %add3A_1390 = arith.constant 3 : i32
      %add3A_1391 = vector.broadcast %add3A_1390 : i32 to vector<16xi32>
      %add3A_1392 = arith.addi %add3A_1391, %select_n3A_1389 : vector<16xi32>
      %and3A_1393 = arith.constant -65536 : i32
      %and3A_1394 = vector.broadcast %and3A_1393 : i32 to vector<16xi32>
      %and3A_1395 = arith.andi %gather3A_1241, %and3A_1394 : vector<16xi32>
      %shift_left3A_1396 = arith.constant 16 : i32
      %shift_left3A_1397 = vector.broadcast %shift_left3A_1396 : i32 to vector<16xi32>
      %shift_left3A_1398 = arith.shli %gather3A_1241, %shift_left3A_1397 : vector<16xi32>
      %shift_right_logical3A_1399 = arith.constant 13 : i32
      %shift_right_logical3A_1400 = vector.broadcast %shift_right_logical3A_1399 : i32 to vector<16xi32>
      %shift_right_logical3A_1401 = arith.shrui %gather3A_966, %shift_right_logical3A_1400 : vector<16xi32>
      %and3A_1402 = arith.constant 1 : i32
      %and3A_1403 = vector.broadcast %and3A_1402 : i32 to vector<16xi32>
      %and3A_1404 = arith.andi %shift_right_logical3A_1401, %and3A_1403 : vector<16xi32>
      %eq3A_1405 = arith.constant 1 : i32
      %eq3A_1406 = vector.broadcast %eq3A_1405 : i32 to vector<16xi32>
      %eq3A_1407 = arith.cmpi eq, %and3A_1404, %eq3A_1406 : vector<16xi32>
      %select_n3A_1408 = arith.select %eq3A_1407, %and3A_1395, %shift_left3A_1398 : vector<16xi1>, vector<16xi32>
      %bitcast3A_1409 = vector.bitcast %select_n3A_1408 : vector<16xi32> to vector<16xf32>
      tpu.vector_store_idx %arg8[%select_n3A_1384], %bitcast3A_1409 {add = true} : memref<64xf32, #tpu.memory_space<vmem>>[vector<16xi32>], vector<16xf32>,
      %iota3A_1410 = tpu.iota {dimensions = array<i32: 0>} : vector<16xi32>
      %add3A_1411 = arith.constant 8 : i32
      %add3A_1412 = vector.broadcast %add3A_1411 : i32 to vector<16xi32>
      %add3A_1413 = arith.addi %add3A_1412, %iota3A_1410 : vector<16xi32>
      %ge3A_1414 = arith.constant 50 : i32
      %ge3A_1415 = vector.broadcast %ge3A_1414 : i32 to vector<16xi32>
      %ge3A_1416 = arith.cmpi sge, %add3A_1413, %ge3A_1415 : vector<16xi32>
      %sub3A_1417 = arith.constant 50 : i32
      %sub3A_1418 = vector.broadcast %sub3A_1417 : i32 to vector<16xi32>
      %sub3A_1419 = arith.subi %add3A_1413, %sub3A_1418 : vector<16xi32>
      %select_n3A_1420 = arith.select %ge3A_1416, %sub3A_1419, %add3A_1413 : vector<16xi1>, vector<16xi32>
      %jit3A_1421 = arith.constant 1 : i32
      %jit3A_1422 = arith.constant 0 : i32
      %broadcast_in_dim3A_1423 = vector.broadcast %jit3A_1421 : i32 to vector<16xi32>
      %broadcast_in_dim3A_1424 = vector.broadcast %jit3A_1422 : i32 to vector<16xi32>
      %select_n3A_1425 = arith.select %ge3A_1416, %broadcast_in_dim3A_1423, %broadcast_in_dim3A_1424 : vector<16xi1>, vector<16xi32>
      %add3A_1426 = arith.constant 4 : i32
      %add3A_1427 = vector.broadcast %add3A_1426 : i32 to vector<16xi32>
      %add3A_1428 = arith.addi %add3A_1427, %select_n3A_1425 : vector<16xi32>
      %and3A_1429 = arith.constant -65536 : i32
      %and3A_1430 = vector.broadcast %and3A_1429 : i32 to vector<16xi32>
      %and3A_1431 = arith.andi %gather3A_1252, %and3A_1430 : vector<16xi32>
      %shift_left3A_1432 = arith.constant 16 : i32
      %shift_left3A_1433 = vector.broadcast %shift_left3A_1432 : i32 to vector<16xi32>
      %shift_left3A_1434 = arith.shli %gather3A_1252, %shift_left3A_1433 : vector<16xi32>
      %shift_right_logical3A_1435 = arith.constant 13 : i32
      %shift_right_logical3A_1436 = vector.broadcast %shift_right_logical3A_1435 : i32 to vector<16xi32>
      %shift_right_logical3A_1437 = arith.shrui %gather3A_988, %shift_right_logical3A_1436 : vector<16xi32>
      %and3A_1438 = arith.constant 1 : i32
      %and3A_1439 = vector.broadcast %and3A_1438 : i32 to vector<16xi32>
      %and3A_1440 = arith.andi %shift_right_logical3A_1437, %and3A_1439 : vector<16xi32>
      %eq3A_1441 = arith.constant 1 : i32
      %eq3A_1442 = vector.broadcast %eq3A_1441 : i32 to vector<16xi32>
      %eq3A_1443 = arith.cmpi eq, %and3A_1440, %eq3A_1442 : vector<16xi32>
      %select_n3A_1444 = arith.select %eq3A_1443, %and3A_1431, %shift_left3A_1434 : vector<16xi1>, vector<16xi32>
      %bitcast3A_1445 = vector.bitcast %select_n3A_1444 : vector<16xi32> to vector<16xf32>
      tpu.vector_store_idx %arg9[%select_n3A_1420], %bitcast3A_1445 {add = true} : memref<64xf32, #tpu.memory_space<vmem>>[vector<16xi32>], vector<16xf32>,
      %iota3A_1446 = tpu.iota {dimensions = array<i32: 0>} : vector<16xi32>
      %add3A_1447 = arith.constant 24 : i32
      %add3A_1448 = vector.broadcast %add3A_1447 : i32 to vector<16xi32>
      %add3A_1449 = arith.addi %add3A_1448, %iota3A_1446 : vector<16xi32>
      %ge3A_1450 = arith.constant 50 : i32
      %ge3A_1451 = vector.broadcast %ge3A_1450 : i32 to vector<16xi32>
      %ge3A_1452 = arith.cmpi sge, %add3A_1449, %ge3A_1451 : vector<16xi32>
      %sub3A_1453 = arith.constant 50 : i32
      %sub3A_1454 = vector.broadcast %sub3A_1453 : i32 to vector<16xi32>
      %sub3A_1455 = arith.subi %add3A_1449, %sub3A_1454 : vector<16xi32>
      %select_n3A_1456 = arith.select %ge3A_1452, %sub3A_1455, %add3A_1449 : vector<16xi1>, vector<16xi32>
      %jit3A_1457 = arith.constant 1 : i32
      %jit3A_1458 = arith.constant 0 : i32
      %broadcast_in_dim3A_1459 = vector.broadcast %jit3A_1457 : i32 to vector<16xi32>
      %broadcast_in_dim3A_1460 = vector.broadcast %jit3A_1458 : i32 to vector<16xi32>
      %select_n3A_1461 = arith.select %ge3A_1452, %broadcast_in_dim3A_1459, %broadcast_in_dim3A_1460 : vector<16xi1>, vector<16xi32>
      %add3A_1462 = arith.constant 4 : i32
      %add3A_1463 = vector.broadcast %add3A_1462 : i32 to vector<16xi32>
      %add3A_1464 = arith.addi %add3A_1463, %select_n3A_1461 : vector<16xi32>
      %and3A_1465 = arith.constant -65536 : i32
      %and3A_1466 = vector.broadcast %and3A_1465 : i32 to vector<16xi32>
      %and3A_1467 = arith.andi %gather3A_1263, %and3A_1466 : vector<16xi32>
      %shift_left3A_1468 = arith.constant 16 : i32
      %shift_left3A_1469 = vector.broadcast %shift_left3A_1468 : i32 to vector<16xi32>
      %shift_left3A_1470 = arith.shli %gather3A_1263, %shift_left3A_1469 : vector<16xi32>
      %shift_right_logical3A_1471 = arith.constant 13 : i32
      %shift_right_logical3A_1472 = vector.broadcast %shift_right_logical3A_1471 : i32 to vector<16xi32>
      %shift_right_logical3A_1473 = arith.shrui %gather3A_1010, %shift_right_logical3A_1472 : vector<16xi32>
      %and3A_1474 = arith.constant 1 : i32
      %and3A_1475 = vector.broadcast %and3A_1474 : i32 to vector<16xi32>
      %and3A_1476 = arith.andi %shift_right_logical3A_1473, %and3A_1475 : vector<16xi32>
      %eq3A_1477 = arith.constant 1 : i32
      %eq3A_1478 = vector.broadcast %eq3A_1477 : i32 to vector<16xi32>
      %eq3A_1479 = arith.cmpi eq, %and3A_1476, %eq3A_1478 : vector<16xi32>
      %select_n3A_1480 = arith.select %eq3A_1479, %and3A_1467, %shift_left3A_1470 : vector<16xi1>, vector<16xi32>
      %bitcast3A_1481 = vector.bitcast %select_n3A_1480 : vector<16xi32> to vector<16xf32>
      tpu.vector_store_idx %arg10[%select_n3A_1456], %bitcast3A_1481 {add = true} : memref<64xf32, #tpu.memory_space<vmem>>[vector<16xi32>], vector<16xf32>,
      %iota3A_1482 = tpu.iota {dimensions = array<i32: 0>} : vector<16xi32>
      %add3A_1483 = arith.constant 40 : i32
      %add3A_1484 = vector.broadcast %add3A_1483 : i32 to vector<16xi32>
      %add3A_1485 = arith.addi %add3A_1484, %iota3A_1482 : vector<16xi32>
      %ge3A_1486 = arith.constant 50 : i32
      %ge3A_1487 = vector.broadcast %ge3A_1486 : i32 to vector<16xi32>
      %ge3A_1488 = arith.cmpi sge, %add3A_1485, %ge3A_1487 : vector<16xi32>
      %sub3A_1489 = arith.constant 50 : i32
      %sub3A_1490 = vector.broadcast %sub3A_1489 : i32 to vector<16xi32>
      %sub3A_1491 = arith.subi %add3A_1485, %sub3A_1490 : vector<16xi32>
      %select_n3A_1492 = arith.select %ge3A_1488, %sub3A_1491, %add3A_1485 : vector<16xi1>, vector<16xi32>
      %jit3A_1493 = arith.constant 1 : i32
      %jit3A_1494 = arith.constant 0 : i32
      %broadcast_in_dim3A_1495 = vector.broadcast %jit3A_1493 : i32 to vector<16xi32>
      %broadcast_in_dim3A_1496 = vector.broadcast %jit3A_1494 : i32 to vector<16xi32>
      %select_n3A_1497 = arith.select %ge3A_1488, %broadcast_in_dim3A_1495, %broadcast_in_dim3A_1496 : vector<16xi1>, vector<16xi32>
      %add3A_1498 = arith.constant 4 : i32
      %add3A_1499 = vector.broadcast %add3A_1498 : i32 to vector<16xi32>
      %add3A_1500 = arith.addi %add3A_1499, %select_n3A_1497 : vector<16xi32>
      %and3A_1501 = arith.constant -65536 : i32
      %and3A_1502 = vector.broadcast %and3A_1501 : i32 to vector<16xi32>
      %and3A_1503 = arith.andi %gather3A_1274, %and3A_1502 : vector<16xi32>
      %shift_left3A_1504 = arith.constant 16 : i32
      %shift_left3A_1505 = vector.broadcast %shift_left3A_1504 : i32 to vector<16xi32>
      %shift_left3A_1506 = arith.shli %gather3A_1274, %shift_left3A_1505 : vector<16xi32>
      %shift_right_logical3A_1507 = arith.constant 13 : i32
      %shift_right_logical3A_1508 = vector.broadcast %shift_right_logical3A_1507 : i32 to vector<16xi32>
      %shift_right_logical3A_1509 = arith.shrui %gather3A_1032, %shift_right_logical3A_1508 : vector<16xi32>
      %and3A_1510 = arith.constant 1 : i32
      %and3A_1511 = vector.broadcast %and3A_1510 : i32 to vector<16xi32>
      %and3A_1512 = arith.andi %shift_right_logical3A_1509, %and3A_1511 : vector<16xi32>
      %eq3A_1513 = arith.constant 1 : i32
      %eq3A_1514 = vector.broadcast %eq3A_1513 : i32 to vector<16xi32>
      %eq3A_1515 = arith.cmpi eq, %and3A_1512, %eq3A_1514 : vector<16xi32>
      %select_n3A_1516 = arith.select %eq3A_1515, %and3A_1503, %shift_left3A_1506 : vector<16xi1>, vector<16xi32>
      %bitcast3A_1517 = vector.bitcast %select_n3A_1516 : vector<16xi32> to vector<16xf32>
      tpu.vector_store_idx %arg11[%select_n3A_1492], %bitcast3A_1517 {add = true} : memref<64xf32, #tpu.memory_space<vmem>>[vector<16xi32>], vector<16xf32>,
      %iota3A_1518 = tpu.iota {dimensions = array<i32: 0>} : vector<16xi32>
      %add3A_1519 = arith.constant 6 : i32
      %add3A_1520 = vector.broadcast %add3A_1519 : i32 to vector<16xi32>
      %add3A_1521 = arith.addi %add3A_1520, %iota3A_1518 : vector<16xi32>
      %ge3A_1522 = arith.constant 50 : i32
      %ge3A_1523 = vector.broadcast %ge3A_1522 : i32 to vector<16xi32>
      %ge3A_1524 = arith.cmpi sge, %add3A_1521, %ge3A_1523 : vector<16xi32>
      %sub3A_1525 = arith.constant 50 : i32
      %sub3A_1526 = vector.broadcast %sub3A_1525 : i32 to vector<16xi32>
      %sub3A_1527 = arith.subi %add3A_1521, %sub3A_1526 : vector<16xi32>
      %select_n3A_1528 = arith.select %ge3A_1524, %sub3A_1527, %add3A_1521 : vector<16xi1>, vector<16xi32>
      %jit3A_1529 = arith.constant 1 : i32
      %jit3A_1530 = arith.constant 0 : i32
      %broadcast_in_dim3A_1531 = vector.broadcast %jit3A_1529 : i32 to vector<16xi32>
      %broadcast_in_dim3A_1532 = vector.broadcast %jit3A_1530 : i32 to vector<16xi32>
      %select_n3A_1533 = arith.select %ge3A_1524, %broadcast_in_dim3A_1531, %broadcast_in_dim3A_1532 : vector<16xi1>, vector<16xi32>
      %add3A_1534 = arith.constant 5 : i32
      %add3A_1535 = vector.broadcast %add3A_1534 : i32 to vector<16xi32>
      %add3A_1536 = arith.addi %add3A_1535, %select_n3A_1533 : vector<16xi32>
      %and3A_1537 = arith.constant -65536 : i32
      %and3A_1538 = vector.broadcast %and3A_1537 : i32 to vector<16xi32>
      %and3A_1539 = arith.andi %gather3A_1285, %and3A_1538 : vector<16xi32>
      %shift_left3A_1540 = arith.constant 16 : i32
      %shift_left3A_1541 = vector.broadcast %shift_left3A_1540 : i32 to vector<16xi32>
      %shift_left3A_1542 = arith.shli %gather3A_1285, %shift_left3A_1541 : vector<16xi32>
      %shift_right_logical3A_1543 = arith.constant 13 : i32
      %shift_right_logical3A_1544 = vector.broadcast %shift_right_logical3A_1543 : i32 to vector<16xi32>
      %shift_right_logical3A_1545 = arith.shrui %gather3A_1054, %shift_right_logical3A_1544 : vector<16xi32>
      %and3A_1546 = arith.constant 1 : i32
      %and3A_1547 = vector.broadcast %and3A_1546 : i32 to vector<16xi32>
      %and3A_1548 = arith.andi %shift_right_logical3A_1545, %and3A_1547 : vector<16xi32>
      %eq3A_1549 = arith.constant 1 : i32
      %eq3A_1550 = vector.broadcast %eq3A_1549 : i32 to vector<16xi32>
      %eq3A_1551 = arith.cmpi eq, %and3A_1548, %eq3A_1550 : vector<16xi32>
      %select_n3A_1552 = arith.select %eq3A_1551, %and3A_1539, %shift_left3A_1542 : vector<16xi1>, vector<16xi32>
      %bitcast3A_1553 = vector.bitcast %select_n3A_1552 : vector<16xi32> to vector<16xf32>
      tpu.vector_store_idx %arg8[%select_n3A_1528], %bitcast3A_1553 {add = true} : memref<64xf32, #tpu.memory_space<vmem>>[vector<16xi32>], vector<16xf32>,
      %iota3A_1554 = tpu.iota {dimensions = array<i32: 0>} : vector<16xi32>
      %add3A_1555 = arith.constant 22 : i32
      %add3A_1556 = vector.broadcast %add3A_1555 : i32 to vector<16xi32>
      %add3A_1557 = arith.addi %add3A_1556, %iota3A_1554 : vector<16xi32>
      %ge3A_1558 = arith.constant 50 : i32
      %ge3A_1559 = vector.broadcast %ge3A_1558 : i32 to vector<16xi32>
      %ge3A_1560 = arith.cmpi sge, %add3A_1557, %ge3A_1559 : vector<16xi32>
      %sub3A_1561 = arith.constant 50 : i32
      %sub3A_1562 = vector.broadcast %sub3A_1561 : i32 to vector<16xi32>
      %sub3A_1563 = arith.subi %add3A_1557, %sub3A_1562 : vector<16xi32>
      %select_n3A_1564 = arith.select %ge3A_1560, %sub3A_1563, %add3A_1557 : vector<16xi1>, vector<16xi32>
      %jit3A_1565 = arith.constant 1 : i32
      %jit3A_1566 = arith.constant 0 : i32
      %broadcast_in_dim3A_1567 = vector.broadcast %jit3A_1565 : i32 to vector<16xi32>
      %broadcast_in_dim3A_1568 = vector.broadcast %jit3A_1566 : i32 to vector<16xi32>
      %select_n3A_1569 = arith.select %ge3A_1560, %broadcast_in_dim3A_1567, %broadcast_in_dim3A_1568 : vector<16xi1>, vector<16xi32>
      %add3A_1570 = arith.constant 5 : i32
      %add3A_1571 = vector.broadcast %add3A_1570 : i32 to vector<16xi32>
      %add3A_1572 = arith.addi %add3A_1571, %select_n3A_1569 : vector<16xi32>
      %and3A_1573 = arith.constant -65536 : i32
      %and3A_1574 = vector.broadcast %and3A_1573 : i32 to vector<16xi32>
      %and3A_1575 = arith.andi %gather3A_1296, %and3A_1574 : vector<16xi32>
      %shift_left3A_1576 = arith.constant 16 : i32
      %shift_left3A_1577 = vector.broadcast %shift_left3A_1576 : i32 to vector<16xi32>
      %shift_left3A_1578 = arith.shli %gather3A_1296, %shift_left3A_1577 : vector<16xi32>
      %shift_right_logical3A_1579 = arith.constant 13 : i32
      %shift_right_logical3A_1580 = vector.broadcast %shift_right_logical3A_1579 : i32 to vector<16xi32>
      %shift_right_logical3A_1581 = arith.shrui %gather3A_1076, %shift_right_logical3A_1580 : vector<16xi32>
      %and3A_1582 = arith.constant 1 : i32
      %and3A_1583 = vector.broadcast %and3A_1582 : i32 to vector<16xi32>
      %and3A_1584 = arith.andi %shift_right_logical3A_1581, %and3A_1583 : vector<16xi32>
      %eq3A_1585 = arith.constant 1 : i32
      %eq3A_1586 = vector.broadcast %eq3A_1585 : i32 to vector<16xi32>
      %eq3A_1587 = arith.cmpi eq, %and3A_1584, %eq3A_1586 : vector<16xi32>
      %select_n3A_1588 = arith.select %eq3A_1587, %and3A_1575, %shift_left3A_1578 : vector<16xi1>, vector<16xi32>
      %bitcast3A_1589 = vector.bitcast %select_n3A_1588 : vector<16xi32> to vector<16xf32>
      tpu.vector_store_idx %arg9[%select_n3A_1564], %bitcast3A_1589 {add = true} : memref<64xf32, #tpu.memory_space<vmem>>[vector<16xi32>], vector<16xf32>,
      %iota3A_1590 = tpu.iota {dimensions = array<i32: 0>} : vector<16xi32>
      %add3A_1591 = arith.constant 38 : i32
      %add3A_1592 = vector.broadcast %add3A_1591 : i32 to vector<16xi32>
      %add3A_1593 = arith.addi %add3A_1592, %iota3A_1590 : vector<16xi32>
      %ge3A_1594 = arith.constant 50 : i32
      %ge3A_1595 = vector.broadcast %ge3A_1594 : i32 to vector<16xi32>
      %ge3A_1596 = arith.cmpi sge, %add3A_1593, %ge3A_1595 : vector<16xi32>
      %sub3A_1597 = arith.constant 50 : i32
      %sub3A_1598 = vector.broadcast %sub3A_1597 : i32 to vector<16xi32>
      %sub3A_1599 = arith.subi %add3A_1593, %sub3A_1598 : vector<16xi32>
      %select_n3A_1600 = arith.select %ge3A_1596, %sub3A_1599, %add3A_1593 : vector<16xi1>, vector<16xi32>
      %jit3A_1601 = arith.constant 1 : i32
      %jit3A_1602 = arith.constant 0 : i32
      %broadcast_in_dim3A_1603 = vector.broadcast %jit3A_1601 : i32 to vector<16xi32>
      %broadcast_in_dim3A_1604 = vector.broadcast %jit3A_1602 : i32 to vector<16xi32>
      %select_n3A_1605 = arith.select %ge3A_1596, %broadcast_in_dim3A_1603, %broadcast_in_dim3A_1604 : vector<16xi1>, vector<16xi32>
      %add3A_1606 = arith.constant 5 : i32
      %add3A_1607 = vector.broadcast %add3A_1606 : i32 to vector<16xi32>
      %add3A_1608 = arith.addi %add3A_1607, %select_n3A_1605 : vector<16xi32>
      %and3A_1609 = arith.constant -65536 : i32
      %and3A_1610 = vector.broadcast %and3A_1609 : i32 to vector<16xi32>
      %and3A_1611 = arith.andi %gather3A_1307, %and3A_1610 : vector<16xi32>
      %shift_left3A_1612 = arith.constant 16 : i32
      %shift_left3A_1613 = vector.broadcast %shift_left3A_1612 : i32 to vector<16xi32>
      %shift_left3A_1614 = arith.shli %gather3A_1307, %shift_left3A_1613 : vector<16xi32>
      %shift_right_logical3A_1615 = arith.constant 13 : i32
      %shift_right_logical3A_1616 = vector.broadcast %shift_right_logical3A_1615 : i32 to vector<16xi32>
      %shift_right_logical3A_1617 = arith.shrui %gather3A_1098, %shift_right_logical3A_1616 : vector<16xi32>
      %and3A_1618 = arith.constant 1 : i32
      %and3A_1619 = vector.broadcast %and3A_1618 : i32 to vector<16xi32>
      %and3A_1620 = arith.andi %shift_right_logical3A_1617, %and3A_1619 : vector<16xi32>
      %eq3A_1621 = arith.constant 1 : i32
      %eq3A_1622 = vector.broadcast %eq3A_1621 : i32 to vector<16xi32>
      %eq3A_1623 = arith.cmpi eq, %and3A_1620, %eq3A_1622 : vector<16xi32>
      %select_n3A_1624 = arith.select %eq3A_1623, %and3A_1611, %shift_left3A_1614 : vector<16xi1>, vector<16xi32>
      %bitcast3A_1625 = vector.bitcast %select_n3A_1624 : vector<16xi32> to vector<16xf32>
      tpu.vector_store_idx %arg10[%select_n3A_1600], %bitcast3A_1625 {add = true} : memref<64xf32, #tpu.memory_space<vmem>>[vector<16xi32>], vector<16xf32>,
      %iota3A_1626 = tpu.iota {dimensions = array<i32: 0>} : vector<16xi32>
      %add3A_1627 = arith.constant 4 : i32
      %add3A_1628 = vector.broadcast %add3A_1627 : i32 to vector<16xi32>
      %add3A_1629 = arith.addi %add3A_1628, %iota3A_1626 : vector<16xi32>
      %ge3A_1630 = arith.constant 50 : i32
      %ge3A_1631 = vector.broadcast %ge3A_1630 : i32 to vector<16xi32>
      %ge3A_1632 = arith.cmpi sge, %add3A_1629, %ge3A_1631 : vector<16xi32>
      %sub3A_1633 = arith.constant 50 : i32
      %sub3A_1634 = vector.broadcast %sub3A_1633 : i32 to vector<16xi32>
      %sub3A_1635 = arith.subi %add3A_1629, %sub3A_1634 : vector<16xi32>
      %select_n3A_1636 = arith.select %ge3A_1632, %sub3A_1635, %add3A_1629 : vector<16xi1>, vector<16xi32>
      %jit3A_1637 = arith.constant 1 : i32
      %jit3A_1638 = arith.constant 0 : i32
      %broadcast_in_dim3A_1639 = vector.broadcast %jit3A_1637 : i32 to vector<16xi32>
      %broadcast_in_dim3A_1640 = vector.broadcast %jit3A_1638 : i32 to vector<16xi32>
      %select_n3A_1641 = arith.select %ge3A_1632, %broadcast_in_dim3A_1639, %broadcast_in_dim3A_1640 : vector<16xi1>, vector<16xi32>
      %add3A_1642 = arith.constant 6 : i32
      %add3A_1643 = vector.broadcast %add3A_1642 : i32 to vector<16xi32>
      %add3A_1644 = arith.addi %add3A_1643, %select_n3A_1641 : vector<16xi32>
      %and3A_1645 = arith.constant -65536 : i32
      %and3A_1646 = vector.broadcast %and3A_1645 : i32 to vector<16xi32>
      %and3A_1647 = arith.andi %gather3A_1318, %and3A_1646 : vector<16xi32>
      %shift_left3A_1648 = arith.constant 16 : i32
      %shift_left3A_1649 = vector.broadcast %shift_left3A_1648 : i32 to vector<16xi32>
      %shift_left3A_1650 = arith.shli %gather3A_1318, %shift_left3A_1649 : vector<16xi32>
      %shift_right_logical3A_1651 = arith.constant 13 : i32
      %shift_right_logical3A_1652 = vector.broadcast %shift_right_logical3A_1651 : i32 to vector<16xi32>
      %shift_right_logical3A_1653 = arith.shrui %gather3A_1120, %shift_right_logical3A_1652 : vector<16xi32>
      %and3A_1654 = arith.constant 1 : i32
      %and3A_1655 = vector.broadcast %and3A_1654 : i32 to vector<16xi32>
      %and3A_1656 = arith.andi %shift_right_logical3A_1653, %and3A_1655 : vector<16xi32>
      %eq3A_1657 = arith.constant 1 : i32
      %eq3A_1658 = vector.broadcast %eq3A_1657 : i32 to vector<16xi32>
      %eq3A_1659 = arith.cmpi eq, %and3A_1656, %eq3A_1658 : vector<16xi32>
      %select_n3A_1660 = arith.select %eq3A_1659, %and3A_1647, %shift_left3A_1650 : vector<16xi1>, vector<16xi32>
      %bitcast3A_1661 = vector.bitcast %select_n3A_1660 : vector<16xi32> to vector<16xf32>
      tpu.vector_store_idx %arg11[%select_n3A_1636], %bitcast3A_1661 {add = true} : memref<64xf32, #tpu.memory_space<vmem>>[vector<16xi32>], vector<16xf32>,
      %iota3A_1662 = tpu.iota {dimensions = array<i32: 0>} : vector<16xi32>
      %add3A_1663 = arith.constant 20 : i32
      %add3A_1664 = vector.broadcast %add3A_1663 : i32 to vector<16xi32>
      %add3A_1665 = arith.addi %add3A_1664, %iota3A_1662 : vector<16xi32>
      %ge3A_1666 = arith.constant 50 : i32
      %ge3A_1667 = vector.broadcast %ge3A_1666 : i32 to vector<16xi32>
      %ge3A_1668 = arith.cmpi sge, %add3A_1665, %ge3A_1667 : vector<16xi32>
      %sub3A_1669 = arith.constant 50 : i32
      %sub3A_1670 = vector.broadcast %sub3A_1669 : i32 to vector<16xi32>
      %sub3A_1671 = arith.subi %add3A_1665, %sub3A_1670 : vector<16xi32>
      %select_n3A_1672 = arith.select %ge3A_1668, %sub3A_1671, %add3A_1665 : vector<16xi1>, vector<16xi32>
      %jit3A_1673 = arith.constant 1 : i32
      %jit3A_1674 = arith.constant 0 : i32
      %broadcast_in_dim3A_1675 = vector.broadcast %jit3A_1673 : i32 to vector<16xi32>
      %broadcast_in_dim3A_1676 = vector.broadcast %jit3A_1674 : i32 to vector<16xi32>
      %select_n3A_1677 = arith.select %ge3A_1668, %broadcast_in_dim3A_1675, %broadcast_in_dim3A_1676 : vector<16xi1>, vector<16xi32>
      %add3A_1678 = arith.constant 6 : i32
      %add3A_1679 = vector.broadcast %add3A_1678 : i32 to vector<16xi32>
      %add3A_1680 = arith.addi %add3A_1679, %select_n3A_1677 : vector<16xi32>
      %and3A_1681 = arith.constant -65536 : i32
      %and3A_1682 = vector.broadcast %and3A_1681 : i32 to vector<16xi32>
      %and3A_1683 = arith.andi %gather3A_1329, %and3A_1682 : vector<16xi32>
      %shift_left3A_1684 = arith.constant 16 : i32
      %shift_left3A_1685 = vector.broadcast %shift_left3A_1684 : i32 to vector<16xi32>
      %shift_left3A_1686 = arith.shli %gather3A_1329, %shift_left3A_1685 : vector<16xi32>
      %shift_right_logical3A_1687 = arith.constant 13 : i32
      %shift_right_logical3A_1688 = vector.broadcast %shift_right_logical3A_1687 : i32 to vector<16xi32>
      %shift_right_logical3A_1689 = arith.shrui %gather3A_1142, %shift_right_logical3A_1688 : vector<16xi32>
      %and3A_1690 = arith.constant 1 : i32
      %and3A_1691 = vector.broadcast %and3A_1690 : i32 to vector<16xi32>
      %and3A_1692 = arith.andi %shift_right_logical3A_1689, %and3A_1691 : vector<16xi32>
      %eq3A_1693 = arith.constant 1 : i32
      %eq3A_1694 = vector.broadcast %eq3A_1693 : i32 to vector<16xi32>
      %eq3A_1695 = arith.cmpi eq, %and3A_1692, %eq3A_1694 : vector<16xi32>
      %select_n3A_1696 = arith.select %eq3A_1695, %and3A_1683, %shift_left3A_1686 : vector<16xi1>, vector<16xi32>
      %bitcast3A_1697 = vector.bitcast %select_n3A_1696 : vector<16xi32> to vector<16xf32>
      tpu.vector_store_idx %arg8[%select_n3A_1672], %bitcast3A_1697 {add = true} : memref<64xf32, #tpu.memory_space<vmem>>[vector<16xi32>], vector<16xf32>,
      %iota3A_1698 = tpu.iota {dimensions = array<i32: 0>} : vector<16xi32>
      %add3A_1699 = arith.constant 36 : i32
      %add3A_1700 = vector.broadcast %add3A_1699 : i32 to vector<16xi32>
      %add3A_1701 = arith.addi %add3A_1700, %iota3A_1698 : vector<16xi32>
      %ge3A_1702 = arith.constant 50 : i32
      %ge3A_1703 = vector.broadcast %ge3A_1702 : i32 to vector<16xi32>
      %ge3A_1704 = arith.cmpi sge, %add3A_1701, %ge3A_1703 : vector<16xi32>
      %sub3A_1705 = arith.constant 50 : i32
      %sub3A_1706 = vector.broadcast %sub3A_1705 : i32 to vector<16xi32>
      %sub3A_1707 = arith.subi %add3A_1701, %sub3A_1706 : vector<16xi32>
      %select_n3A_1708 = arith.select %ge3A_1704, %sub3A_1707, %add3A_1701 : vector<16xi1>, vector<16xi32>
      %jit3A_1709 = arith.constant 1 : i32
      %jit3A_1710 = arith.constant 0 : i32
      %broadcast_in_dim3A_1711 = vector.broadcast %jit3A_1709 : i32 to vector<16xi32>
      %broadcast_in_dim3A_1712 = vector.broadcast %jit3A_1710 : i32 to vector<16xi32>
      %select_n3A_1713 = arith.select %ge3A_1704, %broadcast_in_dim3A_1711, %broadcast_in_dim3A_1712 : vector<16xi1>, vector<16xi32>
      %add3A_1714 = arith.constant 6 : i32
      %add3A_1715 = vector.broadcast %add3A_1714 : i32 to vector<16xi32>
      %add3A_1716 = arith.addi %add3A_1715, %select_n3A_1713 : vector<16xi32>
      %and3A_1717 = arith.constant -65536 : i32
      %and3A_1718 = vector.broadcast %and3A_1717 : i32 to vector<16xi32>
      %and3A_1719 = arith.andi %gather3A_1340, %and3A_1718 : vector<16xi32>
      %shift_left3A_1720 = arith.constant 16 : i32
      %shift_left3A_1721 = vector.broadcast %shift_left3A_1720 : i32 to vector<16xi32>
      %shift_left3A_1722 = arith.shli %gather3A_1340, %shift_left3A_1721 : vector<16xi32>
      %shift_right_logical3A_1723 = arith.constant 13 : i32
      %shift_right_logical3A_1724 = vector.broadcast %shift_right_logical3A_1723 : i32 to vector<16xi32>
      %shift_right_logical3A_1725 = arith.shrui %gather3A_1164, %shift_right_logical3A_1724 : vector<16xi32>
      %and3A_1726 = arith.constant 1 : i32
      %and3A_1727 = vector.broadcast %and3A_1726 : i32 to vector<16xi32>
      %and3A_1728 = arith.andi %shift_right_logical3A_1725, %and3A_1727 : vector<16xi32>
      %eq3A_1729 = arith.constant 1 : i32
      %eq3A_1730 = vector.broadcast %eq3A_1729 : i32 to vector<16xi32>
      %eq3A_1731 = arith.cmpi eq, %and3A_1728, %eq3A_1730 : vector<16xi32>
      %select_n3A_1732 = arith.select %eq3A_1731, %and3A_1719, %shift_left3A_1722 : vector<16xi1>, vector<16xi32>
      %bitcast3A_1733 = vector.bitcast %select_n3A_1732 : vector<16xi32> to vector<16xf32>
      tpu.vector_store_idx %arg9[%select_n3A_1708], %bitcast3A_1733 {add = true} : memref<64xf32, #tpu.memory_space<vmem>>[vector<16xi32>], vector<16xf32>,
      %iota3A_1734 = tpu.iota {dimensions = array<i32: 0>} : vector<16xi32>
      %add3A_1735 = arith.constant 2 : i32
      %add3A_1736 = vector.broadcast %add3A_1735 : i32 to vector<16xi32>
      %add3A_1737 = arith.addi %add3A_1736, %iota3A_1734 : vector<16xi32>
      %ge3A_1738 = arith.constant 50 : i32
      %ge3A_1739 = vector.broadcast %ge3A_1738 : i32 to vector<16xi32>
      %ge3A_1740 = arith.cmpi sge, %add3A_1737, %ge3A_1739 : vector<16xi32>
      %sub3A_1741 = arith.constant 50 : i32
      %sub3A_1742 = vector.broadcast %sub3A_1741 : i32 to vector<16xi32>
      %sub3A_1743 = arith.subi %add3A_1737, %sub3A_1742 : vector<16xi32>
      %select_n3A_1744 = arith.select %ge3A_1740, %sub3A_1743, %add3A_1737 : vector<16xi1>, vector<16xi32>
      %jit3A_1745 = arith.constant 1 : i32
      %jit3A_1746 = arith.constant 0 : i32
      %broadcast_in_dim3A_1747 = vector.broadcast %jit3A_1745 : i32 to vector<16xi32>
      %broadcast_in_dim3A_1748 = vector.broadcast %jit3A_1746 : i32 to vector<16xi32>
      %select_n3A_1749 = arith.select %ge3A_1740, %broadcast_in_dim3A_1747, %broadcast_in_dim3A_1748 : vector<16xi1>, vector<16xi32>
      %add3A_1750 = arith.constant 7 : i32
      %add3A_1751 = vector.broadcast %add3A_1750 : i32 to vector<16xi32>
      %add3A_1752 = arith.addi %add3A_1751, %select_n3A_1749 : vector<16xi32>
      %and3A_1753 = arith.constant -65536 : i32
      %and3A_1754 = vector.broadcast %and3A_1753 : i32 to vector<16xi32>
      %and3A_1755 = arith.andi %gather3A_1351, %and3A_1754 : vector<16xi32>
      %shift_left3A_1756 = arith.constant 16 : i32
      %shift_left3A_1757 = vector.broadcast %shift_left3A_1756 : i32 to vector<16xi32>
      %shift_left3A_1758 = arith.shli %gather3A_1351, %shift_left3A_1757 : vector<16xi32>
      %shift_right_logical3A_1759 = arith.constant 13 : i32
      %shift_right_logical3A_1760 = vector.broadcast %shift_right_logical3A_1759 : i32 to vector<16xi32>
      %shift_right_logical3A_1761 = arith.shrui %gather3A_1186, %shift_right_logical3A_1760 : vector<16xi32>
      %and3A_1762 = arith.constant 1 : i32
      %and3A_1763 = vector.broadcast %and3A_1762 : i32 to vector<16xi32>
      %and3A_1764 = arith.andi %shift_right_logical3A_1761, %and3A_1763 : vector<16xi32>
      %eq3A_1765 = arith.constant 1 : i32
      %eq3A_1766 = vector.broadcast %eq3A_1765 : i32 to vector<16xi32>
      %eq3A_1767 = arith.cmpi eq, %and3A_1764, %eq3A_1766 : vector<16xi32>
      %select_n3A_1768 = arith.select %eq3A_1767, %and3A_1755, %shift_left3A_1758 : vector<16xi1>, vector<16xi32>
      %bitcast3A_1769 = vector.bitcast %select_n3A_1768 : vector<16xi32> to vector<16xf32>
      tpu.vector_store_idx %arg10[%select_n3A_1744], %bitcast3A_1769 {add = true} : memref<64xf32, #tpu.memory_space<vmem>>[vector<16xi32>], vector<16xf32>,
      %iota3A_1770 = tpu.iota {dimensions = array<i32: 0>} : vector<16xi32>
      %add3A_1771 = arith.constant 18 : i32
      %add3A_1772 = vector.broadcast %add3A_1771 : i32 to vector<16xi32>
      %add3A_1773 = arith.addi %add3A_1772, %iota3A_1770 : vector<16xi32>
      %ge3A_1774 = arith.constant 50 : i32
      %ge3A_1775 = vector.broadcast %ge3A_1774 : i32 to vector<16xi32>
      %ge3A_1776 = arith.cmpi sge, %add3A_1773, %ge3A_1775 : vector<16xi32>
      %sub3A_1777 = arith.constant 50 : i32
      %sub3A_1778 = vector.broadcast %sub3A_1777 : i32 to vector<16xi32>
      %sub3A_1779 = arith.subi %add3A_1773, %sub3A_1778 : vector<16xi32>
      %select_n3A_1780 = arith.select %ge3A_1776, %sub3A_1779, %add3A_1773 : vector<16xi1>, vector<16xi32>
      %jit3A_1781 = arith.constant 1 : i32
      %jit3A_1782 = arith.constant 0 : i32
      %broadcast_in_dim3A_1783 = vector.broadcast %jit3A_1781 : i32 to vector<16xi32>
      %broadcast_in_dim3A_1784 = vector.broadcast %jit3A_1782 : i32 to vector<16xi32>
      %select_n3A_1785 = arith.select %ge3A_1776, %broadcast_in_dim3A_1783, %broadcast_in_dim3A_1784 : vector<16xi1>, vector<16xi32>
      %add3A_1786 = arith.constant 7 : i32
      %add3A_1787 = vector.broadcast %add3A_1786 : i32 to vector<16xi32>
      %add3A_1788 = arith.addi %add3A_1787, %select_n3A_1785 : vector<16xi32>
      %and3A_1789 = arith.constant -65536 : i32
      %and3A_1790 = vector.broadcast %and3A_1789 : i32 to vector<16xi32>
      %and3A_1791 = arith.andi %gather3A_1362, %and3A_1790 : vector<16xi32>
      %shift_left3A_1792 = arith.constant 16 : i32
      %shift_left3A_1793 = vector.broadcast %shift_left3A_1792 : i32 to vector<16xi32>
      %shift_left3A_1794 = arith.shli %gather3A_1362, %shift_left3A_1793 : vector<16xi32>
      %shift_right_logical3A_1795 = arith.constant 13 : i32
      %shift_right_logical3A_1796 = vector.broadcast %shift_right_logical3A_1795 : i32 to vector<16xi32>
      %shift_right_logical3A_1797 = arith.shrui %gather3A_1208, %shift_right_logical3A_1796 : vector<16xi32>
      %and3A_1798 = arith.constant 1 : i32
      %and3A_1799 = vector.broadcast %and3A_1798 : i32 to vector<16xi32>
      %and3A_1800 = arith.andi %shift_right_logical3A_1797, %and3A_1799 : vector<16xi32>
      %eq3A_1801 = arith.constant 1 : i32
      %eq3A_1802 = vector.broadcast %eq3A_1801 : i32 to vector<16xi32>
      %eq3A_1803 = arith.cmpi eq, %and3A_1800, %eq3A_1802 : vector<16xi32>
      %select_n3A_1804 = arith.select %eq3A_1803, %and3A_1791, %shift_left3A_1794 : vector<16xi1>, vector<16xi32>
      %bitcast3A_1805 = vector.bitcast %select_n3A_1804 : vector<16xi32> to vector<16xf32>
      tpu.vector_store_idx %arg11[%select_n3A_1780], %bitcast3A_1805 {add = true} : memref<64xf32, #tpu.memory_space<vmem>>[vector<16xi32>], vector<16xf32>,
      %iota3A_1806 = tpu.iota {dimensions = array<i32: 0>} : vector<16xi32>
      %add3A_1807 = arith.constant 34 : i32
      %add3A_1808 = vector.broadcast %add3A_1807 : i32 to vector<16xi32>
      %add3A_1809 = arith.addi %add3A_1808, %iota3A_1806 : vector<16xi32>
      %ge3A_1810 = arith.constant 50 : i32
      %ge3A_1811 = vector.broadcast %ge3A_1810 : i32 to vector<16xi32>
      %ge3A_1812 = arith.cmpi sge, %add3A_1809, %ge3A_1811 : vector<16xi32>
      %sub3A_1813 = arith.constant 50 : i32
      %sub3A_1814 = vector.broadcast %sub3A_1813 : i32 to vector<16xi32>
      %sub3A_1815 = arith.subi %add3A_1809, %sub3A_1814 : vector<16xi32>
      %select_n3A_1816 = arith.select %ge3A_1812, %sub3A_1815, %add3A_1809 : vector<16xi1>, vector<16xi32>
      %jit3A_1817 = arith.constant 1 : i32
      %jit3A_1818 = arith.constant 0 : i32
      %broadcast_in_dim3A_1819 = vector.broadcast %jit3A_1817 : i32 to vector<16xi32>
      %broadcast_in_dim3A_1820 = vector.broadcast %jit3A_1818 : i32 to vector<16xi32>
      %select_n3A_1821 = arith.select %ge3A_1812, %broadcast_in_dim3A_1819, %broadcast_in_dim3A_1820 : vector<16xi1>, vector<16xi32>
      %add3A_1822 = arith.constant 7 : i32
      %add3A_1823 = vector.broadcast %add3A_1822 : i32 to vector<16xi32>
      %add3A_1824 = arith.addi %add3A_1823, %select_n3A_1821 : vector<16xi32>
      %and3A_1825 = arith.constant -65536 : i32
      %and3A_1826 = vector.broadcast %and3A_1825 : i32 to vector<16xi32>
      %and3A_1827 = arith.andi %gather3A_1373, %and3A_1826 : vector<16xi32>
      %shift_left3A_1828 = arith.constant 16 : i32
      %shift_left3A_1829 = vector.broadcast %shift_left3A_1828 : i32 to vector<16xi32>
      %shift_left3A_1830 = arith.shli %gather3A_1373, %shift_left3A_1829 : vector<16xi32>
      %shift_right_logical3A_1831 = arith.constant 13 : i32
      %shift_right_logical3A_1832 = vector.broadcast %shift_right_logical3A_1831 : i32 to vector<16xi32>
      %shift_right_logical3A_1833 = arith.shrui %gather3A_1230, %shift_right_logical3A_1832 : vector<16xi32>
      %and3A_1834 = arith.constant 1 : i32
      %and3A_1835 = vector.broadcast %and3A_1834 : i32 to vector<16xi32>
      %and3A_1836 = arith.andi %shift_right_logical3A_1833, %and3A_1835 : vector<16xi32>
      %eq3A_1837 = arith.constant 1 : i32
      %eq3A_1838 = vector.broadcast %eq3A_1837 : i32 to vector<16xi32>
      %eq3A_1839 = arith.cmpi eq, %and3A_1836, %eq3A_1838 : vector<16xi32>
      %select_n3A_1840 = arith.select %eq3A_1839, %and3A_1827, %shift_left3A_1830 : vector<16xi1>, vector<16xi32>
      %bitcast3A_1841 = vector.bitcast %select_n3A_1840 : vector<16xi32> to vector<16xf32>
      tpu.vector_store_idx %arg8[%select_n3A_1816], %bitcast3A_1841 {add = true} : memref<64xf32, #tpu.memory_space<vmem>>[vector<16xi32>], vector<16xf32>,
    }
    %scan3A_71 = arith.constant 16 : i32
    %get3A = arith.constant 0 : index
    %get3A_72 = tpu.vector_load %arg8[%get3A] {strides = array<i32>} : memref<64xf32, #tpu.memory_space<vmem>>, vector<16xf32>,
    %get3A_73 = arith.constant 0 : index
    %get3A_74 = tpu.vector_load %arg9[%get3A_73] {strides = array<i32>} : memref<64xf32, #tpu.memory_space<vmem>>, vector<16xf32>,
    %add3A_75 = arith.addf %get3A_72, %get3A_74 : vector<16xf32>
    %get3A_76 = arith.constant 0 : index
    %get3A_77 = tpu.vector_load %arg10[%get3A_76] {strides = array<i32>} : memref<64xf32, #tpu.memory_space<vmem>>, vector<16xf32>,
    %add3A_78 = arith.addf %add3A_75, %get3A_77 : vector<16xf32>
    %get3A_79 = arith.constant 0 : index
    %get3A_80 = tpu.vector_load %arg11[%get3A_79] {strides = array<i32>} : memref<64xf32, #tpu.memory_space<vmem>>, vector<16xf32>,
    %add3A_81 = arith.addf %add3A_78, %get3A_80 : vector<16xf32>
    %swap3A_82 = arith.constant 0 : index
    %swap3A_83 = tpu.vector_load %arg8[%swap3A_82] {strides = array<i32>} : memref<64xf32, #tpu.memory_space<vmem>>, vector<16xf32>,
    tpu.vector_store %arg8[%swap3A_82], %add3A_81 {strides = array<i32>} : memref<64xf32, #tpu.memory_space<vmem>>, vector<16xf32>,
    %get3A_84 = arith.constant 16 : index
    %get3A_85 = tpu.vector_load %arg8[%get3A_84] {strides = array<i32>} : memref<64xf32, #tpu.memory_space<vmem>>, vector<16xf32>,
    %get3A_86 = arith.constant 16 : index
    %get3A_87 = tpu.vector_load %arg9[%get3A_86] {strides = array<i32>} : memref<64xf32, #tpu.memory_space<vmem>>, vector<16xf32>,
    %add3A_88 = arith.addf %get3A_85, %get3A_87 : vector<16xf32>
    %get3A_89 = arith.constant 16 : index
    %get3A_90 = tpu.vector_load %arg10[%get3A_89] {strides = array<i32>} : memref<64xf32, #tpu.memory_space<vmem>>, vector<16xf32>,
    %add3A_91 = arith.addf %add3A_88, %get3A_90 : vector<16xf32>
    %get3A_92 = arith.constant 16 : index
    %get3A_93 = tpu.vector_load %arg11[%get3A_92] {strides = array<i32>} : memref<64xf32, #tpu.memory_space<vmem>>, vector<16xf32>,
    %add3A_94 = arith.addf %add3A_91, %get3A_93 : vector<16xf32>
    %swap3A_95 = arith.constant 16 : index
    %swap3A_96 = tpu.vector_load %arg8[%swap3A_95] {strides = array<i32>} : memref<64xf32, #tpu.memory_space<vmem>>, vector<16xf32>,
    tpu.vector_store %arg8[%swap3A_95], %add3A_94 {strides = array<i32>} : memref<64xf32, #tpu.memory_space<vmem>>, vector<16xf32>,
    %get3A_97 = arith.constant 32 : index
    %get3A_98 = tpu.vector_load %arg8[%get3A_97] {strides = array<i32>} : memref<64xf32, #tpu.memory_space<vmem>>, vector<16xf32>,
    %get3A_99 = arith.constant 32 : index
    %get3A_100 = tpu.vector_load %arg9[%get3A_99] {strides = array<i32>} : memref<64xf32, #tpu.memory_space<vmem>>, vector<16xf32>,
    %add3A_101 = arith.addf %get3A_98, %get3A_100 : vector<16xf32>
    %get3A_102 = arith.constant 32 : index
    %get3A_103 = tpu.vector_load %arg10[%get3A_102] {strides = array<i32>} : memref<64xf32, #tpu.memory_space<vmem>>, vector<16xf32>,
    %add3A_104 = arith.addf %add3A_101, %get3A_103 : vector<16xf32>
    %get3A_105 = arith.constant 32 : index
    %get3A_106 = tpu.vector_load %arg11[%get3A_105] {strides = array<i32>} : memref<64xf32, #tpu.memory_space<vmem>>, vector<16xf32>,
    %add3A_107 = arith.addf %add3A_104, %get3A_106 : vector<16xf32>
    %swap3A_108 = arith.constant 32 : index
    %swap3A_109 = tpu.vector_load %arg8[%swap3A_108] {strides = array<i32>} : memref<64xf32, #tpu.memory_space<vmem>>, vector<16xf32>,
    tpu.vector_store %arg8[%swap3A_108], %add3A_107 {strides = array<i32>} : memref<64xf32, #tpu.memory_space<vmem>>, vector<16xf32>,
    %get3A_110 = arith.constant 48 : index
    %get3A_111 = tpu.vector_load %arg8[%get3A_110] {strides = array<i32>} : memref<64xf32, #tpu.memory_space<vmem>>, vector<16xf32>,
    %get3A_112 = arith.constant 48 : index
    %get3A_113 = tpu.vector_load %arg9[%get3A_112] {strides = array<i32>} : memref<64xf32, #tpu.memory_space<vmem>>, vector<16xf32>,
    %add3A_114 = arith.addf %get3A_111, %get3A_113 : vector<16xf32>
    %get3A_115 = arith.constant 48 : index
    %get3A_116 = tpu.vector_load %arg10[%get3A_115] {strides = array<i32>} : memref<64xf32, #tpu.memory_space<vmem>>, vector<16xf32>,
    %add3A_117 = arith.addf %add3A_114, %get3A_116 : vector<16xf32>
    %get3A_118 = arith.constant 48 : index
    %get3A_119 = tpu.vector_load %arg11[%get3A_118] {strides = array<i32>} : memref<64xf32, #tpu.memory_space<vmem>>, vector<16xf32>,
    %add3A_120 = arith.addf %add3A_117, %get3A_119 : vector<16xf32>
    %swap3A_121 = arith.constant 48 : index
    %swap3A_122 = tpu.vector_load %arg8[%swap3A_121] {strides = array<i32>} : memref<64xf32, #tpu.memory_space<vmem>>, vector<16xf32>,
    tpu.vector_store %arg8[%swap3A_121], %add3A_120 {strides = array<i32>} : memref<64xf32, #tpu.memory_space<vmem>>, vector<16xf32>,
    "tpu.region"() ({
      %run_scoped3A = tpu.sem_alloc : memref<!tpu.dma_semaphore, #tpu.memory_space<semaphore_mem>>
      %dma_start3A = arith.constant 0 : i32
      %dma_start3A_123 = tpu.memref_slice %arg4[%add3A, %dma_start3A] : memref<32x64xf32, #tpu.memory_space<hbm>> -> memref<1x64xf32, #tpu.memory_space<hbm>>
      %dma_start3A_124 = tpu.memref_squeeze %dma_start3A_123 : memref<1x64xf32, #tpu.memory_space<hbm>> -> memref<64xf32, #tpu.memory_space<hbm>>
      %dma_start3A_125 = arith.constant 0 : i32
      %dma_start3A_126 = tpu.memref_slice %arg4[%add3A, %dma_start3A_125] : memref<32x64xf32, #tpu.memory_space<hbm>> -> memref<1x64xf32, #tpu.memory_space<hbm>>
      %dma_start3A_127 = tpu.memref_squeeze %dma_start3A_126 : memref<1x64xf32, #tpu.memory_space<hbm>> -> memref<64xf32, #tpu.memory_space<hbm>>
      tpu.enqueue_dma source(%arg8 : memref<64xf32, #tpu.memory_space<vmem>>) target(%dma_start3A_127 : memref<64xf32, #tpu.memory_space<hbm>>) target_semaphore(%run_scoped3A : memref<!tpu.dma_semaphore, #tpu.memory_space<semaphore_mem>>)
      %dma_wait3A = arith.constant 0 : i32
      %dma_wait3A_128 = tpu.memref_slice %arg4[%add3A, %dma_wait3A] : memref<32x64xf32, #tpu.memory_space<hbm>> -> memref<1x64xf32, #tpu.memory_space<hbm>>
      %dma_wait3A_129 = tpu.memref_squeeze %dma_wait3A_128 : memref<1x64xf32, #tpu.memory_space<hbm>> -> memref<64xf32, #tpu.memory_space<hbm>>
      %dma_wait3A_130 = arith.constant 0 : i32
      %dma_wait3A_131 = tpu.memref_slice %arg4[%add3A, %dma_wait3A_130] : memref<32x64xf32, #tpu.memory_space<hbm>> -> memref<1x64xf32, #tpu.memory_space<hbm>>
      %dma_wait3A_132 = tpu.memref_squeeze %dma_wait3A_131 : memref<1x64xf32, #tpu.memory_space<hbm>> -> memref<64xf32, #tpu.memory_space<hbm>>
      tpu.wait_dma2 semaphore(%run_scoped3A : memref<!tpu.dma_semaphore, #tpu.memory_space<semaphore_mem>>) src(%arg8 : memref<64xf32, #tpu.memory_space<vmem>>) dst(%dma_wait3A_132 : memref<64xf32, #tpu.memory_space<hbm>>)
      tpu.yield
    }) : () -> ()
    return
  }
}

module attributes {stable_mosaic.version = 14 : i64} {
  func.func @_scores_body(%arg0: i32, %arg1: memref<16384x128xf32, #tpu.memory_space<vmem>>, %arg2: memref<1x128xf32, #tpu.memory_space<vmem>>, %arg3: memref<1xf32, #tpu.memory_space<vmem>>, %arg4: memref<64x128xi32, #tpu.memory_space<vmem>>) attributes {dimension_semantics = [#tpu.dimension_semantics<arbitrary>], iteration_bounds = array<i64: 7>, scalar_prefetch = 0 : i64, scratch_operands = 0 : i64, tpu.core_type = #tpu.core_type<tc>, window_params = [{transform_indices = @transform_0, window_bounds = array<i64: 16384, 128>}, {pipeline_mode = #tpu.pipeline_mode<synchronous>, transform_indices = @transform_1, window_bounds = array<i64: 1, 128>}, {pipeline_mode = #tpu.pipeline_mode<synchronous>, transform_indices = @transform_2, window_bounds = array<i64: 1>}, {transform_indices = @transform_3, window_bounds = array<i64: 64, 128>}]} {
    %get3A = arith.constant 0 : index
    %get3A_0 = arith.constant 0 : index
    %get3A_1 = vector.load %arg1[%get3A, %get3A_0] : memref<16384x128xf32, #tpu.memory_space<vmem>>, vector<128x128xf32>
    %get3A_2 = arith.constant 0 : index
    %get3A_3 = arith.constant 0 : index
    %get3A_4 = vector.load %arg2[%get3A_2, %get3A_3] : memref<1x128xf32, #tpu.memory_space<vmem>>, vector<1x128xf32>
    %dot_general3A = arith.constant dense<0.000000e+00> : vector<1x128xf32>
    %dot_general3A_5 = tpu.matmul %get3A_4, %get3A_1, %dot_general3A {dimension_numbers = #tpu.dot_dimension_numbers<[1], [1], [0], [0], [0, 0, 1, 0], [], []>, transpose_lhs_hint = false} : vector<1x128xf32>, vector<128x128xf32>, vector<1x128xf32> -> vector<1x128xf32>
    %get3A_6 = arith.constant 0 : index
    %get3A_7 = vector.load %arg3[%get3A_6] : memref<1xf32, #tpu.memory_space<vmem>>, vector<1xf32>
    %get3A_8 = vector.extract %get3A_7[0] : f32 from vector<1xf32>
    %add3A = vector.broadcast %get3A_8 : f32 to vector<1x128xf32>
    %add3A_9 = arith.addf %dot_general3A_5, %add3A : vector<1x128xf32>
    %bitcast_convert_type3A = tpu.bitcast %add3A_9 : vector<1x128xf32> -> vector<1x128xi32>
    %add3A_10 = arith.constant 32767 : i32
    %add3A_11 = vector.broadcast %add3A_10 : i32 to vector<1x128xi32>
    %add3A_12 = arith.addi %bitcast_convert_type3A, %add3A_11 : vector<1x128xi32>
    %shift_right_logical3A = arith.constant 16 : i32
    %shift_right_logical3A_13 = vector.broadcast %shift_right_logical3A : i32 to vector<1x128xi32>
    %shift_right_logical3A_14 = arith.shrui %bitcast_convert_type3A, %shift_right_logical3A_13 : vector<1x128xi32>
    %and3A = arith.constant 1 : i32
    %and3A_15 = vector.broadcast %and3A : i32 to vector<1x128xi32>
    %and3A_16 = arith.andi %shift_right_logical3A_14, %and3A_15 : vector<1x128xi32>
    %add3A_17 = arith.addi %add3A_12, %and3A_16 : vector<1x128xi32>
    %shift_right_logical3A_18 = arith.constant 16 : i32
    %shift_right_logical3A_19 = vector.broadcast %shift_right_logical3A_18 : i32 to vector<1x128xi32>
    %shift_right_logical3A_20 = arith.shrui %add3A_17, %shift_right_logical3A_19 : vector<1x128xi32>
    %get3A_21 = arith.constant 8192 : index
    %get3A_22 = arith.constant 0 : index
    %get3A_23 = vector.load %arg1[%get3A_21, %get3A_22] : memref<16384x128xf32, #tpu.memory_space<vmem>>, vector<128x128xf32>
    %get3A_24 = arith.constant 0 : index
    %get3A_25 = arith.constant 0 : index
    %get3A_26 = vector.load %arg2[%get3A_24, %get3A_25] : memref<1x128xf32, #tpu.memory_space<vmem>>, vector<1x128xf32>
    %dot_general3A_27 = arith.constant dense<0.000000e+00> : vector<1x128xf32>
    %dot_general3A_28 = tpu.matmul %get3A_26, %get3A_23, %dot_general3A_27 {dimension_numbers = #tpu.dot_dimension_numbers<[1], [1], [0], [0], [0, 0, 1, 0], [], []>, transpose_lhs_hint = false} : vector<1x128xf32>, vector<128x128xf32>, vector<1x128xf32> -> vector<1x128xf32>
    %get3A_29 = arith.constant 0 : index
    %get3A_30 = vector.load %arg3[%get3A_29] : memref<1xf32, #tpu.memory_space<vmem>>, vector<1xf32>
    %get3A_31 = vector.extract %get3A_30[0] : f32 from vector<1xf32>
    %add3A_32 = vector.broadcast %get3A_31 : f32 to vector<1x128xf32>
    %add3A_33 = arith.addf %dot_general3A_28, %add3A_32 : vector<1x128xf32>
    %bitcast_convert_type3A_34 = tpu.bitcast %add3A_33 : vector<1x128xf32> -> vector<1x128xi32>
    %add3A_35 = arith.constant 32767 : i32
    %add3A_36 = vector.broadcast %add3A_35 : i32 to vector<1x128xi32>
    %add3A_37 = arith.addi %bitcast_convert_type3A_34, %add3A_36 : vector<1x128xi32>
    %shift_right_logical3A_38 = arith.constant 16 : i32
    %shift_right_logical3A_39 = vector.broadcast %shift_right_logical3A_38 : i32 to vector<1x128xi32>
    %shift_right_logical3A_40 = arith.shrui %bitcast_convert_type3A_34, %shift_right_logical3A_39 : vector<1x128xi32>
    %and3A_41 = arith.constant 1 : i32
    %and3A_42 = vector.broadcast %and3A_41 : i32 to vector<1x128xi32>
    %and3A_43 = arith.andi %shift_right_logical3A_40, %and3A_42 : vector<1x128xi32>
    %add3A_44 = arith.addi %add3A_37, %and3A_43 : vector<1x128xi32>
    %shift_right_logical3A_45 = arith.constant 16 : i32
    %shift_right_logical3A_46 = vector.broadcast %shift_right_logical3A_45 : i32 to vector<1x128xi32>
    %shift_right_logical3A_47 = arith.shrui %add3A_44, %shift_right_logical3A_46 : vector<1x128xi32>
    %shift_left3A = arith.constant 16 : i32
    %shift_left3A_48 = vector.broadcast %shift_left3A : i32 to vector<1x128xi32>
    %shift_left3A_49 = arith.shli %shift_right_logical3A_47, %shift_left3A_48 : vector<1x128xi32>
    %or3A = arith.ori %shift_right_logical3A_20, %shift_left3A_49 : vector<1x128xi32>
    %swap3A = arith.constant 0 : index
    %swap3A_50 = arith.constant 0 : index
    %swap3A_51 = vector.load %arg4[%swap3A, %swap3A_50] : memref<64x128xi32, #tpu.memory_space<vmem>>, vector<1x128xi32>
    tpu.vector_store %arg4[%swap3A, %swap3A_50], %or3A {strides = array<i32>} : memref<64x128xi32, #tpu.memory_space<vmem>>, vector<1x128xi32>,
    %get3A_52 = arith.constant 128 : index
    %get3A_53 = arith.constant 0 : index
    %get3A_54 = vector.load %arg1[%get3A_52, %get3A_53] : memref<16384x128xf32, #tpu.memory_space<vmem>>, vector<128x128xf32>
    %get3A_55 = arith.constant 0 : index
    %get3A_56 = arith.constant 0 : index
    %get3A_57 = vector.load %arg2[%get3A_55, %get3A_56] : memref<1x128xf32, #tpu.memory_space<vmem>>, vector<1x128xf32>
    %dot_general3A_58 = arith.constant dense<0.000000e+00> : vector<1x128xf32>
    %dot_general3A_59 = tpu.matmul %get3A_57, %get3A_54, %dot_general3A_58 {dimension_numbers = #tpu.dot_dimension_numbers<[1], [1], [0], [0], [0, 0, 1, 0], [], []>, transpose_lhs_hint = false} : vector<1x128xf32>, vector<128x128xf32>, vector<1x128xf32> -> vector<1x128xf32>
    %get3A_60 = arith.constant 0 : index
    %get3A_61 = vector.load %arg3[%get3A_60] : memref<1xf32, #tpu.memory_space<vmem>>, vector<1xf32>
    %get3A_62 = vector.extract %get3A_61[0] : f32 from vector<1xf32>
    %add3A_63 = vector.broadcast %get3A_62 : f32 to vector<1x128xf32>
    %add3A_64 = arith.addf %dot_general3A_59, %add3A_63 : vector<1x128xf32>
    %bitcast_convert_type3A_65 = tpu.bitcast %add3A_64 : vector<1x128xf32> -> vector<1x128xi32>
    %add3A_66 = arith.constant 32767 : i32
    %add3A_67 = vector.broadcast %add3A_66 : i32 to vector<1x128xi32>
    %add3A_68 = arith.addi %bitcast_convert_type3A_65, %add3A_67 : vector<1x128xi32>
    %shift_right_logical3A_69 = arith.constant 16 : i32
    %shift_right_logical3A_70 = vector.broadcast %shift_right_logical3A_69 : i32 to vector<1x128xi32>
    %shift_right_logical3A_71 = arith.shrui %bitcast_convert_type3A_65, %shift_right_logical3A_70 : vector<1x128xi32>
    %and3A_72 = arith.constant 1 : i32
    %and3A_73 = vector.broadcast %and3A_72 : i32 to vector<1x128xi32>
    %and3A_74 = arith.andi %shift_right_logical3A_71, %and3A_73 : vector<1x128xi32>
    %add3A_75 = arith.addi %add3A_68, %and3A_74 : vector<1x128xi32>
    %shift_right_logical3A_76 = arith.constant 16 : i32
    %shift_right_logical3A_77 = vector.broadcast %shift_right_logical3A_76 : i32 to vector<1x128xi32>
    %shift_right_logical3A_78 = arith.shrui %add3A_75, %shift_right_logical3A_77 : vector<1x128xi32>
    %get3A_79 = arith.constant 8320 : index
    %get3A_80 = arith.constant 0 : index
    %get3A_81 = vector.load %arg1[%get3A_79, %get3A_80] : memref<16384x128xf32, #tpu.memory_space<vmem>>, vector<128x128xf32>
    %get3A_82 = arith.constant 0 : index
    %get3A_83 = arith.constant 0 : index
    %get3A_84 = vector.load %arg2[%get3A_82, %get3A_83] : memref<1x128xf32, #tpu.memory_space<vmem>>, vector<1x128xf32>
    %dot_general3A_85 = arith.constant dense<0.000000e+00> : vector<1x128xf32>
    %dot_general3A_86 = tpu.matmul %get3A_84, %get3A_81, %dot_general3A_85 {dimension_numbers = #tpu.dot_dimension_numbers<[1], [1], [0], [0], [0, 0, 1, 0], [], []>, transpose_lhs_hint = false} : vector<1x128xf32>, vector<128x128xf32>, vector<1x128xf32> -> vector<1x128xf32>
    %get3A_87 = arith.constant 0 : index
    %get3A_88 = vector.load %arg3[%get3A_87] : memref<1xf32, #tpu.memory_space<vmem>>, vector<1xf32>
    %get3A_89 = vector.extract %get3A_88[0] : f32 from vector<1xf32>
    %add3A_90 = vector.broadcast %get3A_89 : f32 to vector<1x128xf32>
    %add3A_91 = arith.addf %dot_general3A_86, %add3A_90 : vector<1x128xf32>
    %bitcast_convert_type3A_92 = tpu.bitcast %add3A_91 : vector<1x128xf32> -> vector<1x128xi32>
    %add3A_93 = arith.constant 32767 : i32
    %add3A_94 = vector.broadcast %add3A_93 : i32 to vector<1x128xi32>
    %add3A_95 = arith.addi %bitcast_convert_type3A_92, %add3A_94 : vector<1x128xi32>
    %shift_right_logical3A_96 = arith.constant 16 : i32
    %shift_right_logical3A_97 = vector.broadcast %shift_right_logical3A_96 : i32 to vector<1x128xi32>
    %shift_right_logical3A_98 = arith.shrui %bitcast_convert_type3A_92, %shift_right_logical3A_97 : vector<1x128xi32>
    %and3A_99 = arith.constant 1 : i32
    %and3A_100 = vector.broadcast %and3A_99 : i32 to vector<1x128xi32>
    %and3A_101 = arith.andi %shift_right_logical3A_98, %and3A_100 : vector<1x128xi32>
    %add3A_102 = arith.addi %add3A_95, %and3A_101 : vector<1x128xi32>
    %shift_right_logical3A_103 = arith.constant 16 : i32
    %shift_right_logical3A_104 = vector.broadcast %shift_right_logical3A_103 : i32 to vector<1x128xi32>
    %shift_right_logical3A_105 = arith.shrui %add3A_102, %shift_right_logical3A_104 : vector<1x128xi32>
    %shift_left3A_106 = arith.constant 16 : i32
    %shift_left3A_107 = vector.broadcast %shift_left3A_106 : i32 to vector<1x128xi32>
    %shift_left3A_108 = arith.shli %shift_right_logical3A_105, %shift_left3A_107 : vector<1x128xi32>
    %or3A_109 = arith.ori %shift_right_logical3A_78, %shift_left3A_108 : vector<1x128xi32>
    %swap3A_110 = arith.constant 1 : index
    %swap3A_111 = arith.constant 0 : index
    %swap3A_112 = vector.load %arg4[%swap3A_110, %swap3A_111] : memref<64x128xi32, #tpu.memory_space<vmem>>, vector<1x128xi32>
    tpu.vector_store %arg4[%swap3A_110, %swap3A_111], %or3A_109 {strides = array<i32>} : memref<64x128xi32, #tpu.memory_space<vmem>>, vector<1x128xi32>,
    %get3A_113 = arith.constant 256 : index
    %get3A_114 = arith.constant 0 : index
    %get3A_115 = vector.load %arg1[%get3A_113, %get3A_114] : memref<16384x128xf32, #tpu.memory_space<vmem>>, vector<128x128xf32>
    %get3A_116 = arith.constant 0 : index
    %get3A_117 = arith.constant 0 : index
    %get3A_118 = vector.load %arg2[%get3A_116, %get3A_117] : memref<1x128xf32, #tpu.memory_space<vmem>>, vector<1x128xf32>
    %dot_general3A_119 = arith.constant dense<0.000000e+00> : vector<1x128xf32>
    %dot_general3A_120 = tpu.matmul %get3A_118, %get3A_115, %dot_general3A_119 {dimension_numbers = #tpu.dot_dimension_numbers<[1], [1], [0], [0], [0, 0, 1, 0], [], []>, transpose_lhs_hint = false} : vector<1x128xf32>, vector<128x128xf32>, vector<1x128xf32> -> vector<1x128xf32>
    %get3A_121 = arith.constant 0 : index
    %get3A_122 = vector.load %arg3[%get3A_121] : memref<1xf32, #tpu.memory_space<vmem>>, vector<1xf32>
    %get3A_123 = vector.extract %get3A_122[0] : f32 from vector<1xf32>
    %add3A_124 = vector.broadcast %get3A_123 : f32 to vector<1x128xf32>
    %add3A_125 = arith.addf %dot_general3A_120, %add3A_124 : vector<1x128xf32>
    %bitcast_convert_type3A_126 = tpu.bitcast %add3A_125 : vector<1x128xf32> -> vector<1x128xi32>
    %add3A_127 = arith.constant 32767 : i32
    %add3A_128 = vector.broadcast %add3A_127 : i32 to vector<1x128xi32>
    %add3A_129 = arith.addi %bitcast_convert_type3A_126, %add3A_128 : vector<1x128xi32>
    %shift_right_logical3A_130 = arith.constant 16 : i32
    %shift_right_logical3A_131 = vector.broadcast %shift_right_logical3A_130 : i32 to vector<1x128xi32>
    %shift_right_logical3A_132 = arith.shrui %bitcast_convert_type3A_126, %shift_right_logical3A_131 : vector<1x128xi32>
    %and3A_133 = arith.constant 1 : i32
    %and3A_134 = vector.broadcast %and3A_133 : i32 to vector<1x128xi32>
    %and3A_135 = arith.andi %shift_right_logical3A_132, %and3A_134 : vector<1x128xi32>
    %add3A_136 = arith.addi %add3A_129, %and3A_135 : vector<1x128xi32>
    %shift_right_logical3A_137 = arith.constant 16 : i32
    %shift_right_logical3A_138 = vector.broadcast %shift_right_logical3A_137 : i32 to vector<1x128xi32>
    %shift_right_logical3A_139 = arith.shrui %add3A_136, %shift_right_logical3A_138 : vector<1x128xi32>
    %get3A_140 = arith.constant 8448 : index
    %get3A_141 = arith.constant 0 : index
    %get3A_142 = vector.load %arg1[%get3A_140, %get3A_141] : memref<16384x128xf32, #tpu.memory_space<vmem>>, vector<128x128xf32>
    %get3A_143 = arith.constant 0 : index
    %get3A_144 = arith.constant 0 : index
    %get3A_145 = vector.load %arg2[%get3A_143, %get3A_144] : memref<1x128xf32, #tpu.memory_space<vmem>>, vector<1x128xf32>
    %dot_general3A_146 = arith.constant dense<0.000000e+00> : vector<1x128xf32>
    %dot_general3A_147 = tpu.matmul %get3A_145, %get3A_142, %dot_general3A_146 {dimension_numbers = #tpu.dot_dimension_numbers<[1], [1], [0], [0], [0, 0, 1, 0], [], []>, transpose_lhs_hint = false} : vector<1x128xf32>, vector<128x128xf32>, vector<1x128xf32> -> vector<1x128xf32>
    %get3A_148 = arith.constant 0 : index
    %get3A_149 = vector.load %arg3[%get3A_148] : memref<1xf32, #tpu.memory_space<vmem>>, vector<1xf32>
    %get3A_150 = vector.extract %get3A_149[0] : f32 from vector<1xf32>
    %add3A_151 = vector.broadcast %get3A_150 : f32 to vector<1x128xf32>
    %add3A_152 = arith.addf %dot_general3A_147, %add3A_151 : vector<1x128xf32>
    %bitcast_convert_type3A_153 = tpu.bitcast %add3A_152 : vector<1x128xf32> -> vector<1x128xi32>
    %add3A_154 = arith.constant 32767 : i32
    %add3A_155 = vector.broadcast %add3A_154 : i32 to vector<1x128xi32>
    %add3A_156 = arith.addi %bitcast_convert_type3A_153, %add3A_155 : vector<1x128xi32>
    %shift_right_logical3A_157 = arith.constant 16 : i32
    %shift_right_logical3A_158 = vector.broadcast %shift_right_logical3A_157 : i32 to vector<1x128xi32>
    %shift_right_logical3A_159 = arith.shrui %bitcast_convert_type3A_153, %shift_right_logical3A_158 : vector<1x128xi32>
    %and3A_160 = arith.constant 1 : i32
    %and3A_161 = vector.broadcast %and3A_160 : i32 to vector<1x128xi32>
    %and3A_162 = arith.andi %shift_right_logical3A_159, %and3A_161 : vector<1x128xi32>
    %add3A_163 = arith.addi %add3A_156, %and3A_162 : vector<1x128xi32>
    %shift_right_logical3A_164 = arith.constant 16 : i32
    %shift_right_logical3A_165 = vector.broadcast %shift_right_logical3A_164 : i32 to vector<1x128xi32>
    %shift_right_logical3A_166 = arith.shrui %add3A_163, %shift_right_logical3A_165 : vector<1x128xi32>
    %shift_left3A_167 = arith.constant 16 : i32
    %shift_left3A_168 = vector.broadcast %shift_left3A_167 : i32 to vector<1x128xi32>
    %shift_left3A_169 = arith.shli %shift_right_logical3A_166, %shift_left3A_168 : vector<1x128xi32>
    %or3A_170 = arith.ori %shift_right_logical3A_139, %shift_left3A_169 : vector<1x128xi32>
    %swap3A_171 = arith.constant 2 : index
    %swap3A_172 = arith.constant 0 : index
    %swap3A_173 = vector.load %arg4[%swap3A_171, %swap3A_172] : memref<64x128xi32, #tpu.memory_space<vmem>>, vector<1x128xi32>
    tpu.vector_store %arg4[%swap3A_171, %swap3A_172], %or3A_170 {strides = array<i32>} : memref<64x128xi32, #tpu.memory_space<vmem>>, vector<1x128xi32>,
    %get3A_174 = arith.constant 384 : index
    %get3A_175 = arith.constant 0 : index
    %get3A_176 = vector.load %arg1[%get3A_174, %get3A_175] : memref<16384x128xf32, #tpu.memory_space<vmem>>, vector<128x128xf32>
    %get3A_177 = arith.constant 0 : index
    %get3A_178 = arith.constant 0 : index
    %get3A_179 = vector.load %arg2[%get3A_177, %get3A_178] : memref<1x128xf32, #tpu.memory_space<vmem>>, vector<1x128xf32>
    %dot_general3A_180 = arith.constant dense<0.000000e+00> : vector<1x128xf32>
    %dot_general3A_181 = tpu.matmul %get3A_179, %get3A_176, %dot_general3A_180 {dimension_numbers = #tpu.dot_dimension_numbers<[1], [1], [0], [0], [0, 0, 1, 0], [], []>, transpose_lhs_hint = false} : vector<1x128xf32>, vector<128x128xf32>, vector<1x128xf32> -> vector<1x128xf32>
    %get3A_182 = arith.constant 0 : index
    %get3A_183 = vector.load %arg3[%get3A_182] : memref<1xf32, #tpu.memory_space<vmem>>, vector<1xf32>
    %get3A_184 = vector.extract %get3A_183[0] : f32 from vector<1xf32>
    %add3A_185 = vector.broadcast %get3A_184 : f32 to vector<1x128xf32>
    %add3A_186 = arith.addf %dot_general3A_181, %add3A_185 : vector<1x128xf32>
    %bitcast_convert_type3A_187 = tpu.bitcast %add3A_186 : vector<1x128xf32> -> vector<1x128xi32>
    %add3A_188 = arith.constant 32767 : i32
    %add3A_189 = vector.broadcast %add3A_188 : i32 to vector<1x128xi32>
    %add3A_190 = arith.addi %bitcast_convert_type3A_187, %add3A_189 : vector<1x128xi32>
    %shift_right_logical3A_191 = arith.constant 16 : i32
    %shift_right_logical3A_192 = vector.broadcast %shift_right_logical3A_191 : i32 to vector<1x128xi32>
    %shift_right_logical3A_193 = arith.shrui %bitcast_convert_type3A_187, %shift_right_logical3A_192 : vector<1x128xi32>
    %and3A_194 = arith.constant 1 : i32
    %and3A_195 = vector.broadcast %and3A_194 : i32 to vector<1x128xi32>
    %and3A_196 = arith.andi %shift_right_logical3A_193, %and3A_195 : vector<1x128xi32>
    %add3A_197 = arith.addi %add3A_190, %and3A_196 : vector<1x128xi32>
    %shift_right_logical3A_198 = arith.constant 16 : i32
    %shift_right_logical3A_199 = vector.broadcast %shift_right_logical3A_198 : i32 to vector<1x128xi32>
    %shift_right_logical3A_200 = arith.shrui %add3A_197, %shift_right_logical3A_199 : vector<1x128xi32>
    %get3A_201 = arith.constant 8576 : index
    %get3A_202 = arith.constant 0 : index
    %get3A_203 = vector.load %arg1[%get3A_201, %get3A_202] : memref<16384x128xf32, #tpu.memory_space<vmem>>, vector<128x128xf32>
    %get3A_204 = arith.constant 0 : index
    %get3A_205 = arith.constant 0 : index
    %get3A_206 = vector.load %arg2[%get3A_204, %get3A_205] : memref<1x128xf32, #tpu.memory_space<vmem>>, vector<1x128xf32>
    %dot_general3A_207 = arith.constant dense<0.000000e+00> : vector<1x128xf32>
    %dot_general3A_208 = tpu.matmul %get3A_206, %get3A_203, %dot_general3A_207 {dimension_numbers = #tpu.dot_dimension_numbers<[1], [1], [0], [0], [0, 0, 1, 0], [], []>, transpose_lhs_hint = false} : vector<1x128xf32>, vector<128x128xf32>, vector<1x128xf32> -> vector<1x128xf32>
    %get3A_209 = arith.constant 0 : index
    %get3A_210 = vector.load %arg3[%get3A_209] : memref<1xf32, #tpu.memory_space<vmem>>, vector<1xf32>
    %get3A_211 = vector.extract %get3A_210[0] : f32 from vector<1xf32>
    %add3A_212 = vector.broadcast %get3A_211 : f32 to vector<1x128xf32>
    %add3A_213 = arith.addf %dot_general3A_208, %add3A_212 : vector<1x128xf32>
    %bitcast_convert_type3A_214 = tpu.bitcast %add3A_213 : vector<1x128xf32> -> vector<1x128xi32>
    %add3A_215 = arith.constant 32767 : i32
    %add3A_216 = vector.broadcast %add3A_215 : i32 to vector<1x128xi32>
    %add3A_217 = arith.addi %bitcast_convert_type3A_214, %add3A_216 : vector<1x128xi32>
    %shift_right_logical3A_218 = arith.constant 16 : i32
    %shift_right_logical3A_219 = vector.broadcast %shift_right_logical3A_218 : i32 to vector<1x128xi32>
    %shift_right_logical3A_220 = arith.shrui %bitcast_convert_type3A_214, %shift_right_logical3A_219 : vector<1x128xi32>
    %and3A_221 = arith.constant 1 : i32
    %and3A_222 = vector.broadcast %and3A_221 : i32 to vector<1x128xi32>
    %and3A_223 = arith.andi %shift_right_logical3A_220, %and3A_222 : vector<1x128xi32>
    %add3A_224 = arith.addi %add3A_217, %and3A_223 : vector<1x128xi32>
    %shift_right_logical3A_225 = arith.constant 16 : i32
    %shift_right_logical3A_226 = vector.broadcast %shift_right_logical3A_225 : i32 to vector<1x128xi32>
    %shift_right_logical3A_227 = arith.shrui %add3A_224, %shift_right_logical3A_226 : vector<1x128xi32>
    %shift_left3A_228 = arith.constant 16 : i32
    %shift_left3A_229 = vector.broadcast %shift_left3A_228 : i32 to vector<1x128xi32>
    %shift_left3A_230 = arith.shli %shift_right_logical3A_227, %shift_left3A_229 : vector<1x128xi32>
    %or3A_231 = arith.ori %shift_right_logical3A_200, %shift_left3A_230 : vector<1x128xi32>
    %swap3A_232 = arith.constant 3 : index
    %swap3A_233 = arith.constant 0 : index
    %swap3A_234 = vector.load %arg4[%swap3A_232, %swap3A_233] : memref<64x128xi32, #tpu.memory_space<vmem>>, vector<1x128xi32>
    tpu.vector_store %arg4[%swap3A_232, %swap3A_233], %or3A_231 {strides = array<i32>} : memref<64x128xi32, #tpu.memory_space<vmem>>, vector<1x128xi32>,
    %get3A_235 = arith.constant 512 : index
    %get3A_236 = arith.constant 0 : index
    %get3A_237 = vector.load %arg1[%get3A_235, %get3A_236] : memref<16384x128xf32, #tpu.memory_space<vmem>>, vector<128x128xf32>
    %get3A_238 = arith.constant 0 : index
    %get3A_239 = arith.constant 0 : index
    %get3A_240 = vector.load %arg2[%get3A_238, %get3A_239] : memref<1x128xf32, #tpu.memory_space<vmem>>, vector<1x128xf32>
    %dot_general3A_241 = arith.constant dense<0.000000e+00> : vector<1x128xf32>
    %dot_general3A_242 = tpu.matmul %get3A_240, %get3A_237, %dot_general3A_241 {dimension_numbers = #tpu.dot_dimension_numbers<[1], [1], [0], [0], [0, 0, 1, 0], [], []>, transpose_lhs_hint = false} : vector<1x128xf32>, vector<128x128xf32>, vector<1x128xf32> -> vector<1x128xf32>
    %get3A_243 = arith.constant 0 : index
    %get3A_244 = vector.load %arg3[%get3A_243] : memref<1xf32, #tpu.memory_space<vmem>>, vector<1xf32>
    %get3A_245 = vector.extract %get3A_244[0] : f32 from vector<1xf32>
    %add3A_246 = vector.broadcast %get3A_245 : f32 to vector<1x128xf32>
    %add3A_247 = arith.addf %dot_general3A_242, %add3A_246 : vector<1x128xf32>
    %bitcast_convert_type3A_248 = tpu.bitcast %add3A_247 : vector<1x128xf32> -> vector<1x128xi32>
    %add3A_249 = arith.constant 32767 : i32
    %add3A_250 = vector.broadcast %add3A_249 : i32 to vector<1x128xi32>
    %add3A_251 = arith.addi %bitcast_convert_type3A_248, %add3A_250 : vector<1x128xi32>
    %shift_right_logical3A_252 = arith.constant 16 : i32
    %shift_right_logical3A_253 = vector.broadcast %shift_right_logical3A_252 : i32 to vector<1x128xi32>
    %shift_right_logical3A_254 = arith.shrui %bitcast_convert_type3A_248, %shift_right_logical3A_253 : vector<1x128xi32>
    %and3A_255 = arith.constant 1 : i32
    %and3A_256 = vector.broadcast %and3A_255 : i32 to vector<1x128xi32>
    %and3A_257 = arith.andi %shift_right_logical3A_254, %and3A_256 : vector<1x128xi32>
    %add3A_258 = arith.addi %add3A_251, %and3A_257 : vector<1x128xi32>
    %shift_right_logical3A_259 = arith.constant 16 : i32
    %shift_right_logical3A_260 = vector.broadcast %shift_right_logical3A_259 : i32 to vector<1x128xi32>
    %shift_right_logical3A_261 = arith.shrui %add3A_258, %shift_right_logical3A_260 : vector<1x128xi32>
    %get3A_262 = arith.constant 8704 : index
    %get3A_263 = arith.constant 0 : index
    %get3A_264 = vector.load %arg1[%get3A_262, %get3A_263] : memref<16384x128xf32, #tpu.memory_space<vmem>>, vector<128x128xf32>
    %get3A_265 = arith.constant 0 : index
    %get3A_266 = arith.constant 0 : index
    %get3A_267 = vector.load %arg2[%get3A_265, %get3A_266] : memref<1x128xf32, #tpu.memory_space<vmem>>, vector<1x128xf32>
    %dot_general3A_268 = arith.constant dense<0.000000e+00> : vector<1x128xf32>
    %dot_general3A_269 = tpu.matmul %get3A_267, %get3A_264, %dot_general3A_268 {dimension_numbers = #tpu.dot_dimension_numbers<[1], [1], [0], [0], [0, 0, 1, 0], [], []>, transpose_lhs_hint = false} : vector<1x128xf32>, vector<128x128xf32>, vector<1x128xf32> -> vector<1x128xf32>
    %get3A_270 = arith.constant 0 : index
    %get3A_271 = vector.load %arg3[%get3A_270] : memref<1xf32, #tpu.memory_space<vmem>>, vector<1xf32>
    %get3A_272 = vector.extract %get3A_271[0] : f32 from vector<1xf32>
    %add3A_273 = vector.broadcast %get3A_272 : f32 to vector<1x128xf32>
    %add3A_274 = arith.addf %dot_general3A_269, %add3A_273 : vector<1x128xf32>
    %bitcast_convert_type3A_275 = tpu.bitcast %add3A_274 : vector<1x128xf32> -> vector<1x128xi32>
    %add3A_276 = arith.constant 32767 : i32
    %add3A_277 = vector.broadcast %add3A_276 : i32 to vector<1x128xi32>
    %add3A_278 = arith.addi %bitcast_convert_type3A_275, %add3A_277 : vector<1x128xi32>
    %shift_right_logical3A_279 = arith.constant 16 : i32
    %shift_right_logical3A_280 = vector.broadcast %shift_right_logical3A_279 : i32 to vector<1x128xi32>
    %shift_right_logical3A_281 = arith.shrui %bitcast_convert_type3A_275, %shift_right_logical3A_280 : vector<1x128xi32>
    %and3A_282 = arith.constant 1 : i32
    %and3A_283 = vector.broadcast %and3A_282 : i32 to vector<1x128xi32>
    %and3A_284 = arith.andi %shift_right_logical3A_281, %and3A_283 : vector<1x128xi32>
    %add3A_285 = arith.addi %add3A_278, %and3A_284 : vector<1x128xi32>
    %shift_right_logical3A_286 = arith.constant 16 : i32
    %shift_right_logical3A_287 = vector.broadcast %shift_right_logical3A_286 : i32 to vector<1x128xi32>
    %shift_right_logical3A_288 = arith.shrui %add3A_285, %shift_right_logical3A_287 : vector<1x128xi32>
    %shift_left3A_289 = arith.constant 16 : i32
    %shift_left3A_290 = vector.broadcast %shift_left3A_289 : i32 to vector<1x128xi32>
    %shift_left3A_291 = arith.shli %shift_right_logical3A_288, %shift_left3A_290 : vector<1x128xi32>
    %or3A_292 = arith.ori %shift_right_logical3A_261, %shift_left3A_291 : vector<1x128xi32>
    %swap3A_293 = arith.constant 4 : index
    %swap3A_294 = arith.constant 0 : index
    %swap3A_295 = vector.load %arg4[%swap3A_293, %swap3A_294] : memref<64x128xi32, #tpu.memory_space<vmem>>, vector<1x128xi32>
    tpu.vector_store %arg4[%swap3A_293, %swap3A_294], %or3A_292 {strides = array<i32>} : memref<64x128xi32, #tpu.memory_space<vmem>>, vector<1x128xi32>,
    %get3A_296 = arith.constant 640 : index
    %get3A_297 = arith.constant 0 : index
    %get3A_298 = vector.load %arg1[%get3A_296, %get3A_297] : memref<16384x128xf32, #tpu.memory_space<vmem>>, vector<128x128xf32>
    %get3A_299 = arith.constant 0 : index
    %get3A_300 = arith.constant 0 : index
    %get3A_301 = vector.load %arg2[%get3A_299, %get3A_300] : memref<1x128xf32, #tpu.memory_space<vmem>>, vector<1x128xf32>
    %dot_general3A_302 = arith.constant dense<0.000000e+00> : vector<1x128xf32>
    %dot_general3A_303 = tpu.matmul %get3A_301, %get3A_298, %dot_general3A_302 {dimension_numbers = #tpu.dot_dimension_numbers<[1], [1], [0], [0], [0, 0, 1, 0], [], []>, transpose_lhs_hint = false} : vector<1x128xf32>, vector<128x128xf32>, vector<1x128xf32> -> vector<1x128xf32>
    %get3A_304 = arith.constant 0 : index
    %get3A_305 = vector.load %arg3[%get3A_304] : memref<1xf32, #tpu.memory_space<vmem>>, vector<1xf32>
    %get3A_306 = vector.extract %get3A_305[0] : f32 from vector<1xf32>
    %add3A_307 = vector.broadcast %get3A_306 : f32 to vector<1x128xf32>
    %add3A_308 = arith.addf %dot_general3A_303, %add3A_307 : vector<1x128xf32>
    %bitcast_convert_type3A_309 = tpu.bitcast %add3A_308 : vector<1x128xf32> -> vector<1x128xi32>
    %add3A_310 = arith.constant 32767 : i32
    %add3A_311 = vector.broadcast %add3A_310 : i32 to vector<1x128xi32>
    %add3A_312 = arith.addi %bitcast_convert_type3A_309, %add3A_311 : vector<1x128xi32>
    %shift_right_logical3A_313 = arith.constant 16 : i32
    %shift_right_logical3A_314 = vector.broadcast %shift_right_logical3A_313 : i32 to vector<1x128xi32>
    %shift_right_logical3A_315 = arith.shrui %bitcast_convert_type3A_309, %shift_right_logical3A_314 : vector<1x128xi32>
    %and3A_316 = arith.constant 1 : i32
    %and3A_317 = vector.broadcast %and3A_316 : i32 to vector<1x128xi32>
    %and3A_318 = arith.andi %shift_right_logical3A_315, %and3A_317 : vector<1x128xi32>
    %add3A_319 = arith.addi %add3A_312, %and3A_318 : vector<1x128xi32>
    %shift_right_logical3A_320 = arith.constant 16 : i32
    %shift_right_logical3A_321 = vector.broadcast %shift_right_logical3A_320 : i32 to vector<1x128xi32>
    %shift_right_logical3A_322 = arith.shrui %add3A_319, %shift_right_logical3A_321 : vector<1x128xi32>
    %get3A_323 = arith.constant 8832 : index
    %get3A_324 = arith.constant 0 : index
    %get3A_325 = vector.load %arg1[%get3A_323, %get3A_324] : memref<16384x128xf32, #tpu.memory_space<vmem>>, vector<128x128xf32>
    %get3A_326 = arith.constant 0 : index
    %get3A_327 = arith.constant 0 : index
    %get3A_328 = vector.load %arg2[%get3A_326, %get3A_327] : memref<1x128xf32, #tpu.memory_space<vmem>>, vector<1x128xf32>
    %dot_general3A_329 = arith.constant dense<0.000000e+00> : vector<1x128xf32>
    %dot_general3A_330 = tpu.matmul %get3A_328, %get3A_325, %dot_general3A_329 {dimension_numbers = #tpu.dot_dimension_numbers<[1], [1], [0], [0], [0, 0, 1, 0], [], []>, transpose_lhs_hint = false} : vector<1x128xf32>, vector<128x128xf32>, vector<1x128xf32> -> vector<1x128xf32>
    %get3A_331 = arith.constant 0 : index
    %get3A_332 = vector.load %arg3[%get3A_331] : memref<1xf32, #tpu.memory_space<vmem>>, vector<1xf32>
    %get3A_333 = vector.extract %get3A_332[0] : f32 from vector<1xf32>
    %add3A_334 = vector.broadcast %get3A_333 : f32 to vector<1x128xf32>
    %add3A_335 = arith.addf %dot_general3A_330, %add3A_334 : vector<1x128xf32>
    %bitcast_convert_type3A_336 = tpu.bitcast %add3A_335 : vector<1x128xf32> -> vector<1x128xi32>
    %add3A_337 = arith.constant 32767 : i32
    %add3A_338 = vector.broadcast %add3A_337 : i32 to vector<1x128xi32>
    %add3A_339 = arith.addi %bitcast_convert_type3A_336, %add3A_338 : vector<1x128xi32>
    %shift_right_logical3A_340 = arith.constant 16 : i32
    %shift_right_logical3A_341 = vector.broadcast %shift_right_logical3A_340 : i32 to vector<1x128xi32>
    %shift_right_logical3A_342 = arith.shrui %bitcast_convert_type3A_336, %shift_right_logical3A_341 : vector<1x128xi32>
    %and3A_343 = arith.constant 1 : i32
    %and3A_344 = vector.broadcast %and3A_343 : i32 to vector<1x128xi32>
    %and3A_345 = arith.andi %shift_right_logical3A_342, %and3A_344 : vector<1x128xi32>
    %add3A_346 = arith.addi %add3A_339, %and3A_345 : vector<1x128xi32>
    %shift_right_logical3A_347 = arith.constant 16 : i32
    %shift_right_logical3A_348 = vector.broadcast %shift_right_logical3A_347 : i32 to vector<1x128xi32>
    %shift_right_logical3A_349 = arith.shrui %add3A_346, %shift_right_logical3A_348 : vector<1x128xi32>
    %shift_left3A_350 = arith.constant 16 : i32
    %shift_left3A_351 = vector.broadcast %shift_left3A_350 : i32 to vector<1x128xi32>
    %shift_left3A_352 = arith.shli %shift_right_logical3A_349, %shift_left3A_351 : vector<1x128xi32>
    %or3A_353 = arith.ori %shift_right_logical3A_322, %shift_left3A_352 : vector<1x128xi32>
    %swap3A_354 = arith.constant 5 : index
    %swap3A_355 = arith.constant 0 : index
    %swap3A_356 = vector.load %arg4[%swap3A_354, %swap3A_355] : memref<64x128xi32, #tpu.memory_space<vmem>>, vector<1x128xi32>
    tpu.vector_store %arg4[%swap3A_354, %swap3A_355], %or3A_353 {strides = array<i32>} : memref<64x128xi32, #tpu.memory_space<vmem>>, vector<1x128xi32>,
    %get3A_357 = arith.constant 768 : index
    %get3A_358 = arith.constant 0 : index
    %get3A_359 = vector.load %arg1[%get3A_357, %get3A_358] : memref<16384x128xf32, #tpu.memory_space<vmem>>, vector<128x128xf32>
    %get3A_360 = arith.constant 0 : index
    %get3A_361 = arith.constant 0 : index
    %get3A_362 = vector.load %arg2[%get3A_360, %get3A_361] : memref<1x128xf32, #tpu.memory_space<vmem>>, vector<1x128xf32>
    %dot_general3A_363 = arith.constant dense<0.000000e+00> : vector<1x128xf32>
    %dot_general3A_364 = tpu.matmul %get3A_362, %get3A_359, %dot_general3A_363 {dimension_numbers = #tpu.dot_dimension_numbers<[1], [1], [0], [0], [0, 0, 1, 0], [], []>, transpose_lhs_hint = false} : vector<1x128xf32>, vector<128x128xf32>, vector<1x128xf32> -> vector<1x128xf32>
    %get3A_365 = arith.constant 0 : index
    %get3A_366 = vector.load %arg3[%get3A_365] : memref<1xf32, #tpu.memory_space<vmem>>, vector<1xf32>
    %get3A_367 = vector.extract %get3A_366[0] : f32 from vector<1xf32>
    %add3A_368 = vector.broadcast %get3A_367 : f32 to vector<1x128xf32>
    %add3A_369 = arith.addf %dot_general3A_364, %add3A_368 : vector<1x128xf32>
    %bitcast_convert_type3A_370 = tpu.bitcast %add3A_369 : vector<1x128xf32> -> vector<1x128xi32>
    %add3A_371 = arith.constant 32767 : i32
    %add3A_372 = vector.broadcast %add3A_371 : i32 to vector<1x128xi32>
    %add3A_373 = arith.addi %bitcast_convert_type3A_370, %add3A_372 : vector<1x128xi32>
    %shift_right_logical3A_374 = arith.constant 16 : i32
    %shift_right_logical3A_375 = vector.broadcast %shift_right_logical3A_374 : i32 to vector<1x128xi32>
    %shift_right_logical3A_376 = arith.shrui %bitcast_convert_type3A_370, %shift_right_logical3A_375 : vector<1x128xi32>
    %and3A_377 = arith.constant 1 : i32
    %and3A_378 = vector.broadcast %and3A_377 : i32 to vector<1x128xi32>
    %and3A_379 = arith.andi %shift_right_logical3A_376, %and3A_378 : vector<1x128xi32>
    %add3A_380 = arith.addi %add3A_373, %and3A_379 : vector<1x128xi32>
    %shift_right_logical3A_381 = arith.constant 16 : i32
    %shift_right_logical3A_382 = vector.broadcast %shift_right_logical3A_381 : i32 to vector<1x128xi32>
    %shift_right_logical3A_383 = arith.shrui %add3A_380, %shift_right_logical3A_382 : vector<1x128xi32>
    %get3A_384 = arith.constant 8960 : index
    %get3A_385 = arith.constant 0 : index
    %get3A_386 = vector.load %arg1[%get3A_384, %get3A_385] : memref<16384x128xf32, #tpu.memory_space<vmem>>, vector<128x128xf32>
    %get3A_387 = arith.constant 0 : index
    %get3A_388 = arith.constant 0 : index
    %get3A_389 = vector.load %arg2[%get3A_387, %get3A_388] : memref<1x128xf32, #tpu.memory_space<vmem>>, vector<1x128xf32>
    %dot_general3A_390 = arith.constant dense<0.000000e+00> : vector<1x128xf32>
    %dot_general3A_391 = tpu.matmul %get3A_389, %get3A_386, %dot_general3A_390 {dimension_numbers = #tpu.dot_dimension_numbers<[1], [1], [0], [0], [0, 0, 1, 0], [], []>, transpose_lhs_hint = false} : vector<1x128xf32>, vector<128x128xf32>, vector<1x128xf32> -> vector<1x128xf32>
    %get3A_392 = arith.constant 0 : index
    %get3A_393 = vector.load %arg3[%get3A_392] : memref<1xf32, #tpu.memory_space<vmem>>, vector<1xf32>
    %get3A_394 = vector.extract %get3A_393[0] : f32 from vector<1xf32>
    %add3A_395 = vector.broadcast %get3A_394 : f32 to vector<1x128xf32>
    %add3A_396 = arith.addf %dot_general3A_391, %add3A_395 : vector<1x128xf32>
    %bitcast_convert_type3A_397 = tpu.bitcast %add3A_396 : vector<1x128xf32> -> vector<1x128xi32>
    %add3A_398 = arith.constant 32767 : i32
    %add3A_399 = vector.broadcast %add3A_398 : i32 to vector<1x128xi32>
    %add3A_400 = arith.addi %bitcast_convert_type3A_397, %add3A_399 : vector<1x128xi32>
    %shift_right_logical3A_401 = arith.constant 16 : i32
    %shift_right_logical3A_402 = vector.broadcast %shift_right_logical3A_401 : i32 to vector<1x128xi32>
    %shift_right_logical3A_403 = arith.shrui %bitcast_convert_type3A_397, %shift_right_logical3A_402 : vector<1x128xi32>
    %and3A_404 = arith.constant 1 : i32
    %and3A_405 = vector.broadcast %and3A_404 : i32 to vector<1x128xi32>
    %and3A_406 = arith.andi %shift_right_logical3A_403, %and3A_405 : vector<1x128xi32>
    %add3A_407 = arith.addi %add3A_400, %and3A_406 : vector<1x128xi32>
    %shift_right_logical3A_408 = arith.constant 16 : i32
    %shift_right_logical3A_409 = vector.broadcast %shift_right_logical3A_408 : i32 to vector<1x128xi32>
    %shift_right_logical3A_410 = arith.shrui %add3A_407, %shift_right_logical3A_409 : vector<1x128xi32>
    %shift_left3A_411 = arith.constant 16 : i32
    %shift_left3A_412 = vector.broadcast %shift_left3A_411 : i32 to vector<1x128xi32>
    %shift_left3A_413 = arith.shli %shift_right_logical3A_410, %shift_left3A_412 : vector<1x128xi32>
    %or3A_414 = arith.ori %shift_right_logical3A_383, %shift_left3A_413 : vector<1x128xi32>
    %swap3A_415 = arith.constant 6 : index
    %swap3A_416 = arith.constant 0 : index
    %swap3A_417 = vector.load %arg4[%swap3A_415, %swap3A_416] : memref<64x128xi32, #tpu.memory_space<vmem>>, vector<1x128xi32>
    tpu.vector_store %arg4[%swap3A_415, %swap3A_416], %or3A_414 {strides = array<i32>} : memref<64x128xi32, #tpu.memory_space<vmem>>, vector<1x128xi32>,
    %get3A_418 = arith.constant 896 : index
    %get3A_419 = arith.constant 0 : index
    %get3A_420 = vector.load %arg1[%get3A_418, %get3A_419] : memref<16384x128xf32, #tpu.memory_space<vmem>>, vector<128x128xf32>
    %get3A_421 = arith.constant 0 : index
    %get3A_422 = arith.constant 0 : index
    %get3A_423 = vector.load %arg2[%get3A_421, %get3A_422] : memref<1x128xf32, #tpu.memory_space<vmem>>, vector<1x128xf32>
    %dot_general3A_424 = arith.constant dense<0.000000e+00> : vector<1x128xf32>
    %dot_general3A_425 = tpu.matmul %get3A_423, %get3A_420, %dot_general3A_424 {dimension_numbers = #tpu.dot_dimension_numbers<[1], [1], [0], [0], [0, 0, 1, 0], [], []>, transpose_lhs_hint = false} : vector<1x128xf32>, vector<128x128xf32>, vector<1x128xf32> -> vector<1x128xf32>
    %get3A_426 = arith.constant 0 : index
    %get3A_427 = vector.load %arg3[%get3A_426] : memref<1xf32, #tpu.memory_space<vmem>>, vector<1xf32>
    %get3A_428 = vector.extract %get3A_427[0] : f32 from vector<1xf32>
    %add3A_429 = vector.broadcast %get3A_428 : f32 to vector<1x128xf32>
    %add3A_430 = arith.addf %dot_general3A_425, %add3A_429 : vector<1x128xf32>
    %bitcast_convert_type3A_431 = tpu.bitcast %add3A_430 : vector<1x128xf32> -> vector<1x128xi32>
    %add3A_432 = arith.constant 32767 : i32
    %add3A_433 = vector.broadcast %add3A_432 : i32 to vector<1x128xi32>
    %add3A_434 = arith.addi %bitcast_convert_type3A_431, %add3A_433 : vector<1x128xi32>
    %shift_right_logical3A_435 = arith.constant 16 : i32
    %shift_right_logical3A_436 = vector.broadcast %shift_right_logical3A_435 : i32 to vector<1x128xi32>
    %shift_right_logical3A_437 = arith.shrui %bitcast_convert_type3A_431, %shift_right_logical3A_436 : vector<1x128xi32>
    %and3A_438 = arith.constant 1 : i32
    %and3A_439 = vector.broadcast %and3A_438 : i32 to vector<1x128xi32>
    %and3A_440 = arith.andi %shift_right_logical3A_437, %and3A_439 : vector<1x128xi32>
    %add3A_441 = arith.addi %add3A_434, %and3A_440 : vector<1x128xi32>
    %shift_right_logical3A_442 = arith.constant 16 : i32
    %shift_right_logical3A_443 = vector.broadcast %shift_right_logical3A_442 : i32 to vector<1x128xi32>
    %shift_right_logical3A_444 = arith.shrui %add3A_441, %shift_right_logical3A_443 : vector<1x128xi32>
    %get3A_445 = arith.constant 9088 : index
    %get3A_446 = arith.constant 0 : index
    %get3A_447 = vector.load %arg1[%get3A_445, %get3A_446] : memref<16384x128xf32, #tpu.memory_space<vmem>>, vector<128x128xf32>
    %get3A_448 = arith.constant 0 : index
    %get3A_449 = arith.constant 0 : index
    %get3A_450 = vector.load %arg2[%get3A_448, %get3A_449] : memref<1x128xf32, #tpu.memory_space<vmem>>, vector<1x128xf32>
    %dot_general3A_451 = arith.constant dense<0.000000e+00> : vector<1x128xf32>
    %dot_general3A_452 = tpu.matmul %get3A_450, %get3A_447, %dot_general3A_451 {dimension_numbers = #tpu.dot_dimension_numbers<[1], [1], [0], [0], [0, 0, 1, 0], [], []>, transpose_lhs_hint = false} : vector<1x128xf32>, vector<128x128xf32>, vector<1x128xf32> -> vector<1x128xf32>
    %get3A_453 = arith.constant 0 : index
    %get3A_454 = vector.load %arg3[%get3A_453] : memref<1xf32, #tpu.memory_space<vmem>>, vector<1xf32>
    %get3A_455 = vector.extract %get3A_454[0] : f32 from vector<1xf32>
    %add3A_456 = vector.broadcast %get3A_455 : f32 to vector<1x128xf32>
    %add3A_457 = arith.addf %dot_general3A_452, %add3A_456 : vector<1x128xf32>
    %bitcast_convert_type3A_458 = tpu.bitcast %add3A_457 : vector<1x128xf32> -> vector<1x128xi32>
    %add3A_459 = arith.constant 32767 : i32
    %add3A_460 = vector.broadcast %add3A_459 : i32 to vector<1x128xi32>
    %add3A_461 = arith.addi %bitcast_convert_type3A_458, %add3A_460 : vector<1x128xi32>
    %shift_right_logical3A_462 = arith.constant 16 : i32
    %shift_right_logical3A_463 = vector.broadcast %shift_right_logical3A_462 : i32 to vector<1x128xi32>
    %shift_right_logical3A_464 = arith.shrui %bitcast_convert_type3A_458, %shift_right_logical3A_463 : vector<1x128xi32>
    %and3A_465 = arith.constant 1 : i32
    %and3A_466 = vector.broadcast %and3A_465 : i32 to vector<1x128xi32>
    %and3A_467 = arith.andi %shift_right_logical3A_464, %and3A_466 : vector<1x128xi32>
    %add3A_468 = arith.addi %add3A_461, %and3A_467 : vector<1x128xi32>
    %shift_right_logical3A_469 = arith.constant 16 : i32
    %shift_right_logical3A_470 = vector.broadcast %shift_right_logical3A_469 : i32 to vector<1x128xi32>
    %shift_right_logical3A_471 = arith.shrui %add3A_468, %shift_right_logical3A_470 : vector<1x128xi32>
    %shift_left3A_472 = arith.constant 16 : i32
    %shift_left3A_473 = vector.broadcast %shift_left3A_472 : i32 to vector<1x128xi32>
    %shift_left3A_474 = arith.shli %shift_right_logical3A_471, %shift_left3A_473 : vector<1x128xi32>
    %or3A_475 = arith.ori %shift_right_logical3A_444, %shift_left3A_474 : vector<1x128xi32>
    %swap3A_476 = arith.constant 7 : index
    %swap3A_477 = arith.constant 0 : index
    %swap3A_478 = vector.load %arg4[%swap3A_476, %swap3A_477] : memref<64x128xi32, #tpu.memory_space<vmem>>, vector<1x128xi32>
    tpu.vector_store %arg4[%swap3A_476, %swap3A_477], %or3A_475 {strides = array<i32>} : memref<64x128xi32, #tpu.memory_space<vmem>>, vector<1x128xi32>,
    %get3A_479 = arith.constant 1024 : index
    %get3A_480 = arith.constant 0 : index
    %get3A_481 = vector.load %arg1[%get3A_479, %get3A_480] : memref<16384x128xf32, #tpu.memory_space<vmem>>, vector<128x128xf32>
    %get3A_482 = arith.constant 0 : index
    %get3A_483 = arith.constant 0 : index
    %get3A_484 = vector.load %arg2[%get3A_482, %get3A_483] : memref<1x128xf32, #tpu.memory_space<vmem>>, vector<1x128xf32>
    %dot_general3A_485 = arith.constant dense<0.000000e+00> : vector<1x128xf32>
    %dot_general3A_486 = tpu.matmul %get3A_484, %get3A_481, %dot_general3A_485 {dimension_numbers = #tpu.dot_dimension_numbers<[1], [1], [0], [0], [0, 0, 1, 0], [], []>, transpose_lhs_hint = false} : vector<1x128xf32>, vector<128x128xf32>, vector<1x128xf32> -> vector<1x128xf32>
    %get3A_487 = arith.constant 0 : index
    %get3A_488 = vector.load %arg3[%get3A_487] : memref<1xf32, #tpu.memory_space<vmem>>, vector<1xf32>
    %get3A_489 = vector.extract %get3A_488[0] : f32 from vector<1xf32>
    %add3A_490 = vector.broadcast %get3A_489 : f32 to vector<1x128xf32>
    %add3A_491 = arith.addf %dot_general3A_486, %add3A_490 : vector<1x128xf32>
    %bitcast_convert_type3A_492 = tpu.bitcast %add3A_491 : vector<1x128xf32> -> vector<1x128xi32>
    %add3A_493 = arith.constant 32767 : i32
    %add3A_494 = vector.broadcast %add3A_493 : i32 to vector<1x128xi32>
    %add3A_495 = arith.addi %bitcast_convert_type3A_492, %add3A_494 : vector<1x128xi32>
    %shift_right_logical3A_496 = arith.constant 16 : i32
    %shift_right_logical3A_497 = vector.broadcast %shift_right_logical3A_496 : i32 to vector<1x128xi32>
    %shift_right_logical3A_498 = arith.shrui %bitcast_convert_type3A_492, %shift_right_logical3A_497 : vector<1x128xi32>
    %and3A_499 = arith.constant 1 : i32
    %and3A_500 = vector.broadcast %and3A_499 : i32 to vector<1x128xi32>
    %and3A_501 = arith.andi %shift_right_logical3A_498, %and3A_500 : vector<1x128xi32>
    %add3A_502 = arith.addi %add3A_495, %and3A_501 : vector<1x128xi32>
    %shift_right_logical3A_503 = arith.constant 16 : i32
    %shift_right_logical3A_504 = vector.broadcast %shift_right_logical3A_503 : i32 to vector<1x128xi32>
    %shift_right_logical3A_505 = arith.shrui %add3A_502, %shift_right_logical3A_504 : vector<1x128xi32>
    %get3A_506 = arith.constant 9216 : index
    %get3A_507 = arith.constant 0 : index
    %get3A_508 = vector.load %arg1[%get3A_506, %get3A_507] : memref<16384x128xf32, #tpu.memory_space<vmem>>, vector<128x128xf32>
    %get3A_509 = arith.constant 0 : index
    %get3A_510 = arith.constant 0 : index
    %get3A_511 = vector.load %arg2[%get3A_509, %get3A_510] : memref<1x128xf32, #tpu.memory_space<vmem>>, vector<1x128xf32>
    %dot_general3A_512 = arith.constant dense<0.000000e+00> : vector<1x128xf32>
    %dot_general3A_513 = tpu.matmul %get3A_511, %get3A_508, %dot_general3A_512 {dimension_numbers = #tpu.dot_dimension_numbers<[1], [1], [0], [0], [0, 0, 1, 0], [], []>, transpose_lhs_hint = false} : vector<1x128xf32>, vector<128x128xf32>, vector<1x128xf32> -> vector<1x128xf32>
    %get3A_514 = arith.constant 0 : index
    %get3A_515 = vector.load %arg3[%get3A_514] : memref<1xf32, #tpu.memory_space<vmem>>, vector<1xf32>
    %get3A_516 = vector.extract %get3A_515[0] : f32 from vector<1xf32>
    %add3A_517 = vector.broadcast %get3A_516 : f32 to vector<1x128xf32>
    %add3A_518 = arith.addf %dot_general3A_513, %add3A_517 : vector<1x128xf32>
    %bitcast_convert_type3A_519 = tpu.bitcast %add3A_518 : vector<1x128xf32> -> vector<1x128xi32>
    %add3A_520 = arith.constant 32767 : i32
    %add3A_521 = vector.broadcast %add3A_520 : i32 to vector<1x128xi32>
    %add3A_522 = arith.addi %bitcast_convert_type3A_519, %add3A_521 : vector<1x128xi32>
    %shift_right_logical3A_523 = arith.constant 16 : i32
    %shift_right_logical3A_524 = vector.broadcast %shift_right_logical3A_523 : i32 to vector<1x128xi32>
    %shift_right_logical3A_525 = arith.shrui %bitcast_convert_type3A_519, %shift_right_logical3A_524 : vector<1x128xi32>
    %and3A_526 = arith.constant 1 : i32
    %and3A_527 = vector.broadcast %and3A_526 : i32 to vector<1x128xi32>
    %and3A_528 = arith.andi %shift_right_logical3A_525, %and3A_527 : vector<1x128xi32>
    %add3A_529 = arith.addi %add3A_522, %and3A_528 : vector<1x128xi32>
    %shift_right_logical3A_530 = arith.constant 16 : i32
    %shift_right_logical3A_531 = vector.broadcast %shift_right_logical3A_530 : i32 to vector<1x128xi32>
    %shift_right_logical3A_532 = arith.shrui %add3A_529, %shift_right_logical3A_531 : vector<1x128xi32>
    %shift_left3A_533 = arith.constant 16 : i32
    %shift_left3A_534 = vector.broadcast %shift_left3A_533 : i32 to vector<1x128xi32>
    %shift_left3A_535 = arith.shli %shift_right_logical3A_532, %shift_left3A_534 : vector<1x128xi32>
    %or3A_536 = arith.ori %shift_right_logical3A_505, %shift_left3A_535 : vector<1x128xi32>
    %swap3A_537 = arith.constant 8 : index
    %swap3A_538 = arith.constant 0 : index
    %swap3A_539 = vector.load %arg4[%swap3A_537, %swap3A_538] : memref<64x128xi32, #tpu.memory_space<vmem>>, vector<1x128xi32>
    tpu.vector_store %arg4[%swap3A_537, %swap3A_538], %or3A_536 {strides = array<i32>} : memref<64x128xi32, #tpu.memory_space<vmem>>, vector<1x128xi32>,
    %get3A_540 = arith.constant 1152 : index
    %get3A_541 = arith.constant 0 : index
    %get3A_542 = vector.load %arg1[%get3A_540, %get3A_541] : memref<16384x128xf32, #tpu.memory_space<vmem>>, vector<128x128xf32>
    %get3A_543 = arith.constant 0 : index
    %get3A_544 = arith.constant 0 : index
    %get3A_545 = vector.load %arg2[%get3A_543, %get3A_544] : memref<1x128xf32, #tpu.memory_space<vmem>>, vector<1x128xf32>
    %dot_general3A_546 = arith.constant dense<0.000000e+00> : vector<1x128xf32>
    %dot_general3A_547 = tpu.matmul %get3A_545, %get3A_542, %dot_general3A_546 {dimension_numbers = #tpu.dot_dimension_numbers<[1], [1], [0], [0], [0, 0, 1, 0], [], []>, transpose_lhs_hint = false} : vector<1x128xf32>, vector<128x128xf32>, vector<1x128xf32> -> vector<1x128xf32>
    %get3A_548 = arith.constant 0 : index
    %get3A_549 = vector.load %arg3[%get3A_548] : memref<1xf32, #tpu.memory_space<vmem>>, vector<1xf32>
    %get3A_550 = vector.extract %get3A_549[0] : f32 from vector<1xf32>
    %add3A_551 = vector.broadcast %get3A_550 : f32 to vector<1x128xf32>
    %add3A_552 = arith.addf %dot_general3A_547, %add3A_551 : vector<1x128xf32>
    %bitcast_convert_type3A_553 = tpu.bitcast %add3A_552 : vector<1x128xf32> -> vector<1x128xi32>
    %add3A_554 = arith.constant 32767 : i32
    %add3A_555 = vector.broadcast %add3A_554 : i32 to vector<1x128xi32>
    %add3A_556 = arith.addi %bitcast_convert_type3A_553, %add3A_555 : vector<1x128xi32>
    %shift_right_logical3A_557 = arith.constant 16 : i32
    %shift_right_logical3A_558 = vector.broadcast %shift_right_logical3A_557 : i32 to vector<1x128xi32>
    %shift_right_logical3A_559 = arith.shrui %bitcast_convert_type3A_553, %shift_right_logical3A_558 : vector<1x128xi32>
    %and3A_560 = arith.constant 1 : i32
    %and3A_561 = vector.broadcast %and3A_560 : i32 to vector<1x128xi32>
    %and3A_562 = arith.andi %shift_right_logical3A_559, %and3A_561 : vector<1x128xi32>
    %add3A_563 = arith.addi %add3A_556, %and3A_562 : vector<1x128xi32>
    %shift_right_logical3A_564 = arith.constant 16 : i32
    %shift_right_logical3A_565 = vector.broadcast %shift_right_logical3A_564 : i32 to vector<1x128xi32>
    %shift_right_logical3A_566 = arith.shrui %add3A_563, %shift_right_logical3A_565 : vector<1x128xi32>
    %get3A_567 = arith.constant 9344 : index
    %get3A_568 = arith.constant 0 : index
    %get3A_569 = vector.load %arg1[%get3A_567, %get3A_568] : memref<16384x128xf32, #tpu.memory_space<vmem>>, vector<128x128xf32>
    %get3A_570 = arith.constant 0 : index
    %get3A_571 = arith.constant 0 : index
    %get3A_572 = vector.load %arg2[%get3A_570, %get3A_571] : memref<1x128xf32, #tpu.memory_space<vmem>>, vector<1x128xf32>
    %dot_general3A_573 = arith.constant dense<0.000000e+00> : vector<1x128xf32>
    %dot_general3A_574 = tpu.matmul %get3A_572, %get3A_569, %dot_general3A_573 {dimension_numbers = #tpu.dot_dimension_numbers<[1], [1], [0], [0], [0, 0, 1, 0], [], []>, transpose_lhs_hint = false} : vector<1x128xf32>, vector<128x128xf32>, vector<1x128xf32> -> vector<1x128xf32>
    %get3A_575 = arith.constant 0 : index
    %get3A_576 = vector.load %arg3[%get3A_575] : memref<1xf32, #tpu.memory_space<vmem>>, vector<1xf32>
    %get3A_577 = vector.extract %get3A_576[0] : f32 from vector<1xf32>
    %add3A_578 = vector.broadcast %get3A_577 : f32 to vector<1x128xf32>
    %add3A_579 = arith.addf %dot_general3A_574, %add3A_578 : vector<1x128xf32>
    %bitcast_convert_type3A_580 = tpu.bitcast %add3A_579 : vector<1x128xf32> -> vector<1x128xi32>
    %add3A_581 = arith.constant 32767 : i32
    %add3A_582 = vector.broadcast %add3A_581 : i32 to vector<1x128xi32>
    %add3A_583 = arith.addi %bitcast_convert_type3A_580, %add3A_582 : vector<1x128xi32>
    %shift_right_logical3A_584 = arith.constant 16 : i32
    %shift_right_logical3A_585 = vector.broadcast %shift_right_logical3A_584 : i32 to vector<1x128xi32>
    %shift_right_logical3A_586 = arith.shrui %bitcast_convert_type3A_580, %shift_right_logical3A_585 : vector<1x128xi32>
    %and3A_587 = arith.constant 1 : i32
    %and3A_588 = vector.broadcast %and3A_587 : i32 to vector<1x128xi32>
    %and3A_589 = arith.andi %shift_right_logical3A_586, %and3A_588 : vector<1x128xi32>
    %add3A_590 = arith.addi %add3A_583, %and3A_589 : vector<1x128xi32>
    %shift_right_logical3A_591 = arith.constant 16 : i32
    %shift_right_logical3A_592 = vector.broadcast %shift_right_logical3A_591 : i32 to vector<1x128xi32>
    %shift_right_logical3A_593 = arith.shrui %add3A_590, %shift_right_logical3A_592 : vector<1x128xi32>
    %shift_left3A_594 = arith.constant 16 : i32
    %shift_left3A_595 = vector.broadcast %shift_left3A_594 : i32 to vector<1x128xi32>
    %shift_left3A_596 = arith.shli %shift_right_logical3A_593, %shift_left3A_595 : vector<1x128xi32>
    %or3A_597 = arith.ori %shift_right_logical3A_566, %shift_left3A_596 : vector<1x128xi32>
    %swap3A_598 = arith.constant 9 : index
    %swap3A_599 = arith.constant 0 : index
    %swap3A_600 = vector.load %arg4[%swap3A_598, %swap3A_599] : memref<64x128xi32, #tpu.memory_space<vmem>>, vector<1x128xi32>
    tpu.vector_store %arg4[%swap3A_598, %swap3A_599], %or3A_597 {strides = array<i32>} : memref<64x128xi32, #tpu.memory_space<vmem>>, vector<1x128xi32>,
    %get3A_601 = arith.constant 1280 : index
    %get3A_602 = arith.constant 0 : index
    %get3A_603 = vector.load %arg1[%get3A_601, %get3A_602] : memref<16384x128xf32, #tpu.memory_space<vmem>>, vector<128x128xf32>
    %get3A_604 = arith.constant 0 : index
    %get3A_605 = arith.constant 0 : index
    %get3A_606 = vector.load %arg2[%get3A_604, %get3A_605] : memref<1x128xf32, #tpu.memory_space<vmem>>, vector<1x128xf32>
    %dot_general3A_607 = arith.constant dense<0.000000e+00> : vector<1x128xf32>
    %dot_general3A_608 = tpu.matmul %get3A_606, %get3A_603, %dot_general3A_607 {dimension_numbers = #tpu.dot_dimension_numbers<[1], [1], [0], [0], [0, 0, 1, 0], [], []>, transpose_lhs_hint = false} : vector<1x128xf32>, vector<128x128xf32>, vector<1x128xf32> -> vector<1x128xf32>
    %get3A_609 = arith.constant 0 : index
    %get3A_610 = vector.load %arg3[%get3A_609] : memref<1xf32, #tpu.memory_space<vmem>>, vector<1xf32>
    %get3A_611 = vector.extract %get3A_610[0] : f32 from vector<1xf32>
    %add3A_612 = vector.broadcast %get3A_611 : f32 to vector<1x128xf32>
    %add3A_613 = arith.addf %dot_general3A_608, %add3A_612 : vector<1x128xf32>
    %bitcast_convert_type3A_614 = tpu.bitcast %add3A_613 : vector<1x128xf32> -> vector<1x128xi32>
    %add3A_615 = arith.constant 32767 : i32
    %add3A_616 = vector.broadcast %add3A_615 : i32 to vector<1x128xi32>
    %add3A_617 = arith.addi %bitcast_convert_type3A_614, %add3A_616 : vector<1x128xi32>
    %shift_right_logical3A_618 = arith.constant 16 : i32
    %shift_right_logical3A_619 = vector.broadcast %shift_right_logical3A_618 : i32 to vector<1x128xi32>
    %shift_right_logical3A_620 = arith.shrui %bitcast_convert_type3A_614, %shift_right_logical3A_619 : vector<1x128xi32>
    %and3A_621 = arith.constant 1 : i32
    %and3A_622 = vector.broadcast %and3A_621 : i32 to vector<1x128xi32>
    %and3A_623 = arith.andi %shift_right_logical3A_620, %and3A_622 : vector<1x128xi32>
    %add3A_624 = arith.addi %add3A_617, %and3A_623 : vector<1x128xi32>
    %shift_right_logical3A_625 = arith.constant 16 : i32
    %shift_right_logical3A_626 = vector.broadcast %shift_right_logical3A_625 : i32 to vector<1x128xi32>
    %shift_right_logical3A_627 = arith.shrui %add3A_624, %shift_right_logical3A_626 : vector<1x128xi32>
    %get3A_628 = arith.constant 9472 : index
    %get3A_629 = arith.constant 0 : index
    %get3A_630 = vector.load %arg1[%get3A_628, %get3A_629] : memref<16384x128xf32, #tpu.memory_space<vmem>>, vector<128x128xf32>
    %get3A_631 = arith.constant 0 : index
    %get3A_632 = arith.constant 0 : index
    %get3A_633 = vector.load %arg2[%get3A_631, %get3A_632] : memref<1x128xf32, #tpu.memory_space<vmem>>, vector<1x128xf32>
    %dot_general3A_634 = arith.constant dense<0.000000e+00> : vector<1x128xf32>
    %dot_general3A_635 = tpu.matmul %get3A_633, %get3A_630, %dot_general3A_634 {dimension_numbers = #tpu.dot_dimension_numbers<[1], [1], [0], [0], [0, 0, 1, 0], [], []>, transpose_lhs_hint = false} : vector<1x128xf32>, vector<128x128xf32>, vector<1x128xf32> -> vector<1x128xf32>
    %get3A_636 = arith.constant 0 : index
    %get3A_637 = vector.load %arg3[%get3A_636] : memref<1xf32, #tpu.memory_space<vmem>>, vector<1xf32>
    %get3A_638 = vector.extract %get3A_637[0] : f32 from vector<1xf32>
    %add3A_639 = vector.broadcast %get3A_638 : f32 to vector<1x128xf32>
    %add3A_640 = arith.addf %dot_general3A_635, %add3A_639 : vector<1x128xf32>
    %bitcast_convert_type3A_641 = tpu.bitcast %add3A_640 : vector<1x128xf32> -> vector<1x128xi32>
    %add3A_642 = arith.constant 32767 : i32
    %add3A_643 = vector.broadcast %add3A_642 : i32 to vector<1x128xi32>
    %add3A_644 = arith.addi %bitcast_convert_type3A_641, %add3A_643 : vector<1x128xi32>
    %shift_right_logical3A_645 = arith.constant 16 : i32
    %shift_right_logical3A_646 = vector.broadcast %shift_right_logical3A_645 : i32 to vector<1x128xi32>
    %shift_right_logical3A_647 = arith.shrui %bitcast_convert_type3A_641, %shift_right_logical3A_646 : vector<1x128xi32>
    %and3A_648 = arith.constant 1 : i32
    %and3A_649 = vector.broadcast %and3A_648 : i32 to vector<1x128xi32>
    %and3A_650 = arith.andi %shift_right_logical3A_647, %and3A_649 : vector<1x128xi32>
    %add3A_651 = arith.addi %add3A_644, %and3A_650 : vector<1x128xi32>
    %shift_right_logical3A_652 = arith.constant 16 : i32
    %shift_right_logical3A_653 = vector.broadcast %shift_right_logical3A_652 : i32 to vector<1x128xi32>
    %shift_right_logical3A_654 = arith.shrui %add3A_651, %shift_right_logical3A_653 : vector<1x128xi32>
    %shift_left3A_655 = arith.constant 16 : i32
    %shift_left3A_656 = vector.broadcast %shift_left3A_655 : i32 to vector<1x128xi32>
    %shift_left3A_657 = arith.shli %shift_right_logical3A_654, %shift_left3A_656 : vector<1x128xi32>
    %or3A_658 = arith.ori %shift_right_logical3A_627, %shift_left3A_657 : vector<1x128xi32>
    %swap3A_659 = arith.constant 10 : index
    %swap3A_660 = arith.constant 0 : index
    %swap3A_661 = vector.load %arg4[%swap3A_659, %swap3A_660] : memref<64x128xi32, #tpu.memory_space<vmem>>, vector<1x128xi32>
    tpu.vector_store %arg4[%swap3A_659, %swap3A_660], %or3A_658 {strides = array<i32>} : memref<64x128xi32, #tpu.memory_space<vmem>>, vector<1x128xi32>,
    %get3A_662 = arith.constant 1408 : index
    %get3A_663 = arith.constant 0 : index
    %get3A_664 = vector.load %arg1[%get3A_662, %get3A_663] : memref<16384x128xf32, #tpu.memory_space<vmem>>, vector<128x128xf32>
    %get3A_665 = arith.constant 0 : index
    %get3A_666 = arith.constant 0 : index
    %get3A_667 = vector.load %arg2[%get3A_665, %get3A_666] : memref<1x128xf32, #tpu.memory_space<vmem>>, vector<1x128xf32>
    %dot_general3A_668 = arith.constant dense<0.000000e+00> : vector<1x128xf32>
    %dot_general3A_669 = tpu.matmul %get3A_667, %get3A_664, %dot_general3A_668 {dimension_numbers = #tpu.dot_dimension_numbers<[1], [1], [0], [0], [0, 0, 1, 0], [], []>, transpose_lhs_hint = false} : vector<1x128xf32>, vector<128x128xf32>, vector<1x128xf32> -> vector<1x128xf32>
    %get3A_670 = arith.constant 0 : index
    %get3A_671 = vector.load %arg3[%get3A_670] : memref<1xf32, #tpu.memory_space<vmem>>, vector<1xf32>
    %get3A_672 = vector.extract %get3A_671[0] : f32 from vector<1xf32>
    %add3A_673 = vector.broadcast %get3A_672 : f32 to vector<1x128xf32>
    %add3A_674 = arith.addf %dot_general3A_669, %add3A_673 : vector<1x128xf32>
    %bitcast_convert_type3A_675 = tpu.bitcast %add3A_674 : vector<1x128xf32> -> vector<1x128xi32>
    %add3A_676 = arith.constant 32767 : i32
    %add3A_677 = vector.broadcast %add3A_676 : i32 to vector<1x128xi32>
    %add3A_678 = arith.addi %bitcast_convert_type3A_675, %add3A_677 : vector<1x128xi32>
    %shift_right_logical3A_679 = arith.constant 16 : i32
    %shift_right_logical3A_680 = vector.broadcast %shift_right_logical3A_679 : i32 to vector<1x128xi32>
    %shift_right_logical3A_681 = arith.shrui %bitcast_convert_type3A_675, %shift_right_logical3A_680 : vector<1x128xi32>
    %and3A_682 = arith.constant 1 : i32
    %and3A_683 = vector.broadcast %and3A_682 : i32 to vector<1x128xi32>
    %and3A_684 = arith.andi %shift_right_logical3A_681, %and3A_683 : vector<1x128xi32>
    %add3A_685 = arith.addi %add3A_678, %and3A_684 : vector<1x128xi32>
    %shift_right_logical3A_686 = arith.constant 16 : i32
    %shift_right_logical3A_687 = vector.broadcast %shift_right_logical3A_686 : i32 to vector<1x128xi32>
    %shift_right_logical3A_688 = arith.shrui %add3A_685, %shift_right_logical3A_687 : vector<1x128xi32>
    %get3A_689 = arith.constant 9600 : index
    %get3A_690 = arith.constant 0 : index
    %get3A_691 = vector.load %arg1[%get3A_689, %get3A_690] : memref<16384x128xf32, #tpu.memory_space<vmem>>, vector<128x128xf32>
    %get3A_692 = arith.constant 0 : index
    %get3A_693 = arith.constant 0 : index
    %get3A_694 = vector.load %arg2[%get3A_692, %get3A_693] : memref<1x128xf32, #tpu.memory_space<vmem>>, vector<1x128xf32>
    %dot_general3A_695 = arith.constant dense<0.000000e+00> : vector<1x128xf32>
    %dot_general3A_696 = tpu.matmul %get3A_694, %get3A_691, %dot_general3A_695 {dimension_numbers = #tpu.dot_dimension_numbers<[1], [1], [0], [0], [0, 0, 1, 0], [], []>, transpose_lhs_hint = false} : vector<1x128xf32>, vector<128x128xf32>, vector<1x128xf32> -> vector<1x128xf32>
    %get3A_697 = arith.constant 0 : index
    %get3A_698 = vector.load %arg3[%get3A_697] : memref<1xf32, #tpu.memory_space<vmem>>, vector<1xf32>
    %get3A_699 = vector.extract %get3A_698[0] : f32 from vector<1xf32>
    %add3A_700 = vector.broadcast %get3A_699 : f32 to vector<1x128xf32>
    %add3A_701 = arith.addf %dot_general3A_696, %add3A_700 : vector<1x128xf32>
    %bitcast_convert_type3A_702 = tpu.bitcast %add3A_701 : vector<1x128xf32> -> vector<1x128xi32>
    %add3A_703 = arith.constant 32767 : i32
    %add3A_704 = vector.broadcast %add3A_703 : i32 to vector<1x128xi32>
    %add3A_705 = arith.addi %bitcast_convert_type3A_702, %add3A_704 : vector<1x128xi32>
    %shift_right_logical3A_706 = arith.constant 16 : i32
    %shift_right_logical3A_707 = vector.broadcast %shift_right_logical3A_706 : i32 to vector<1x128xi32>
    %shift_right_logical3A_708 = arith.shrui %bitcast_convert_type3A_702, %shift_right_logical3A_707 : vector<1x128xi32>
    %and3A_709 = arith.constant 1 : i32
    %and3A_710 = vector.broadcast %and3A_709 : i32 to vector<1x128xi32>
    %and3A_711 = arith.andi %shift_right_logical3A_708, %and3A_710 : vector<1x128xi32>
    %add3A_712 = arith.addi %add3A_705, %and3A_711 : vector<1x128xi32>
    %shift_right_logical3A_713 = arith.constant 16 : i32
    %shift_right_logical3A_714 = vector.broadcast %shift_right_logical3A_713 : i32 to vector<1x128xi32>
    %shift_right_logical3A_715 = arith.shrui %add3A_712, %shift_right_logical3A_714 : vector<1x128xi32>
    %shift_left3A_716 = arith.constant 16 : i32
    %shift_left3A_717 = vector.broadcast %shift_left3A_716 : i32 to vector<1x128xi32>
    %shift_left3A_718 = arith.shli %shift_right_logical3A_715, %shift_left3A_717 : vector<1x128xi32>
    %or3A_719 = arith.ori %shift_right_logical3A_688, %shift_left3A_718 : vector<1x128xi32>
    %swap3A_720 = arith.constant 11 : index
    %swap3A_721 = arith.constant 0 : index
    %swap3A_722 = vector.load %arg4[%swap3A_720, %swap3A_721] : memref<64x128xi32, #tpu.memory_space<vmem>>, vector<1x128xi32>
    tpu.vector_store %arg4[%swap3A_720, %swap3A_721], %or3A_719 {strides = array<i32>} : memref<64x128xi32, #tpu.memory_space<vmem>>, vector<1x128xi32>,
    %get3A_723 = arith.constant 1536 : index
    %get3A_724 = arith.constant 0 : index
    %get3A_725 = vector.load %arg1[%get3A_723, %get3A_724] : memref<16384x128xf32, #tpu.memory_space<vmem>>, vector<128x128xf32>
    %get3A_726 = arith.constant 0 : index
    %get3A_727 = arith.constant 0 : index
    %get3A_728 = vector.load %arg2[%get3A_726, %get3A_727] : memref<1x128xf32, #tpu.memory_space<vmem>>, vector<1x128xf32>
    %dot_general3A_729 = arith.constant dense<0.000000e+00> : vector<1x128xf32>
    %dot_general3A_730 = tpu.matmul %get3A_728, %get3A_725, %dot_general3A_729 {dimension_numbers = #tpu.dot_dimension_numbers<[1], [1], [0], [0], [0, 0, 1, 0], [], []>, transpose_lhs_hint = false} : vector<1x128xf32>, vector<128x128xf32>, vector<1x128xf32> -> vector<1x128xf32>
    %get3A_731 = arith.constant 0 : index
    %get3A_732 = vector.load %arg3[%get3A_731] : memref<1xf32, #tpu.memory_space<vmem>>, vector<1xf32>
    %get3A_733 = vector.extract %get3A_732[0] : f32 from vector<1xf32>
    %add3A_734 = vector.broadcast %get3A_733 : f32 to vector<1x128xf32>
    %add3A_735 = arith.addf %dot_general3A_730, %add3A_734 : vector<1x128xf32>
    %bitcast_convert_type3A_736 = tpu.bitcast %add3A_735 : vector<1x128xf32> -> vector<1x128xi32>
    %add3A_737 = arith.constant 32767 : i32
    %add3A_738 = vector.broadcast %add3A_737 : i32 to vector<1x128xi32>
    %add3A_739 = arith.addi %bitcast_convert_type3A_736, %add3A_738 : vector<1x128xi32>
    %shift_right_logical3A_740 = arith.constant 16 : i32
    %shift_right_logical3A_741 = vector.broadcast %shift_right_logical3A_740 : i32 to vector<1x128xi32>
    %shift_right_logical3A_742 = arith.shrui %bitcast_convert_type3A_736, %shift_right_logical3A_741 : vector<1x128xi32>
    %and3A_743 = arith.constant 1 : i32
    %and3A_744 = vector.broadcast %and3A_743 : i32 to vector<1x128xi32>
    %and3A_745 = arith.andi %shift_right_logical3A_742, %and3A_744 : vector<1x128xi32>
    %add3A_746 = arith.addi %add3A_739, %and3A_745 : vector<1x128xi32>
    %shift_right_logical3A_747 = arith.constant 16 : i32
    %shift_right_logical3A_748 = vector.broadcast %shift_right_logical3A_747 : i32 to vector<1x128xi32>
    %shift_right_logical3A_749 = arith.shrui %add3A_746, %shift_right_logical3A_748 : vector<1x128xi32>
    %get3A_750 = arith.constant 9728 : index
    %get3A_751 = arith.constant 0 : index
    %get3A_752 = vector.load %arg1[%get3A_750, %get3A_751] : memref<16384x128xf32, #tpu.memory_space<vmem>>, vector<128x128xf32>
    %get3A_753 = arith.constant 0 : index
    %get3A_754 = arith.constant 0 : index
    %get3A_755 = vector.load %arg2[%get3A_753, %get3A_754] : memref<1x128xf32, #tpu.memory_space<vmem>>, vector<1x128xf32>
    %dot_general3A_756 = arith.constant dense<0.000000e+00> : vector<1x128xf32>
    %dot_general3A_757 = tpu.matmul %get3A_755, %get3A_752, %dot_general3A_756 {dimension_numbers = #tpu.dot_dimension_numbers<[1], [1], [0], [0], [0, 0, 1, 0], [], []>, transpose_lhs_hint = false} : vector<1x128xf32>, vector<128x128xf32>, vector<1x128xf32> -> vector<1x128xf32>
    %get3A_758 = arith.constant 0 : index
    %get3A_759 = vector.load %arg3[%get3A_758] : memref<1xf32, #tpu.memory_space<vmem>>, vector<1xf32>
    %get3A_760 = vector.extract %get3A_759[0] : f32 from vector<1xf32>
    %add3A_761 = vector.broadcast %get3A_760 : f32 to vector<1x128xf32>
    %add3A_762 = arith.addf %dot_general3A_757, %add3A_761 : vector<1x128xf32>
    %bitcast_convert_type3A_763 = tpu.bitcast %add3A_762 : vector<1x128xf32> -> vector<1x128xi32>
    %add3A_764 = arith.constant 32767 : i32
    %add3A_765 = vector.broadcast %add3A_764 : i32 to vector<1x128xi32>
    %add3A_766 = arith.addi %bitcast_convert_type3A_763, %add3A_765 : vector<1x128xi32>
    %shift_right_logical3A_767 = arith.constant 16 : i32
    %shift_right_logical3A_768 = vector.broadcast %shift_right_logical3A_767 : i32 to vector<1x128xi32>
    %shift_right_logical3A_769 = arith.shrui %bitcast_convert_type3A_763, %shift_right_logical3A_768 : vector<1x128xi32>
    %and3A_770 = arith.constant 1 : i32
    %and3A_771 = vector.broadcast %and3A_770 : i32 to vector<1x128xi32>
    %and3A_772 = arith.andi %shift_right_logical3A_769, %and3A_771 : vector<1x128xi32>
    %add3A_773 = arith.addi %add3A_766, %and3A_772 : vector<1x128xi32>
    %shift_right_logical3A_774 = arith.constant 16 : i32
    %shift_right_logical3A_775 = vector.broadcast %shift_right_logical3A_774 : i32 to vector<1x128xi32>
    %shift_right_logical3A_776 = arith.shrui %add3A_773, %shift_right_logical3A_775 : vector<1x128xi32>
    %shift_left3A_777 = arith.constant 16 : i32
    %shift_left3A_778 = vector.broadcast %shift_left3A_777 : i32 to vector<1x128xi32>
    %shift_left3A_779 = arith.shli %shift_right_logical3A_776, %shift_left3A_778 : vector<1x128xi32>
    %or3A_780 = arith.ori %shift_right_logical3A_749, %shift_left3A_779 : vector<1x128xi32>
    %swap3A_781 = arith.constant 12 : index
    %swap3A_782 = arith.constant 0 : index
    %swap3A_783 = vector.load %arg4[%swap3A_781, %swap3A_782] : memref<64x128xi32, #tpu.memory_space<vmem>>, vector<1x128xi32>
    tpu.vector_store %arg4[%swap3A_781, %swap3A_782], %or3A_780 {strides = array<i32>} : memref<64x128xi32, #tpu.memory_space<vmem>>, vector<1x128xi32>,
    %get3A_784 = arith.constant 1664 : index
    %get3A_785 = arith.constant 0 : index
    %get3A_786 = vector.load %arg1[%get3A_784, %get3A_785] : memref<16384x128xf32, #tpu.memory_space<vmem>>, vector<128x128xf32>
    %get3A_787 = arith.constant 0 : index
    %get3A_788 = arith.constant 0 : index
    %get3A_789 = vector.load %arg2[%get3A_787, %get3A_788] : memref<1x128xf32, #tpu.memory_space<vmem>>, vector<1x128xf32>
    %dot_general3A_790 = arith.constant dense<0.000000e+00> : vector<1x128xf32>
    %dot_general3A_791 = tpu.matmul %get3A_789, %get3A_786, %dot_general3A_790 {dimension_numbers = #tpu.dot_dimension_numbers<[1], [1], [0], [0], [0, 0, 1, 0], [], []>, transpose_lhs_hint = false} : vector<1x128xf32>, vector<128x128xf32>, vector<1x128xf32> -> vector<1x128xf32>
    %get3A_792 = arith.constant 0 : index
    %get3A_793 = vector.load %arg3[%get3A_792] : memref<1xf32, #tpu.memory_space<vmem>>, vector<1xf32>
    %get3A_794 = vector.extract %get3A_793[0] : f32 from vector<1xf32>
    %add3A_795 = vector.broadcast %get3A_794 : f32 to vector<1x128xf32>
    %add3A_796 = arith.addf %dot_general3A_791, %add3A_795 : vector<1x128xf32>
    %bitcast_convert_type3A_797 = tpu.bitcast %add3A_796 : vector<1x128xf32> -> vector<1x128xi32>
    %add3A_798 = arith.constant 32767 : i32
    %add3A_799 = vector.broadcast %add3A_798 : i32 to vector<1x128xi32>
    %add3A_800 = arith.addi %bitcast_convert_type3A_797, %add3A_799 : vector<1x128xi32>
    %shift_right_logical3A_801 = arith.constant 16 : i32
    %shift_right_logical3A_802 = vector.broadcast %shift_right_logical3A_801 : i32 to vector<1x128xi32>
    %shift_right_logical3A_803 = arith.shrui %bitcast_convert_type3A_797, %shift_right_logical3A_802 : vector<1x128xi32>
    %and3A_804 = arith.constant 1 : i32
    %and3A_805 = vector.broadcast %and3A_804 : i32 to vector<1x128xi32>
    %and3A_806 = arith.andi %shift_right_logical3A_803, %and3A_805 : vector<1x128xi32>
    %add3A_807 = arith.addi %add3A_800, %and3A_806 : vector<1x128xi32>
    %shift_right_logical3A_808 = arith.constant 16 : i32
    %shift_right_logical3A_809 = vector.broadcast %shift_right_logical3A_808 : i32 to vector<1x128xi32>
    %shift_right_logical3A_810 = arith.shrui %add3A_807, %shift_right_logical3A_809 : vector<1x128xi32>
    %get3A_811 = arith.constant 9856 : index
    %get3A_812 = arith.constant 0 : index
    %get3A_813 = vector.load %arg1[%get3A_811, %get3A_812] : memref<16384x128xf32, #tpu.memory_space<vmem>>, vector<128x128xf32>
    %get3A_814 = arith.constant 0 : index
    %get3A_815 = arith.constant 0 : index
    %get3A_816 = vector.load %arg2[%get3A_814, %get3A_815] : memref<1x128xf32, #tpu.memory_space<vmem>>, vector<1x128xf32>
    %dot_general3A_817 = arith.constant dense<0.000000e+00> : vector<1x128xf32>
    %dot_general3A_818 = tpu.matmul %get3A_816, %get3A_813, %dot_general3A_817 {dimension_numbers = #tpu.dot_dimension_numbers<[1], [1], [0], [0], [0, 0, 1, 0], [], []>, transpose_lhs_hint = false} : vector<1x128xf32>, vector<128x128xf32>, vector<1x128xf32> -> vector<1x128xf32>
    %get3A_819 = arith.constant 0 : index
    %get3A_820 = vector.load %arg3[%get3A_819] : memref<1xf32, #tpu.memory_space<vmem>>, vector<1xf32>
    %get3A_821 = vector.extract %get3A_820[0] : f32 from vector<1xf32>
    %add3A_822 = vector.broadcast %get3A_821 : f32 to vector<1x128xf32>
    %add3A_823 = arith.addf %dot_general3A_818, %add3A_822 : vector<1x128xf32>
    %bitcast_convert_type3A_824 = tpu.bitcast %add3A_823 : vector<1x128xf32> -> vector<1x128xi32>
    %add3A_825 = arith.constant 32767 : i32
    %add3A_826 = vector.broadcast %add3A_825 : i32 to vector<1x128xi32>
    %add3A_827 = arith.addi %bitcast_convert_type3A_824, %add3A_826 : vector<1x128xi32>
    %shift_right_logical3A_828 = arith.constant 16 : i32
    %shift_right_logical3A_829 = vector.broadcast %shift_right_logical3A_828 : i32 to vector<1x128xi32>
    %shift_right_logical3A_830 = arith.shrui %bitcast_convert_type3A_824, %shift_right_logical3A_829 : vector<1x128xi32>
    %and3A_831 = arith.constant 1 : i32
    %and3A_832 = vector.broadcast %and3A_831 : i32 to vector<1x128xi32>
    %and3A_833 = arith.andi %shift_right_logical3A_830, %and3A_832 : vector<1x128xi32>
    %add3A_834 = arith.addi %add3A_827, %and3A_833 : vector<1x128xi32>
    %shift_right_logical3A_835 = arith.constant 16 : i32
    %shift_right_logical3A_836 = vector.broadcast %shift_right_logical3A_835 : i32 to vector<1x128xi32>
    %shift_right_logical3A_837 = arith.shrui %add3A_834, %shift_right_logical3A_836 : vector<1x128xi32>
    %shift_left3A_838 = arith.constant 16 : i32
    %shift_left3A_839 = vector.broadcast %shift_left3A_838 : i32 to vector<1x128xi32>
    %shift_left3A_840 = arith.shli %shift_right_logical3A_837, %shift_left3A_839 : vector<1x128xi32>
    %or3A_841 = arith.ori %shift_right_logical3A_810, %shift_left3A_840 : vector<1x128xi32>
    %swap3A_842 = arith.constant 13 : index
    %swap3A_843 = arith.constant 0 : index
    %swap3A_844 = vector.load %arg4[%swap3A_842, %swap3A_843] : memref<64x128xi32, #tpu.memory_space<vmem>>, vector<1x128xi32>
    tpu.vector_store %arg4[%swap3A_842, %swap3A_843], %or3A_841 {strides = array<i32>} : memref<64x128xi32, #tpu.memory_space<vmem>>, vector<1x128xi32>,
    %get3A_845 = arith.constant 1792 : index
    %get3A_846 = arith.constant 0 : index
    %get3A_847 = vector.load %arg1[%get3A_845, %get3A_846] : memref<16384x128xf32, #tpu.memory_space<vmem>>, vector<128x128xf32>
    %get3A_848 = arith.constant 0 : index
    %get3A_849 = arith.constant 0 : index
    %get3A_850 = vector.load %arg2[%get3A_848, %get3A_849] : memref<1x128xf32, #tpu.memory_space<vmem>>, vector<1x128xf32>
    %dot_general3A_851 = arith.constant dense<0.000000e+00> : vector<1x128xf32>
    %dot_general3A_852 = tpu.matmul %get3A_850, %get3A_847, %dot_general3A_851 {dimension_numbers = #tpu.dot_dimension_numbers<[1], [1], [0], [0], [0, 0, 1, 0], [], []>, transpose_lhs_hint = false} : vector<1x128xf32>, vector<128x128xf32>, vector<1x128xf32> -> vector<1x128xf32>
    %get3A_853 = arith.constant 0 : index
    %get3A_854 = vector.load %arg3[%get3A_853] : memref<1xf32, #tpu.memory_space<vmem>>, vector<1xf32>
    %get3A_855 = vector.extract %get3A_854[0] : f32 from vector<1xf32>
    %add3A_856 = vector.broadcast %get3A_855 : f32 to vector<1x128xf32>
    %add3A_857 = arith.addf %dot_general3A_852, %add3A_856 : vector<1x128xf32>
    %bitcast_convert_type3A_858 = tpu.bitcast %add3A_857 : vector<1x128xf32> -> vector<1x128xi32>
    %add3A_859 = arith.constant 32767 : i32
    %add3A_860 = vector.broadcast %add3A_859 : i32 to vector<1x128xi32>
    %add3A_861 = arith.addi %bitcast_convert_type3A_858, %add3A_860 : vector<1x128xi32>
    %shift_right_logical3A_862 = arith.constant 16 : i32
    %shift_right_logical3A_863 = vector.broadcast %shift_right_logical3A_862 : i32 to vector<1x128xi32>
    %shift_right_logical3A_864 = arith.shrui %bitcast_convert_type3A_858, %shift_right_logical3A_863 : vector<1x128xi32>
    %and3A_865 = arith.constant 1 : i32
    %and3A_866 = vector.broadcast %and3A_865 : i32 to vector<1x128xi32>
    %and3A_867 = arith.andi %shift_right_logical3A_864, %and3A_866 : vector<1x128xi32>
    %add3A_868 = arith.addi %add3A_861, %and3A_867 : vector<1x128xi32>
    %shift_right_logical3A_869 = arith.constant 16 : i32
    %shift_right_logical3A_870 = vector.broadcast %shift_right_logical3A_869 : i32 to vector<1x128xi32>
    %shift_right_logical3A_871 = arith.shrui %add3A_868, %shift_right_logical3A_870 : vector<1x128xi32>
    %get3A_872 = arith.constant 9984 : index
    %get3A_873 = arith.constant 0 : index
    %get3A_874 = vector.load %arg1[%get3A_872, %get3A_873] : memref<16384x128xf32, #tpu.memory_space<vmem>>, vector<128x128xf32>
    %get3A_875 = arith.constant 0 : index
    %get3A_876 = arith.constant 0 : index
    %get3A_877 = vector.load %arg2[%get3A_875, %get3A_876] : memref<1x128xf32, #tpu.memory_space<vmem>>, vector<1x128xf32>
    %dot_general3A_878 = arith.constant dense<0.000000e+00> : vector<1x128xf32>
    %dot_general3A_879 = tpu.matmul %get3A_877, %get3A_874, %dot_general3A_878 {dimension_numbers = #tpu.dot_dimension_numbers<[1], [1], [0], [0], [0, 0, 1, 0], [], []>, transpose_lhs_hint = false} : vector<1x128xf32>, vector<128x128xf32>, vector<1x128xf32> -> vector<1x128xf32>
    %get3A_880 = arith.constant 0 : index
    %get3A_881 = vector.load %arg3[%get3A_880] : memref<1xf32, #tpu.memory_space<vmem>>, vector<1xf32>
    %get3A_882 = vector.extract %get3A_881[0] : f32 from vector<1xf32>
    %add3A_883 = vector.broadcast %get3A_882 : f32 to vector<1x128xf32>
    %add3A_884 = arith.addf %dot_general3A_879, %add3A_883 : vector<1x128xf32>
    %bitcast_convert_type3A_885 = tpu.bitcast %add3A_884 : vector<1x128xf32> -> vector<1x128xi32>
    %add3A_886 = arith.constant 32767 : i32
    %add3A_887 = vector.broadcast %add3A_886 : i32 to vector<1x128xi32>
    %add3A_888 = arith.addi %bitcast_convert_type3A_885, %add3A_887 : vector<1x128xi32>
    %shift_right_logical3A_889 = arith.constant 16 : i32
    %shift_right_logical3A_890 = vector.broadcast %shift_right_logical3A_889 : i32 to vector<1x128xi32>
    %shift_right_logical3A_891 = arith.shrui %bitcast_convert_type3A_885, %shift_right_logical3A_890 : vector<1x128xi32>
    %and3A_892 = arith.constant 1 : i32
    %and3A_893 = vector.broadcast %and3A_892 : i32 to vector<1x128xi32>
    %and3A_894 = arith.andi %shift_right_logical3A_891, %and3A_893 : vector<1x128xi32>
    %add3A_895 = arith.addi %add3A_888, %and3A_894 : vector<1x128xi32>
    %shift_right_logical3A_896 = arith.constant 16 : i32
    %shift_right_logical3A_897 = vector.broadcast %shift_right_logical3A_896 : i32 to vector<1x128xi32>
    %shift_right_logical3A_898 = arith.shrui %add3A_895, %shift_right_logical3A_897 : vector<1x128xi32>
    %shift_left3A_899 = arith.constant 16 : i32
    %shift_left3A_900 = vector.broadcast %shift_left3A_899 : i32 to vector<1x128xi32>
    %shift_left3A_901 = arith.shli %shift_right_logical3A_898, %shift_left3A_900 : vector<1x128xi32>
    %or3A_902 = arith.ori %shift_right_logical3A_871, %shift_left3A_901 : vector<1x128xi32>
    %swap3A_903 = arith.constant 14 : index
    %swap3A_904 = arith.constant 0 : index
    %swap3A_905 = vector.load %arg4[%swap3A_903, %swap3A_904] : memref<64x128xi32, #tpu.memory_space<vmem>>, vector<1x128xi32>
    tpu.vector_store %arg4[%swap3A_903, %swap3A_904], %or3A_902 {strides = array<i32>} : memref<64x128xi32, #tpu.memory_space<vmem>>, vector<1x128xi32>,
    %get3A_906 = arith.constant 1920 : index
    %get3A_907 = arith.constant 0 : index
    %get3A_908 = vector.load %arg1[%get3A_906, %get3A_907] : memref<16384x128xf32, #tpu.memory_space<vmem>>, vector<128x128xf32>
    %get3A_909 = arith.constant 0 : index
    %get3A_910 = arith.constant 0 : index
    %get3A_911 = vector.load %arg2[%get3A_909, %get3A_910] : memref<1x128xf32, #tpu.memory_space<vmem>>, vector<1x128xf32>
    %dot_general3A_912 = arith.constant dense<0.000000e+00> : vector<1x128xf32>
    %dot_general3A_913 = tpu.matmul %get3A_911, %get3A_908, %dot_general3A_912 {dimension_numbers = #tpu.dot_dimension_numbers<[1], [1], [0], [0], [0, 0, 1, 0], [], []>, transpose_lhs_hint = false} : vector<1x128xf32>, vector<128x128xf32>, vector<1x128xf32> -> vector<1x128xf32>
    %get3A_914 = arith.constant 0 : index
    %get3A_915 = vector.load %arg3[%get3A_914] : memref<1xf32, #tpu.memory_space<vmem>>, vector<1xf32>
    %get3A_916 = vector.extract %get3A_915[0] : f32 from vector<1xf32>
    %add3A_917 = vector.broadcast %get3A_916 : f32 to vector<1x128xf32>
    %add3A_918 = arith.addf %dot_general3A_913, %add3A_917 : vector<1x128xf32>
    %bitcast_convert_type3A_919 = tpu.bitcast %add3A_918 : vector<1x128xf32> -> vector<1x128xi32>
    %add3A_920 = arith.constant 32767 : i32
    %add3A_921 = vector.broadcast %add3A_920 : i32 to vector<1x128xi32>
    %add3A_922 = arith.addi %bitcast_convert_type3A_919, %add3A_921 : vector<1x128xi32>
    %shift_right_logical3A_923 = arith.constant 16 : i32
    %shift_right_logical3A_924 = vector.broadcast %shift_right_logical3A_923 : i32 to vector<1x128xi32>
    %shift_right_logical3A_925 = arith.shrui %bitcast_convert_type3A_919, %shift_right_logical3A_924 : vector<1x128xi32>
    %and3A_926 = arith.constant 1 : i32
    %and3A_927 = vector.broadcast %and3A_926 : i32 to vector<1x128xi32>
    %and3A_928 = arith.andi %shift_right_logical3A_925, %and3A_927 : vector<1x128xi32>
    %add3A_929 = arith.addi %add3A_922, %and3A_928 : vector<1x128xi32>
    %shift_right_logical3A_930 = arith.constant 16 : i32
    %shift_right_logical3A_931 = vector.broadcast %shift_right_logical3A_930 : i32 to vector<1x128xi32>
    %shift_right_logical3A_932 = arith.shrui %add3A_929, %shift_right_logical3A_931 : vector<1x128xi32>
    %get3A_933 = arith.constant 10112 : index
    %get3A_934 = arith.constant 0 : index
    %get3A_935 = vector.load %arg1[%get3A_933, %get3A_934] : memref<16384x128xf32, #tpu.memory_space<vmem>>, vector<128x128xf32>
    %get3A_936 = arith.constant 0 : index
    %get3A_937 = arith.constant 0 : index
    %get3A_938 = vector.load %arg2[%get3A_936, %get3A_937] : memref<1x128xf32, #tpu.memory_space<vmem>>, vector<1x128xf32>
    %dot_general3A_939 = arith.constant dense<0.000000e+00> : vector<1x128xf32>
    %dot_general3A_940 = tpu.matmul %get3A_938, %get3A_935, %dot_general3A_939 {dimension_numbers = #tpu.dot_dimension_numbers<[1], [1], [0], [0], [0, 0, 1, 0], [], []>, transpose_lhs_hint = false} : vector<1x128xf32>, vector<128x128xf32>, vector<1x128xf32> -> vector<1x128xf32>
    %get3A_941 = arith.constant 0 : index
    %get3A_942 = vector.load %arg3[%get3A_941] : memref<1xf32, #tpu.memory_space<vmem>>, vector<1xf32>
    %get3A_943 = vector.extract %get3A_942[0] : f32 from vector<1xf32>
    %add3A_944 = vector.broadcast %get3A_943 : f32 to vector<1x128xf32>
    %add3A_945 = arith.addf %dot_general3A_940, %add3A_944 : vector<1x128xf32>
    %bitcast_convert_type3A_946 = tpu.bitcast %add3A_945 : vector<1x128xf32> -> vector<1x128xi32>
    %add3A_947 = arith.constant 32767 : i32
    %add3A_948 = vector.broadcast %add3A_947 : i32 to vector<1x128xi32>
    %add3A_949 = arith.addi %bitcast_convert_type3A_946, %add3A_948 : vector<1x128xi32>
    %shift_right_logical3A_950 = arith.constant 16 : i32
    %shift_right_logical3A_951 = vector.broadcast %shift_right_logical3A_950 : i32 to vector<1x128xi32>
    %shift_right_logical3A_952 = arith.shrui %bitcast_convert_type3A_946, %shift_right_logical3A_951 : vector<1x128xi32>
    %and3A_953 = arith.constant 1 : i32
    %and3A_954 = vector.broadcast %and3A_953 : i32 to vector<1x128xi32>
    %and3A_955 = arith.andi %shift_right_logical3A_952, %and3A_954 : vector<1x128xi32>
    %add3A_956 = arith.addi %add3A_949, %and3A_955 : vector<1x128xi32>
    %shift_right_logical3A_957 = arith.constant 16 : i32
    %shift_right_logical3A_958 = vector.broadcast %shift_right_logical3A_957 : i32 to vector<1x128xi32>
    %shift_right_logical3A_959 = arith.shrui %add3A_956, %shift_right_logical3A_958 : vector<1x128xi32>
    %shift_left3A_960 = arith.constant 16 : i32
    %shift_left3A_961 = vector.broadcast %shift_left3A_960 : i32 to vector<1x128xi32>
    %shift_left3A_962 = arith.shli %shift_right_logical3A_959, %shift_left3A_961 : vector<1x128xi32>
    %or3A_963 = arith.ori %shift_right_logical3A_932, %shift_left3A_962 : vector<1x128xi32>
    %swap3A_964 = arith.constant 15 : index
    %swap3A_965 = arith.constant 0 : index
    %swap3A_966 = vector.load %arg4[%swap3A_964, %swap3A_965] : memref<64x128xi32, #tpu.memory_space<vmem>>, vector<1x128xi32>
    tpu.vector_store %arg4[%swap3A_964, %swap3A_965], %or3A_963 {strides = array<i32>} : memref<64x128xi32, #tpu.memory_space<vmem>>, vector<1x128xi32>,
    %get3A_967 = arith.constant 2048 : index
    %get3A_968 = arith.constant 0 : index
    %get3A_969 = vector.load %arg1[%get3A_967, %get3A_968] : memref<16384x128xf32, #tpu.memory_space<vmem>>, vector<128x128xf32>
    %get3A_970 = arith.constant 0 : index
    %get3A_971 = arith.constant 0 : index
    %get3A_972 = vector.load %arg2[%get3A_970, %get3A_971] : memref<1x128xf32, #tpu.memory_space<vmem>>, vector<1x128xf32>
    %dot_general3A_973 = arith.constant dense<0.000000e+00> : vector<1x128xf32>
    %dot_general3A_974 = tpu.matmul %get3A_972, %get3A_969, %dot_general3A_973 {dimension_numbers = #tpu.dot_dimension_numbers<[1], [1], [0], [0], [0, 0, 1, 0], [], []>, transpose_lhs_hint = false} : vector<1x128xf32>, vector<128x128xf32>, vector<1x128xf32> -> vector<1x128xf32>
    %get3A_975 = arith.constant 0 : index
    %get3A_976 = vector.load %arg3[%get3A_975] : memref<1xf32, #tpu.memory_space<vmem>>, vector<1xf32>
    %get3A_977 = vector.extract %get3A_976[0] : f32 from vector<1xf32>
    %add3A_978 = vector.broadcast %get3A_977 : f32 to vector<1x128xf32>
    %add3A_979 = arith.addf %dot_general3A_974, %add3A_978 : vector<1x128xf32>
    %bitcast_convert_type3A_980 = tpu.bitcast %add3A_979 : vector<1x128xf32> -> vector<1x128xi32>
    %add3A_981 = arith.constant 32767 : i32
    %add3A_982 = vector.broadcast %add3A_981 : i32 to vector<1x128xi32>
    %add3A_983 = arith.addi %bitcast_convert_type3A_980, %add3A_982 : vector<1x128xi32>
    %shift_right_logical3A_984 = arith.constant 16 : i32
    %shift_right_logical3A_985 = vector.broadcast %shift_right_logical3A_984 : i32 to vector<1x128xi32>
    %shift_right_logical3A_986 = arith.shrui %bitcast_convert_type3A_980, %shift_right_logical3A_985 : vector<1x128xi32>
    %and3A_987 = arith.constant 1 : i32
    %and3A_988 = vector.broadcast %and3A_987 : i32 to vector<1x128xi32>
    %and3A_989 = arith.andi %shift_right_logical3A_986, %and3A_988 : vector<1x128xi32>
    %add3A_990 = arith.addi %add3A_983, %and3A_989 : vector<1x128xi32>
    %shift_right_logical3A_991 = arith.constant 16 : i32
    %shift_right_logical3A_992 = vector.broadcast %shift_right_logical3A_991 : i32 to vector<1x128xi32>
    %shift_right_logical3A_993 = arith.shrui %add3A_990, %shift_right_logical3A_992 : vector<1x128xi32>
    %get3A_994 = arith.constant 10240 : index
    %get3A_995 = arith.constant 0 : index
    %get3A_996 = vector.load %arg1[%get3A_994, %get3A_995] : memref<16384x128xf32, #tpu.memory_space<vmem>>, vector<128x128xf32>
    %get3A_997 = arith.constant 0 : index
    %get3A_998 = arith.constant 0 : index
    %get3A_999 = vector.load %arg2[%get3A_997, %get3A_998] : memref<1x128xf32, #tpu.memory_space<vmem>>, vector<1x128xf32>
    %dot_general3A_1000 = arith.constant dense<0.000000e+00> : vector<1x128xf32>
    %dot_general3A_1001 = tpu.matmul %get3A_999, %get3A_996, %dot_general3A_1000 {dimension_numbers = #tpu.dot_dimension_numbers<[1], [1], [0], [0], [0, 0, 1, 0], [], []>, transpose_lhs_hint = false} : vector<1x128xf32>, vector<128x128xf32>, vector<1x128xf32> -> vector<1x128xf32>
    %get3A_1002 = arith.constant 0 : index
    %get3A_1003 = vector.load %arg3[%get3A_1002] : memref<1xf32, #tpu.memory_space<vmem>>, vector<1xf32>
    %get3A_1004 = vector.extract %get3A_1003[0] : f32 from vector<1xf32>
    %add3A_1005 = vector.broadcast %get3A_1004 : f32 to vector<1x128xf32>
    %add3A_1006 = arith.addf %dot_general3A_1001, %add3A_1005 : vector<1x128xf32>
    %bitcast_convert_type3A_1007 = tpu.bitcast %add3A_1006 : vector<1x128xf32> -> vector<1x128xi32>
    %add3A_1008 = arith.constant 32767 : i32
    %add3A_1009 = vector.broadcast %add3A_1008 : i32 to vector<1x128xi32>
    %add3A_1010 = arith.addi %bitcast_convert_type3A_1007, %add3A_1009 : vector<1x128xi32>
    %shift_right_logical3A_1011 = arith.constant 16 : i32
    %shift_right_logical3A_1012 = vector.broadcast %shift_right_logical3A_1011 : i32 to vector<1x128xi32>
    %shift_right_logical3A_1013 = arith.shrui %bitcast_convert_type3A_1007, %shift_right_logical3A_1012 : vector<1x128xi32>
    %and3A_1014 = arith.constant 1 : i32
    %and3A_1015 = vector.broadcast %and3A_1014 : i32 to vector<1x128xi32>
    %and3A_1016 = arith.andi %shift_right_logical3A_1013, %and3A_1015 : vector<1x128xi32>
    %add3A_1017 = arith.addi %add3A_1010, %and3A_1016 : vector<1x128xi32>
    %shift_right_logical3A_1018 = arith.constant 16 : i32
    %shift_right_logical3A_1019 = vector.broadcast %shift_right_logical3A_1018 : i32 to vector<1x128xi32>
    %shift_right_logical3A_1020 = arith.shrui %add3A_1017, %shift_right_logical3A_1019 : vector<1x128xi32>
    %shift_left3A_1021 = arith.constant 16 : i32
    %shift_left3A_1022 = vector.broadcast %shift_left3A_1021 : i32 to vector<1x128xi32>
    %shift_left3A_1023 = arith.shli %shift_right_logical3A_1020, %shift_left3A_1022 : vector<1x128xi32>
    %or3A_1024 = arith.ori %shift_right_logical3A_993, %shift_left3A_1023 : vector<1x128xi32>
    %swap3A_1025 = arith.constant 16 : index
    %swap3A_1026 = arith.constant 0 : index
    %swap3A_1027 = vector.load %arg4[%swap3A_1025, %swap3A_1026] : memref<64x128xi32, #tpu.memory_space<vmem>>, vector<1x128xi32>
    tpu.vector_store %arg4[%swap3A_1025, %swap3A_1026], %or3A_1024 {strides = array<i32>} : memref<64x128xi32, #tpu.memory_space<vmem>>, vector<1x128xi32>,
    %get3A_1028 = arith.constant 2176 : index
    %get3A_1029 = arith.constant 0 : index
    %get3A_1030 = vector.load %arg1[%get3A_1028, %get3A_1029] : memref<16384x128xf32, #tpu.memory_space<vmem>>, vector<128x128xf32>
    %get3A_1031 = arith.constant 0 : index
    %get3A_1032 = arith.constant 0 : index
    %get3A_1033 = vector.load %arg2[%get3A_1031, %get3A_1032] : memref<1x128xf32, #tpu.memory_space<vmem>>, vector<1x128xf32>
    %dot_general3A_1034 = arith.constant dense<0.000000e+00> : vector<1x128xf32>
    %dot_general3A_1035 = tpu.matmul %get3A_1033, %get3A_1030, %dot_general3A_1034 {dimension_numbers = #tpu.dot_dimension_numbers<[1], [1], [0], [0], [0, 0, 1, 0], [], []>, transpose_lhs_hint = false} : vector<1x128xf32>, vector<128x128xf32>, vector<1x128xf32> -> vector<1x128xf32>
    %get3A_1036 = arith.constant 0 : index
    %get3A_1037 = vector.load %arg3[%get3A_1036] : memref<1xf32, #tpu.memory_space<vmem>>, vector<1xf32>
    %get3A_1038 = vector.extract %get3A_1037[0] : f32 from vector<1xf32>
    %add3A_1039 = vector.broadcast %get3A_1038 : f32 to vector<1x128xf32>
    %add3A_1040 = arith.addf %dot_general3A_1035, %add3A_1039 : vector<1x128xf32>
    %bitcast_convert_type3A_1041 = tpu.bitcast %add3A_1040 : vector<1x128xf32> -> vector<1x128xi32>
    %add3A_1042 = arith.constant 32767 : i32
    %add3A_1043 = vector.broadcast %add3A_1042 : i32 to vector<1x128xi32>
    %add3A_1044 = arith.addi %bitcast_convert_type3A_1041, %add3A_1043 : vector<1x128xi32>
    %shift_right_logical3A_1045 = arith.constant 16 : i32
    %shift_right_logical3A_1046 = vector.broadcast %shift_right_logical3A_1045 : i32 to vector<1x128xi32>
    %shift_right_logical3A_1047 = arith.shrui %bitcast_convert_type3A_1041, %shift_right_logical3A_1046 : vector<1x128xi32>
    %and3A_1048 = arith.constant 1 : i32
    %and3A_1049 = vector.broadcast %and3A_1048 : i32 to vector<1x128xi32>
    %and3A_1050 = arith.andi %shift_right_logical3A_1047, %and3A_1049 : vector<1x128xi32>
    %add3A_1051 = arith.addi %add3A_1044, %and3A_1050 : vector<1x128xi32>
    %shift_right_logical3A_1052 = arith.constant 16 : i32
    %shift_right_logical3A_1053 = vector.broadcast %shift_right_logical3A_1052 : i32 to vector<1x128xi32>
    %shift_right_logical3A_1054 = arith.shrui %add3A_1051, %shift_right_logical3A_1053 : vector<1x128xi32>
    %get3A_1055 = arith.constant 10368 : index
    %get3A_1056 = arith.constant 0 : index
    %get3A_1057 = vector.load %arg1[%get3A_1055, %get3A_1056] : memref<16384x128xf32, #tpu.memory_space<vmem>>, vector<128x128xf32>
    %get3A_1058 = arith.constant 0 : index
    %get3A_1059 = arith.constant 0 : index
    %get3A_1060 = vector.load %arg2[%get3A_1058, %get3A_1059] : memref<1x128xf32, #tpu.memory_space<vmem>>, vector<1x128xf32>
    %dot_general3A_1061 = arith.constant dense<0.000000e+00> : vector<1x128xf32>
    %dot_general3A_1062 = tpu.matmul %get3A_1060, %get3A_1057, %dot_general3A_1061 {dimension_numbers = #tpu.dot_dimension_numbers<[1], [1], [0], [0], [0, 0, 1, 0], [], []>, transpose_lhs_hint = false} : vector<1x128xf32>, vector<128x128xf32>, vector<1x128xf32> -> vector<1x128xf32>
    %get3A_1063 = arith.constant 0 : index
    %get3A_1064 = vector.load %arg3[%get3A_1063] : memref<1xf32, #tpu.memory_space<vmem>>, vector<1xf32>
    %get3A_1065 = vector.extract %get3A_1064[0] : f32 from vector<1xf32>
    %add3A_1066 = vector.broadcast %get3A_1065 : f32 to vector<1x128xf32>
    %add3A_1067 = arith.addf %dot_general3A_1062, %add3A_1066 : vector<1x128xf32>
    %bitcast_convert_type3A_1068 = tpu.bitcast %add3A_1067 : vector<1x128xf32> -> vector<1x128xi32>
    %add3A_1069 = arith.constant 32767 : i32
    %add3A_1070 = vector.broadcast %add3A_1069 : i32 to vector<1x128xi32>
    %add3A_1071 = arith.addi %bitcast_convert_type3A_1068, %add3A_1070 : vector<1x128xi32>
    %shift_right_logical3A_1072 = arith.constant 16 : i32
    %shift_right_logical3A_1073 = vector.broadcast %shift_right_logical3A_1072 : i32 to vector<1x128xi32>
    %shift_right_logical3A_1074 = arith.shrui %bitcast_convert_type3A_1068, %shift_right_logical3A_1073 : vector<1x128xi32>
    %and3A_1075 = arith.constant 1 : i32
    %and3A_1076 = vector.broadcast %and3A_1075 : i32 to vector<1x128xi32>
    %and3A_1077 = arith.andi %shift_right_logical3A_1074, %and3A_1076 : vector<1x128xi32>
    %add3A_1078 = arith.addi %add3A_1071, %and3A_1077 : vector<1x128xi32>
    %shift_right_logical3A_1079 = arith.constant 16 : i32
    %shift_right_logical3A_1080 = vector.broadcast %shift_right_logical3A_1079 : i32 to vector<1x128xi32>
    %shift_right_logical3A_1081 = arith.shrui %add3A_1078, %shift_right_logical3A_1080 : vector<1x128xi32>
    %shift_left3A_1082 = arith.constant 16 : i32
    %shift_left3A_1083 = vector.broadcast %shift_left3A_1082 : i32 to vector<1x128xi32>
    %shift_left3A_1084 = arith.shli %shift_right_logical3A_1081, %shift_left3A_1083 : vector<1x128xi32>
    %or3A_1085 = arith.ori %shift_right_logical3A_1054, %shift_left3A_1084 : vector<1x128xi32>
    %swap3A_1086 = arith.constant 17 : index
    %swap3A_1087 = arith.constant 0 : index
    %swap3A_1088 = vector.load %arg4[%swap3A_1086, %swap3A_1087] : memref<64x128xi32, #tpu.memory_space<vmem>>, vector<1x128xi32>
    tpu.vector_store %arg4[%swap3A_1086, %swap3A_1087], %or3A_1085 {strides = array<i32>} : memref<64x128xi32, #tpu.memory_space<vmem>>, vector<1x128xi32>,
    %get3A_1089 = arith.constant 2304 : index
    %get3A_1090 = arith.constant 0 : index
    %get3A_1091 = vector.load %arg1[%get3A_1089, %get3A_1090] : memref<16384x128xf32, #tpu.memory_space<vmem>>, vector<128x128xf32>
    %get3A_1092 = arith.constant 0 : index
    %get3A_1093 = arith.constant 0 : index
    %get3A_1094 = vector.load %arg2[%get3A_1092, %get3A_1093] : memref<1x128xf32, #tpu.memory_space<vmem>>, vector<1x128xf32>
    %dot_general3A_1095 = arith.constant dense<0.000000e+00> : vector<1x128xf32>
    %dot_general3A_1096 = tpu.matmul %get3A_1094, %get3A_1091, %dot_general3A_1095 {dimension_numbers = #tpu.dot_dimension_numbers<[1], [1], [0], [0], [0, 0, 1, 0], [], []>, transpose_lhs_hint = false} : vector<1x128xf32>, vector<128x128xf32>, vector<1x128xf32> -> vector<1x128xf32>
    %get3A_1097 = arith.constant 0 : index
    %get3A_1098 = vector.load %arg3[%get3A_1097] : memref<1xf32, #tpu.memory_space<vmem>>, vector<1xf32>
    %get3A_1099 = vector.extract %get3A_1098[0] : f32 from vector<1xf32>
    %add3A_1100 = vector.broadcast %get3A_1099 : f32 to vector<1x128xf32>
    %add3A_1101 = arith.addf %dot_general3A_1096, %add3A_1100 : vector<1x128xf32>
    %bitcast_convert_type3A_1102 = tpu.bitcast %add3A_1101 : vector<1x128xf32> -> vector<1x128xi32>
    %add3A_1103 = arith.constant 32767 : i32
    %add3A_1104 = vector.broadcast %add3A_1103 : i32 to vector<1x128xi32>
    %add3A_1105 = arith.addi %bitcast_convert_type3A_1102, %add3A_1104 : vector<1x128xi32>
    %shift_right_logical3A_1106 = arith.constant 16 : i32
    %shift_right_logical3A_1107 = vector.broadcast %shift_right_logical3A_1106 : i32 to vector<1x128xi32>
    %shift_right_logical3A_1108 = arith.shrui %bitcast_convert_type3A_1102, %shift_right_logical3A_1107 : vector<1x128xi32>
    %and3A_1109 = arith.constant 1 : i32
    %and3A_1110 = vector.broadcast %and3A_1109 : i32 to vector<1x128xi32>
    %and3A_1111 = arith.andi %shift_right_logical3A_1108, %and3A_1110 : vector<1x128xi32>
    %add3A_1112 = arith.addi %add3A_1105, %and3A_1111 : vector<1x128xi32>
    %shift_right_logical3A_1113 = arith.constant 16 : i32
    %shift_right_logical3A_1114 = vector.broadcast %shift_right_logical3A_1113 : i32 to vector<1x128xi32>
    %shift_right_logical3A_1115 = arith.shrui %add3A_1112, %shift_right_logical3A_1114 : vector<1x128xi32>
    %get3A_1116 = arith.constant 10496 : index
    %get3A_1117 = arith.constant 0 : index
    %get3A_1118 = vector.load %arg1[%get3A_1116, %get3A_1117] : memref<16384x128xf32, #tpu.memory_space<vmem>>, vector<128x128xf32>
    %get3A_1119 = arith.constant 0 : index
    %get3A_1120 = arith.constant 0 : index
    %get3A_1121 = vector.load %arg2[%get3A_1119, %get3A_1120] : memref<1x128xf32, #tpu.memory_space<vmem>>, vector<1x128xf32>
    %dot_general3A_1122 = arith.constant dense<0.000000e+00> : vector<1x128xf32>
    %dot_general3A_1123 = tpu.matmul %get3A_1121, %get3A_1118, %dot_general3A_1122 {dimension_numbers = #tpu.dot_dimension_numbers<[1], [1], [0], [0], [0, 0, 1, 0], [], []>, transpose_lhs_hint = false} : vector<1x128xf32>, vector<128x128xf32>, vector<1x128xf32> -> vector<1x128xf32>
    %get3A_1124 = arith.constant 0 : index
    %get3A_1125 = vector.load %arg3[%get3A_1124] : memref<1xf32, #tpu.memory_space<vmem>>, vector<1xf32>
    %get3A_1126 = vector.extract %get3A_1125[0] : f32 from vector<1xf32>
    %add3A_1127 = vector.broadcast %get3A_1126 : f32 to vector<1x128xf32>
    %add3A_1128 = arith.addf %dot_general3A_1123, %add3A_1127 : vector<1x128xf32>
    %bitcast_convert_type3A_1129 = tpu.bitcast %add3A_1128 : vector<1x128xf32> -> vector<1x128xi32>
    %add3A_1130 = arith.constant 32767 : i32
    %add3A_1131 = vector.broadcast %add3A_1130 : i32 to vector<1x128xi32>
    %add3A_1132 = arith.addi %bitcast_convert_type3A_1129, %add3A_1131 : vector<1x128xi32>
    %shift_right_logical3A_1133 = arith.constant 16 : i32
    %shift_right_logical3A_1134 = vector.broadcast %shift_right_logical3A_1133 : i32 to vector<1x128xi32>
    %shift_right_logical3A_1135 = arith.shrui %bitcast_convert_type3A_1129, %shift_right_logical3A_1134 : vector<1x128xi32>
    %and3A_1136 = arith.constant 1 : i32
    %and3A_1137 = vector.broadcast %and3A_1136 : i32 to vector<1x128xi32>
    %and3A_1138 = arith.andi %shift_right_logical3A_1135, %and3A_1137 : vector<1x128xi32>
    %add3A_1139 = arith.addi %add3A_1132, %and3A_1138 : vector<1x128xi32>
    %shift_right_logical3A_1140 = arith.constant 16 : i32
    %shift_right_logical3A_1141 = vector.broadcast %shift_right_logical3A_1140 : i32 to vector<1x128xi32>
    %shift_right_logical3A_1142 = arith.shrui %add3A_1139, %shift_right_logical3A_1141 : vector<1x128xi32>
    %shift_left3A_1143 = arith.constant 16 : i32
    %shift_left3A_1144 = vector.broadcast %shift_left3A_1143 : i32 to vector<1x128xi32>
    %shift_left3A_1145 = arith.shli %shift_right_logical3A_1142, %shift_left3A_1144 : vector<1x128xi32>
    %or3A_1146 = arith.ori %shift_right_logical3A_1115, %shift_left3A_1145 : vector<1x128xi32>
    %swap3A_1147 = arith.constant 18 : index
    %swap3A_1148 = arith.constant 0 : index
    %swap3A_1149 = vector.load %arg4[%swap3A_1147, %swap3A_1148] : memref<64x128xi32, #tpu.memory_space<vmem>>, vector<1x128xi32>
    tpu.vector_store %arg4[%swap3A_1147, %swap3A_1148], %or3A_1146 {strides = array<i32>} : memref<64x128xi32, #tpu.memory_space<vmem>>, vector<1x128xi32>,
    %get3A_1150 = arith.constant 2432 : index
    %get3A_1151 = arith.constant 0 : index
    %get3A_1152 = vector.load %arg1[%get3A_1150, %get3A_1151] : memref<16384x128xf32, #tpu.memory_space<vmem>>, vector<128x128xf32>
    %get3A_1153 = arith.constant 0 : index
    %get3A_1154 = arith.constant 0 : index
    %get3A_1155 = vector.load %arg2[%get3A_1153, %get3A_1154] : memref<1x128xf32, #tpu.memory_space<vmem>>, vector<1x128xf32>
    %dot_general3A_1156 = arith.constant dense<0.000000e+00> : vector<1x128xf32>
    %dot_general3A_1157 = tpu.matmul %get3A_1155, %get3A_1152, %dot_general3A_1156 {dimension_numbers = #tpu.dot_dimension_numbers<[1], [1], [0], [0], [0, 0, 1, 0], [], []>, transpose_lhs_hint = false} : vector<1x128xf32>, vector<128x128xf32>, vector<1x128xf32> -> vector<1x128xf32>
    %get3A_1158 = arith.constant 0 : index
    %get3A_1159 = vector.load %arg3[%get3A_1158] : memref<1xf32, #tpu.memory_space<vmem>>, vector<1xf32>
    %get3A_1160 = vector.extract %get3A_1159[0] : f32 from vector<1xf32>
    %add3A_1161 = vector.broadcast %get3A_1160 : f32 to vector<1x128xf32>
    %add3A_1162 = arith.addf %dot_general3A_1157, %add3A_1161 : vector<1x128xf32>
    %bitcast_convert_type3A_1163 = tpu.bitcast %add3A_1162 : vector<1x128xf32> -> vector<1x128xi32>
    %add3A_1164 = arith.constant 32767 : i32
    %add3A_1165 = vector.broadcast %add3A_1164 : i32 to vector<1x128xi32>
    %add3A_1166 = arith.addi %bitcast_convert_type3A_1163, %add3A_1165 : vector<1x128xi32>
    %shift_right_logical3A_1167 = arith.constant 16 : i32
    %shift_right_logical3A_1168 = vector.broadcast %shift_right_logical3A_1167 : i32 to vector<1x128xi32>
    %shift_right_logical3A_1169 = arith.shrui %bitcast_convert_type3A_1163, %shift_right_logical3A_1168 : vector<1x128xi32>
    %and3A_1170 = arith.constant 1 : i32
    %and3A_1171 = vector.broadcast %and3A_1170 : i32 to vector<1x128xi32>
    %and3A_1172 = arith.andi %shift_right_logical3A_1169, %and3A_1171 : vector<1x128xi32>
    %add3A_1173 = arith.addi %add3A_1166, %and3A_1172 : vector<1x128xi32>
    %shift_right_logical3A_1174 = arith.constant 16 : i32
    %shift_right_logical3A_1175 = vector.broadcast %shift_right_logical3A_1174 : i32 to vector<1x128xi32>
    %shift_right_logical3A_1176 = arith.shrui %add3A_1173, %shift_right_logical3A_1175 : vector<1x128xi32>
    %get3A_1177 = arith.constant 10624 : index
    %get3A_1178 = arith.constant 0 : index
    %get3A_1179 = vector.load %arg1[%get3A_1177, %get3A_1178] : memref<16384x128xf32, #tpu.memory_space<vmem>>, vector<128x128xf32>
    %get3A_1180 = arith.constant 0 : index
    %get3A_1181 = arith.constant 0 : index
    %get3A_1182 = vector.load %arg2[%get3A_1180, %get3A_1181] : memref<1x128xf32, #tpu.memory_space<vmem>>, vector<1x128xf32>
    %dot_general3A_1183 = arith.constant dense<0.000000e+00> : vector<1x128xf32>
    %dot_general3A_1184 = tpu.matmul %get3A_1182, %get3A_1179, %dot_general3A_1183 {dimension_numbers = #tpu.dot_dimension_numbers<[1], [1], [0], [0], [0, 0, 1, 0], [], []>, transpose_lhs_hint = false} : vector<1x128xf32>, vector<128x128xf32>, vector<1x128xf32> -> vector<1x128xf32>
    %get3A_1185 = arith.constant 0 : index
    %get3A_1186 = vector.load %arg3[%get3A_1185] : memref<1xf32, #tpu.memory_space<vmem>>, vector<1xf32>
    %get3A_1187 = vector.extract %get3A_1186[0] : f32 from vector<1xf32>
    %add3A_1188 = vector.broadcast %get3A_1187 : f32 to vector<1x128xf32>
    %add3A_1189 = arith.addf %dot_general3A_1184, %add3A_1188 : vector<1x128xf32>
    %bitcast_convert_type3A_1190 = tpu.bitcast %add3A_1189 : vector<1x128xf32> -> vector<1x128xi32>
    %add3A_1191 = arith.constant 32767 : i32
    %add3A_1192 = vector.broadcast %add3A_1191 : i32 to vector<1x128xi32>
    %add3A_1193 = arith.addi %bitcast_convert_type3A_1190, %add3A_1192 : vector<1x128xi32>
    %shift_right_logical3A_1194 = arith.constant 16 : i32
    %shift_right_logical3A_1195 = vector.broadcast %shift_right_logical3A_1194 : i32 to vector<1x128xi32>
    %shift_right_logical3A_1196 = arith.shrui %bitcast_convert_type3A_1190, %shift_right_logical3A_1195 : vector<1x128xi32>
    %and3A_1197 = arith.constant 1 : i32
    %and3A_1198 = vector.broadcast %and3A_1197 : i32 to vector<1x128xi32>
    %and3A_1199 = arith.andi %shift_right_logical3A_1196, %and3A_1198 : vector<1x128xi32>
    %add3A_1200 = arith.addi %add3A_1193, %and3A_1199 : vector<1x128xi32>
    %shift_right_logical3A_1201 = arith.constant 16 : i32
    %shift_right_logical3A_1202 = vector.broadcast %shift_right_logical3A_1201 : i32 to vector<1x128xi32>
    %shift_right_logical3A_1203 = arith.shrui %add3A_1200, %shift_right_logical3A_1202 : vector<1x128xi32>
    %shift_left3A_1204 = arith.constant 16 : i32
    %shift_left3A_1205 = vector.broadcast %shift_left3A_1204 : i32 to vector<1x128xi32>
    %shift_left3A_1206 = arith.shli %shift_right_logical3A_1203, %shift_left3A_1205 : vector<1x128xi32>
    %or3A_1207 = arith.ori %shift_right_logical3A_1176, %shift_left3A_1206 : vector<1x128xi32>
    %swap3A_1208 = arith.constant 19 : index
    %swap3A_1209 = arith.constant 0 : index
    %swap3A_1210 = vector.load %arg4[%swap3A_1208, %swap3A_1209] : memref<64x128xi32, #tpu.memory_space<vmem>>, vector<1x128xi32>
    tpu.vector_store %arg4[%swap3A_1208, %swap3A_1209], %or3A_1207 {strides = array<i32>} : memref<64x128xi32, #tpu.memory_space<vmem>>, vector<1x128xi32>,
    %get3A_1211 = arith.constant 2560 : index
    %get3A_1212 = arith.constant 0 : index
    %get3A_1213 = vector.load %arg1[%get3A_1211, %get3A_1212] : memref<16384x128xf32, #tpu.memory_space<vmem>>, vector<128x128xf32>
    %get3A_1214 = arith.constant 0 : index
    %get3A_1215 = arith.constant 0 : index
    %get3A_1216 = vector.load %arg2[%get3A_1214, %get3A_1215] : memref<1x128xf32, #tpu.memory_space<vmem>>, vector<1x128xf32>
    %dot_general3A_1217 = arith.constant dense<0.000000e+00> : vector<1x128xf32>
    %dot_general3A_1218 = tpu.matmul %get3A_1216, %get3A_1213, %dot_general3A_1217 {dimension_numbers = #tpu.dot_dimension_numbers<[1], [1], [0], [0], [0, 0, 1, 0], [], []>, transpose_lhs_hint = false} : vector<1x128xf32>, vector<128x128xf32>, vector<1x128xf32> -> vector<1x128xf32>
    %get3A_1219 = arith.constant 0 : index
    %get3A_1220 = vector.load %arg3[%get3A_1219] : memref<1xf32, #tpu.memory_space<vmem>>, vector<1xf32>
    %get3A_1221 = vector.extract %get3A_1220[0] : f32 from vector<1xf32>
    %add3A_1222 = vector.broadcast %get3A_1221 : f32 to vector<1x128xf32>
    %add3A_1223 = arith.addf %dot_general3A_1218, %add3A_1222 : vector<1x128xf32>
    %bitcast_convert_type3A_1224 = tpu.bitcast %add3A_1223 : vector<1x128xf32> -> vector<1x128xi32>
    %add3A_1225 = arith.constant 32767 : i32
    %add3A_1226 = vector.broadcast %add3A_1225 : i32 to vector<1x128xi32>
    %add3A_1227 = arith.addi %bitcast_convert_type3A_1224, %add3A_1226 : vector<1x128xi32>
    %shift_right_logical3A_1228 = arith.constant 16 : i32
    %shift_right_logical3A_1229 = vector.broadcast %shift_right_logical3A_1228 : i32 to vector<1x128xi32>
    %shift_right_logical3A_1230 = arith.shrui %bitcast_convert_type3A_1224, %shift_right_logical3A_1229 : vector<1x128xi32>
    %and3A_1231 = arith.constant 1 : i32
    %and3A_1232 = vector.broadcast %and3A_1231 : i32 to vector<1x128xi32>
    %and3A_1233 = arith.andi %shift_right_logical3A_1230, %and3A_1232 : vector<1x128xi32>
    %add3A_1234 = arith.addi %add3A_1227, %and3A_1233 : vector<1x128xi32>
    %shift_right_logical3A_1235 = arith.constant 16 : i32
    %shift_right_logical3A_1236 = vector.broadcast %shift_right_logical3A_1235 : i32 to vector<1x128xi32>
    %shift_right_logical3A_1237 = arith.shrui %add3A_1234, %shift_right_logical3A_1236 : vector<1x128xi32>
    %get3A_1238 = arith.constant 10752 : index
    %get3A_1239 = arith.constant 0 : index
    %get3A_1240 = vector.load %arg1[%get3A_1238, %get3A_1239] : memref<16384x128xf32, #tpu.memory_space<vmem>>, vector<128x128xf32>
    %get3A_1241 = arith.constant 0 : index
    %get3A_1242 = arith.constant 0 : index
    %get3A_1243 = vector.load %arg2[%get3A_1241, %get3A_1242] : memref<1x128xf32, #tpu.memory_space<vmem>>, vector<1x128xf32>
    %dot_general3A_1244 = arith.constant dense<0.000000e+00> : vector<1x128xf32>
    %dot_general3A_1245 = tpu.matmul %get3A_1243, %get3A_1240, %dot_general3A_1244 {dimension_numbers = #tpu.dot_dimension_numbers<[1], [1], [0], [0], [0, 0, 1, 0], [], []>, transpose_lhs_hint = false} : vector<1x128xf32>, vector<128x128xf32>, vector<1x128xf32> -> vector<1x128xf32>
    %get3A_1246 = arith.constant 0 : index
    %get3A_1247 = vector.load %arg3[%get3A_1246] : memref<1xf32, #tpu.memory_space<vmem>>, vector<1xf32>
    %get3A_1248 = vector.extract %get3A_1247[0] : f32 from vector<1xf32>
    %add3A_1249 = vector.broadcast %get3A_1248 : f32 to vector<1x128xf32>
    %add3A_1250 = arith.addf %dot_general3A_1245, %add3A_1249 : vector<1x128xf32>
    %bitcast_convert_type3A_1251 = tpu.bitcast %add3A_1250 : vector<1x128xf32> -> vector<1x128xi32>
    %add3A_1252 = arith.constant 32767 : i32
    %add3A_1253 = vector.broadcast %add3A_1252 : i32 to vector<1x128xi32>
    %add3A_1254 = arith.addi %bitcast_convert_type3A_1251, %add3A_1253 : vector<1x128xi32>
    %shift_right_logical3A_1255 = arith.constant 16 : i32
    %shift_right_logical3A_1256 = vector.broadcast %shift_right_logical3A_1255 : i32 to vector<1x128xi32>
    %shift_right_logical3A_1257 = arith.shrui %bitcast_convert_type3A_1251, %shift_right_logical3A_1256 : vector<1x128xi32>
    %and3A_1258 = arith.constant 1 : i32
    %and3A_1259 = vector.broadcast %and3A_1258 : i32 to vector<1x128xi32>
    %and3A_1260 = arith.andi %shift_right_logical3A_1257, %and3A_1259 : vector<1x128xi32>
    %add3A_1261 = arith.addi %add3A_1254, %and3A_1260 : vector<1x128xi32>
    %shift_right_logical3A_1262 = arith.constant 16 : i32
    %shift_right_logical3A_1263 = vector.broadcast %shift_right_logical3A_1262 : i32 to vector<1x128xi32>
    %shift_right_logical3A_1264 = arith.shrui %add3A_1261, %shift_right_logical3A_1263 : vector<1x128xi32>
    %shift_left3A_1265 = arith.constant 16 : i32
    %shift_left3A_1266 = vector.broadcast %shift_left3A_1265 : i32 to vector<1x128xi32>
    %shift_left3A_1267 = arith.shli %shift_right_logical3A_1264, %shift_left3A_1266 : vector<1x128xi32>
    %or3A_1268 = arith.ori %shift_right_logical3A_1237, %shift_left3A_1267 : vector<1x128xi32>
    %swap3A_1269 = arith.constant 20 : index
    %swap3A_1270 = arith.constant 0 : index
    %swap3A_1271 = vector.load %arg4[%swap3A_1269, %swap3A_1270] : memref<64x128xi32, #tpu.memory_space<vmem>>, vector<1x128xi32>
    tpu.vector_store %arg4[%swap3A_1269, %swap3A_1270], %or3A_1268 {strides = array<i32>} : memref<64x128xi32, #tpu.memory_space<vmem>>, vector<1x128xi32>,
    %get3A_1272 = arith.constant 2688 : index
    %get3A_1273 = arith.constant 0 : index
    %get3A_1274 = vector.load %arg1[%get3A_1272, %get3A_1273] : memref<16384x128xf32, #tpu.memory_space<vmem>>, vector<128x128xf32>
    %get3A_1275 = arith.constant 0 : index
    %get3A_1276 = arith.constant 0 : index
    %get3A_1277 = vector.load %arg2[%get3A_1275, %get3A_1276] : memref<1x128xf32, #tpu.memory_space<vmem>>, vector<1x128xf32>
    %dot_general3A_1278 = arith.constant dense<0.000000e+00> : vector<1x128xf32>
    %dot_general3A_1279 = tpu.matmul %get3A_1277, %get3A_1274, %dot_general3A_1278 {dimension_numbers = #tpu.dot_dimension_numbers<[1], [1], [0], [0], [0, 0, 1, 0], [], []>, transpose_lhs_hint = false} : vector<1x128xf32>, vector<128x128xf32>, vector<1x128xf32> -> vector<1x128xf32>
    %get3A_1280 = arith.constant 0 : index
    %get3A_1281 = vector.load %arg3[%get3A_1280] : memref<1xf32, #tpu.memory_space<vmem>>, vector<1xf32>
    %get3A_1282 = vector.extract %get3A_1281[0] : f32 from vector<1xf32>
    %add3A_1283 = vector.broadcast %get3A_1282 : f32 to vector<1x128xf32>
    %add3A_1284 = arith.addf %dot_general3A_1279, %add3A_1283 : vector<1x128xf32>
    %bitcast_convert_type3A_1285 = tpu.bitcast %add3A_1284 : vector<1x128xf32> -> vector<1x128xi32>
    %add3A_1286 = arith.constant 32767 : i32
    %add3A_1287 = vector.broadcast %add3A_1286 : i32 to vector<1x128xi32>
    %add3A_1288 = arith.addi %bitcast_convert_type3A_1285, %add3A_1287 : vector<1x128xi32>
    %shift_right_logical3A_1289 = arith.constant 16 : i32
    %shift_right_logical3A_1290 = vector.broadcast %shift_right_logical3A_1289 : i32 to vector<1x128xi32>
    %shift_right_logical3A_1291 = arith.shrui %bitcast_convert_type3A_1285, %shift_right_logical3A_1290 : vector<1x128xi32>
    %and3A_1292 = arith.constant 1 : i32
    %and3A_1293 = vector.broadcast %and3A_1292 : i32 to vector<1x128xi32>
    %and3A_1294 = arith.andi %shift_right_logical3A_1291, %and3A_1293 : vector<1x128xi32>
    %add3A_1295 = arith.addi %add3A_1288, %and3A_1294 : vector<1x128xi32>
    %shift_right_logical3A_1296 = arith.constant 16 : i32
    %shift_right_logical3A_1297 = vector.broadcast %shift_right_logical3A_1296 : i32 to vector<1x128xi32>
    %shift_right_logical3A_1298 = arith.shrui %add3A_1295, %shift_right_logical3A_1297 : vector<1x128xi32>
    %get3A_1299 = arith.constant 10880 : index
    %get3A_1300 = arith.constant 0 : index
    %get3A_1301 = vector.load %arg1[%get3A_1299, %get3A_1300] : memref<16384x128xf32, #tpu.memory_space<vmem>>, vector<128x128xf32>
    %get3A_1302 = arith.constant 0 : index
    %get3A_1303 = arith.constant 0 : index
    %get3A_1304 = vector.load %arg2[%get3A_1302, %get3A_1303] : memref<1x128xf32, #tpu.memory_space<vmem>>, vector<1x128xf32>
    %dot_general3A_1305 = arith.constant dense<0.000000e+00> : vector<1x128xf32>
    %dot_general3A_1306 = tpu.matmul %get3A_1304, %get3A_1301, %dot_general3A_1305 {dimension_numbers = #tpu.dot_dimension_numbers<[1], [1], [0], [0], [0, 0, 1, 0], [], []>, transpose_lhs_hint = false} : vector<1x128xf32>, vector<128x128xf32>, vector<1x128xf32> -> vector<1x128xf32>
    %get3A_1307 = arith.constant 0 : index
    %get3A_1308 = vector.load %arg3[%get3A_1307] : memref<1xf32, #tpu.memory_space<vmem>>, vector<1xf32>
    %get3A_1309 = vector.extract %get3A_1308[0] : f32 from vector<1xf32>
    %add3A_1310 = vector.broadcast %get3A_1309 : f32 to vector<1x128xf32>
    %add3A_1311 = arith.addf %dot_general3A_1306, %add3A_1310 : vector<1x128xf32>
    %bitcast_convert_type3A_1312 = tpu.bitcast %add3A_1311 : vector<1x128xf32> -> vector<1x128xi32>
    %add3A_1313 = arith.constant 32767 : i32
    %add3A_1314 = vector.broadcast %add3A_1313 : i32 to vector<1x128xi32>
    %add3A_1315 = arith.addi %bitcast_convert_type3A_1312, %add3A_1314 : vector<1x128xi32>
    %shift_right_logical3A_1316 = arith.constant 16 : i32
    %shift_right_logical3A_1317 = vector.broadcast %shift_right_logical3A_1316 : i32 to vector<1x128xi32>
    %shift_right_logical3A_1318 = arith.shrui %bitcast_convert_type3A_1312, %shift_right_logical3A_1317 : vector<1x128xi32>
    %and3A_1319 = arith.constant 1 : i32
    %and3A_1320 = vector.broadcast %and3A_1319 : i32 to vector<1x128xi32>
    %and3A_1321 = arith.andi %shift_right_logical3A_1318, %and3A_1320 : vector<1x128xi32>
    %add3A_1322 = arith.addi %add3A_1315, %and3A_1321 : vector<1x128xi32>
    %shift_right_logical3A_1323 = arith.constant 16 : i32
    %shift_right_logical3A_1324 = vector.broadcast %shift_right_logical3A_1323 : i32 to vector<1x128xi32>
    %shift_right_logical3A_1325 = arith.shrui %add3A_1322, %shift_right_logical3A_1324 : vector<1x128xi32>
    %shift_left3A_1326 = arith.constant 16 : i32
    %shift_left3A_1327 = vector.broadcast %shift_left3A_1326 : i32 to vector<1x128xi32>
    %shift_left3A_1328 = arith.shli %shift_right_logical3A_1325, %shift_left3A_1327 : vector<1x128xi32>
    %or3A_1329 = arith.ori %shift_right_logical3A_1298, %shift_left3A_1328 : vector<1x128xi32>
    %swap3A_1330 = arith.constant 21 : index
    %swap3A_1331 = arith.constant 0 : index
    %swap3A_1332 = vector.load %arg4[%swap3A_1330, %swap3A_1331] : memref<64x128xi32, #tpu.memory_space<vmem>>, vector<1x128xi32>
    tpu.vector_store %arg4[%swap3A_1330, %swap3A_1331], %or3A_1329 {strides = array<i32>} : memref<64x128xi32, #tpu.memory_space<vmem>>, vector<1x128xi32>,
    %get3A_1333 = arith.constant 2816 : index
    %get3A_1334 = arith.constant 0 : index
    %get3A_1335 = vector.load %arg1[%get3A_1333, %get3A_1334] : memref<16384x128xf32, #tpu.memory_space<vmem>>, vector<128x128xf32>
    %get3A_1336 = arith.constant 0 : index
    %get3A_1337 = arith.constant 0 : index
    %get3A_1338 = vector.load %arg2[%get3A_1336, %get3A_1337] : memref<1x128xf32, #tpu.memory_space<vmem>>, vector<1x128xf32>
    %dot_general3A_1339 = arith.constant dense<0.000000e+00> : vector<1x128xf32>
    %dot_general3A_1340 = tpu.matmul %get3A_1338, %get3A_1335, %dot_general3A_1339 {dimension_numbers = #tpu.dot_dimension_numbers<[1], [1], [0], [0], [0, 0, 1, 0], [], []>, transpose_lhs_hint = false} : vector<1x128xf32>, vector<128x128xf32>, vector<1x128xf32> -> vector<1x128xf32>
    %get3A_1341 = arith.constant 0 : index
    %get3A_1342 = vector.load %arg3[%get3A_1341] : memref<1xf32, #tpu.memory_space<vmem>>, vector<1xf32>
    %get3A_1343 = vector.extract %get3A_1342[0] : f32 from vector<1xf32>
    %add3A_1344 = vector.broadcast %get3A_1343 : f32 to vector<1x128xf32>
    %add3A_1345 = arith.addf %dot_general3A_1340, %add3A_1344 : vector<1x128xf32>
    %bitcast_convert_type3A_1346 = tpu.bitcast %add3A_1345 : vector<1x128xf32> -> vector<1x128xi32>
    %add3A_1347 = arith.constant 32767 : i32
    %add3A_1348 = vector.broadcast %add3A_1347 : i32 to vector<1x128xi32>
    %add3A_1349 = arith.addi %bitcast_convert_type3A_1346, %add3A_1348 : vector<1x128xi32>
    %shift_right_logical3A_1350 = arith.constant 16 : i32
    %shift_right_logical3A_1351 = vector.broadcast %shift_right_logical3A_1350 : i32 to vector<1x128xi32>
    %shift_right_logical3A_1352 = arith.shrui %bitcast_convert_type3A_1346, %shift_right_logical3A_1351 : vector<1x128xi32>
    %and3A_1353 = arith.constant 1 : i32
    %and3A_1354 = vector.broadcast %and3A_1353 : i32 to vector<1x128xi32>
    %and3A_1355 = arith.andi %shift_right_logical3A_1352, %and3A_1354 : vector<1x128xi32>
    %add3A_1356 = arith.addi %add3A_1349, %and3A_1355 : vector<1x128xi32>
    %shift_right_logical3A_1357 = arith.constant 16 : i32
    %shift_right_logical3A_1358 = vector.broadcast %shift_right_logical3A_1357 : i32 to vector<1x128xi32>
    %shift_right_logical3A_1359 = arith.shrui %add3A_1356, %shift_right_logical3A_1358 : vector<1x128xi32>
    %get3A_1360 = arith.constant 11008 : index
    %get3A_1361 = arith.constant 0 : index
    %get3A_1362 = vector.load %arg1[%get3A_1360, %get3A_1361] : memref<16384x128xf32, #tpu.memory_space<vmem>>, vector<128x128xf32>
    %get3A_1363 = arith.constant 0 : index
    %get3A_1364 = arith.constant 0 : index
    %get3A_1365 = vector.load %arg2[%get3A_1363, %get3A_1364] : memref<1x128xf32, #tpu.memory_space<vmem>>, vector<1x128xf32>
    %dot_general3A_1366 = arith.constant dense<0.000000e+00> : vector<1x128xf32>
    %dot_general3A_1367 = tpu.matmul %get3A_1365, %get3A_1362, %dot_general3A_1366 {dimension_numbers = #tpu.dot_dimension_numbers<[1], [1], [0], [0], [0, 0, 1, 0], [], []>, transpose_lhs_hint = false} : vector<1x128xf32>, vector<128x128xf32>, vector<1x128xf32> -> vector<1x128xf32>
    %get3A_1368 = arith.constant 0 : index
    %get3A_1369 = vector.load %arg3[%get3A_1368] : memref<1xf32, #tpu.memory_space<vmem>>, vector<1xf32>
    %get3A_1370 = vector.extract %get3A_1369[0] : f32 from vector<1xf32>
    %add3A_1371 = vector.broadcast %get3A_1370 : f32 to vector<1x128xf32>
    %add3A_1372 = arith.addf %dot_general3A_1367, %add3A_1371 : vector<1x128xf32>
    %bitcast_convert_type3A_1373 = tpu.bitcast %add3A_1372 : vector<1x128xf32> -> vector<1x128xi32>
    %add3A_1374 = arith.constant 32767 : i32
    %add3A_1375 = vector.broadcast %add3A_1374 : i32 to vector<1x128xi32>
    %add3A_1376 = arith.addi %bitcast_convert_type3A_1373, %add3A_1375 : vector<1x128xi32>
    %shift_right_logical3A_1377 = arith.constant 16 : i32
    %shift_right_logical3A_1378 = vector.broadcast %shift_right_logical3A_1377 : i32 to vector<1x128xi32>
    %shift_right_logical3A_1379 = arith.shrui %bitcast_convert_type3A_1373, %shift_right_logical3A_1378 : vector<1x128xi32>
    %and3A_1380 = arith.constant 1 : i32
    %and3A_1381 = vector.broadcast %and3A_1380 : i32 to vector<1x128xi32>
    %and3A_1382 = arith.andi %shift_right_logical3A_1379, %and3A_1381 : vector<1x128xi32>
    %add3A_1383 = arith.addi %add3A_1376, %and3A_1382 : vector<1x128xi32>
    %shift_right_logical3A_1384 = arith.constant 16 : i32
    %shift_right_logical3A_1385 = vector.broadcast %shift_right_logical3A_1384 : i32 to vector<1x128xi32>
    %shift_right_logical3A_1386 = arith.shrui %add3A_1383, %shift_right_logical3A_1385 : vector<1x128xi32>
    %shift_left3A_1387 = arith.constant 16 : i32
    %shift_left3A_1388 = vector.broadcast %shift_left3A_1387 : i32 to vector<1x128xi32>
    %shift_left3A_1389 = arith.shli %shift_right_logical3A_1386, %shift_left3A_1388 : vector<1x128xi32>
    %or3A_1390 = arith.ori %shift_right_logical3A_1359, %shift_left3A_1389 : vector<1x128xi32>
    %swap3A_1391 = arith.constant 22 : index
    %swap3A_1392 = arith.constant 0 : index
    %swap3A_1393 = vector.load %arg4[%swap3A_1391, %swap3A_1392] : memref<64x128xi32, #tpu.memory_space<vmem>>, vector<1x128xi32>
    tpu.vector_store %arg4[%swap3A_1391, %swap3A_1392], %or3A_1390 {strides = array<i32>} : memref<64x128xi32, #tpu.memory_space<vmem>>, vector<1x128xi32>,
    %get3A_1394 = arith.constant 2944 : index
    %get3A_1395 = arith.constant 0 : index
    %get3A_1396 = vector.load %arg1[%get3A_1394, %get3A_1395] : memref<16384x128xf32, #tpu.memory_space<vmem>>, vector<128x128xf32>
    %get3A_1397 = arith.constant 0 : index
    %get3A_1398 = arith.constant 0 : index
    %get3A_1399 = vector.load %arg2[%get3A_1397, %get3A_1398] : memref<1x128xf32, #tpu.memory_space<vmem>>, vector<1x128xf32>
    %dot_general3A_1400 = arith.constant dense<0.000000e+00> : vector<1x128xf32>
    %dot_general3A_1401 = tpu.matmul %get3A_1399, %get3A_1396, %dot_general3A_1400 {dimension_numbers = #tpu.dot_dimension_numbers<[1], [1], [0], [0], [0, 0, 1, 0], [], []>, transpose_lhs_hint = false} : vector<1x128xf32>, vector<128x128xf32>, vector<1x128xf32> -> vector<1x128xf32>
    %get3A_1402 = arith.constant 0 : index
    %get3A_1403 = vector.load %arg3[%get3A_1402] : memref<1xf32, #tpu.memory_space<vmem>>, vector<1xf32>
    %get3A_1404 = vector.extract %get3A_1403[0] : f32 from vector<1xf32>
    %add3A_1405 = vector.broadcast %get3A_1404 : f32 to vector<1x128xf32>
    %add3A_1406 = arith.addf %dot_general3A_1401, %add3A_1405 : vector<1x128xf32>
    %bitcast_convert_type3A_1407 = tpu.bitcast %add3A_1406 : vector<1x128xf32> -> vector<1x128xi32>
    %add3A_1408 = arith.constant 32767 : i32
    %add3A_1409 = vector.broadcast %add3A_1408 : i32 to vector<1x128xi32>
    %add3A_1410 = arith.addi %bitcast_convert_type3A_1407, %add3A_1409 : vector<1x128xi32>
    %shift_right_logical3A_1411 = arith.constant 16 : i32
    %shift_right_logical3A_1412 = vector.broadcast %shift_right_logical3A_1411 : i32 to vector<1x128xi32>
    %shift_right_logical3A_1413 = arith.shrui %bitcast_convert_type3A_1407, %shift_right_logical3A_1412 : vector<1x128xi32>
    %and3A_1414 = arith.constant 1 : i32
    %and3A_1415 = vector.broadcast %and3A_1414 : i32 to vector<1x128xi32>
    %and3A_1416 = arith.andi %shift_right_logical3A_1413, %and3A_1415 : vector<1x128xi32>
    %add3A_1417 = arith.addi %add3A_1410, %and3A_1416 : vector<1x128xi32>
    %shift_right_logical3A_1418 = arith.constant 16 : i32
    %shift_right_logical3A_1419 = vector.broadcast %shift_right_logical3A_1418 : i32 to vector<1x128xi32>
    %shift_right_logical3A_1420 = arith.shrui %add3A_1417, %shift_right_logical3A_1419 : vector<1x128xi32>
    %get3A_1421 = arith.constant 11136 : index
    %get3A_1422 = arith.constant 0 : index
    %get3A_1423 = vector.load %arg1[%get3A_1421, %get3A_1422] : memref<16384x128xf32, #tpu.memory_space<vmem>>, vector<128x128xf32>
    %get3A_1424 = arith.constant 0 : index
    %get3A_1425 = arith.constant 0 : index
    %get3A_1426 = vector.load %arg2[%get3A_1424, %get3A_1425] : memref<1x128xf32, #tpu.memory_space<vmem>>, vector<1x128xf32>
    %dot_general3A_1427 = arith.constant dense<0.000000e+00> : vector<1x128xf32>
    %dot_general3A_1428 = tpu.matmul %get3A_1426, %get3A_1423, %dot_general3A_1427 {dimension_numbers = #tpu.dot_dimension_numbers<[1], [1], [0], [0], [0, 0, 1, 0], [], []>, transpose_lhs_hint = false} : vector<1x128xf32>, vector<128x128xf32>, vector<1x128xf32> -> vector<1x128xf32>
    %get3A_1429 = arith.constant 0 : index
    %get3A_1430 = vector.load %arg3[%get3A_1429] : memref<1xf32, #tpu.memory_space<vmem>>, vector<1xf32>
    %get3A_1431 = vector.extract %get3A_1430[0] : f32 from vector<1xf32>
    %add3A_1432 = vector.broadcast %get3A_1431 : f32 to vector<1x128xf32>
    %add3A_1433 = arith.addf %dot_general3A_1428, %add3A_1432 : vector<1x128xf32>
    %bitcast_convert_type3A_1434 = tpu.bitcast %add3A_1433 : vector<1x128xf32> -> vector<1x128xi32>
    %add3A_1435 = arith.constant 32767 : i32
    %add3A_1436 = vector.broadcast %add3A_1435 : i32 to vector<1x128xi32>
    %add3A_1437 = arith.addi %bitcast_convert_type3A_1434, %add3A_1436 : vector<1x128xi32>
    %shift_right_logical3A_1438 = arith.constant 16 : i32
    %shift_right_logical3A_1439 = vector.broadcast %shift_right_logical3A_1438 : i32 to vector<1x128xi32>
    %shift_right_logical3A_1440 = arith.shrui %bitcast_convert_type3A_1434, %shift_right_logical3A_1439 : vector<1x128xi32>
    %and3A_1441 = arith.constant 1 : i32
    %and3A_1442 = vector.broadcast %and3A_1441 : i32 to vector<1x128xi32>
    %and3A_1443 = arith.andi %shift_right_logical3A_1440, %and3A_1442 : vector<1x128xi32>
    %add3A_1444 = arith.addi %add3A_1437, %and3A_1443 : vector<1x128xi32>
    %shift_right_logical3A_1445 = arith.constant 16 : i32
    %shift_right_logical3A_1446 = vector.broadcast %shift_right_logical3A_1445 : i32 to vector<1x128xi32>
    %shift_right_logical3A_1447 = arith.shrui %add3A_1444, %shift_right_logical3A_1446 : vector<1x128xi32>
    %shift_left3A_1448 = arith.constant 16 : i32
    %shift_left3A_1449 = vector.broadcast %shift_left3A_1448 : i32 to vector<1x128xi32>
    %shift_left3A_1450 = arith.shli %shift_right_logical3A_1447, %shift_left3A_1449 : vector<1x128xi32>
    %or3A_1451 = arith.ori %shift_right_logical3A_1420, %shift_left3A_1450 : vector<1x128xi32>
    %swap3A_1452 = arith.constant 23 : index
    %swap3A_1453 = arith.constant 0 : index
    %swap3A_1454 = vector.load %arg4[%swap3A_1452, %swap3A_1453] : memref<64x128xi32, #tpu.memory_space<vmem>>, vector<1x128xi32>
    tpu.vector_store %arg4[%swap3A_1452, %swap3A_1453], %or3A_1451 {strides = array<i32>} : memref<64x128xi32, #tpu.memory_space<vmem>>, vector<1x128xi32>,
    %get3A_1455 = arith.constant 3072 : index
    %get3A_1456 = arith.constant 0 : index
    %get3A_1457 = vector.load %arg1[%get3A_1455, %get3A_1456] : memref<16384x128xf32, #tpu.memory_space<vmem>>, vector<128x128xf32>
    %get3A_1458 = arith.constant 0 : index
    %get3A_1459 = arith.constant 0 : index
    %get3A_1460 = vector.load %arg2[%get3A_1458, %get3A_1459] : memref<1x128xf32, #tpu.memory_space<vmem>>, vector<1x128xf32>
    %dot_general3A_1461 = arith.constant dense<0.000000e+00> : vector<1x128xf32>
    %dot_general3A_1462 = tpu.matmul %get3A_1460, %get3A_1457, %dot_general3A_1461 {dimension_numbers = #tpu.dot_dimension_numbers<[1], [1], [0], [0], [0, 0, 1, 0], [], []>, transpose_lhs_hint = false} : vector<1x128xf32>, vector<128x128xf32>, vector<1x128xf32> -> vector<1x128xf32>
    %get3A_1463 = arith.constant 0 : index
    %get3A_1464 = vector.load %arg3[%get3A_1463] : memref<1xf32, #tpu.memory_space<vmem>>, vector<1xf32>
    %get3A_1465 = vector.extract %get3A_1464[0] : f32 from vector<1xf32>
    %add3A_1466 = vector.broadcast %get3A_1465 : f32 to vector<1x128xf32>
    %add3A_1467 = arith.addf %dot_general3A_1462, %add3A_1466 : vector<1x128xf32>
    %bitcast_convert_type3A_1468 = tpu.bitcast %add3A_1467 : vector<1x128xf32> -> vector<1x128xi32>
    %add3A_1469 = arith.constant 32767 : i32
    %add3A_1470 = vector.broadcast %add3A_1469 : i32 to vector<1x128xi32>
    %add3A_1471 = arith.addi %bitcast_convert_type3A_1468, %add3A_1470 : vector<1x128xi32>
    %shift_right_logical3A_1472 = arith.constant 16 : i32
    %shift_right_logical3A_1473 = vector.broadcast %shift_right_logical3A_1472 : i32 to vector<1x128xi32>
    %shift_right_logical3A_1474 = arith.shrui %bitcast_convert_type3A_1468, %shift_right_logical3A_1473 : vector<1x128xi32>
    %and3A_1475 = arith.constant 1 : i32
    %and3A_1476 = vector.broadcast %and3A_1475 : i32 to vector<1x128xi32>
    %and3A_1477 = arith.andi %shift_right_logical3A_1474, %and3A_1476 : vector<1x128xi32>
    %add3A_1478 = arith.addi %add3A_1471, %and3A_1477 : vector<1x128xi32>
    %shift_right_logical3A_1479 = arith.constant 16 : i32
    %shift_right_logical3A_1480 = vector.broadcast %shift_right_logical3A_1479 : i32 to vector<1x128xi32>
    %shift_right_logical3A_1481 = arith.shrui %add3A_1478, %shift_right_logical3A_1480 : vector<1x128xi32>
    %get3A_1482 = arith.constant 11264 : index
    %get3A_1483 = arith.constant 0 : index
    %get3A_1484 = vector.load %arg1[%get3A_1482, %get3A_1483] : memref<16384x128xf32, #tpu.memory_space<vmem>>, vector<128x128xf32>
    %get3A_1485 = arith.constant 0 : index
    %get3A_1486 = arith.constant 0 : index
    %get3A_1487 = vector.load %arg2[%get3A_1485, %get3A_1486] : memref<1x128xf32, #tpu.memory_space<vmem>>, vector<1x128xf32>
    %dot_general3A_1488 = arith.constant dense<0.000000e+00> : vector<1x128xf32>
    %dot_general3A_1489 = tpu.matmul %get3A_1487, %get3A_1484, %dot_general3A_1488 {dimension_numbers = #tpu.dot_dimension_numbers<[1], [1], [0], [0], [0, 0, 1, 0], [], []>, transpose_lhs_hint = false} : vector<1x128xf32>, vector<128x128xf32>, vector<1x128xf32> -> vector<1x128xf32>
    %get3A_1490 = arith.constant 0 : index
    %get3A_1491 = vector.load %arg3[%get3A_1490] : memref<1xf32, #tpu.memory_space<vmem>>, vector<1xf32>
    %get3A_1492 = vector.extract %get3A_1491[0] : f32 from vector<1xf32>
    %add3A_1493 = vector.broadcast %get3A_1492 : f32 to vector<1x128xf32>
    %add3A_1494 = arith.addf %dot_general3A_1489, %add3A_1493 : vector<1x128xf32>
    %bitcast_convert_type3A_1495 = tpu.bitcast %add3A_1494 : vector<1x128xf32> -> vector<1x128xi32>
    %add3A_1496 = arith.constant 32767 : i32
    %add3A_1497 = vector.broadcast %add3A_1496 : i32 to vector<1x128xi32>
    %add3A_1498 = arith.addi %bitcast_convert_type3A_1495, %add3A_1497 : vector<1x128xi32>
    %shift_right_logical3A_1499 = arith.constant 16 : i32
    %shift_right_logical3A_1500 = vector.broadcast %shift_right_logical3A_1499 : i32 to vector<1x128xi32>
    %shift_right_logical3A_1501 = arith.shrui %bitcast_convert_type3A_1495, %shift_right_logical3A_1500 : vector<1x128xi32>
    %and3A_1502 = arith.constant 1 : i32
    %and3A_1503 = vector.broadcast %and3A_1502 : i32 to vector<1x128xi32>
    %and3A_1504 = arith.andi %shift_right_logical3A_1501, %and3A_1503 : vector<1x128xi32>
    %add3A_1505 = arith.addi %add3A_1498, %and3A_1504 : vector<1x128xi32>
    %shift_right_logical3A_1506 = arith.constant 16 : i32
    %shift_right_logical3A_1507 = vector.broadcast %shift_right_logical3A_1506 : i32 to vector<1x128xi32>
    %shift_right_logical3A_1508 = arith.shrui %add3A_1505, %shift_right_logical3A_1507 : vector<1x128xi32>
    %shift_left3A_1509 = arith.constant 16 : i32
    %shift_left3A_1510 = vector.broadcast %shift_left3A_1509 : i32 to vector<1x128xi32>
    %shift_left3A_1511 = arith.shli %shift_right_logical3A_1508, %shift_left3A_1510 : vector<1x128xi32>
    %or3A_1512 = arith.ori %shift_right_logical3A_1481, %shift_left3A_1511 : vector<1x128xi32>
    %swap3A_1513 = arith.constant 24 : index
    %swap3A_1514 = arith.constant 0 : index
    %swap3A_1515 = vector.load %arg4[%swap3A_1513, %swap3A_1514] : memref<64x128xi32, #tpu.memory_space<vmem>>, vector<1x128xi32>
    tpu.vector_store %arg4[%swap3A_1513, %swap3A_1514], %or3A_1512 {strides = array<i32>} : memref<64x128xi32, #tpu.memory_space<vmem>>, vector<1x128xi32>,
    %get3A_1516 = arith.constant 3200 : index
    %get3A_1517 = arith.constant 0 : index
    %get3A_1518 = vector.load %arg1[%get3A_1516, %get3A_1517] : memref<16384x128xf32, #tpu.memory_space<vmem>>, vector<128x128xf32>
    %get3A_1519 = arith.constant 0 : index
    %get3A_1520 = arith.constant 0 : index
    %get3A_1521 = vector.load %arg2[%get3A_1519, %get3A_1520] : memref<1x128xf32, #tpu.memory_space<vmem>>, vector<1x128xf32>
    %dot_general3A_1522 = arith.constant dense<0.000000e+00> : vector<1x128xf32>
    %dot_general3A_1523 = tpu.matmul %get3A_1521, %get3A_1518, %dot_general3A_1522 {dimension_numbers = #tpu.dot_dimension_numbers<[1], [1], [0], [0], [0, 0, 1, 0], [], []>, transpose_lhs_hint = false} : vector<1x128xf32>, vector<128x128xf32>, vector<1x128xf32> -> vector<1x128xf32>
    %get3A_1524 = arith.constant 0 : index
    %get3A_1525 = vector.load %arg3[%get3A_1524] : memref<1xf32, #tpu.memory_space<vmem>>, vector<1xf32>
    %get3A_1526 = vector.extract %get3A_1525[0] : f32 from vector<1xf32>
    %add3A_1527 = vector.broadcast %get3A_1526 : f32 to vector<1x128xf32>
    %add3A_1528 = arith.addf %dot_general3A_1523, %add3A_1527 : vector<1x128xf32>
    %bitcast_convert_type3A_1529 = tpu.bitcast %add3A_1528 : vector<1x128xf32> -> vector<1x128xi32>
    %add3A_1530 = arith.constant 32767 : i32
    %add3A_1531 = vector.broadcast %add3A_1530 : i32 to vector<1x128xi32>
    %add3A_1532 = arith.addi %bitcast_convert_type3A_1529, %add3A_1531 : vector<1x128xi32>
    %shift_right_logical3A_1533 = arith.constant 16 : i32
    %shift_right_logical3A_1534 = vector.broadcast %shift_right_logical3A_1533 : i32 to vector<1x128xi32>
    %shift_right_logical3A_1535 = arith.shrui %bitcast_convert_type3A_1529, %shift_right_logical3A_1534 : vector<1x128xi32>
    %and3A_1536 = arith.constant 1 : i32
    %and3A_1537 = vector.broadcast %and3A_1536 : i32 to vector<1x128xi32>
    %and3A_1538 = arith.andi %shift_right_logical3A_1535, %and3A_1537 : vector<1x128xi32>
    %add3A_1539 = arith.addi %add3A_1532, %and3A_1538 : vector<1x128xi32>
    %shift_right_logical3A_1540 = arith.constant 16 : i32
    %shift_right_logical3A_1541 = vector.broadcast %shift_right_logical3A_1540 : i32 to vector<1x128xi32>
    %shift_right_logical3A_1542 = arith.shrui %add3A_1539, %shift_right_logical3A_1541 : vector<1x128xi32>
    %get3A_1543 = arith.constant 11392 : index
    %get3A_1544 = arith.constant 0 : index
    %get3A_1545 = vector.load %arg1[%get3A_1543, %get3A_1544] : memref<16384x128xf32, #tpu.memory_space<vmem>>, vector<128x128xf32>
    %get3A_1546 = arith.constant 0 : index
    %get3A_1547 = arith.constant 0 : index
    %get3A_1548 = vector.load %arg2[%get3A_1546, %get3A_1547] : memref<1x128xf32, #tpu.memory_space<vmem>>, vector<1x128xf32>
    %dot_general3A_1549 = arith.constant dense<0.000000e+00> : vector<1x128xf32>
    %dot_general3A_1550 = tpu.matmul %get3A_1548, %get3A_1545, %dot_general3A_1549 {dimension_numbers = #tpu.dot_dimension_numbers<[1], [1], [0], [0], [0, 0, 1, 0], [], []>, transpose_lhs_hint = false} : vector<1x128xf32>, vector<128x128xf32>, vector<1x128xf32> -> vector<1x128xf32>
    %get3A_1551 = arith.constant 0 : index
    %get3A_1552 = vector.load %arg3[%get3A_1551] : memref<1xf32, #tpu.memory_space<vmem>>, vector<1xf32>
    %get3A_1553 = vector.extract %get3A_1552[0] : f32 from vector<1xf32>
    %add3A_1554 = vector.broadcast %get3A_1553 : f32 to vector<1x128xf32>
    %add3A_1555 = arith.addf %dot_general3A_1550, %add3A_1554 : vector<1x128xf32>
    %bitcast_convert_type3A_1556 = tpu.bitcast %add3A_1555 : vector<1x128xf32> -> vector<1x128xi32>
    %add3A_1557 = arith.constant 32767 : i32
    %add3A_1558 = vector.broadcast %add3A_1557 : i32 to vector<1x128xi32>
    %add3A_1559 = arith.addi %bitcast_convert_type3A_1556, %add3A_1558 : vector<1x128xi32>
    %shift_right_logical3A_1560 = arith.constant 16 : i32
    %shift_right_logical3A_1561 = vector.broadcast %shift_right_logical3A_1560 : i32 to vector<1x128xi32>
    %shift_right_logical3A_1562 = arith.shrui %bitcast_convert_type3A_1556, %shift_right_logical3A_1561 : vector<1x128xi32>
    %and3A_1563 = arith.constant 1 : i32
    %and3A_1564 = vector.broadcast %and3A_1563 : i32 to vector<1x128xi32>
    %and3A_1565 = arith.andi %shift_right_logical3A_1562, %and3A_1564 : vector<1x128xi32>
    %add3A_1566 = arith.addi %add3A_1559, %and3A_1565 : vector<1x128xi32>
    %shift_right_logical3A_1567 = arith.constant 16 : i32
    %shift_right_logical3A_1568 = vector.broadcast %shift_right_logical3A_1567 : i32 to vector<1x128xi32>
    %shift_right_logical3A_1569 = arith.shrui %add3A_1566, %shift_right_logical3A_1568 : vector<1x128xi32>
    %shift_left3A_1570 = arith.constant 16 : i32
    %shift_left3A_1571 = vector.broadcast %shift_left3A_1570 : i32 to vector<1x128xi32>
    %shift_left3A_1572 = arith.shli %shift_right_logical3A_1569, %shift_left3A_1571 : vector<1x128xi32>
    %or3A_1573 = arith.ori %shift_right_logical3A_1542, %shift_left3A_1572 : vector<1x128xi32>
    %swap3A_1574 = arith.constant 25 : index
    %swap3A_1575 = arith.constant 0 : index
    %swap3A_1576 = vector.load %arg4[%swap3A_1574, %swap3A_1575] : memref<64x128xi32, #tpu.memory_space<vmem>>, vector<1x128xi32>
    tpu.vector_store %arg4[%swap3A_1574, %swap3A_1575], %or3A_1573 {strides = array<i32>} : memref<64x128xi32, #tpu.memory_space<vmem>>, vector<1x128xi32>,
    %get3A_1577 = arith.constant 3328 : index
    %get3A_1578 = arith.constant 0 : index
    %get3A_1579 = vector.load %arg1[%get3A_1577, %get3A_1578] : memref<16384x128xf32, #tpu.memory_space<vmem>>, vector<128x128xf32>
    %get3A_1580 = arith.constant 0 : index
    %get3A_1581 = arith.constant 0 : index
    %get3A_1582 = vector.load %arg2[%get3A_1580, %get3A_1581] : memref<1x128xf32, #tpu.memory_space<vmem>>, vector<1x128xf32>
    %dot_general3A_1583 = arith.constant dense<0.000000e+00> : vector<1x128xf32>
    %dot_general3A_1584 = tpu.matmul %get3A_1582, %get3A_1579, %dot_general3A_1583 {dimension_numbers = #tpu.dot_dimension_numbers<[1], [1], [0], [0], [0, 0, 1, 0], [], []>, transpose_lhs_hint = false} : vector<1x128xf32>, vector<128x128xf32>, vector<1x128xf32> -> vector<1x128xf32>
    %get3A_1585 = arith.constant 0 : index
    %get3A_1586 = vector.load %arg3[%get3A_1585] : memref<1xf32, #tpu.memory_space<vmem>>, vector<1xf32>
    %get3A_1587 = vector.extract %get3A_1586[0] : f32 from vector<1xf32>
    %add3A_1588 = vector.broadcast %get3A_1587 : f32 to vector<1x128xf32>
    %add3A_1589 = arith.addf %dot_general3A_1584, %add3A_1588 : vector<1x128xf32>
    %bitcast_convert_type3A_1590 = tpu.bitcast %add3A_1589 : vector<1x128xf32> -> vector<1x128xi32>
    %add3A_1591 = arith.constant 32767 : i32
    %add3A_1592 = vector.broadcast %add3A_1591 : i32 to vector<1x128xi32>
    %add3A_1593 = arith.addi %bitcast_convert_type3A_1590, %add3A_1592 : vector<1x128xi32>
    %shift_right_logical3A_1594 = arith.constant 16 : i32
    %shift_right_logical3A_1595 = vector.broadcast %shift_right_logical3A_1594 : i32 to vector<1x128xi32>
    %shift_right_logical3A_1596 = arith.shrui %bitcast_convert_type3A_1590, %shift_right_logical3A_1595 : vector<1x128xi32>
    %and3A_1597 = arith.constant 1 : i32
    %and3A_1598 = vector.broadcast %and3A_1597 : i32 to vector<1x128xi32>
    %and3A_1599 = arith.andi %shift_right_logical3A_1596, %and3A_1598 : vector<1x128xi32>
    %add3A_1600 = arith.addi %add3A_1593, %and3A_1599 : vector<1x128xi32>
    %shift_right_logical3A_1601 = arith.constant 16 : i32
    %shift_right_logical3A_1602 = vector.broadcast %shift_right_logical3A_1601 : i32 to vector<1x128xi32>
    %shift_right_logical3A_1603 = arith.shrui %add3A_1600, %shift_right_logical3A_1602 : vector<1x128xi32>
    %get3A_1604 = arith.constant 11520 : index
    %get3A_1605 = arith.constant 0 : index
    %get3A_1606 = vector.load %arg1[%get3A_1604, %get3A_1605] : memref<16384x128xf32, #tpu.memory_space<vmem>>, vector<128x128xf32>
    %get3A_1607 = arith.constant 0 : index
    %get3A_1608 = arith.constant 0 : index
    %get3A_1609 = vector.load %arg2[%get3A_1607, %get3A_1608] : memref<1x128xf32, #tpu.memory_space<vmem>>, vector<1x128xf32>
    %dot_general3A_1610 = arith.constant dense<0.000000e+00> : vector<1x128xf32>
    %dot_general3A_1611 = tpu.matmul %get3A_1609, %get3A_1606, %dot_general3A_1610 {dimension_numbers = #tpu.dot_dimension_numbers<[1], [1], [0], [0], [0, 0, 1, 0], [], []>, transpose_lhs_hint = false} : vector<1x128xf32>, vector<128x128xf32>, vector<1x128xf32> -> vector<1x128xf32>
    %get3A_1612 = arith.constant 0 : index
    %get3A_1613 = vector.load %arg3[%get3A_1612] : memref<1xf32, #tpu.memory_space<vmem>>, vector<1xf32>
    %get3A_1614 = vector.extract %get3A_1613[0] : f32 from vector<1xf32>
    %add3A_1615 = vector.broadcast %get3A_1614 : f32 to vector<1x128xf32>
    %add3A_1616 = arith.addf %dot_general3A_1611, %add3A_1615 : vector<1x128xf32>
    %bitcast_convert_type3A_1617 = tpu.bitcast %add3A_1616 : vector<1x128xf32> -> vector<1x128xi32>
    %add3A_1618 = arith.constant 32767 : i32
    %add3A_1619 = vector.broadcast %add3A_1618 : i32 to vector<1x128xi32>
    %add3A_1620 = arith.addi %bitcast_convert_type3A_1617, %add3A_1619 : vector<1x128xi32>
    %shift_right_logical3A_1621 = arith.constant 16 : i32
    %shift_right_logical3A_1622 = vector.broadcast %shift_right_logical3A_1621 : i32 to vector<1x128xi32>
    %shift_right_logical3A_1623 = arith.shrui %bitcast_convert_type3A_1617, %shift_right_logical3A_1622 : vector<1x128xi32>
    %and3A_1624 = arith.constant 1 : i32
    %and3A_1625 = vector.broadcast %and3A_1624 : i32 to vector<1x128xi32>
    %and3A_1626 = arith.andi %shift_right_logical3A_1623, %and3A_1625 : vector<1x128xi32>
    %add3A_1627 = arith.addi %add3A_1620, %and3A_1626 : vector<1x128xi32>
    %shift_right_logical3A_1628 = arith.constant 16 : i32
    %shift_right_logical3A_1629 = vector.broadcast %shift_right_logical3A_1628 : i32 to vector<1x128xi32>
    %shift_right_logical3A_1630 = arith.shrui %add3A_1627, %shift_right_logical3A_1629 : vector<1x128xi32>
    %shift_left3A_1631 = arith.constant 16 : i32
    %shift_left3A_1632 = vector.broadcast %shift_left3A_1631 : i32 to vector<1x128xi32>
    %shift_left3A_1633 = arith.shli %shift_right_logical3A_1630, %shift_left3A_1632 : vector<1x128xi32>
    %or3A_1634 = arith.ori %shift_right_logical3A_1603, %shift_left3A_1633 : vector<1x128xi32>
    %swap3A_1635 = arith.constant 26 : index
    %swap3A_1636 = arith.constant 0 : index
    %swap3A_1637 = vector.load %arg4[%swap3A_1635, %swap3A_1636] : memref<64x128xi32, #tpu.memory_space<vmem>>, vector<1x128xi32>
    tpu.vector_store %arg4[%swap3A_1635, %swap3A_1636], %or3A_1634 {strides = array<i32>} : memref<64x128xi32, #tpu.memory_space<vmem>>, vector<1x128xi32>,
    %get3A_1638 = arith.constant 3456 : index
    %get3A_1639 = arith.constant 0 : index
    %get3A_1640 = vector.load %arg1[%get3A_1638, %get3A_1639] : memref<16384x128xf32, #tpu.memory_space<vmem>>, vector<128x128xf32>
    %get3A_1641 = arith.constant 0 : index
    %get3A_1642 = arith.constant 0 : index
    %get3A_1643 = vector.load %arg2[%get3A_1641, %get3A_1642] : memref<1x128xf32, #tpu.memory_space<vmem>>, vector<1x128xf32>
    %dot_general3A_1644 = arith.constant dense<0.000000e+00> : vector<1x128xf32>
    %dot_general3A_1645 = tpu.matmul %get3A_1643, %get3A_1640, %dot_general3A_1644 {dimension_numbers = #tpu.dot_dimension_numbers<[1], [1], [0], [0], [0, 0, 1, 0], [], []>, transpose_lhs_hint = false} : vector<1x128xf32>, vector<128x128xf32>, vector<1x128xf32> -> vector<1x128xf32>
    %get3A_1646 = arith.constant 0 : index
    %get3A_1647 = vector.load %arg3[%get3A_1646] : memref<1xf32, #tpu.memory_space<vmem>>, vector<1xf32>
    %get3A_1648 = vector.extract %get3A_1647[0] : f32 from vector<1xf32>
    %add3A_1649 = vector.broadcast %get3A_1648 : f32 to vector<1x128xf32>
    %add3A_1650 = arith.addf %dot_general3A_1645, %add3A_1649 : vector<1x128xf32>
    %bitcast_convert_type3A_1651 = tpu.bitcast %add3A_1650 : vector<1x128xf32> -> vector<1x128xi32>
    %add3A_1652 = arith.constant 32767 : i32
    %add3A_1653 = vector.broadcast %add3A_1652 : i32 to vector<1x128xi32>
    %add3A_1654 = arith.addi %bitcast_convert_type3A_1651, %add3A_1653 : vector<1x128xi32>
    %shift_right_logical3A_1655 = arith.constant 16 : i32
    %shift_right_logical3A_1656 = vector.broadcast %shift_right_logical3A_1655 : i32 to vector<1x128xi32>
    %shift_right_logical3A_1657 = arith.shrui %bitcast_convert_type3A_1651, %shift_right_logical3A_1656 : vector<1x128xi32>
    %and3A_1658 = arith.constant 1 : i32
    %and3A_1659 = vector.broadcast %and3A_1658 : i32 to vector<1x128xi32>
    %and3A_1660 = arith.andi %shift_right_logical3A_1657, %and3A_1659 : vector<1x128xi32>
    %add3A_1661 = arith.addi %add3A_1654, %and3A_1660 : vector<1x128xi32>
    %shift_right_logical3A_1662 = arith.constant 16 : i32
    %shift_right_logical3A_1663 = vector.broadcast %shift_right_logical3A_1662 : i32 to vector<1x128xi32>
    %shift_right_logical3A_1664 = arith.shrui %add3A_1661, %shift_right_logical3A_1663 : vector<1x128xi32>
    %get3A_1665 = arith.constant 11648 : index
    %get3A_1666 = arith.constant 0 : index
    %get3A_1667 = vector.load %arg1[%get3A_1665, %get3A_1666] : memref<16384x128xf32, #tpu.memory_space<vmem>>, vector<128x128xf32>
    %get3A_1668 = arith.constant 0 : index
    %get3A_1669 = arith.constant 0 : index
    %get3A_1670 = vector.load %arg2[%get3A_1668, %get3A_1669] : memref<1x128xf32, #tpu.memory_space<vmem>>, vector<1x128xf32>
    %dot_general3A_1671 = arith.constant dense<0.000000e+00> : vector<1x128xf32>
    %dot_general3A_1672 = tpu.matmul %get3A_1670, %get3A_1667, %dot_general3A_1671 {dimension_numbers = #tpu.dot_dimension_numbers<[1], [1], [0], [0], [0, 0, 1, 0], [], []>, transpose_lhs_hint = false} : vector<1x128xf32>, vector<128x128xf32>, vector<1x128xf32> -> vector<1x128xf32>
    %get3A_1673 = arith.constant 0 : index
    %get3A_1674 = vector.load %arg3[%get3A_1673] : memref<1xf32, #tpu.memory_space<vmem>>, vector<1xf32>
    %get3A_1675 = vector.extract %get3A_1674[0] : f32 from vector<1xf32>
    %add3A_1676 = vector.broadcast %get3A_1675 : f32 to vector<1x128xf32>
    %add3A_1677 = arith.addf %dot_general3A_1672, %add3A_1676 : vector<1x128xf32>
    %bitcast_convert_type3A_1678 = tpu.bitcast %add3A_1677 : vector<1x128xf32> -> vector<1x128xi32>
    %add3A_1679 = arith.constant 32767 : i32
    %add3A_1680 = vector.broadcast %add3A_1679 : i32 to vector<1x128xi32>
    %add3A_1681 = arith.addi %bitcast_convert_type3A_1678, %add3A_1680 : vector<1x128xi32>
    %shift_right_logical3A_1682 = arith.constant 16 : i32
    %shift_right_logical3A_1683 = vector.broadcast %shift_right_logical3A_1682 : i32 to vector<1x128xi32>
    %shift_right_logical3A_1684 = arith.shrui %bitcast_convert_type3A_1678, %shift_right_logical3A_1683 : vector<1x128xi32>
    %and3A_1685 = arith.constant 1 : i32
    %and3A_1686 = vector.broadcast %and3A_1685 : i32 to vector<1x128xi32>
    %and3A_1687 = arith.andi %shift_right_logical3A_1684, %and3A_1686 : vector<1x128xi32>
    %add3A_1688 = arith.addi %add3A_1681, %and3A_1687 : vector<1x128xi32>
    %shift_right_logical3A_1689 = arith.constant 16 : i32
    %shift_right_logical3A_1690 = vector.broadcast %shift_right_logical3A_1689 : i32 to vector<1x128xi32>
    %shift_right_logical3A_1691 = arith.shrui %add3A_1688, %shift_right_logical3A_1690 : vector<1x128xi32>
    %shift_left3A_1692 = arith.constant 16 : i32
    %shift_left3A_1693 = vector.broadcast %shift_left3A_1692 : i32 to vector<1x128xi32>
    %shift_left3A_1694 = arith.shli %shift_right_logical3A_1691, %shift_left3A_1693 : vector<1x128xi32>
    %or3A_1695 = arith.ori %shift_right_logical3A_1664, %shift_left3A_1694 : vector<1x128xi32>
    %swap3A_1696 = arith.constant 27 : index
    %swap3A_1697 = arith.constant 0 : index
    %swap3A_1698 = vector.load %arg4[%swap3A_1696, %swap3A_1697] : memref<64x128xi32, #tpu.memory_space<vmem>>, vector<1x128xi32>
    tpu.vector_store %arg4[%swap3A_1696, %swap3A_1697], %or3A_1695 {strides = array<i32>} : memref<64x128xi32, #tpu.memory_space<vmem>>, vector<1x128xi32>,
    %get3A_1699 = arith.constant 3584 : index
    %get3A_1700 = arith.constant 0 : index
    %get3A_1701 = vector.load %arg1[%get3A_1699, %get3A_1700] : memref<16384x128xf32, #tpu.memory_space<vmem>>, vector<128x128xf32>
    %get3A_1702 = arith.constant 0 : index
    %get3A_1703 = arith.constant 0 : index
    %get3A_1704 = vector.load %arg2[%get3A_1702, %get3A_1703] : memref<1x128xf32, #tpu.memory_space<vmem>>, vector<1x128xf32>
    %dot_general3A_1705 = arith.constant dense<0.000000e+00> : vector<1x128xf32>
    %dot_general3A_1706 = tpu.matmul %get3A_1704, %get3A_1701, %dot_general3A_1705 {dimension_numbers = #tpu.dot_dimension_numbers<[1], [1], [0], [0], [0, 0, 1, 0], [], []>, transpose_lhs_hint = false} : vector<1x128xf32>, vector<128x128xf32>, vector<1x128xf32> -> vector<1x128xf32>
    %get3A_1707 = arith.constant 0 : index
    %get3A_1708 = vector.load %arg3[%get3A_1707] : memref<1xf32, #tpu.memory_space<vmem>>, vector<1xf32>
    %get3A_1709 = vector.extract %get3A_1708[0] : f32 from vector<1xf32>
    %add3A_1710 = vector.broadcast %get3A_1709 : f32 to vector<1x128xf32>
    %add3A_1711 = arith.addf %dot_general3A_1706, %add3A_1710 : vector<1x128xf32>
    %bitcast_convert_type3A_1712 = tpu.bitcast %add3A_1711 : vector<1x128xf32> -> vector<1x128xi32>
    %add3A_1713 = arith.constant 32767 : i32
    %add3A_1714 = vector.broadcast %add3A_1713 : i32 to vector<1x128xi32>
    %add3A_1715 = arith.addi %bitcast_convert_type3A_1712, %add3A_1714 : vector<1x128xi32>
    %shift_right_logical3A_1716 = arith.constant 16 : i32
    %shift_right_logical3A_1717 = vector.broadcast %shift_right_logical3A_1716 : i32 to vector<1x128xi32>
    %shift_right_logical3A_1718 = arith.shrui %bitcast_convert_type3A_1712, %shift_right_logical3A_1717 : vector<1x128xi32>
    %and3A_1719 = arith.constant 1 : i32
    %and3A_1720 = vector.broadcast %and3A_1719 : i32 to vector<1x128xi32>
    %and3A_1721 = arith.andi %shift_right_logical3A_1718, %and3A_1720 : vector<1x128xi32>
    %add3A_1722 = arith.addi %add3A_1715, %and3A_1721 : vector<1x128xi32>
    %shift_right_logical3A_1723 = arith.constant 16 : i32
    %shift_right_logical3A_1724 = vector.broadcast %shift_right_logical3A_1723 : i32 to vector<1x128xi32>
    %shift_right_logical3A_1725 = arith.shrui %add3A_1722, %shift_right_logical3A_1724 : vector<1x128xi32>
    %get3A_1726 = arith.constant 11776 : index
    %get3A_1727 = arith.constant 0 : index
    %get3A_1728 = vector.load %arg1[%get3A_1726, %get3A_1727] : memref<16384x128xf32, #tpu.memory_space<vmem>>, vector<128x128xf32>
    %get3A_1729 = arith.constant 0 : index
    %get3A_1730 = arith.constant 0 : index
    %get3A_1731 = vector.load %arg2[%get3A_1729, %get3A_1730] : memref<1x128xf32, #tpu.memory_space<vmem>>, vector<1x128xf32>
    %dot_general3A_1732 = arith.constant dense<0.000000e+00> : vector<1x128xf32>
    %dot_general3A_1733 = tpu.matmul %get3A_1731, %get3A_1728, %dot_general3A_1732 {dimension_numbers = #tpu.dot_dimension_numbers<[1], [1], [0], [0], [0, 0, 1, 0], [], []>, transpose_lhs_hint = false} : vector<1x128xf32>, vector<128x128xf32>, vector<1x128xf32> -> vector<1x128xf32>
    %get3A_1734 = arith.constant 0 : index
    %get3A_1735 = vector.load %arg3[%get3A_1734] : memref<1xf32, #tpu.memory_space<vmem>>, vector<1xf32>
    %get3A_1736 = vector.extract %get3A_1735[0] : f32 from vector<1xf32>
    %add3A_1737 = vector.broadcast %get3A_1736 : f32 to vector<1x128xf32>
    %add3A_1738 = arith.addf %dot_general3A_1733, %add3A_1737 : vector<1x128xf32>
    %bitcast_convert_type3A_1739 = tpu.bitcast %add3A_1738 : vector<1x128xf32> -> vector<1x128xi32>
    %add3A_1740 = arith.constant 32767 : i32
    %add3A_1741 = vector.broadcast %add3A_1740 : i32 to vector<1x128xi32>
    %add3A_1742 = arith.addi %bitcast_convert_type3A_1739, %add3A_1741 : vector<1x128xi32>
    %shift_right_logical3A_1743 = arith.constant 16 : i32
    %shift_right_logical3A_1744 = vector.broadcast %shift_right_logical3A_1743 : i32 to vector<1x128xi32>
    %shift_right_logical3A_1745 = arith.shrui %bitcast_convert_type3A_1739, %shift_right_logical3A_1744 : vector<1x128xi32>
    %and3A_1746 = arith.constant 1 : i32
    %and3A_1747 = vector.broadcast %and3A_1746 : i32 to vector<1x128xi32>
    %and3A_1748 = arith.andi %shift_right_logical3A_1745, %and3A_1747 : vector<1x128xi32>
    %add3A_1749 = arith.addi %add3A_1742, %and3A_1748 : vector<1x128xi32>
    %shift_right_logical3A_1750 = arith.constant 16 : i32
    %shift_right_logical3A_1751 = vector.broadcast %shift_right_logical3A_1750 : i32 to vector<1x128xi32>
    %shift_right_logical3A_1752 = arith.shrui %add3A_1749, %shift_right_logical3A_1751 : vector<1x128xi32>
    %shift_left3A_1753 = arith.constant 16 : i32
    %shift_left3A_1754 = vector.broadcast %shift_left3A_1753 : i32 to vector<1x128xi32>
    %shift_left3A_1755 = arith.shli %shift_right_logical3A_1752, %shift_left3A_1754 : vector<1x128xi32>
    %or3A_1756 = arith.ori %shift_right_logical3A_1725, %shift_left3A_1755 : vector<1x128xi32>
    %swap3A_1757 = arith.constant 28 : index
    %swap3A_1758 = arith.constant 0 : index
    %swap3A_1759 = vector.load %arg4[%swap3A_1757, %swap3A_1758] : memref<64x128xi32, #tpu.memory_space<vmem>>, vector<1x128xi32>
    tpu.vector_store %arg4[%swap3A_1757, %swap3A_1758], %or3A_1756 {strides = array<i32>} : memref<64x128xi32, #tpu.memory_space<vmem>>, vector<1x128xi32>,
    %get3A_1760 = arith.constant 3712 : index
    %get3A_1761 = arith.constant 0 : index
    %get3A_1762 = vector.load %arg1[%get3A_1760, %get3A_1761] : memref<16384x128xf32, #tpu.memory_space<vmem>>, vector<128x128xf32>
    %get3A_1763 = arith.constant 0 : index
    %get3A_1764 = arith.constant 0 : index
    %get3A_1765 = vector.load %arg2[%get3A_1763, %get3A_1764] : memref<1x128xf32, #tpu.memory_space<vmem>>, vector<1x128xf32>
    %dot_general3A_1766 = arith.constant dense<0.000000e+00> : vector<1x128xf32>
    %dot_general3A_1767 = tpu.matmul %get3A_1765, %get3A_1762, %dot_general3A_1766 {dimension_numbers = #tpu.dot_dimension_numbers<[1], [1], [0], [0], [0, 0, 1, 0], [], []>, transpose_lhs_hint = false} : vector<1x128xf32>, vector<128x128xf32>, vector<1x128xf32> -> vector<1x128xf32>
    %get3A_1768 = arith.constant 0 : index
    %get3A_1769 = vector.load %arg3[%get3A_1768] : memref<1xf32, #tpu.memory_space<vmem>>, vector<1xf32>
    %get3A_1770 = vector.extract %get3A_1769[0] : f32 from vector<1xf32>
    %add3A_1771 = vector.broadcast %get3A_1770 : f32 to vector<1x128xf32>
    %add3A_1772 = arith.addf %dot_general3A_1767, %add3A_1771 : vector<1x128xf32>
    %bitcast_convert_type3A_1773 = tpu.bitcast %add3A_1772 : vector<1x128xf32> -> vector<1x128xi32>
    %add3A_1774 = arith.constant 32767 : i32
    %add3A_1775 = vector.broadcast %add3A_1774 : i32 to vector<1x128xi32>
    %add3A_1776 = arith.addi %bitcast_convert_type3A_1773, %add3A_1775 : vector<1x128xi32>
    %shift_right_logical3A_1777 = arith.constant 16 : i32
    %shift_right_logical3A_1778 = vector.broadcast %shift_right_logical3A_1777 : i32 to vector<1x128xi32>
    %shift_right_logical3A_1779 = arith.shrui %bitcast_convert_type3A_1773, %shift_right_logical3A_1778 : vector<1x128xi32>
    %and3A_1780 = arith.constant 1 : i32
    %and3A_1781 = vector.broadcast %and3A_1780 : i32 to vector<1x128xi32>
    %and3A_1782 = arith.andi %shift_right_logical3A_1779, %and3A_1781 : vector<1x128xi32>
    %add3A_1783 = arith.addi %add3A_1776, %and3A_1782 : vector<1x128xi32>
    %shift_right_logical3A_1784 = arith.constant 16 : i32
    %shift_right_logical3A_1785 = vector.broadcast %shift_right_logical3A_1784 : i32 to vector<1x128xi32>
    %shift_right_logical3A_1786 = arith.shrui %add3A_1783, %shift_right_logical3A_1785 : vector<1x128xi32>
    %get3A_1787 = arith.constant 11904 : index
    %get3A_1788 = arith.constant 0 : index
    %get3A_1789 = vector.load %arg1[%get3A_1787, %get3A_1788] : memref<16384x128xf32, #tpu.memory_space<vmem>>, vector<128x128xf32>
    %get3A_1790 = arith.constant 0 : index
    %get3A_1791 = arith.constant 0 : index
    %get3A_1792 = vector.load %arg2[%get3A_1790, %get3A_1791] : memref<1x128xf32, #tpu.memory_space<vmem>>, vector<1x128xf32>
    %dot_general3A_1793 = arith.constant dense<0.000000e+00> : vector<1x128xf32>
    %dot_general3A_1794 = tpu.matmul %get3A_1792, %get3A_1789, %dot_general3A_1793 {dimension_numbers = #tpu.dot_dimension_numbers<[1], [1], [0], [0], [0, 0, 1, 0], [], []>, transpose_lhs_hint = false} : vector<1x128xf32>, vector<128x128xf32>, vector<1x128xf32> -> vector<1x128xf32>
    %get3A_1795 = arith.constant 0 : index
    %get3A_1796 = vector.load %arg3[%get3A_1795] : memref<1xf32, #tpu.memory_space<vmem>>, vector<1xf32>
    %get3A_1797 = vector.extract %get3A_1796[0] : f32 from vector<1xf32>
    %add3A_1798 = vector.broadcast %get3A_1797 : f32 to vector<1x128xf32>
    %add3A_1799 = arith.addf %dot_general3A_1794, %add3A_1798 : vector<1x128xf32>
    %bitcast_convert_type3A_1800 = tpu.bitcast %add3A_1799 : vector<1x128xf32> -> vector<1x128xi32>
    %add3A_1801 = arith.constant 32767 : i32
    %add3A_1802 = vector.broadcast %add3A_1801 : i32 to vector<1x128xi32>
    %add3A_1803 = arith.addi %bitcast_convert_type3A_1800, %add3A_1802 : vector<1x128xi32>
    %shift_right_logical3A_1804 = arith.constant 16 : i32
    %shift_right_logical3A_1805 = vector.broadcast %shift_right_logical3A_1804 : i32 to vector<1x128xi32>
    %shift_right_logical3A_1806 = arith.shrui %bitcast_convert_type3A_1800, %shift_right_logical3A_1805 : vector<1x128xi32>
    %and3A_1807 = arith.constant 1 : i32
    %and3A_1808 = vector.broadcast %and3A_1807 : i32 to vector<1x128xi32>
    %and3A_1809 = arith.andi %shift_right_logical3A_1806, %and3A_1808 : vector<1x128xi32>
    %add3A_1810 = arith.addi %add3A_1803, %and3A_1809 : vector<1x128xi32>
    %shift_right_logical3A_1811 = arith.constant 16 : i32
    %shift_right_logical3A_1812 = vector.broadcast %shift_right_logical3A_1811 : i32 to vector<1x128xi32>
    %shift_right_logical3A_1813 = arith.shrui %add3A_1810, %shift_right_logical3A_1812 : vector<1x128xi32>
    %shift_left3A_1814 = arith.constant 16 : i32
    %shift_left3A_1815 = vector.broadcast %shift_left3A_1814 : i32 to vector<1x128xi32>
    %shift_left3A_1816 = arith.shli %shift_right_logical3A_1813, %shift_left3A_1815 : vector<1x128xi32>
    %or3A_1817 = arith.ori %shift_right_logical3A_1786, %shift_left3A_1816 : vector<1x128xi32>
    %swap3A_1818 = arith.constant 29 : index
    %swap3A_1819 = arith.constant 0 : index
    %swap3A_1820 = vector.load %arg4[%swap3A_1818, %swap3A_1819] : memref<64x128xi32, #tpu.memory_space<vmem>>, vector<1x128xi32>
    tpu.vector_store %arg4[%swap3A_1818, %swap3A_1819], %or3A_1817 {strides = array<i32>} : memref<64x128xi32, #tpu.memory_space<vmem>>, vector<1x128xi32>,
    %get3A_1821 = arith.constant 3840 : index
    %get3A_1822 = arith.constant 0 : index
    %get3A_1823 = vector.load %arg1[%get3A_1821, %get3A_1822] : memref<16384x128xf32, #tpu.memory_space<vmem>>, vector<128x128xf32>
    %get3A_1824 = arith.constant 0 : index
    %get3A_1825 = arith.constant 0 : index
    %get3A_1826 = vector.load %arg2[%get3A_1824, %get3A_1825] : memref<1x128xf32, #tpu.memory_space<vmem>>, vector<1x128xf32>
    %dot_general3A_1827 = arith.constant dense<0.000000e+00> : vector<1x128xf32>
    %dot_general3A_1828 = tpu.matmul %get3A_1826, %get3A_1823, %dot_general3A_1827 {dimension_numbers = #tpu.dot_dimension_numbers<[1], [1], [0], [0], [0, 0, 1, 0], [], []>, transpose_lhs_hint = false} : vector<1x128xf32>, vector<128x128xf32>, vector<1x128xf32> -> vector<1x128xf32>
    %get3A_1829 = arith.constant 0 : index
    %get3A_1830 = vector.load %arg3[%get3A_1829] : memref<1xf32, #tpu.memory_space<vmem>>, vector<1xf32>
    %get3A_1831 = vector.extract %get3A_1830[0] : f32 from vector<1xf32>
    %add3A_1832 = vector.broadcast %get3A_1831 : f32 to vector<1x128xf32>
    %add3A_1833 = arith.addf %dot_general3A_1828, %add3A_1832 : vector<1x128xf32>
    %bitcast_convert_type3A_1834 = tpu.bitcast %add3A_1833 : vector<1x128xf32> -> vector<1x128xi32>
    %add3A_1835 = arith.constant 32767 : i32
    %add3A_1836 = vector.broadcast %add3A_1835 : i32 to vector<1x128xi32>
    %add3A_1837 = arith.addi %bitcast_convert_type3A_1834, %add3A_1836 : vector<1x128xi32>
    %shift_right_logical3A_1838 = arith.constant 16 : i32
    %shift_right_logical3A_1839 = vector.broadcast %shift_right_logical3A_1838 : i32 to vector<1x128xi32>
    %shift_right_logical3A_1840 = arith.shrui %bitcast_convert_type3A_1834, %shift_right_logical3A_1839 : vector<1x128xi32>
    %and3A_1841 = arith.constant 1 : i32
    %and3A_1842 = vector.broadcast %and3A_1841 : i32 to vector<1x128xi32>
    %and3A_1843 = arith.andi %shift_right_logical3A_1840, %and3A_1842 : vector<1x128xi32>
    %add3A_1844 = arith.addi %add3A_1837, %and3A_1843 : vector<1x128xi32>
    %shift_right_logical3A_1845 = arith.constant 16 : i32
    %shift_right_logical3A_1846 = vector.broadcast %shift_right_logical3A_1845 : i32 to vector<1x128xi32>
    %shift_right_logical3A_1847 = arith.shrui %add3A_1844, %shift_right_logical3A_1846 : vector<1x128xi32>
    %get3A_1848 = arith.constant 12032 : index
    %get3A_1849 = arith.constant 0 : index
    %get3A_1850 = vector.load %arg1[%get3A_1848, %get3A_1849] : memref<16384x128xf32, #tpu.memory_space<vmem>>, vector<128x128xf32>
    %get3A_1851 = arith.constant 0 : index
    %get3A_1852 = arith.constant 0 : index
    %get3A_1853 = vector.load %arg2[%get3A_1851, %get3A_1852] : memref<1x128xf32, #tpu.memory_space<vmem>>, vector<1x128xf32>
    %dot_general3A_1854 = arith.constant dense<0.000000e+00> : vector<1x128xf32>
    %dot_general3A_1855 = tpu.matmul %get3A_1853, %get3A_1850, %dot_general3A_1854 {dimension_numbers = #tpu.dot_dimension_numbers<[1], [1], [0], [0], [0, 0, 1, 0], [], []>, transpose_lhs_hint = false} : vector<1x128xf32>, vector<128x128xf32>, vector<1x128xf32> -> vector<1x128xf32>
    %get3A_1856 = arith.constant 0 : index
    %get3A_1857 = vector.load %arg3[%get3A_1856] : memref<1xf32, #tpu.memory_space<vmem>>, vector<1xf32>
    %get3A_1858 = vector.extract %get3A_1857[0] : f32 from vector<1xf32>
    %add3A_1859 = vector.broadcast %get3A_1858 : f32 to vector<1x128xf32>
    %add3A_1860 = arith.addf %dot_general3A_1855, %add3A_1859 : vector<1x128xf32>
    %bitcast_convert_type3A_1861 = tpu.bitcast %add3A_1860 : vector<1x128xf32> -> vector<1x128xi32>
    %add3A_1862 = arith.constant 32767 : i32
    %add3A_1863 = vector.broadcast %add3A_1862 : i32 to vector<1x128xi32>
    %add3A_1864 = arith.addi %bitcast_convert_type3A_1861, %add3A_1863 : vector<1x128xi32>
    %shift_right_logical3A_1865 = arith.constant 16 : i32
    %shift_right_logical3A_1866 = vector.broadcast %shift_right_logical3A_1865 : i32 to vector<1x128xi32>
    %shift_right_logical3A_1867 = arith.shrui %bitcast_convert_type3A_1861, %shift_right_logical3A_1866 : vector<1x128xi32>
    %and3A_1868 = arith.constant 1 : i32
    %and3A_1869 = vector.broadcast %and3A_1868 : i32 to vector<1x128xi32>
    %and3A_1870 = arith.andi %shift_right_logical3A_1867, %and3A_1869 : vector<1x128xi32>
    %add3A_1871 = arith.addi %add3A_1864, %and3A_1870 : vector<1x128xi32>
    %shift_right_logical3A_1872 = arith.constant 16 : i32
    %shift_right_logical3A_1873 = vector.broadcast %shift_right_logical3A_1872 : i32 to vector<1x128xi32>
    %shift_right_logical3A_1874 = arith.shrui %add3A_1871, %shift_right_logical3A_1873 : vector<1x128xi32>
    %shift_left3A_1875 = arith.constant 16 : i32
    %shift_left3A_1876 = vector.broadcast %shift_left3A_1875 : i32 to vector<1x128xi32>
    %shift_left3A_1877 = arith.shli %shift_right_logical3A_1874, %shift_left3A_1876 : vector<1x128xi32>
    %or3A_1878 = arith.ori %shift_right_logical3A_1847, %shift_left3A_1877 : vector<1x128xi32>
    %swap3A_1879 = arith.constant 30 : index
    %swap3A_1880 = arith.constant 0 : index
    %swap3A_1881 = vector.load %arg4[%swap3A_1879, %swap3A_1880] : memref<64x128xi32, #tpu.memory_space<vmem>>, vector<1x128xi32>
    tpu.vector_store %arg4[%swap3A_1879, %swap3A_1880], %or3A_1878 {strides = array<i32>} : memref<64x128xi32, #tpu.memory_space<vmem>>, vector<1x128xi32>,
    %get3A_1882 = arith.constant 3968 : index
    %get3A_1883 = arith.constant 0 : index
    %get3A_1884 = vector.load %arg1[%get3A_1882, %get3A_1883] : memref<16384x128xf32, #tpu.memory_space<vmem>>, vector<128x128xf32>
    %get3A_1885 = arith.constant 0 : index
    %get3A_1886 = arith.constant 0 : index
    %get3A_1887 = vector.load %arg2[%get3A_1885, %get3A_1886] : memref<1x128xf32, #tpu.memory_space<vmem>>, vector<1x128xf32>
    %dot_general3A_1888 = arith.constant dense<0.000000e+00> : vector<1x128xf32>
    %dot_general3A_1889 = tpu.matmul %get3A_1887, %get3A_1884, %dot_general3A_1888 {dimension_numbers = #tpu.dot_dimension_numbers<[1], [1], [0], [0], [0, 0, 1, 0], [], []>, transpose_lhs_hint = false} : vector<1x128xf32>, vector<128x128xf32>, vector<1x128xf32> -> vector<1x128xf32>
    %get3A_1890 = arith.constant 0 : index
    %get3A_1891 = vector.load %arg3[%get3A_1890] : memref<1xf32, #tpu.memory_space<vmem>>, vector<1xf32>
    %get3A_1892 = vector.extract %get3A_1891[0] : f32 from vector<1xf32>
    %add3A_1893 = vector.broadcast %get3A_1892 : f32 to vector<1x128xf32>
    %add3A_1894 = arith.addf %dot_general3A_1889, %add3A_1893 : vector<1x128xf32>
    %bitcast_convert_type3A_1895 = tpu.bitcast %add3A_1894 : vector<1x128xf32> -> vector<1x128xi32>
    %add3A_1896 = arith.constant 32767 : i32
    %add3A_1897 = vector.broadcast %add3A_1896 : i32 to vector<1x128xi32>
    %add3A_1898 = arith.addi %bitcast_convert_type3A_1895, %add3A_1897 : vector<1x128xi32>
    %shift_right_logical3A_1899 = arith.constant 16 : i32
    %shift_right_logical3A_1900 = vector.broadcast %shift_right_logical3A_1899 : i32 to vector<1x128xi32>
    %shift_right_logical3A_1901 = arith.shrui %bitcast_convert_type3A_1895, %shift_right_logical3A_1900 : vector<1x128xi32>
    %and3A_1902 = arith.constant 1 : i32
    %and3A_1903 = vector.broadcast %and3A_1902 : i32 to vector<1x128xi32>
    %and3A_1904 = arith.andi %shift_right_logical3A_1901, %and3A_1903 : vector<1x128xi32>
    %add3A_1905 = arith.addi %add3A_1898, %and3A_1904 : vector<1x128xi32>
    %shift_right_logical3A_1906 = arith.constant 16 : i32
    %shift_right_logical3A_1907 = vector.broadcast %shift_right_logical3A_1906 : i32 to vector<1x128xi32>
    %shift_right_logical3A_1908 = arith.shrui %add3A_1905, %shift_right_logical3A_1907 : vector<1x128xi32>
    %get3A_1909 = arith.constant 12160 : index
    %get3A_1910 = arith.constant 0 : index
    %get3A_1911 = vector.load %arg1[%get3A_1909, %get3A_1910] : memref<16384x128xf32, #tpu.memory_space<vmem>>, vector<128x128xf32>
    %get3A_1912 = arith.constant 0 : index
    %get3A_1913 = arith.constant 0 : index
    %get3A_1914 = vector.load %arg2[%get3A_1912, %get3A_1913] : memref<1x128xf32, #tpu.memory_space<vmem>>, vector<1x128xf32>
    %dot_general3A_1915 = arith.constant dense<0.000000e+00> : vector<1x128xf32>
    %dot_general3A_1916 = tpu.matmul %get3A_1914, %get3A_1911, %dot_general3A_1915 {dimension_numbers = #tpu.dot_dimension_numbers<[1], [1], [0], [0], [0, 0, 1, 0], [], []>, transpose_lhs_hint = false} : vector<1x128xf32>, vector<128x128xf32>, vector<1x128xf32> -> vector<1x128xf32>
    %get3A_1917 = arith.constant 0 : index
    %get3A_1918 = vector.load %arg3[%get3A_1917] : memref<1xf32, #tpu.memory_space<vmem>>, vector<1xf32>
    %get3A_1919 = vector.extract %get3A_1918[0] : f32 from vector<1xf32>
    %add3A_1920 = vector.broadcast %get3A_1919 : f32 to vector<1x128xf32>
    %add3A_1921 = arith.addf %dot_general3A_1916, %add3A_1920 : vector<1x128xf32>
    %bitcast_convert_type3A_1922 = tpu.bitcast %add3A_1921 : vector<1x128xf32> -> vector<1x128xi32>
    %add3A_1923 = arith.constant 32767 : i32
    %add3A_1924 = vector.broadcast %add3A_1923 : i32 to vector<1x128xi32>
    %add3A_1925 = arith.addi %bitcast_convert_type3A_1922, %add3A_1924 : vector<1x128xi32>
    %shift_right_logical3A_1926 = arith.constant 16 : i32
    %shift_right_logical3A_1927 = vector.broadcast %shift_right_logical3A_1926 : i32 to vector<1x128xi32>
    %shift_right_logical3A_1928 = arith.shrui %bitcast_convert_type3A_1922, %shift_right_logical3A_1927 : vector<1x128xi32>
    %and3A_1929 = arith.constant 1 : i32
    %and3A_1930 = vector.broadcast %and3A_1929 : i32 to vector<1x128xi32>
    %and3A_1931 = arith.andi %shift_right_logical3A_1928, %and3A_1930 : vector<1x128xi32>
    %add3A_1932 = arith.addi %add3A_1925, %and3A_1931 : vector<1x128xi32>
    %shift_right_logical3A_1933 = arith.constant 16 : i32
    %shift_right_logical3A_1934 = vector.broadcast %shift_right_logical3A_1933 : i32 to vector<1x128xi32>
    %shift_right_logical3A_1935 = arith.shrui %add3A_1932, %shift_right_logical3A_1934 : vector<1x128xi32>
    %shift_left3A_1936 = arith.constant 16 : i32
    %shift_left3A_1937 = vector.broadcast %shift_left3A_1936 : i32 to vector<1x128xi32>
    %shift_left3A_1938 = arith.shli %shift_right_logical3A_1935, %shift_left3A_1937 : vector<1x128xi32>
    %or3A_1939 = arith.ori %shift_right_logical3A_1908, %shift_left3A_1938 : vector<1x128xi32>
    %swap3A_1940 = arith.constant 31 : index
    %swap3A_1941 = arith.constant 0 : index
    %swap3A_1942 = vector.load %arg4[%swap3A_1940, %swap3A_1941] : memref<64x128xi32, #tpu.memory_space<vmem>>, vector<1x128xi32>
    tpu.vector_store %arg4[%swap3A_1940, %swap3A_1941], %or3A_1939 {strides = array<i32>} : memref<64x128xi32, #tpu.memory_space<vmem>>, vector<1x128xi32>,
    %get3A_1943 = arith.constant 4096 : index
    %get3A_1944 = arith.constant 0 : index
    %get3A_1945 = vector.load %arg1[%get3A_1943, %get3A_1944] : memref<16384x128xf32, #tpu.memory_space<vmem>>, vector<128x128xf32>
    %get3A_1946 = arith.constant 0 : index
    %get3A_1947 = arith.constant 0 : index
    %get3A_1948 = vector.load %arg2[%get3A_1946, %get3A_1947] : memref<1x128xf32, #tpu.memory_space<vmem>>, vector<1x128xf32>
    %dot_general3A_1949 = arith.constant dense<0.000000e+00> : vector<1x128xf32>
    %dot_general3A_1950 = tpu.matmul %get3A_1948, %get3A_1945, %dot_general3A_1949 {dimension_numbers = #tpu.dot_dimension_numbers<[1], [1], [0], [0], [0, 0, 1, 0], [], []>, transpose_lhs_hint = false} : vector<1x128xf32>, vector<128x128xf32>, vector<1x128xf32> -> vector<1x128xf32>
    %get3A_1951 = arith.constant 0 : index
    %get3A_1952 = vector.load %arg3[%get3A_1951] : memref<1xf32, #tpu.memory_space<vmem>>, vector<1xf32>
    %get3A_1953 = vector.extract %get3A_1952[0] : f32 from vector<1xf32>
    %add3A_1954 = vector.broadcast %get3A_1953 : f32 to vector<1x128xf32>
    %add3A_1955 = arith.addf %dot_general3A_1950, %add3A_1954 : vector<1x128xf32>
    %bitcast_convert_type3A_1956 = tpu.bitcast %add3A_1955 : vector<1x128xf32> -> vector<1x128xi32>
    %add3A_1957 = arith.constant 32767 : i32
    %add3A_1958 = vector.broadcast %add3A_1957 : i32 to vector<1x128xi32>
    %add3A_1959 = arith.addi %bitcast_convert_type3A_1956, %add3A_1958 : vector<1x128xi32>
    %shift_right_logical3A_1960 = arith.constant 16 : i32
    %shift_right_logical3A_1961 = vector.broadcast %shift_right_logical3A_1960 : i32 to vector<1x128xi32>
    %shift_right_logical3A_1962 = arith.shrui %bitcast_convert_type3A_1956, %shift_right_logical3A_1961 : vector<1x128xi32>
    %and3A_1963 = arith.constant 1 : i32
    %and3A_1964 = vector.broadcast %and3A_1963 : i32 to vector<1x128xi32>
    %and3A_1965 = arith.andi %shift_right_logical3A_1962, %and3A_1964 : vector<1x128xi32>
    %add3A_1966 = arith.addi %add3A_1959, %and3A_1965 : vector<1x128xi32>
    %shift_right_logical3A_1967 = arith.constant 16 : i32
    %shift_right_logical3A_1968 = vector.broadcast %shift_right_logical3A_1967 : i32 to vector<1x128xi32>
    %shift_right_logical3A_1969 = arith.shrui %add3A_1966, %shift_right_logical3A_1968 : vector<1x128xi32>
    %get3A_1970 = arith.constant 12288 : index
    %get3A_1971 = arith.constant 0 : index
    %get3A_1972 = vector.load %arg1[%get3A_1970, %get3A_1971] : memref<16384x128xf32, #tpu.memory_space<vmem>>, vector<128x128xf32>
    %get3A_1973 = arith.constant 0 : index
    %get3A_1974 = arith.constant 0 : index
    %get3A_1975 = vector.load %arg2[%get3A_1973, %get3A_1974] : memref<1x128xf32, #tpu.memory_space<vmem>>, vector<1x128xf32>
    %dot_general3A_1976 = arith.constant dense<0.000000e+00> : vector<1x128xf32>
    %dot_general3A_1977 = tpu.matmul %get3A_1975, %get3A_1972, %dot_general3A_1976 {dimension_numbers = #tpu.dot_dimension_numbers<[1], [1], [0], [0], [0, 0, 1, 0], [], []>, transpose_lhs_hint = false} : vector<1x128xf32>, vector<128x128xf32>, vector<1x128xf32> -> vector<1x128xf32>
    %get3A_1978 = arith.constant 0 : index
    %get3A_1979 = vector.load %arg3[%get3A_1978] : memref<1xf32, #tpu.memory_space<vmem>>, vector<1xf32>
    %get3A_1980 = vector.extract %get3A_1979[0] : f32 from vector<1xf32>
    %add3A_1981 = vector.broadcast %get3A_1980 : f32 to vector<1x128xf32>
    %add3A_1982 = arith.addf %dot_general3A_1977, %add3A_1981 : vector<1x128xf32>
    %bitcast_convert_type3A_1983 = tpu.bitcast %add3A_1982 : vector<1x128xf32> -> vector<1x128xi32>
    %add3A_1984 = arith.constant 32767 : i32
    %add3A_1985 = vector.broadcast %add3A_1984 : i32 to vector<1x128xi32>
    %add3A_1986 = arith.addi %bitcast_convert_type3A_1983, %add3A_1985 : vector<1x128xi32>
    %shift_right_logical3A_1987 = arith.constant 16 : i32
    %shift_right_logical3A_1988 = vector.broadcast %shift_right_logical3A_1987 : i32 to vector<1x128xi32>
    %shift_right_logical3A_1989 = arith.shrui %bitcast_convert_type3A_1983, %shift_right_logical3A_1988 : vector<1x128xi32>
    %and3A_1990 = arith.constant 1 : i32
    %and3A_1991 = vector.broadcast %and3A_1990 : i32 to vector<1x128xi32>
    %and3A_1992 = arith.andi %shift_right_logical3A_1989, %and3A_1991 : vector<1x128xi32>
    %add3A_1993 = arith.addi %add3A_1986, %and3A_1992 : vector<1x128xi32>
    %shift_right_logical3A_1994 = arith.constant 16 : i32
    %shift_right_logical3A_1995 = vector.broadcast %shift_right_logical3A_1994 : i32 to vector<1x128xi32>
    %shift_right_logical3A_1996 = arith.shrui %add3A_1993, %shift_right_logical3A_1995 : vector<1x128xi32>
    %shift_left3A_1997 = arith.constant 16 : i32
    %shift_left3A_1998 = vector.broadcast %shift_left3A_1997 : i32 to vector<1x128xi32>
    %shift_left3A_1999 = arith.shli %shift_right_logical3A_1996, %shift_left3A_1998 : vector<1x128xi32>
    %or3A_2000 = arith.ori %shift_right_logical3A_1969, %shift_left3A_1999 : vector<1x128xi32>
    %swap3A_2001 = arith.constant 32 : index
    %swap3A_2002 = arith.constant 0 : index
    %swap3A_2003 = vector.load %arg4[%swap3A_2001, %swap3A_2002] : memref<64x128xi32, #tpu.memory_space<vmem>>, vector<1x128xi32>
    tpu.vector_store %arg4[%swap3A_2001, %swap3A_2002], %or3A_2000 {strides = array<i32>} : memref<64x128xi32, #tpu.memory_space<vmem>>, vector<1x128xi32>,
    %get3A_2004 = arith.constant 4224 : index
    %get3A_2005 = arith.constant 0 : index
    %get3A_2006 = vector.load %arg1[%get3A_2004, %get3A_2005] : memref<16384x128xf32, #tpu.memory_space<vmem>>, vector<128x128xf32>
    %get3A_2007 = arith.constant 0 : index
    %get3A_2008 = arith.constant 0 : index
    %get3A_2009 = vector.load %arg2[%get3A_2007, %get3A_2008] : memref<1x128xf32, #tpu.memory_space<vmem>>, vector<1x128xf32>
    %dot_general3A_2010 = arith.constant dense<0.000000e+00> : vector<1x128xf32>
    %dot_general3A_2011 = tpu.matmul %get3A_2009, %get3A_2006, %dot_general3A_2010 {dimension_numbers = #tpu.dot_dimension_numbers<[1], [1], [0], [0], [0, 0, 1, 0], [], []>, transpose_lhs_hint = false} : vector<1x128xf32>, vector<128x128xf32>, vector<1x128xf32> -> vector<1x128xf32>
    %get3A_2012 = arith.constant 0 : index
    %get3A_2013 = vector.load %arg3[%get3A_2012] : memref<1xf32, #tpu.memory_space<vmem>>, vector<1xf32>
    %get3A_2014 = vector.extract %get3A_2013[0] : f32 from vector<1xf32>
    %add3A_2015 = vector.broadcast %get3A_2014 : f32 to vector<1x128xf32>
    %add3A_2016 = arith.addf %dot_general3A_2011, %add3A_2015 : vector<1x128xf32>
    %bitcast_convert_type3A_2017 = tpu.bitcast %add3A_2016 : vector<1x128xf32> -> vector<1x128xi32>
    %add3A_2018 = arith.constant 32767 : i32
    %add3A_2019 = vector.broadcast %add3A_2018 : i32 to vector<1x128xi32>
    %add3A_2020 = arith.addi %bitcast_convert_type3A_2017, %add3A_2019 : vector<1x128xi32>
    %shift_right_logical3A_2021 = arith.constant 16 : i32
    %shift_right_logical3A_2022 = vector.broadcast %shift_right_logical3A_2021 : i32 to vector<1x128xi32>
    %shift_right_logical3A_2023 = arith.shrui %bitcast_convert_type3A_2017, %shift_right_logical3A_2022 : vector<1x128xi32>
    %and3A_2024 = arith.constant 1 : i32
    %and3A_2025 = vector.broadcast %and3A_2024 : i32 to vector<1x128xi32>
    %and3A_2026 = arith.andi %shift_right_logical3A_2023, %and3A_2025 : vector<1x128xi32>
    %add3A_2027 = arith.addi %add3A_2020, %and3A_2026 : vector<1x128xi32>
    %shift_right_logical3A_2028 = arith.constant 16 : i32
    %shift_right_logical3A_2029 = vector.broadcast %shift_right_logical3A_2028 : i32 to vector<1x128xi32>
    %shift_right_logical3A_2030 = arith.shrui %add3A_2027, %shift_right_logical3A_2029 : vector<1x128xi32>
    %get3A_2031 = arith.constant 12416 : index
    %get3A_2032 = arith.constant 0 : index
    %get3A_2033 = vector.load %arg1[%get3A_2031, %get3A_2032] : memref<16384x128xf32, #tpu.memory_space<vmem>>, vector<128x128xf32>
    %get3A_2034 = arith.constant 0 : index
    %get3A_2035 = arith.constant 0 : index
    %get3A_2036 = vector.load %arg2[%get3A_2034, %get3A_2035] : memref<1x128xf32, #tpu.memory_space<vmem>>, vector<1x128xf32>
    %dot_general3A_2037 = arith.constant dense<0.000000e+00> : vector<1x128xf32>
    %dot_general3A_2038 = tpu.matmul %get3A_2036, %get3A_2033, %dot_general3A_2037 {dimension_numbers = #tpu.dot_dimension_numbers<[1], [1], [0], [0], [0, 0, 1, 0], [], []>, transpose_lhs_hint = false} : vector<1x128xf32>, vector<128x128xf32>, vector<1x128xf32> -> vector<1x128xf32>
    %get3A_2039 = arith.constant 0 : index
    %get3A_2040 = vector.load %arg3[%get3A_2039] : memref<1xf32, #tpu.memory_space<vmem>>, vector<1xf32>
    %get3A_2041 = vector.extract %get3A_2040[0] : f32 from vector<1xf32>
    %add3A_2042 = vector.broadcast %get3A_2041 : f32 to vector<1x128xf32>
    %add3A_2043 = arith.addf %dot_general3A_2038, %add3A_2042 : vector<1x128xf32>
    %bitcast_convert_type3A_2044 = tpu.bitcast %add3A_2043 : vector<1x128xf32> -> vector<1x128xi32>
    %add3A_2045 = arith.constant 32767 : i32
    %add3A_2046 = vector.broadcast %add3A_2045 : i32 to vector<1x128xi32>
    %add3A_2047 = arith.addi %bitcast_convert_type3A_2044, %add3A_2046 : vector<1x128xi32>
    %shift_right_logical3A_2048 = arith.constant 16 : i32
    %shift_right_logical3A_2049 = vector.broadcast %shift_right_logical3A_2048 : i32 to vector<1x128xi32>
    %shift_right_logical3A_2050 = arith.shrui %bitcast_convert_type3A_2044, %shift_right_logical3A_2049 : vector<1x128xi32>
    %and3A_2051 = arith.constant 1 : i32
    %and3A_2052 = vector.broadcast %and3A_2051 : i32 to vector<1x128xi32>
    %and3A_2053 = arith.andi %shift_right_logical3A_2050, %and3A_2052 : vector<1x128xi32>
    %add3A_2054 = arith.addi %add3A_2047, %and3A_2053 : vector<1x128xi32>
    %shift_right_logical3A_2055 = arith.constant 16 : i32
    %shift_right_logical3A_2056 = vector.broadcast %shift_right_logical3A_2055 : i32 to vector<1x128xi32>
    %shift_right_logical3A_2057 = arith.shrui %add3A_2054, %shift_right_logical3A_2056 : vector<1x128xi32>
    %shift_left3A_2058 = arith.constant 16 : i32
    %shift_left3A_2059 = vector.broadcast %shift_left3A_2058 : i32 to vector<1x128xi32>
    %shift_left3A_2060 = arith.shli %shift_right_logical3A_2057, %shift_left3A_2059 : vector<1x128xi32>
    %or3A_2061 = arith.ori %shift_right_logical3A_2030, %shift_left3A_2060 : vector<1x128xi32>
    %swap3A_2062 = arith.constant 33 : index
    %swap3A_2063 = arith.constant 0 : index
    %swap3A_2064 = vector.load %arg4[%swap3A_2062, %swap3A_2063] : memref<64x128xi32, #tpu.memory_space<vmem>>, vector<1x128xi32>
    tpu.vector_store %arg4[%swap3A_2062, %swap3A_2063], %or3A_2061 {strides = array<i32>} : memref<64x128xi32, #tpu.memory_space<vmem>>, vector<1x128xi32>,
    %get3A_2065 = arith.constant 4352 : index
    %get3A_2066 = arith.constant 0 : index
    %get3A_2067 = vector.load %arg1[%get3A_2065, %get3A_2066] : memref<16384x128xf32, #tpu.memory_space<vmem>>, vector<128x128xf32>
    %get3A_2068 = arith.constant 0 : index
    %get3A_2069 = arith.constant 0 : index
    %get3A_2070 = vector.load %arg2[%get3A_2068, %get3A_2069] : memref<1x128xf32, #tpu.memory_space<vmem>>, vector<1x128xf32>
    %dot_general3A_2071 = arith.constant dense<0.000000e+00> : vector<1x128xf32>
    %dot_general3A_2072 = tpu.matmul %get3A_2070, %get3A_2067, %dot_general3A_2071 {dimension_numbers = #tpu.dot_dimension_numbers<[1], [1], [0], [0], [0, 0, 1, 0], [], []>, transpose_lhs_hint = false} : vector<1x128xf32>, vector<128x128xf32>, vector<1x128xf32> -> vector<1x128xf32>
    %get3A_2073 = arith.constant 0 : index
    %get3A_2074 = vector.load %arg3[%get3A_2073] : memref<1xf32, #tpu.memory_space<vmem>>, vector<1xf32>
    %get3A_2075 = vector.extract %get3A_2074[0] : f32 from vector<1xf32>
    %add3A_2076 = vector.broadcast %get3A_2075 : f32 to vector<1x128xf32>
    %add3A_2077 = arith.addf %dot_general3A_2072, %add3A_2076 : vector<1x128xf32>
    %bitcast_convert_type3A_2078 = tpu.bitcast %add3A_2077 : vector<1x128xf32> -> vector<1x128xi32>
    %add3A_2079 = arith.constant 32767 : i32
    %add3A_2080 = vector.broadcast %add3A_2079 : i32 to vector<1x128xi32>
    %add3A_2081 = arith.addi %bitcast_convert_type3A_2078, %add3A_2080 : vector<1x128xi32>
    %shift_right_logical3A_2082 = arith.constant 16 : i32
    %shift_right_logical3A_2083 = vector.broadcast %shift_right_logical3A_2082 : i32 to vector<1x128xi32>
    %shift_right_logical3A_2084 = arith.shrui %bitcast_convert_type3A_2078, %shift_right_logical3A_2083 : vector<1x128xi32>
    %and3A_2085 = arith.constant 1 : i32
    %and3A_2086 = vector.broadcast %and3A_2085 : i32 to vector<1x128xi32>
    %and3A_2087 = arith.andi %shift_right_logical3A_2084, %and3A_2086 : vector<1x128xi32>
    %add3A_2088 = arith.addi %add3A_2081, %and3A_2087 : vector<1x128xi32>
    %shift_right_logical3A_2089 = arith.constant 16 : i32
    %shift_right_logical3A_2090 = vector.broadcast %shift_right_logical3A_2089 : i32 to vector<1x128xi32>
    %shift_right_logical3A_2091 = arith.shrui %add3A_2088, %shift_right_logical3A_2090 : vector<1x128xi32>
    %get3A_2092 = arith.constant 12544 : index
    %get3A_2093 = arith.constant 0 : index
    %get3A_2094 = vector.load %arg1[%get3A_2092, %get3A_2093] : memref<16384x128xf32, #tpu.memory_space<vmem>>, vector<128x128xf32>
    %get3A_2095 = arith.constant 0 : index
    %get3A_2096 = arith.constant 0 : index
    %get3A_2097 = vector.load %arg2[%get3A_2095, %get3A_2096] : memref<1x128xf32, #tpu.memory_space<vmem>>, vector<1x128xf32>
    %dot_general3A_2098 = arith.constant dense<0.000000e+00> : vector<1x128xf32>
    %dot_general3A_2099 = tpu.matmul %get3A_2097, %get3A_2094, %dot_general3A_2098 {dimension_numbers = #tpu.dot_dimension_numbers<[1], [1], [0], [0], [0, 0, 1, 0], [], []>, transpose_lhs_hint = false} : vector<1x128xf32>, vector<128x128xf32>, vector<1x128xf32> -> vector<1x128xf32>
    %get3A_2100 = arith.constant 0 : index
    %get3A_2101 = vector.load %arg3[%get3A_2100] : memref<1xf32, #tpu.memory_space<vmem>>, vector<1xf32>
    %get3A_2102 = vector.extract %get3A_2101[0] : f32 from vector<1xf32>
    %add3A_2103 = vector.broadcast %get3A_2102 : f32 to vector<1x128xf32>
    %add3A_2104 = arith.addf %dot_general3A_2099, %add3A_2103 : vector<1x128xf32>
    %bitcast_convert_type3A_2105 = tpu.bitcast %add3A_2104 : vector<1x128xf32> -> vector<1x128xi32>
    %add3A_2106 = arith.constant 32767 : i32
    %add3A_2107 = vector.broadcast %add3A_2106 : i32 to vector<1x128xi32>
    %add3A_2108 = arith.addi %bitcast_convert_type3A_2105, %add3A_2107 : vector<1x128xi32>
    %shift_right_logical3A_2109 = arith.constant 16 : i32
    %shift_right_logical3A_2110 = vector.broadcast %shift_right_logical3A_2109 : i32 to vector<1x128xi32>
    %shift_right_logical3A_2111 = arith.shrui %bitcast_convert_type3A_2105, %shift_right_logical3A_2110 : vector<1x128xi32>
    %and3A_2112 = arith.constant 1 : i32
    %and3A_2113 = vector.broadcast %and3A_2112 : i32 to vector<1x128xi32>
    %and3A_2114 = arith.andi %shift_right_logical3A_2111, %and3A_2113 : vector<1x128xi32>
    %add3A_2115 = arith.addi %add3A_2108, %and3A_2114 : vector<1x128xi32>
    %shift_right_logical3A_2116 = arith.constant 16 : i32
    %shift_right_logical3A_2117 = vector.broadcast %shift_right_logical3A_2116 : i32 to vector<1x128xi32>
    %shift_right_logical3A_2118 = arith.shrui %add3A_2115, %shift_right_logical3A_2117 : vector<1x128xi32>
    %shift_left3A_2119 = arith.constant 16 : i32
    %shift_left3A_2120 = vector.broadcast %shift_left3A_2119 : i32 to vector<1x128xi32>
    %shift_left3A_2121 = arith.shli %shift_right_logical3A_2118, %shift_left3A_2120 : vector<1x128xi32>
    %or3A_2122 = arith.ori %shift_right_logical3A_2091, %shift_left3A_2121 : vector<1x128xi32>
    %swap3A_2123 = arith.constant 34 : index
    %swap3A_2124 = arith.constant 0 : index
    %swap3A_2125 = vector.load %arg4[%swap3A_2123, %swap3A_2124] : memref<64x128xi32, #tpu.memory_space<vmem>>, vector<1x128xi32>
    tpu.vector_store %arg4[%swap3A_2123, %swap3A_2124], %or3A_2122 {strides = array<i32>} : memref<64x128xi32, #tpu.memory_space<vmem>>, vector<1x128xi32>,
    %get3A_2126 = arith.constant 4480 : index
    %get3A_2127 = arith.constant 0 : index
    %get3A_2128 = vector.load %arg1[%get3A_2126, %get3A_2127] : memref<16384x128xf32, #tpu.memory_space<vmem>>, vector<128x128xf32>
    %get3A_2129 = arith.constant 0 : index
    %get3A_2130 = arith.constant 0 : index
    %get3A_2131 = vector.load %arg2[%get3A_2129, %get3A_2130] : memref<1x128xf32, #tpu.memory_space<vmem>>, vector<1x128xf32>
    %dot_general3A_2132 = arith.constant dense<0.000000e+00> : vector<1x128xf32>
    %dot_general3A_2133 = tpu.matmul %get3A_2131, %get3A_2128, %dot_general3A_2132 {dimension_numbers = #tpu.dot_dimension_numbers<[1], [1], [0], [0], [0, 0, 1, 0], [], []>, transpose_lhs_hint = false} : vector<1x128xf32>, vector<128x128xf32>, vector<1x128xf32> -> vector<1x128xf32>
    %get3A_2134 = arith.constant 0 : index
    %get3A_2135 = vector.load %arg3[%get3A_2134] : memref<1xf32, #tpu.memory_space<vmem>>, vector<1xf32>
    %get3A_2136 = vector.extract %get3A_2135[0] : f32 from vector<1xf32>
    %add3A_2137 = vector.broadcast %get3A_2136 : f32 to vector<1x128xf32>
    %add3A_2138 = arith.addf %dot_general3A_2133, %add3A_2137 : vector<1x128xf32>
    %bitcast_convert_type3A_2139 = tpu.bitcast %add3A_2138 : vector<1x128xf32> -> vector<1x128xi32>
    %add3A_2140 = arith.constant 32767 : i32
    %add3A_2141 = vector.broadcast %add3A_2140 : i32 to vector<1x128xi32>
    %add3A_2142 = arith.addi %bitcast_convert_type3A_2139, %add3A_2141 : vector<1x128xi32>
    %shift_right_logical3A_2143 = arith.constant 16 : i32
    %shift_right_logical3A_2144 = vector.broadcast %shift_right_logical3A_2143 : i32 to vector<1x128xi32>
    %shift_right_logical3A_2145 = arith.shrui %bitcast_convert_type3A_2139, %shift_right_logical3A_2144 : vector<1x128xi32>
    %and3A_2146 = arith.constant 1 : i32
    %and3A_2147 = vector.broadcast %and3A_2146 : i32 to vector<1x128xi32>
    %and3A_2148 = arith.andi %shift_right_logical3A_2145, %and3A_2147 : vector<1x128xi32>
    %add3A_2149 = arith.addi %add3A_2142, %and3A_2148 : vector<1x128xi32>
    %shift_right_logical3A_2150 = arith.constant 16 : i32
    %shift_right_logical3A_2151 = vector.broadcast %shift_right_logical3A_2150 : i32 to vector<1x128xi32>
    %shift_right_logical3A_2152 = arith.shrui %add3A_2149, %shift_right_logical3A_2151 : vector<1x128xi32>
    %get3A_2153 = arith.constant 12672 : index
    %get3A_2154 = arith.constant 0 : index
    %get3A_2155 = vector.load %arg1[%get3A_2153, %get3A_2154] : memref<16384x128xf32, #tpu.memory_space<vmem>>, vector<128x128xf32>
    %get3A_2156 = arith.constant 0 : index
    %get3A_2157 = arith.constant 0 : index
    %get3A_2158 = vector.load %arg2[%get3A_2156, %get3A_2157] : memref<1x128xf32, #tpu.memory_space<vmem>>, vector<1x128xf32>
    %dot_general3A_2159 = arith.constant dense<0.000000e+00> : vector<1x128xf32>
    %dot_general3A_2160 = tpu.matmul %get3A_2158, %get3A_2155, %dot_general3A_2159 {dimension_numbers = #tpu.dot_dimension_numbers<[1], [1], [0], [0], [0, 0, 1, 0], [], []>, transpose_lhs_hint = false} : vector<1x128xf32>, vector<128x128xf32>, vector<1x128xf32> -> vector<1x128xf32>
    %get3A_2161 = arith.constant 0 : index
    %get3A_2162 = vector.load %arg3[%get3A_2161] : memref<1xf32, #tpu.memory_space<vmem>>, vector<1xf32>
    %get3A_2163 = vector.extract %get3A_2162[0] : f32 from vector<1xf32>
    %add3A_2164 = vector.broadcast %get3A_2163 : f32 to vector<1x128xf32>
    %add3A_2165 = arith.addf %dot_general3A_2160, %add3A_2164 : vector<1x128xf32>
    %bitcast_convert_type3A_2166 = tpu.bitcast %add3A_2165 : vector<1x128xf32> -> vector<1x128xi32>
    %add3A_2167 = arith.constant 32767 : i32
    %add3A_2168 = vector.broadcast %add3A_2167 : i32 to vector<1x128xi32>
    %add3A_2169 = arith.addi %bitcast_convert_type3A_2166, %add3A_2168 : vector<1x128xi32>
    %shift_right_logical3A_2170 = arith.constant 16 : i32
    %shift_right_logical3A_2171 = vector.broadcast %shift_right_logical3A_2170 : i32 to vector<1x128xi32>
    %shift_right_logical3A_2172 = arith.shrui %bitcast_convert_type3A_2166, %shift_right_logical3A_2171 : vector<1x128xi32>
    %and3A_2173 = arith.constant 1 : i32
    %and3A_2174 = vector.broadcast %and3A_2173 : i32 to vector<1x128xi32>
    %and3A_2175 = arith.andi %shift_right_logical3A_2172, %and3A_2174 : vector<1x128xi32>
    %add3A_2176 = arith.addi %add3A_2169, %and3A_2175 : vector<1x128xi32>
    %shift_right_logical3A_2177 = arith.constant 16 : i32
    %shift_right_logical3A_2178 = vector.broadcast %shift_right_logical3A_2177 : i32 to vector<1x128xi32>
    %shift_right_logical3A_2179 = arith.shrui %add3A_2176, %shift_right_logical3A_2178 : vector<1x128xi32>
    %shift_left3A_2180 = arith.constant 16 : i32
    %shift_left3A_2181 = vector.broadcast %shift_left3A_2180 : i32 to vector<1x128xi32>
    %shift_left3A_2182 = arith.shli %shift_right_logical3A_2179, %shift_left3A_2181 : vector<1x128xi32>
    %or3A_2183 = arith.ori %shift_right_logical3A_2152, %shift_left3A_2182 : vector<1x128xi32>
    %swap3A_2184 = arith.constant 35 : index
    %swap3A_2185 = arith.constant 0 : index
    %swap3A_2186 = vector.load %arg4[%swap3A_2184, %swap3A_2185] : memref<64x128xi32, #tpu.memory_space<vmem>>, vector<1x128xi32>
    tpu.vector_store %arg4[%swap3A_2184, %swap3A_2185], %or3A_2183 {strides = array<i32>} : memref<64x128xi32, #tpu.memory_space<vmem>>, vector<1x128xi32>,
    %get3A_2187 = arith.constant 4608 : index
    %get3A_2188 = arith.constant 0 : index
    %get3A_2189 = vector.load %arg1[%get3A_2187, %get3A_2188] : memref<16384x128xf32, #tpu.memory_space<vmem>>, vector<128x128xf32>
    %get3A_2190 = arith.constant 0 : index
    %get3A_2191 = arith.constant 0 : index
    %get3A_2192 = vector.load %arg2[%get3A_2190, %get3A_2191] : memref<1x128xf32, #tpu.memory_space<vmem>>, vector<1x128xf32>
    %dot_general3A_2193 = arith.constant dense<0.000000e+00> : vector<1x128xf32>
    %dot_general3A_2194 = tpu.matmul %get3A_2192, %get3A_2189, %dot_general3A_2193 {dimension_numbers = #tpu.dot_dimension_numbers<[1], [1], [0], [0], [0, 0, 1, 0], [], []>, transpose_lhs_hint = false} : vector<1x128xf32>, vector<128x128xf32>, vector<1x128xf32> -> vector<1x128xf32>
    %get3A_2195 = arith.constant 0 : index
    %get3A_2196 = vector.load %arg3[%get3A_2195] : memref<1xf32, #tpu.memory_space<vmem>>, vector<1xf32>
    %get3A_2197 = vector.extract %get3A_2196[0] : f32 from vector<1xf32>
    %add3A_2198 = vector.broadcast %get3A_2197 : f32 to vector<1x128xf32>
    %add3A_2199 = arith.addf %dot_general3A_2194, %add3A_2198 : vector<1x128xf32>
    %bitcast_convert_type3A_2200 = tpu.bitcast %add3A_2199 : vector<1x128xf32> -> vector<1x128xi32>
    %add3A_2201 = arith.constant 32767 : i32
    %add3A_2202 = vector.broadcast %add3A_2201 : i32 to vector<1x128xi32>
    %add3A_2203 = arith.addi %bitcast_convert_type3A_2200, %add3A_2202 : vector<1x128xi32>
    %shift_right_logical3A_2204 = arith.constant 16 : i32
    %shift_right_logical3A_2205 = vector.broadcast %shift_right_logical3A_2204 : i32 to vector<1x128xi32>
    %shift_right_logical3A_2206 = arith.shrui %bitcast_convert_type3A_2200, %shift_right_logical3A_2205 : vector<1x128xi32>
    %and3A_2207 = arith.constant 1 : i32
    %and3A_2208 = vector.broadcast %and3A_2207 : i32 to vector<1x128xi32>
    %and3A_2209 = arith.andi %shift_right_logical3A_2206, %and3A_2208 : vector<1x128xi32>
    %add3A_2210 = arith.addi %add3A_2203, %and3A_2209 : vector<1x128xi32>
    %shift_right_logical3A_2211 = arith.constant 16 : i32
    %shift_right_logical3A_2212 = vector.broadcast %shift_right_logical3A_2211 : i32 to vector<1x128xi32>
    %shift_right_logical3A_2213 = arith.shrui %add3A_2210, %shift_right_logical3A_2212 : vector<1x128xi32>
    %get3A_2214 = arith.constant 12800 : index
    %get3A_2215 = arith.constant 0 : index
    %get3A_2216 = vector.load %arg1[%get3A_2214, %get3A_2215] : memref<16384x128xf32, #tpu.memory_space<vmem>>, vector<128x128xf32>
    %get3A_2217 = arith.constant 0 : index
    %get3A_2218 = arith.constant 0 : index
    %get3A_2219 = vector.load %arg2[%get3A_2217, %get3A_2218] : memref<1x128xf32, #tpu.memory_space<vmem>>, vector<1x128xf32>
    %dot_general3A_2220 = arith.constant dense<0.000000e+00> : vector<1x128xf32>
    %dot_general3A_2221 = tpu.matmul %get3A_2219, %get3A_2216, %dot_general3A_2220 {dimension_numbers = #tpu.dot_dimension_numbers<[1], [1], [0], [0], [0, 0, 1, 0], [], []>, transpose_lhs_hint = false} : vector<1x128xf32>, vector<128x128xf32>, vector<1x128xf32> -> vector<1x128xf32>
    %get3A_2222 = arith.constant 0 : index
    %get3A_2223 = vector.load %arg3[%get3A_2222] : memref<1xf32, #tpu.memory_space<vmem>>, vector<1xf32>
    %get3A_2224 = vector.extract %get3A_2223[0] : f32 from vector<1xf32>
    %add3A_2225 = vector.broadcast %get3A_2224 : f32 to vector<1x128xf32>
    %add3A_2226 = arith.addf %dot_general3A_2221, %add3A_2225 : vector<1x128xf32>
    %bitcast_convert_type3A_2227 = tpu.bitcast %add3A_2226 : vector<1x128xf32> -> vector<1x128xi32>
    %add3A_2228 = arith.constant 32767 : i32
    %add3A_2229 = vector.broadcast %add3A_2228 : i32 to vector<1x128xi32>
    %add3A_2230 = arith.addi %bitcast_convert_type3A_2227, %add3A_2229 : vector<1x128xi32>
    %shift_right_logical3A_2231 = arith.constant 16 : i32
    %shift_right_logical3A_2232 = vector.broadcast %shift_right_logical3A_2231 : i32 to vector<1x128xi32>
    %shift_right_logical3A_2233 = arith.shrui %bitcast_convert_type3A_2227, %shift_right_logical3A_2232 : vector<1x128xi32>
    %and3A_2234 = arith.constant 1 : i32
    %and3A_2235 = vector.broadcast %and3A_2234 : i32 to vector<1x128xi32>
    %and3A_2236 = arith.andi %shift_right_logical3A_2233, %and3A_2235 : vector<1x128xi32>
    %add3A_2237 = arith.addi %add3A_2230, %and3A_2236 : vector<1x128xi32>
    %shift_right_logical3A_2238 = arith.constant 16 : i32
    %shift_right_logical3A_2239 = vector.broadcast %shift_right_logical3A_2238 : i32 to vector<1x128xi32>
    %shift_right_logical3A_2240 = arith.shrui %add3A_2237, %shift_right_logical3A_2239 : vector<1x128xi32>
    %shift_left3A_2241 = arith.constant 16 : i32
    %shift_left3A_2242 = vector.broadcast %shift_left3A_2241 : i32 to vector<1x128xi32>
    %shift_left3A_2243 = arith.shli %shift_right_logical3A_2240, %shift_left3A_2242 : vector<1x128xi32>
    %or3A_2244 = arith.ori %shift_right_logical3A_2213, %shift_left3A_2243 : vector<1x128xi32>
    %swap3A_2245 = arith.constant 36 : index
    %swap3A_2246 = arith.constant 0 : index
    %swap3A_2247 = vector.load %arg4[%swap3A_2245, %swap3A_2246] : memref<64x128xi32, #tpu.memory_space<vmem>>, vector<1x128xi32>
    tpu.vector_store %arg4[%swap3A_2245, %swap3A_2246], %or3A_2244 {strides = array<i32>} : memref<64x128xi32, #tpu.memory_space<vmem>>, vector<1x128xi32>,
    %get3A_2248 = arith.constant 4736 : index
    %get3A_2249 = arith.constant 0 : index
    %get3A_2250 = vector.load %arg1[%get3A_2248, %get3A_2249] : memref<16384x128xf32, #tpu.memory_space<vmem>>, vector<128x128xf32>
    %get3A_2251 = arith.constant 0 : index
    %get3A_2252 = arith.constant 0 : index
    %get3A_2253 = vector.load %arg2[%get3A_2251, %get3A_2252] : memref<1x128xf32, #tpu.memory_space<vmem>>, vector<1x128xf32>
    %dot_general3A_2254 = arith.constant dense<0.000000e+00> : vector<1x128xf32>
    %dot_general3A_2255 = tpu.matmul %get3A_2253, %get3A_2250, %dot_general3A_2254 {dimension_numbers = #tpu.dot_dimension_numbers<[1], [1], [0], [0], [0, 0, 1, 0], [], []>, transpose_lhs_hint = false} : vector<1x128xf32>, vector<128x128xf32>, vector<1x128xf32> -> vector<1x128xf32>
    %get3A_2256 = arith.constant 0 : index
    %get3A_2257 = vector.load %arg3[%get3A_2256] : memref<1xf32, #tpu.memory_space<vmem>>, vector<1xf32>
    %get3A_2258 = vector.extract %get3A_2257[0] : f32 from vector<1xf32>
    %add3A_2259 = vector.broadcast %get3A_2258 : f32 to vector<1x128xf32>
    %add3A_2260 = arith.addf %dot_general3A_2255, %add3A_2259 : vector<1x128xf32>
    %bitcast_convert_type3A_2261 = tpu.bitcast %add3A_2260 : vector<1x128xf32> -> vector<1x128xi32>
    %add3A_2262 = arith.constant 32767 : i32
    %add3A_2263 = vector.broadcast %add3A_2262 : i32 to vector<1x128xi32>
    %add3A_2264 = arith.addi %bitcast_convert_type3A_2261, %add3A_2263 : vector<1x128xi32>
    %shift_right_logical3A_2265 = arith.constant 16 : i32
    %shift_right_logical3A_2266 = vector.broadcast %shift_right_logical3A_2265 : i32 to vector<1x128xi32>
    %shift_right_logical3A_2267 = arith.shrui %bitcast_convert_type3A_2261, %shift_right_logical3A_2266 : vector<1x128xi32>
    %and3A_2268 = arith.constant 1 : i32
    %and3A_2269 = vector.broadcast %and3A_2268 : i32 to vector<1x128xi32>
    %and3A_2270 = arith.andi %shift_right_logical3A_2267, %and3A_2269 : vector<1x128xi32>
    %add3A_2271 = arith.addi %add3A_2264, %and3A_2270 : vector<1x128xi32>
    %shift_right_logical3A_2272 = arith.constant 16 : i32
    %shift_right_logical3A_2273 = vector.broadcast %shift_right_logical3A_2272 : i32 to vector<1x128xi32>
    %shift_right_logical3A_2274 = arith.shrui %add3A_2271, %shift_right_logical3A_2273 : vector<1x128xi32>
    %get3A_2275 = arith.constant 12928 : index
    %get3A_2276 = arith.constant 0 : index
    %get3A_2277 = vector.load %arg1[%get3A_2275, %get3A_2276] : memref<16384x128xf32, #tpu.memory_space<vmem>>, vector<128x128xf32>
    %get3A_2278 = arith.constant 0 : index
    %get3A_2279 = arith.constant 0 : index
    %get3A_2280 = vector.load %arg2[%get3A_2278, %get3A_2279] : memref<1x128xf32, #tpu.memory_space<vmem>>, vector<1x128xf32>
    %dot_general3A_2281 = arith.constant dense<0.000000e+00> : vector<1x128xf32>
    %dot_general3A_2282 = tpu.matmul %get3A_2280, %get3A_2277, %dot_general3A_2281 {dimension_numbers = #tpu.dot_dimension_numbers<[1], [1], [0], [0], [0, 0, 1, 0], [], []>, transpose_lhs_hint = false} : vector<1x128xf32>, vector<128x128xf32>, vector<1x128xf32> -> vector<1x128xf32>
    %get3A_2283 = arith.constant 0 : index
    %get3A_2284 = vector.load %arg3[%get3A_2283] : memref<1xf32, #tpu.memory_space<vmem>>, vector<1xf32>
    %get3A_2285 = vector.extract %get3A_2284[0] : f32 from vector<1xf32>
    %add3A_2286 = vector.broadcast %get3A_2285 : f32 to vector<1x128xf32>
    %add3A_2287 = arith.addf %dot_general3A_2282, %add3A_2286 : vector<1x128xf32>
    %bitcast_convert_type3A_2288 = tpu.bitcast %add3A_2287 : vector<1x128xf32> -> vector<1x128xi32>
    %add3A_2289 = arith.constant 32767 : i32
    %add3A_2290 = vector.broadcast %add3A_2289 : i32 to vector<1x128xi32>
    %add3A_2291 = arith.addi %bitcast_convert_type3A_2288, %add3A_2290 : vector<1x128xi32>
    %shift_right_logical3A_2292 = arith.constant 16 : i32
    %shift_right_logical3A_2293 = vector.broadcast %shift_right_logical3A_2292 : i32 to vector<1x128xi32>
    %shift_right_logical3A_2294 = arith.shrui %bitcast_convert_type3A_2288, %shift_right_logical3A_2293 : vector<1x128xi32>
    %and3A_2295 = arith.constant 1 : i32
    %and3A_2296 = vector.broadcast %and3A_2295 : i32 to vector<1x128xi32>
    %and3A_2297 = arith.andi %shift_right_logical3A_2294, %and3A_2296 : vector<1x128xi32>
    %add3A_2298 = arith.addi %add3A_2291, %and3A_2297 : vector<1x128xi32>
    %shift_right_logical3A_2299 = arith.constant 16 : i32
    %shift_right_logical3A_2300 = vector.broadcast %shift_right_logical3A_2299 : i32 to vector<1x128xi32>
    %shift_right_logical3A_2301 = arith.shrui %add3A_2298, %shift_right_logical3A_2300 : vector<1x128xi32>
    %shift_left3A_2302 = arith.constant 16 : i32
    %shift_left3A_2303 = vector.broadcast %shift_left3A_2302 : i32 to vector<1x128xi32>
    %shift_left3A_2304 = arith.shli %shift_right_logical3A_2301, %shift_left3A_2303 : vector<1x128xi32>
    %or3A_2305 = arith.ori %shift_right_logical3A_2274, %shift_left3A_2304 : vector<1x128xi32>
    %swap3A_2306 = arith.constant 37 : index
    %swap3A_2307 = arith.constant 0 : index
    %swap3A_2308 = vector.load %arg4[%swap3A_2306, %swap3A_2307] : memref<64x128xi32, #tpu.memory_space<vmem>>, vector<1x128xi32>
    tpu.vector_store %arg4[%swap3A_2306, %swap3A_2307], %or3A_2305 {strides = array<i32>} : memref<64x128xi32, #tpu.memory_space<vmem>>, vector<1x128xi32>,
    %get3A_2309 = arith.constant 4864 : index
    %get3A_2310 = arith.constant 0 : index
    %get3A_2311 = vector.load %arg1[%get3A_2309, %get3A_2310] : memref<16384x128xf32, #tpu.memory_space<vmem>>, vector<128x128xf32>
    %get3A_2312 = arith.constant 0 : index
    %get3A_2313 = arith.constant 0 : index
    %get3A_2314 = vector.load %arg2[%get3A_2312, %get3A_2313] : memref<1x128xf32, #tpu.memory_space<vmem>>, vector<1x128xf32>
    %dot_general3A_2315 = arith.constant dense<0.000000e+00> : vector<1x128xf32>
    %dot_general3A_2316 = tpu.matmul %get3A_2314, %get3A_2311, %dot_general3A_2315 {dimension_numbers = #tpu.dot_dimension_numbers<[1], [1], [0], [0], [0, 0, 1, 0], [], []>, transpose_lhs_hint = false} : vector<1x128xf32>, vector<128x128xf32>, vector<1x128xf32> -> vector<1x128xf32>
    %get3A_2317 = arith.constant 0 : index
    %get3A_2318 = vector.load %arg3[%get3A_2317] : memref<1xf32, #tpu.memory_space<vmem>>, vector<1xf32>
    %get3A_2319 = vector.extract %get3A_2318[0] : f32 from vector<1xf32>
    %add3A_2320 = vector.broadcast %get3A_2319 : f32 to vector<1x128xf32>
    %add3A_2321 = arith.addf %dot_general3A_2316, %add3A_2320 : vector<1x128xf32>
    %bitcast_convert_type3A_2322 = tpu.bitcast %add3A_2321 : vector<1x128xf32> -> vector<1x128xi32>
    %add3A_2323 = arith.constant 32767 : i32
    %add3A_2324 = vector.broadcast %add3A_2323 : i32 to vector<1x128xi32>
    %add3A_2325 = arith.addi %bitcast_convert_type3A_2322, %add3A_2324 : vector<1x128xi32>
    %shift_right_logical3A_2326 = arith.constant 16 : i32
    %shift_right_logical3A_2327 = vector.broadcast %shift_right_logical3A_2326 : i32 to vector<1x128xi32>
    %shift_right_logical3A_2328 = arith.shrui %bitcast_convert_type3A_2322, %shift_right_logical3A_2327 : vector<1x128xi32>
    %and3A_2329 = arith.constant 1 : i32
    %and3A_2330 = vector.broadcast %and3A_2329 : i32 to vector<1x128xi32>
    %and3A_2331 = arith.andi %shift_right_logical3A_2328, %and3A_2330 : vector<1x128xi32>
    %add3A_2332 = arith.addi %add3A_2325, %and3A_2331 : vector<1x128xi32>
    %shift_right_logical3A_2333 = arith.constant 16 : i32
    %shift_right_logical3A_2334 = vector.broadcast %shift_right_logical3A_2333 : i32 to vector<1x128xi32>
    %shift_right_logical3A_2335 = arith.shrui %add3A_2332, %shift_right_logical3A_2334 : vector<1x128xi32>
    %get3A_2336 = arith.constant 13056 : index
    %get3A_2337 = arith.constant 0 : index
    %get3A_2338 = vector.load %arg1[%get3A_2336, %get3A_2337] : memref<16384x128xf32, #tpu.memory_space<vmem>>, vector<128x128xf32>
    %get3A_2339 = arith.constant 0 : index
    %get3A_2340 = arith.constant 0 : index
    %get3A_2341 = vector.load %arg2[%get3A_2339, %get3A_2340] : memref<1x128xf32, #tpu.memory_space<vmem>>, vector<1x128xf32>
    %dot_general3A_2342 = arith.constant dense<0.000000e+00> : vector<1x128xf32>
    %dot_general3A_2343 = tpu.matmul %get3A_2341, %get3A_2338, %dot_general3A_2342 {dimension_numbers = #tpu.dot_dimension_numbers<[1], [1], [0], [0], [0, 0, 1, 0], [], []>, transpose_lhs_hint = false} : vector<1x128xf32>, vector<128x128xf32>, vector<1x128xf32> -> vector<1x128xf32>
    %get3A_2344 = arith.constant 0 : index
    %get3A_2345 = vector.load %arg3[%get3A_2344] : memref<1xf32, #tpu.memory_space<vmem>>, vector<1xf32>
    %get3A_2346 = vector.extract %get3A_2345[0] : f32 from vector<1xf32>
    %add3A_2347 = vector.broadcast %get3A_2346 : f32 to vector<1x128xf32>
    %add3A_2348 = arith.addf %dot_general3A_2343, %add3A_2347 : vector<1x128xf32>
    %bitcast_convert_type3A_2349 = tpu.bitcast %add3A_2348 : vector<1x128xf32> -> vector<1x128xi32>
    %add3A_2350 = arith.constant 32767 : i32
    %add3A_2351 = vector.broadcast %add3A_2350 : i32 to vector<1x128xi32>
    %add3A_2352 = arith.addi %bitcast_convert_type3A_2349, %add3A_2351 : vector<1x128xi32>
    %shift_right_logical3A_2353 = arith.constant 16 : i32
    %shift_right_logical3A_2354 = vector.broadcast %shift_right_logical3A_2353 : i32 to vector<1x128xi32>
    %shift_right_logical3A_2355 = arith.shrui %bitcast_convert_type3A_2349, %shift_right_logical3A_2354 : vector<1x128xi32>
    %and3A_2356 = arith.constant 1 : i32
    %and3A_2357 = vector.broadcast %and3A_2356 : i32 to vector<1x128xi32>
    %and3A_2358 = arith.andi %shift_right_logical3A_2355, %and3A_2357 : vector<1x128xi32>
    %add3A_2359 = arith.addi %add3A_2352, %and3A_2358 : vector<1x128xi32>
    %shift_right_logical3A_2360 = arith.constant 16 : i32
    %shift_right_logical3A_2361 = vector.broadcast %shift_right_logical3A_2360 : i32 to vector<1x128xi32>
    %shift_right_logical3A_2362 = arith.shrui %add3A_2359, %shift_right_logical3A_2361 : vector<1x128xi32>
    %shift_left3A_2363 = arith.constant 16 : i32
    %shift_left3A_2364 = vector.broadcast %shift_left3A_2363 : i32 to vector<1x128xi32>
    %shift_left3A_2365 = arith.shli %shift_right_logical3A_2362, %shift_left3A_2364 : vector<1x128xi32>
    %or3A_2366 = arith.ori %shift_right_logical3A_2335, %shift_left3A_2365 : vector<1x128xi32>
    %swap3A_2367 = arith.constant 38 : index
    %swap3A_2368 = arith.constant 0 : index
    %swap3A_2369 = vector.load %arg4[%swap3A_2367, %swap3A_2368] : memref<64x128xi32, #tpu.memory_space<vmem>>, vector<1x128xi32>
    tpu.vector_store %arg4[%swap3A_2367, %swap3A_2368], %or3A_2366 {strides = array<i32>} : memref<64x128xi32, #tpu.memory_space<vmem>>, vector<1x128xi32>,
    %get3A_2370 = arith.constant 4992 : index
    %get3A_2371 = arith.constant 0 : index
    %get3A_2372 = vector.load %arg1[%get3A_2370, %get3A_2371] : memref<16384x128xf32, #tpu.memory_space<vmem>>, vector<128x128xf32>
    %get3A_2373 = arith.constant 0 : index
    %get3A_2374 = arith.constant 0 : index
    %get3A_2375 = vector.load %arg2[%get3A_2373, %get3A_2374] : memref<1x128xf32, #tpu.memory_space<vmem>>, vector<1x128xf32>
    %dot_general3A_2376 = arith.constant dense<0.000000e+00> : vector<1x128xf32>
    %dot_general3A_2377 = tpu.matmul %get3A_2375, %get3A_2372, %dot_general3A_2376 {dimension_numbers = #tpu.dot_dimension_numbers<[1], [1], [0], [0], [0, 0, 1, 0], [], []>, transpose_lhs_hint = false} : vector<1x128xf32>, vector<128x128xf32>, vector<1x128xf32> -> vector<1x128xf32>
    %get3A_2378 = arith.constant 0 : index
    %get3A_2379 = vector.load %arg3[%get3A_2378] : memref<1xf32, #tpu.memory_space<vmem>>, vector<1xf32>
    %get3A_2380 = vector.extract %get3A_2379[0] : f32 from vector<1xf32>
    %add3A_2381 = vector.broadcast %get3A_2380 : f32 to vector<1x128xf32>
    %add3A_2382 = arith.addf %dot_general3A_2377, %add3A_2381 : vector<1x128xf32>
    %bitcast_convert_type3A_2383 = tpu.bitcast %add3A_2382 : vector<1x128xf32> -> vector<1x128xi32>
    %add3A_2384 = arith.constant 32767 : i32
    %add3A_2385 = vector.broadcast %add3A_2384 : i32 to vector<1x128xi32>
    %add3A_2386 = arith.addi %bitcast_convert_type3A_2383, %add3A_2385 : vector<1x128xi32>
    %shift_right_logical3A_2387 = arith.constant 16 : i32
    %shift_right_logical3A_2388 = vector.broadcast %shift_right_logical3A_2387 : i32 to vector<1x128xi32>
    %shift_right_logical3A_2389 = arith.shrui %bitcast_convert_type3A_2383, %shift_right_logical3A_2388 : vector<1x128xi32>
    %and3A_2390 = arith.constant 1 : i32
    %and3A_2391 = vector.broadcast %and3A_2390 : i32 to vector<1x128xi32>
    %and3A_2392 = arith.andi %shift_right_logical3A_2389, %and3A_2391 : vector<1x128xi32>
    %add3A_2393 = arith.addi %add3A_2386, %and3A_2392 : vector<1x128xi32>
    %shift_right_logical3A_2394 = arith.constant 16 : i32
    %shift_right_logical3A_2395 = vector.broadcast %shift_right_logical3A_2394 : i32 to vector<1x128xi32>
    %shift_right_logical3A_2396 = arith.shrui %add3A_2393, %shift_right_logical3A_2395 : vector<1x128xi32>
    %get3A_2397 = arith.constant 13184 : index
    %get3A_2398 = arith.constant 0 : index
    %get3A_2399 = vector.load %arg1[%get3A_2397, %get3A_2398] : memref<16384x128xf32, #tpu.memory_space<vmem>>, vector<128x128xf32>
    %get3A_2400 = arith.constant 0 : index
    %get3A_2401 = arith.constant 0 : index
    %get3A_2402 = vector.load %arg2[%get3A_2400, %get3A_2401] : memref<1x128xf32, #tpu.memory_space<vmem>>, vector<1x128xf32>
    %dot_general3A_2403 = arith.constant dense<0.000000e+00> : vector<1x128xf32>
    %dot_general3A_2404 = tpu.matmul %get3A_2402, %get3A_2399, %dot_general3A_2403 {dimension_numbers = #tpu.dot_dimension_numbers<[1], [1], [0], [0], [0, 0, 1, 0], [], []>, transpose_lhs_hint = false} : vector<1x128xf32>, vector<128x128xf32>, vector<1x128xf32> -> vector<1x128xf32>
    %get3A_2405 = arith.constant 0 : index
    %get3A_2406 = vector.load %arg3[%get3A_2405] : memref<1xf32, #tpu.memory_space<vmem>>, vector<1xf32>
    %get3A_2407 = vector.extract %get3A_2406[0] : f32 from vector<1xf32>
    %add3A_2408 = vector.broadcast %get3A_2407 : f32 to vector<1x128xf32>
    %add3A_2409 = arith.addf %dot_general3A_2404, %add3A_2408 : vector<1x128xf32>
    %bitcast_convert_type3A_2410 = tpu.bitcast %add3A_2409 : vector<1x128xf32> -> vector<1x128xi32>
    %add3A_2411 = arith.constant 32767 : i32
    %add3A_2412 = vector.broadcast %add3A_2411 : i32 to vector<1x128xi32>
    %add3A_2413 = arith.addi %bitcast_convert_type3A_2410, %add3A_2412 : vector<1x128xi32>
    %shift_right_logical3A_2414 = arith.constant 16 : i32
    %shift_right_logical3A_2415 = vector.broadcast %shift_right_logical3A_2414 : i32 to vector<1x128xi32>
    %shift_right_logical3A_2416 = arith.shrui %bitcast_convert_type3A_2410, %shift_right_logical3A_2415 : vector<1x128xi32>
    %and3A_2417 = arith.constant 1 : i32
    %and3A_2418 = vector.broadcast %and3A_2417 : i32 to vector<1x128xi32>
    %and3A_2419 = arith.andi %shift_right_logical3A_2416, %and3A_2418 : vector<1x128xi32>
    %add3A_2420 = arith.addi %add3A_2413, %and3A_2419 : vector<1x128xi32>
    %shift_right_logical3A_2421 = arith.constant 16 : i32
    %shift_right_logical3A_2422 = vector.broadcast %shift_right_logical3A_2421 : i32 to vector<1x128xi32>
    %shift_right_logical3A_2423 = arith.shrui %add3A_2420, %shift_right_logical3A_2422 : vector<1x128xi32>
    %shift_left3A_2424 = arith.constant 16 : i32
    %shift_left3A_2425 = vector.broadcast %shift_left3A_2424 : i32 to vector<1x128xi32>
    %shift_left3A_2426 = arith.shli %shift_right_logical3A_2423, %shift_left3A_2425 : vector<1x128xi32>
    %or3A_2427 = arith.ori %shift_right_logical3A_2396, %shift_left3A_2426 : vector<1x128xi32>
    %swap3A_2428 = arith.constant 39 : index
    %swap3A_2429 = arith.constant 0 : index
    %swap3A_2430 = vector.load %arg4[%swap3A_2428, %swap3A_2429] : memref<64x128xi32, #tpu.memory_space<vmem>>, vector<1x128xi32>
    tpu.vector_store %arg4[%swap3A_2428, %swap3A_2429], %or3A_2427 {strides = array<i32>} : memref<64x128xi32, #tpu.memory_space<vmem>>, vector<1x128xi32>,
    %get3A_2431 = arith.constant 5120 : index
    %get3A_2432 = arith.constant 0 : index
    %get3A_2433 = vector.load %arg1[%get3A_2431, %get3A_2432] : memref<16384x128xf32, #tpu.memory_space<vmem>>, vector<128x128xf32>
    %get3A_2434 = arith.constant 0 : index
    %get3A_2435 = arith.constant 0 : index
    %get3A_2436 = vector.load %arg2[%get3A_2434, %get3A_2435] : memref<1x128xf32, #tpu.memory_space<vmem>>, vector<1x128xf32>
    %dot_general3A_2437 = arith.constant dense<0.000000e+00> : vector<1x128xf32>
    %dot_general3A_2438 = tpu.matmul %get3A_2436, %get3A_2433, %dot_general3A_2437 {dimension_numbers = #tpu.dot_dimension_numbers<[1], [1], [0], [0], [0, 0, 1, 0], [], []>, transpose_lhs_hint = false} : vector<1x128xf32>, vector<128x128xf32>, vector<1x128xf32> -> vector<1x128xf32>
    %get3A_2439 = arith.constant 0 : index
    %get3A_2440 = vector.load %arg3[%get3A_2439] : memref<1xf32, #tpu.memory_space<vmem>>, vector<1xf32>
    %get3A_2441 = vector.extract %get3A_2440[0] : f32 from vector<1xf32>
    %add3A_2442 = vector.broadcast %get3A_2441 : f32 to vector<1x128xf32>
    %add3A_2443 = arith.addf %dot_general3A_2438, %add3A_2442 : vector<1x128xf32>
    %bitcast_convert_type3A_2444 = tpu.bitcast %add3A_2443 : vector<1x128xf32> -> vector<1x128xi32>
    %add3A_2445 = arith.constant 32767 : i32
    %add3A_2446 = vector.broadcast %add3A_2445 : i32 to vector<1x128xi32>
    %add3A_2447 = arith.addi %bitcast_convert_type3A_2444, %add3A_2446 : vector<1x128xi32>
    %shift_right_logical3A_2448 = arith.constant 16 : i32
    %shift_right_logical3A_2449 = vector.broadcast %shift_right_logical3A_2448 : i32 to vector<1x128xi32>
    %shift_right_logical3A_2450 = arith.shrui %bitcast_convert_type3A_2444, %shift_right_logical3A_2449 : vector<1x128xi32>
    %and3A_2451 = arith.constant 1 : i32
    %and3A_2452 = vector.broadcast %and3A_2451 : i32 to vector<1x128xi32>
    %and3A_2453 = arith.andi %shift_right_logical3A_2450, %and3A_2452 : vector<1x128xi32>
    %add3A_2454 = arith.addi %add3A_2447, %and3A_2453 : vector<1x128xi32>
    %shift_right_logical3A_2455 = arith.constant 16 : i32
    %shift_right_logical3A_2456 = vector.broadcast %shift_right_logical3A_2455 : i32 to vector<1x128xi32>
    %shift_right_logical3A_2457 = arith.shrui %add3A_2454, %shift_right_logical3A_2456 : vector<1x128xi32>
    %get3A_2458 = arith.constant 13312 : index
    %get3A_2459 = arith.constant 0 : index
    %get3A_2460 = vector.load %arg1[%get3A_2458, %get3A_2459] : memref<16384x128xf32, #tpu.memory_space<vmem>>, vector<128x128xf32>
    %get3A_2461 = arith.constant 0 : index
    %get3A_2462 = arith.constant 0 : index
    %get3A_2463 = vector.load %arg2[%get3A_2461, %get3A_2462] : memref<1x128xf32, #tpu.memory_space<vmem>>, vector<1x128xf32>
    %dot_general3A_2464 = arith.constant dense<0.000000e+00> : vector<1x128xf32>
    %dot_general3A_2465 = tpu.matmul %get3A_2463, %get3A_2460, %dot_general3A_2464 {dimension_numbers = #tpu.dot_dimension_numbers<[1], [1], [0], [0], [0, 0, 1, 0], [], []>, transpose_lhs_hint = false} : vector<1x128xf32>, vector<128x128xf32>, vector<1x128xf32> -> vector<1x128xf32>
    %get3A_2466 = arith.constant 0 : index
    %get3A_2467 = vector.load %arg3[%get3A_2466] : memref<1xf32, #tpu.memory_space<vmem>>, vector<1xf32>
    %get3A_2468 = vector.extract %get3A_2467[0] : f32 from vector<1xf32>
    %add3A_2469 = vector.broadcast %get3A_2468 : f32 to vector<1x128xf32>
    %add3A_2470 = arith.addf %dot_general3A_2465, %add3A_2469 : vector<1x128xf32>
    %bitcast_convert_type3A_2471 = tpu.bitcast %add3A_2470 : vector<1x128xf32> -> vector<1x128xi32>
    %add3A_2472 = arith.constant 32767 : i32
    %add3A_2473 = vector.broadcast %add3A_2472 : i32 to vector<1x128xi32>
    %add3A_2474 = arith.addi %bitcast_convert_type3A_2471, %add3A_2473 : vector<1x128xi32>
    %shift_right_logical3A_2475 = arith.constant 16 : i32
    %shift_right_logical3A_2476 = vector.broadcast %shift_right_logical3A_2475 : i32 to vector<1x128xi32>
    %shift_right_logical3A_2477 = arith.shrui %bitcast_convert_type3A_2471, %shift_right_logical3A_2476 : vector<1x128xi32>
    %and3A_2478 = arith.constant 1 : i32
    %and3A_2479 = vector.broadcast %and3A_2478 : i32 to vector<1x128xi32>
    %and3A_2480 = arith.andi %shift_right_logical3A_2477, %and3A_2479 : vector<1x128xi32>
    %add3A_2481 = arith.addi %add3A_2474, %and3A_2480 : vector<1x128xi32>
    %shift_right_logical3A_2482 = arith.constant 16 : i32
    %shift_right_logical3A_2483 = vector.broadcast %shift_right_logical3A_2482 : i32 to vector<1x128xi32>
    %shift_right_logical3A_2484 = arith.shrui %add3A_2481, %shift_right_logical3A_2483 : vector<1x128xi32>
    %shift_left3A_2485 = arith.constant 16 : i32
    %shift_left3A_2486 = vector.broadcast %shift_left3A_2485 : i32 to vector<1x128xi32>
    %shift_left3A_2487 = arith.shli %shift_right_logical3A_2484, %shift_left3A_2486 : vector<1x128xi32>
    %or3A_2488 = arith.ori %shift_right_logical3A_2457, %shift_left3A_2487 : vector<1x128xi32>
    %swap3A_2489 = arith.constant 40 : index
    %swap3A_2490 = arith.constant 0 : index
    %swap3A_2491 = vector.load %arg4[%swap3A_2489, %swap3A_2490] : memref<64x128xi32, #tpu.memory_space<vmem>>, vector<1x128xi32>
    tpu.vector_store %arg4[%swap3A_2489, %swap3A_2490], %or3A_2488 {strides = array<i32>} : memref<64x128xi32, #tpu.memory_space<vmem>>, vector<1x128xi32>,
    %get3A_2492 = arith.constant 5248 : index
    %get3A_2493 = arith.constant 0 : index
    %get3A_2494 = vector.load %arg1[%get3A_2492, %get3A_2493] : memref<16384x128xf32, #tpu.memory_space<vmem>>, vector<128x128xf32>
    %get3A_2495 = arith.constant 0 : index
    %get3A_2496 = arith.constant 0 : index
    %get3A_2497 = vector.load %arg2[%get3A_2495, %get3A_2496] : memref<1x128xf32, #tpu.memory_space<vmem>>, vector<1x128xf32>
    %dot_general3A_2498 = arith.constant dense<0.000000e+00> : vector<1x128xf32>
    %dot_general3A_2499 = tpu.matmul %get3A_2497, %get3A_2494, %dot_general3A_2498 {dimension_numbers = #tpu.dot_dimension_numbers<[1], [1], [0], [0], [0, 0, 1, 0], [], []>, transpose_lhs_hint = false} : vector<1x128xf32>, vector<128x128xf32>, vector<1x128xf32> -> vector<1x128xf32>
    %get3A_2500 = arith.constant 0 : index
    %get3A_2501 = vector.load %arg3[%get3A_2500] : memref<1xf32, #tpu.memory_space<vmem>>, vector<1xf32>
    %get3A_2502 = vector.extract %get3A_2501[0] : f32 from vector<1xf32>
    %add3A_2503 = vector.broadcast %get3A_2502 : f32 to vector<1x128xf32>
    %add3A_2504 = arith.addf %dot_general3A_2499, %add3A_2503 : vector<1x128xf32>
    %bitcast_convert_type3A_2505 = tpu.bitcast %add3A_2504 : vector<1x128xf32> -> vector<1x128xi32>
    %add3A_2506 = arith.constant 32767 : i32
    %add3A_2507 = vector.broadcast %add3A_2506 : i32 to vector<1x128xi32>
    %add3A_2508 = arith.addi %bitcast_convert_type3A_2505, %add3A_2507 : vector<1x128xi32>
    %shift_right_logical3A_2509 = arith.constant 16 : i32
    %shift_right_logical3A_2510 = vector.broadcast %shift_right_logical3A_2509 : i32 to vector<1x128xi32>
    %shift_right_logical3A_2511 = arith.shrui %bitcast_convert_type3A_2505, %shift_right_logical3A_2510 : vector<1x128xi32>
    %and3A_2512 = arith.constant 1 : i32
    %and3A_2513 = vector.broadcast %and3A_2512 : i32 to vector<1x128xi32>
    %and3A_2514 = arith.andi %shift_right_logical3A_2511, %and3A_2513 : vector<1x128xi32>
    %add3A_2515 = arith.addi %add3A_2508, %and3A_2514 : vector<1x128xi32>
    %shift_right_logical3A_2516 = arith.constant 16 : i32
    %shift_right_logical3A_2517 = vector.broadcast %shift_right_logical3A_2516 : i32 to vector<1x128xi32>
    %shift_right_logical3A_2518 = arith.shrui %add3A_2515, %shift_right_logical3A_2517 : vector<1x128xi32>
    %get3A_2519 = arith.constant 13440 : index
    %get3A_2520 = arith.constant 0 : index
    %get3A_2521 = vector.load %arg1[%get3A_2519, %get3A_2520] : memref<16384x128xf32, #tpu.memory_space<vmem>>, vector<128x128xf32>
    %get3A_2522 = arith.constant 0 : index
    %get3A_2523 = arith.constant 0 : index
    %get3A_2524 = vector.load %arg2[%get3A_2522, %get3A_2523] : memref<1x128xf32, #tpu.memory_space<vmem>>, vector<1x128xf32>
    %dot_general3A_2525 = arith.constant dense<0.000000e+00> : vector<1x128xf32>
    %dot_general3A_2526 = tpu.matmul %get3A_2524, %get3A_2521, %dot_general3A_2525 {dimension_numbers = #tpu.dot_dimension_numbers<[1], [1], [0], [0], [0, 0, 1, 0], [], []>, transpose_lhs_hint = false} : vector<1x128xf32>, vector<128x128xf32>, vector<1x128xf32> -> vector<1x128xf32>
    %get3A_2527 = arith.constant 0 : index
    %get3A_2528 = vector.load %arg3[%get3A_2527] : memref<1xf32, #tpu.memory_space<vmem>>, vector<1xf32>
    %get3A_2529 = vector.extract %get3A_2528[0] : f32 from vector<1xf32>
    %add3A_2530 = vector.broadcast %get3A_2529 : f32 to vector<1x128xf32>
    %add3A_2531 = arith.addf %dot_general3A_2526, %add3A_2530 : vector<1x128xf32>
    %bitcast_convert_type3A_2532 = tpu.bitcast %add3A_2531 : vector<1x128xf32> -> vector<1x128xi32>
    %add3A_2533 = arith.constant 32767 : i32
    %add3A_2534 = vector.broadcast %add3A_2533 : i32 to vector<1x128xi32>
    %add3A_2535 = arith.addi %bitcast_convert_type3A_2532, %add3A_2534 : vector<1x128xi32>
    %shift_right_logical3A_2536 = arith.constant 16 : i32
    %shift_right_logical3A_2537 = vector.broadcast %shift_right_logical3A_2536 : i32 to vector<1x128xi32>
    %shift_right_logical3A_2538 = arith.shrui %bitcast_convert_type3A_2532, %shift_right_logical3A_2537 : vector<1x128xi32>
    %and3A_2539 = arith.constant 1 : i32
    %and3A_2540 = vector.broadcast %and3A_2539 : i32 to vector<1x128xi32>
    %and3A_2541 = arith.andi %shift_right_logical3A_2538, %and3A_2540 : vector<1x128xi32>
    %add3A_2542 = arith.addi %add3A_2535, %and3A_2541 : vector<1x128xi32>
    %shift_right_logical3A_2543 = arith.constant 16 : i32
    %shift_right_logical3A_2544 = vector.broadcast %shift_right_logical3A_2543 : i32 to vector<1x128xi32>
    %shift_right_logical3A_2545 = arith.shrui %add3A_2542, %shift_right_logical3A_2544 : vector<1x128xi32>
    %shift_left3A_2546 = arith.constant 16 : i32
    %shift_left3A_2547 = vector.broadcast %shift_left3A_2546 : i32 to vector<1x128xi32>
    %shift_left3A_2548 = arith.shli %shift_right_logical3A_2545, %shift_left3A_2547 : vector<1x128xi32>
    %or3A_2549 = arith.ori %shift_right_logical3A_2518, %shift_left3A_2548 : vector<1x128xi32>
    %swap3A_2550 = arith.constant 41 : index
    %swap3A_2551 = arith.constant 0 : index
    %swap3A_2552 = vector.load %arg4[%swap3A_2550, %swap3A_2551] : memref<64x128xi32, #tpu.memory_space<vmem>>, vector<1x128xi32>
    tpu.vector_store %arg4[%swap3A_2550, %swap3A_2551], %or3A_2549 {strides = array<i32>} : memref<64x128xi32, #tpu.memory_space<vmem>>, vector<1x128xi32>,
    %get3A_2553 = arith.constant 5376 : index
    %get3A_2554 = arith.constant 0 : index
    %get3A_2555 = vector.load %arg1[%get3A_2553, %get3A_2554] : memref<16384x128xf32, #tpu.memory_space<vmem>>, vector<128x128xf32>
    %get3A_2556 = arith.constant 0 : index
    %get3A_2557 = arith.constant 0 : index
    %get3A_2558 = vector.load %arg2[%get3A_2556, %get3A_2557] : memref<1x128xf32, #tpu.memory_space<vmem>>, vector<1x128xf32>
    %dot_general3A_2559 = arith.constant dense<0.000000e+00> : vector<1x128xf32>
    %dot_general3A_2560 = tpu.matmul %get3A_2558, %get3A_2555, %dot_general3A_2559 {dimension_numbers = #tpu.dot_dimension_numbers<[1], [1], [0], [0], [0, 0, 1, 0], [], []>, transpose_lhs_hint = false} : vector<1x128xf32>, vector<128x128xf32>, vector<1x128xf32> -> vector<1x128xf32>
    %get3A_2561 = arith.constant 0 : index
    %get3A_2562 = vector.load %arg3[%get3A_2561] : memref<1xf32, #tpu.memory_space<vmem>>, vector<1xf32>
    %get3A_2563 = vector.extract %get3A_2562[0] : f32 from vector<1xf32>
    %add3A_2564 = vector.broadcast %get3A_2563 : f32 to vector<1x128xf32>
    %add3A_2565 = arith.addf %dot_general3A_2560, %add3A_2564 : vector<1x128xf32>
    %bitcast_convert_type3A_2566 = tpu.bitcast %add3A_2565 : vector<1x128xf32> -> vector<1x128xi32>
    %add3A_2567 = arith.constant 32767 : i32
    %add3A_2568 = vector.broadcast %add3A_2567 : i32 to vector<1x128xi32>
    %add3A_2569 = arith.addi %bitcast_convert_type3A_2566, %add3A_2568 : vector<1x128xi32>
    %shift_right_logical3A_2570 = arith.constant 16 : i32
    %shift_right_logical3A_2571 = vector.broadcast %shift_right_logical3A_2570 : i32 to vector<1x128xi32>
    %shift_right_logical3A_2572 = arith.shrui %bitcast_convert_type3A_2566, %shift_right_logical3A_2571 : vector<1x128xi32>
    %and3A_2573 = arith.constant 1 : i32
    %and3A_2574 = vector.broadcast %and3A_2573 : i32 to vector<1x128xi32>
    %and3A_2575 = arith.andi %shift_right_logical3A_2572, %and3A_2574 : vector<1x128xi32>
    %add3A_2576 = arith.addi %add3A_2569, %and3A_2575 : vector<1x128xi32>
    %shift_right_logical3A_2577 = arith.constant 16 : i32
    %shift_right_logical3A_2578 = vector.broadcast %shift_right_logical3A_2577 : i32 to vector<1x128xi32>
    %shift_right_logical3A_2579 = arith.shrui %add3A_2576, %shift_right_logical3A_2578 : vector<1x128xi32>
    %get3A_2580 = arith.constant 13568 : index
    %get3A_2581 = arith.constant 0 : index
    %get3A_2582 = vector.load %arg1[%get3A_2580, %get3A_2581] : memref<16384x128xf32, #tpu.memory_space<vmem>>, vector<128x128xf32>
    %get3A_2583 = arith.constant 0 : index
    %get3A_2584 = arith.constant 0 : index
    %get3A_2585 = vector.load %arg2[%get3A_2583, %get3A_2584] : memref<1x128xf32, #tpu.memory_space<vmem>>, vector<1x128xf32>
    %dot_general3A_2586 = arith.constant dense<0.000000e+00> : vector<1x128xf32>
    %dot_general3A_2587 = tpu.matmul %get3A_2585, %get3A_2582, %dot_general3A_2586 {dimension_numbers = #tpu.dot_dimension_numbers<[1], [1], [0], [0], [0, 0, 1, 0], [], []>, transpose_lhs_hint = false} : vector<1x128xf32>, vector<128x128xf32>, vector<1x128xf32> -> vector<1x128xf32>
    %get3A_2588 = arith.constant 0 : index
    %get3A_2589 = vector.load %arg3[%get3A_2588] : memref<1xf32, #tpu.memory_space<vmem>>, vector<1xf32>
    %get3A_2590 = vector.extract %get3A_2589[0] : f32 from vector<1xf32>
    %add3A_2591 = vector.broadcast %get3A_2590 : f32 to vector<1x128xf32>
    %add3A_2592 = arith.addf %dot_general3A_2587, %add3A_2591 : vector<1x128xf32>
    %bitcast_convert_type3A_2593 = tpu.bitcast %add3A_2592 : vector<1x128xf32> -> vector<1x128xi32>
    %add3A_2594 = arith.constant 32767 : i32
    %add3A_2595 = vector.broadcast %add3A_2594 : i32 to vector<1x128xi32>
    %add3A_2596 = arith.addi %bitcast_convert_type3A_2593, %add3A_2595 : vector<1x128xi32>
    %shift_right_logical3A_2597 = arith.constant 16 : i32
    %shift_right_logical3A_2598 = vector.broadcast %shift_right_logical3A_2597 : i32 to vector<1x128xi32>
    %shift_right_logical3A_2599 = arith.shrui %bitcast_convert_type3A_2593, %shift_right_logical3A_2598 : vector<1x128xi32>
    %and3A_2600 = arith.constant 1 : i32
    %and3A_2601 = vector.broadcast %and3A_2600 : i32 to vector<1x128xi32>
    %and3A_2602 = arith.andi %shift_right_logical3A_2599, %and3A_2601 : vector<1x128xi32>
    %add3A_2603 = arith.addi %add3A_2596, %and3A_2602 : vector<1x128xi32>
    %shift_right_logical3A_2604 = arith.constant 16 : i32
    %shift_right_logical3A_2605 = vector.broadcast %shift_right_logical3A_2604 : i32 to vector<1x128xi32>
    %shift_right_logical3A_2606 = arith.shrui %add3A_2603, %shift_right_logical3A_2605 : vector<1x128xi32>
    %shift_left3A_2607 = arith.constant 16 : i32
    %shift_left3A_2608 = vector.broadcast %shift_left3A_2607 : i32 to vector<1x128xi32>
    %shift_left3A_2609 = arith.shli %shift_right_logical3A_2606, %shift_left3A_2608 : vector<1x128xi32>
    %or3A_2610 = arith.ori %shift_right_logical3A_2579, %shift_left3A_2609 : vector<1x128xi32>
    %swap3A_2611 = arith.constant 42 : index
    %swap3A_2612 = arith.constant 0 : index
    %swap3A_2613 = vector.load %arg4[%swap3A_2611, %swap3A_2612] : memref<64x128xi32, #tpu.memory_space<vmem>>, vector<1x128xi32>
    tpu.vector_store %arg4[%swap3A_2611, %swap3A_2612], %or3A_2610 {strides = array<i32>} : memref<64x128xi32, #tpu.memory_space<vmem>>, vector<1x128xi32>,
    %get3A_2614 = arith.constant 5504 : index
    %get3A_2615 = arith.constant 0 : index
    %get3A_2616 = vector.load %arg1[%get3A_2614, %get3A_2615] : memref<16384x128xf32, #tpu.memory_space<vmem>>, vector<128x128xf32>
    %get3A_2617 = arith.constant 0 : index
    %get3A_2618 = arith.constant 0 : index
    %get3A_2619 = vector.load %arg2[%get3A_2617, %get3A_2618] : memref<1x128xf32, #tpu.memory_space<vmem>>, vector<1x128xf32>
    %dot_general3A_2620 = arith.constant dense<0.000000e+00> : vector<1x128xf32>
    %dot_general3A_2621 = tpu.matmul %get3A_2619, %get3A_2616, %dot_general3A_2620 {dimension_numbers = #tpu.dot_dimension_numbers<[1], [1], [0], [0], [0, 0, 1, 0], [], []>, transpose_lhs_hint = false} : vector<1x128xf32>, vector<128x128xf32>, vector<1x128xf32> -> vector<1x128xf32>
    %get3A_2622 = arith.constant 0 : index
    %get3A_2623 = vector.load %arg3[%get3A_2622] : memref<1xf32, #tpu.memory_space<vmem>>, vector<1xf32>
    %get3A_2624 = vector.extract %get3A_2623[0] : f32 from vector<1xf32>
    %add3A_2625 = vector.broadcast %get3A_2624 : f32 to vector<1x128xf32>
    %add3A_2626 = arith.addf %dot_general3A_2621, %add3A_2625 : vector<1x128xf32>
    %bitcast_convert_type3A_2627 = tpu.bitcast %add3A_2626 : vector<1x128xf32> -> vector<1x128xi32>
    %add3A_2628 = arith.constant 32767 : i32
    %add3A_2629 = vector.broadcast %add3A_2628 : i32 to vector<1x128xi32>
    %add3A_2630 = arith.addi %bitcast_convert_type3A_2627, %add3A_2629 : vector<1x128xi32>
    %shift_right_logical3A_2631 = arith.constant 16 : i32
    %shift_right_logical3A_2632 = vector.broadcast %shift_right_logical3A_2631 : i32 to vector<1x128xi32>
    %shift_right_logical3A_2633 = arith.shrui %bitcast_convert_type3A_2627, %shift_right_logical3A_2632 : vector<1x128xi32>
    %and3A_2634 = arith.constant 1 : i32
    %and3A_2635 = vector.broadcast %and3A_2634 : i32 to vector<1x128xi32>
    %and3A_2636 = arith.andi %shift_right_logical3A_2633, %and3A_2635 : vector<1x128xi32>
    %add3A_2637 = arith.addi %add3A_2630, %and3A_2636 : vector<1x128xi32>
    %shift_right_logical3A_2638 = arith.constant 16 : i32
    %shift_right_logical3A_2639 = vector.broadcast %shift_right_logical3A_2638 : i32 to vector<1x128xi32>
    %shift_right_logical3A_2640 = arith.shrui %add3A_2637, %shift_right_logical3A_2639 : vector<1x128xi32>
    %get3A_2641 = arith.constant 13696 : index
    %get3A_2642 = arith.constant 0 : index
    %get3A_2643 = vector.load %arg1[%get3A_2641, %get3A_2642] : memref<16384x128xf32, #tpu.memory_space<vmem>>, vector<128x128xf32>
    %get3A_2644 = arith.constant 0 : index
    %get3A_2645 = arith.constant 0 : index
    %get3A_2646 = vector.load %arg2[%get3A_2644, %get3A_2645] : memref<1x128xf32, #tpu.memory_space<vmem>>, vector<1x128xf32>
    %dot_general3A_2647 = arith.constant dense<0.000000e+00> : vector<1x128xf32>
    %dot_general3A_2648 = tpu.matmul %get3A_2646, %get3A_2643, %dot_general3A_2647 {dimension_numbers = #tpu.dot_dimension_numbers<[1], [1], [0], [0], [0, 0, 1, 0], [], []>, transpose_lhs_hint = false} : vector<1x128xf32>, vector<128x128xf32>, vector<1x128xf32> -> vector<1x128xf32>
    %get3A_2649 = arith.constant 0 : index
    %get3A_2650 = vector.load %arg3[%get3A_2649] : memref<1xf32, #tpu.memory_space<vmem>>, vector<1xf32>
    %get3A_2651 = vector.extract %get3A_2650[0] : f32 from vector<1xf32>
    %add3A_2652 = vector.broadcast %get3A_2651 : f32 to vector<1x128xf32>
    %add3A_2653 = arith.addf %dot_general3A_2648, %add3A_2652 : vector<1x128xf32>
    %bitcast_convert_type3A_2654 = tpu.bitcast %add3A_2653 : vector<1x128xf32> -> vector<1x128xi32>
    %add3A_2655 = arith.constant 32767 : i32
    %add3A_2656 = vector.broadcast %add3A_2655 : i32 to vector<1x128xi32>
    %add3A_2657 = arith.addi %bitcast_convert_type3A_2654, %add3A_2656 : vector<1x128xi32>
    %shift_right_logical3A_2658 = arith.constant 16 : i32
    %shift_right_logical3A_2659 = vector.broadcast %shift_right_logical3A_2658 : i32 to vector<1x128xi32>
    %shift_right_logical3A_2660 = arith.shrui %bitcast_convert_type3A_2654, %shift_right_logical3A_2659 : vector<1x128xi32>
    %and3A_2661 = arith.constant 1 : i32
    %and3A_2662 = vector.broadcast %and3A_2661 : i32 to vector<1x128xi32>
    %and3A_2663 = arith.andi %shift_right_logical3A_2660, %and3A_2662 : vector<1x128xi32>
    %add3A_2664 = arith.addi %add3A_2657, %and3A_2663 : vector<1x128xi32>
    %shift_right_logical3A_2665 = arith.constant 16 : i32
    %shift_right_logical3A_2666 = vector.broadcast %shift_right_logical3A_2665 : i32 to vector<1x128xi32>
    %shift_right_logical3A_2667 = arith.shrui %add3A_2664, %shift_right_logical3A_2666 : vector<1x128xi32>
    %shift_left3A_2668 = arith.constant 16 : i32
    %shift_left3A_2669 = vector.broadcast %shift_left3A_2668 : i32 to vector<1x128xi32>
    %shift_left3A_2670 = arith.shli %shift_right_logical3A_2667, %shift_left3A_2669 : vector<1x128xi32>
    %or3A_2671 = arith.ori %shift_right_logical3A_2640, %shift_left3A_2670 : vector<1x128xi32>
    %swap3A_2672 = arith.constant 43 : index
    %swap3A_2673 = arith.constant 0 : index
    %swap3A_2674 = vector.load %arg4[%swap3A_2672, %swap3A_2673] : memref<64x128xi32, #tpu.memory_space<vmem>>, vector<1x128xi32>
    tpu.vector_store %arg4[%swap3A_2672, %swap3A_2673], %or3A_2671 {strides = array<i32>} : memref<64x128xi32, #tpu.memory_space<vmem>>, vector<1x128xi32>,
    %get3A_2675 = arith.constant 5632 : index
    %get3A_2676 = arith.constant 0 : index
    %get3A_2677 = vector.load %arg1[%get3A_2675, %get3A_2676] : memref<16384x128xf32, #tpu.memory_space<vmem>>, vector<128x128xf32>
    %get3A_2678 = arith.constant 0 : index
    %get3A_2679 = arith.constant 0 : index
    %get3A_2680 = vector.load %arg2[%get3A_2678, %get3A_2679] : memref<1x128xf32, #tpu.memory_space<vmem>>, vector<1x128xf32>
    %dot_general3A_2681 = arith.constant dense<0.000000e+00> : vector<1x128xf32>
    %dot_general3A_2682 = tpu.matmul %get3A_2680, %get3A_2677, %dot_general3A_2681 {dimension_numbers = #tpu.dot_dimension_numbers<[1], [1], [0], [0], [0, 0, 1, 0], [], []>, transpose_lhs_hint = false} : vector<1x128xf32>, vector<128x128xf32>, vector<1x128xf32> -> vector<1x128xf32>
    %get3A_2683 = arith.constant 0 : index
    %get3A_2684 = vector.load %arg3[%get3A_2683] : memref<1xf32, #tpu.memory_space<vmem>>, vector<1xf32>
    %get3A_2685 = vector.extract %get3A_2684[0] : f32 from vector<1xf32>
    %add3A_2686 = vector.broadcast %get3A_2685 : f32 to vector<1x128xf32>
    %add3A_2687 = arith.addf %dot_general3A_2682, %add3A_2686 : vector<1x128xf32>
    %bitcast_convert_type3A_2688 = tpu.bitcast %add3A_2687 : vector<1x128xf32> -> vector<1x128xi32>
    %add3A_2689 = arith.constant 32767 : i32
    %add3A_2690 = vector.broadcast %add3A_2689 : i32 to vector<1x128xi32>
    %add3A_2691 = arith.addi %bitcast_convert_type3A_2688, %add3A_2690 : vector<1x128xi32>
    %shift_right_logical3A_2692 = arith.constant 16 : i32
    %shift_right_logical3A_2693 = vector.broadcast %shift_right_logical3A_2692 : i32 to vector<1x128xi32>
    %shift_right_logical3A_2694 = arith.shrui %bitcast_convert_type3A_2688, %shift_right_logical3A_2693 : vector<1x128xi32>
    %and3A_2695 = arith.constant 1 : i32
    %and3A_2696 = vector.broadcast %and3A_2695 : i32 to vector<1x128xi32>
    %and3A_2697 = arith.andi %shift_right_logical3A_2694, %and3A_2696 : vector<1x128xi32>
    %add3A_2698 = arith.addi %add3A_2691, %and3A_2697 : vector<1x128xi32>
    %shift_right_logical3A_2699 = arith.constant 16 : i32
    %shift_right_logical3A_2700 = vector.broadcast %shift_right_logical3A_2699 : i32 to vector<1x128xi32>
    %shift_right_logical3A_2701 = arith.shrui %add3A_2698, %shift_right_logical3A_2700 : vector<1x128xi32>
    %get3A_2702 = arith.constant 13824 : index
    %get3A_2703 = arith.constant 0 : index
    %get3A_2704 = vector.load %arg1[%get3A_2702, %get3A_2703] : memref<16384x128xf32, #tpu.memory_space<vmem>>, vector<128x128xf32>
    %get3A_2705 = arith.constant 0 : index
    %get3A_2706 = arith.constant 0 : index
    %get3A_2707 = vector.load %arg2[%get3A_2705, %get3A_2706] : memref<1x128xf32, #tpu.memory_space<vmem>>, vector<1x128xf32>
    %dot_general3A_2708 = arith.constant dense<0.000000e+00> : vector<1x128xf32>
    %dot_general3A_2709 = tpu.matmul %get3A_2707, %get3A_2704, %dot_general3A_2708 {dimension_numbers = #tpu.dot_dimension_numbers<[1], [1], [0], [0], [0, 0, 1, 0], [], []>, transpose_lhs_hint = false} : vector<1x128xf32>, vector<128x128xf32>, vector<1x128xf32> -> vector<1x128xf32>
    %get3A_2710 = arith.constant 0 : index
    %get3A_2711 = vector.load %arg3[%get3A_2710] : memref<1xf32, #tpu.memory_space<vmem>>, vector<1xf32>
    %get3A_2712 = vector.extract %get3A_2711[0] : f32 from vector<1xf32>
    %add3A_2713 = vector.broadcast %get3A_2712 : f32 to vector<1x128xf32>
    %add3A_2714 = arith.addf %dot_general3A_2709, %add3A_2713 : vector<1x128xf32>
    %bitcast_convert_type3A_2715 = tpu.bitcast %add3A_2714 : vector<1x128xf32> -> vector<1x128xi32>
    %add3A_2716 = arith.constant 32767 : i32
    %add3A_2717 = vector.broadcast %add3A_2716 : i32 to vector<1x128xi32>
    %add3A_2718 = arith.addi %bitcast_convert_type3A_2715, %add3A_2717 : vector<1x128xi32>
    %shift_right_logical3A_2719 = arith.constant 16 : i32
    %shift_right_logical3A_2720 = vector.broadcast %shift_right_logical3A_2719 : i32 to vector<1x128xi32>
    %shift_right_logical3A_2721 = arith.shrui %bitcast_convert_type3A_2715, %shift_right_logical3A_2720 : vector<1x128xi32>
    %and3A_2722 = arith.constant 1 : i32
    %and3A_2723 = vector.broadcast %and3A_2722 : i32 to vector<1x128xi32>
    %and3A_2724 = arith.andi %shift_right_logical3A_2721, %and3A_2723 : vector<1x128xi32>
    %add3A_2725 = arith.addi %add3A_2718, %and3A_2724 : vector<1x128xi32>
    %shift_right_logical3A_2726 = arith.constant 16 : i32
    %shift_right_logical3A_2727 = vector.broadcast %shift_right_logical3A_2726 : i32 to vector<1x128xi32>
    %shift_right_logical3A_2728 = arith.shrui %add3A_2725, %shift_right_logical3A_2727 : vector<1x128xi32>
    %shift_left3A_2729 = arith.constant 16 : i32
    %shift_left3A_2730 = vector.broadcast %shift_left3A_2729 : i32 to vector<1x128xi32>
    %shift_left3A_2731 = arith.shli %shift_right_logical3A_2728, %shift_left3A_2730 : vector<1x128xi32>
    %or3A_2732 = arith.ori %shift_right_logical3A_2701, %shift_left3A_2731 : vector<1x128xi32>
    %swap3A_2733 = arith.constant 44 : index
    %swap3A_2734 = arith.constant 0 : index
    %swap3A_2735 = vector.load %arg4[%swap3A_2733, %swap3A_2734] : memref<64x128xi32, #tpu.memory_space<vmem>>, vector<1x128xi32>
    tpu.vector_store %arg4[%swap3A_2733, %swap3A_2734], %or3A_2732 {strides = array<i32>} : memref<64x128xi32, #tpu.memory_space<vmem>>, vector<1x128xi32>,
    %get3A_2736 = arith.constant 5760 : index
    %get3A_2737 = arith.constant 0 : index
    %get3A_2738 = vector.load %arg1[%get3A_2736, %get3A_2737] : memref<16384x128xf32, #tpu.memory_space<vmem>>, vector<128x128xf32>
    %get3A_2739 = arith.constant 0 : index
    %get3A_2740 = arith.constant 0 : index
    %get3A_2741 = vector.load %arg2[%get3A_2739, %get3A_2740] : memref<1x128xf32, #tpu.memory_space<vmem>>, vector<1x128xf32>
    %dot_general3A_2742 = arith.constant dense<0.000000e+00> : vector<1x128xf32>
    %dot_general3A_2743 = tpu.matmul %get3A_2741, %get3A_2738, %dot_general3A_2742 {dimension_numbers = #tpu.dot_dimension_numbers<[1], [1], [0], [0], [0, 0, 1, 0], [], []>, transpose_lhs_hint = false} : vector<1x128xf32>, vector<128x128xf32>, vector<1x128xf32> -> vector<1x128xf32>
    %get3A_2744 = arith.constant 0 : index
    %get3A_2745 = vector.load %arg3[%get3A_2744] : memref<1xf32, #tpu.memory_space<vmem>>, vector<1xf32>
    %get3A_2746 = vector.extract %get3A_2745[0] : f32 from vector<1xf32>
    %add3A_2747 = vector.broadcast %get3A_2746 : f32 to vector<1x128xf32>
    %add3A_2748 = arith.addf %dot_general3A_2743, %add3A_2747 : vector<1x128xf32>
    %bitcast_convert_type3A_2749 = tpu.bitcast %add3A_2748 : vector<1x128xf32> -> vector<1x128xi32>
    %add3A_2750 = arith.constant 32767 : i32
    %add3A_2751 = vector.broadcast %add3A_2750 : i32 to vector<1x128xi32>
    %add3A_2752 = arith.addi %bitcast_convert_type3A_2749, %add3A_2751 : vector<1x128xi32>
    %shift_right_logical3A_2753 = arith.constant 16 : i32
    %shift_right_logical3A_2754 = vector.broadcast %shift_right_logical3A_2753 : i32 to vector<1x128xi32>
    %shift_right_logical3A_2755 = arith.shrui %bitcast_convert_type3A_2749, %shift_right_logical3A_2754 : vector<1x128xi32>
    %and3A_2756 = arith.constant 1 : i32
    %and3A_2757 = vector.broadcast %and3A_2756 : i32 to vector<1x128xi32>
    %and3A_2758 = arith.andi %shift_right_logical3A_2755, %and3A_2757 : vector<1x128xi32>
    %add3A_2759 = arith.addi %add3A_2752, %and3A_2758 : vector<1x128xi32>
    %shift_right_logical3A_2760 = arith.constant 16 : i32
    %shift_right_logical3A_2761 = vector.broadcast %shift_right_logical3A_2760 : i32 to vector<1x128xi32>
    %shift_right_logical3A_2762 = arith.shrui %add3A_2759, %shift_right_logical3A_2761 : vector<1x128xi32>
    %get3A_2763 = arith.constant 13952 : index
    %get3A_2764 = arith.constant 0 : index
    %get3A_2765 = vector.load %arg1[%get3A_2763, %get3A_2764] : memref<16384x128xf32, #tpu.memory_space<vmem>>, vector<128x128xf32>
    %get3A_2766 = arith.constant 0 : index
    %get3A_2767 = arith.constant 0 : index
    %get3A_2768 = vector.load %arg2[%get3A_2766, %get3A_2767] : memref<1x128xf32, #tpu.memory_space<vmem>>, vector<1x128xf32>
    %dot_general3A_2769 = arith.constant dense<0.000000e+00> : vector<1x128xf32>
    %dot_general3A_2770 = tpu.matmul %get3A_2768, %get3A_2765, %dot_general3A_2769 {dimension_numbers = #tpu.dot_dimension_numbers<[1], [1], [0], [0], [0, 0, 1, 0], [], []>, transpose_lhs_hint = false} : vector<1x128xf32>, vector<128x128xf32>, vector<1x128xf32> -> vector<1x128xf32>
    %get3A_2771 = arith.constant 0 : index
    %get3A_2772 = vector.load %arg3[%get3A_2771] : memref<1xf32, #tpu.memory_space<vmem>>, vector<1xf32>
    %get3A_2773 = vector.extract %get3A_2772[0] : f32 from vector<1xf32>
    %add3A_2774 = vector.broadcast %get3A_2773 : f32 to vector<1x128xf32>
    %add3A_2775 = arith.addf %dot_general3A_2770, %add3A_2774 : vector<1x128xf32>
    %bitcast_convert_type3A_2776 = tpu.bitcast %add3A_2775 : vector<1x128xf32> -> vector<1x128xi32>
    %add3A_2777 = arith.constant 32767 : i32
    %add3A_2778 = vector.broadcast %add3A_2777 : i32 to vector<1x128xi32>
    %add3A_2779 = arith.addi %bitcast_convert_type3A_2776, %add3A_2778 : vector<1x128xi32>
    %shift_right_logical3A_2780 = arith.constant 16 : i32
    %shift_right_logical3A_2781 = vector.broadcast %shift_right_logical3A_2780 : i32 to vector<1x128xi32>
    %shift_right_logical3A_2782 = arith.shrui %bitcast_convert_type3A_2776, %shift_right_logical3A_2781 : vector<1x128xi32>
    %and3A_2783 = arith.constant 1 : i32
    %and3A_2784 = vector.broadcast %and3A_2783 : i32 to vector<1x128xi32>
    %and3A_2785 = arith.andi %shift_right_logical3A_2782, %and3A_2784 : vector<1x128xi32>
    %add3A_2786 = arith.addi %add3A_2779, %and3A_2785 : vector<1x128xi32>
    %shift_right_logical3A_2787 = arith.constant 16 : i32
    %shift_right_logical3A_2788 = vector.broadcast %shift_right_logical3A_2787 : i32 to vector<1x128xi32>
    %shift_right_logical3A_2789 = arith.shrui %add3A_2786, %shift_right_logical3A_2788 : vector<1x128xi32>
    %shift_left3A_2790 = arith.constant 16 : i32
    %shift_left3A_2791 = vector.broadcast %shift_left3A_2790 : i32 to vector<1x128xi32>
    %shift_left3A_2792 = arith.shli %shift_right_logical3A_2789, %shift_left3A_2791 : vector<1x128xi32>
    %or3A_2793 = arith.ori %shift_right_logical3A_2762, %shift_left3A_2792 : vector<1x128xi32>
    %swap3A_2794 = arith.constant 45 : index
    %swap3A_2795 = arith.constant 0 : index
    %swap3A_2796 = vector.load %arg4[%swap3A_2794, %swap3A_2795] : memref<64x128xi32, #tpu.memory_space<vmem>>, vector<1x128xi32>
    tpu.vector_store %arg4[%swap3A_2794, %swap3A_2795], %or3A_2793 {strides = array<i32>} : memref<64x128xi32, #tpu.memory_space<vmem>>, vector<1x128xi32>,
    %get3A_2797 = arith.constant 5888 : index
    %get3A_2798 = arith.constant 0 : index
    %get3A_2799 = vector.load %arg1[%get3A_2797, %get3A_2798] : memref<16384x128xf32, #tpu.memory_space<vmem>>, vector<128x128xf32>
    %get3A_2800 = arith.constant 0 : index
    %get3A_2801 = arith.constant 0 : index
    %get3A_2802 = vector.load %arg2[%get3A_2800, %get3A_2801] : memref<1x128xf32, #tpu.memory_space<vmem>>, vector<1x128xf32>
    %dot_general3A_2803 = arith.constant dense<0.000000e+00> : vector<1x128xf32>
    %dot_general3A_2804 = tpu.matmul %get3A_2802, %get3A_2799, %dot_general3A_2803 {dimension_numbers = #tpu.dot_dimension_numbers<[1], [1], [0], [0], [0, 0, 1, 0], [], []>, transpose_lhs_hint = false} : vector<1x128xf32>, vector<128x128xf32>, vector<1x128xf32> -> vector<1x128xf32>
    %get3A_2805 = arith.constant 0 : index
    %get3A_2806 = vector.load %arg3[%get3A_2805] : memref<1xf32, #tpu.memory_space<vmem>>, vector<1xf32>
    %get3A_2807 = vector.extract %get3A_2806[0] : f32 from vector<1xf32>
    %add3A_2808 = vector.broadcast %get3A_2807 : f32 to vector<1x128xf32>
    %add3A_2809 = arith.addf %dot_general3A_2804, %add3A_2808 : vector<1x128xf32>
    %bitcast_convert_type3A_2810 = tpu.bitcast %add3A_2809 : vector<1x128xf32> -> vector<1x128xi32>
    %add3A_2811 = arith.constant 32767 : i32
    %add3A_2812 = vector.broadcast %add3A_2811 : i32 to vector<1x128xi32>
    %add3A_2813 = arith.addi %bitcast_convert_type3A_2810, %add3A_2812 : vector<1x128xi32>
    %shift_right_logical3A_2814 = arith.constant 16 : i32
    %shift_right_logical3A_2815 = vector.broadcast %shift_right_logical3A_2814 : i32 to vector<1x128xi32>
    %shift_right_logical3A_2816 = arith.shrui %bitcast_convert_type3A_2810, %shift_right_logical3A_2815 : vector<1x128xi32>
    %and3A_2817 = arith.constant 1 : i32
    %and3A_2818 = vector.broadcast %and3A_2817 : i32 to vector<1x128xi32>
    %and3A_2819 = arith.andi %shift_right_logical3A_2816, %and3A_2818 : vector<1x128xi32>
    %add3A_2820 = arith.addi %add3A_2813, %and3A_2819 : vector<1x128xi32>
    %shift_right_logical3A_2821 = arith.constant 16 : i32
    %shift_right_logical3A_2822 = vector.broadcast %shift_right_logical3A_2821 : i32 to vector<1x128xi32>
    %shift_right_logical3A_2823 = arith.shrui %add3A_2820, %shift_right_logical3A_2822 : vector<1x128xi32>
    %get3A_2824 = arith.constant 14080 : index
    %get3A_2825 = arith.constant 0 : index
    %get3A_2826 = vector.load %arg1[%get3A_2824, %get3A_2825] : memref<16384x128xf32, #tpu.memory_space<vmem>>, vector<128x128xf32>
    %get3A_2827 = arith.constant 0 : index
    %get3A_2828 = arith.constant 0 : index
    %get3A_2829 = vector.load %arg2[%get3A_2827, %get3A_2828] : memref<1x128xf32, #tpu.memory_space<vmem>>, vector<1x128xf32>
    %dot_general3A_2830 = arith.constant dense<0.000000e+00> : vector<1x128xf32>
    %dot_general3A_2831 = tpu.matmul %get3A_2829, %get3A_2826, %dot_general3A_2830 {dimension_numbers = #tpu.dot_dimension_numbers<[1], [1], [0], [0], [0, 0, 1, 0], [], []>, transpose_lhs_hint = false} : vector<1x128xf32>, vector<128x128xf32>, vector<1x128xf32> -> vector<1x128xf32>
    %get3A_2832 = arith.constant 0 : index
    %get3A_2833 = vector.load %arg3[%get3A_2832] : memref<1xf32, #tpu.memory_space<vmem>>, vector<1xf32>
    %get3A_2834 = vector.extract %get3A_2833[0] : f32 from vector<1xf32>
    %add3A_2835 = vector.broadcast %get3A_2834 : f32 to vector<1x128xf32>
    %add3A_2836 = arith.addf %dot_general3A_2831, %add3A_2835 : vector<1x128xf32>
    %bitcast_convert_type3A_2837 = tpu.bitcast %add3A_2836 : vector<1x128xf32> -> vector<1x128xi32>
    %add3A_2838 = arith.constant 32767 : i32
    %add3A_2839 = vector.broadcast %add3A_2838 : i32 to vector<1x128xi32>
    %add3A_2840 = arith.addi %bitcast_convert_type3A_2837, %add3A_2839 : vector<1x128xi32>
    %shift_right_logical3A_2841 = arith.constant 16 : i32
    %shift_right_logical3A_2842 = vector.broadcast %shift_right_logical3A_2841 : i32 to vector<1x128xi32>
    %shift_right_logical3A_2843 = arith.shrui %bitcast_convert_type3A_2837, %shift_right_logical3A_2842 : vector<1x128xi32>
    %and3A_2844 = arith.constant 1 : i32
    %and3A_2845 = vector.broadcast %and3A_2844 : i32 to vector<1x128xi32>
    %and3A_2846 = arith.andi %shift_right_logical3A_2843, %and3A_2845 : vector<1x128xi32>
    %add3A_2847 = arith.addi %add3A_2840, %and3A_2846 : vector<1x128xi32>
    %shift_right_logical3A_2848 = arith.constant 16 : i32
    %shift_right_logical3A_2849 = vector.broadcast %shift_right_logical3A_2848 : i32 to vector<1x128xi32>
    %shift_right_logical3A_2850 = arith.shrui %add3A_2847, %shift_right_logical3A_2849 : vector<1x128xi32>
    %shift_left3A_2851 = arith.constant 16 : i32
    %shift_left3A_2852 = vector.broadcast %shift_left3A_2851 : i32 to vector<1x128xi32>
    %shift_left3A_2853 = arith.shli %shift_right_logical3A_2850, %shift_left3A_2852 : vector<1x128xi32>
    %or3A_2854 = arith.ori %shift_right_logical3A_2823, %shift_left3A_2853 : vector<1x128xi32>
    %swap3A_2855 = arith.constant 46 : index
    %swap3A_2856 = arith.constant 0 : index
    %swap3A_2857 = vector.load %arg4[%swap3A_2855, %swap3A_2856] : memref<64x128xi32, #tpu.memory_space<vmem>>, vector<1x128xi32>
    tpu.vector_store %arg4[%swap3A_2855, %swap3A_2856], %or3A_2854 {strides = array<i32>} : memref<64x128xi32, #tpu.memory_space<vmem>>, vector<1x128xi32>,
    %get3A_2858 = arith.constant 6016 : index
    %get3A_2859 = arith.constant 0 : index
    %get3A_2860 = vector.load %arg1[%get3A_2858, %get3A_2859] : memref<16384x128xf32, #tpu.memory_space<vmem>>, vector<128x128xf32>
    %get3A_2861 = arith.constant 0 : index
    %get3A_2862 = arith.constant 0 : index
    %get3A_2863 = vector.load %arg2[%get3A_2861, %get3A_2862] : memref<1x128xf32, #tpu.memory_space<vmem>>, vector<1x128xf32>
    %dot_general3A_2864 = arith.constant dense<0.000000e+00> : vector<1x128xf32>
    %dot_general3A_2865 = tpu.matmul %get3A_2863, %get3A_2860, %dot_general3A_2864 {dimension_numbers = #tpu.dot_dimension_numbers<[1], [1], [0], [0], [0, 0, 1, 0], [], []>, transpose_lhs_hint = false} : vector<1x128xf32>, vector<128x128xf32>, vector<1x128xf32> -> vector<1x128xf32>
    %get3A_2866 = arith.constant 0 : index
    %get3A_2867 = vector.load %arg3[%get3A_2866] : memref<1xf32, #tpu.memory_space<vmem>>, vector<1xf32>
    %get3A_2868 = vector.extract %get3A_2867[0] : f32 from vector<1xf32>
    %add3A_2869 = vector.broadcast %get3A_2868 : f32 to vector<1x128xf32>
    %add3A_2870 = arith.addf %dot_general3A_2865, %add3A_2869 : vector<1x128xf32>
    %bitcast_convert_type3A_2871 = tpu.bitcast %add3A_2870 : vector<1x128xf32> -> vector<1x128xi32>
    %add3A_2872 = arith.constant 32767 : i32
    %add3A_2873 = vector.broadcast %add3A_2872 : i32 to vector<1x128xi32>
    %add3A_2874 = arith.addi %bitcast_convert_type3A_2871, %add3A_2873 : vector<1x128xi32>
    %shift_right_logical3A_2875 = arith.constant 16 : i32
    %shift_right_logical3A_2876 = vector.broadcast %shift_right_logical3A_2875 : i32 to vector<1x128xi32>
    %shift_right_logical3A_2877 = arith.shrui %bitcast_convert_type3A_2871, %shift_right_logical3A_2876 : vector<1x128xi32>
    %and3A_2878 = arith.constant 1 : i32
    %and3A_2879 = vector.broadcast %and3A_2878 : i32 to vector<1x128xi32>
    %and3A_2880 = arith.andi %shift_right_logical3A_2877, %and3A_2879 : vector<1x128xi32>
    %add3A_2881 = arith.addi %add3A_2874, %and3A_2880 : vector<1x128xi32>
    %shift_right_logical3A_2882 = arith.constant 16 : i32
    %shift_right_logical3A_2883 = vector.broadcast %shift_right_logical3A_2882 : i32 to vector<1x128xi32>
    %shift_right_logical3A_2884 = arith.shrui %add3A_2881, %shift_right_logical3A_2883 : vector<1x128xi32>
    %get3A_2885 = arith.constant 14208 : index
    %get3A_2886 = arith.constant 0 : index
    %get3A_2887 = vector.load %arg1[%get3A_2885, %get3A_2886] : memref<16384x128xf32, #tpu.memory_space<vmem>>, vector<128x128xf32>
    %get3A_2888 = arith.constant 0 : index
    %get3A_2889 = arith.constant 0 : index
    %get3A_2890 = vector.load %arg2[%get3A_2888, %get3A_2889] : memref<1x128xf32, #tpu.memory_space<vmem>>, vector<1x128xf32>
    %dot_general3A_2891 = arith.constant dense<0.000000e+00> : vector<1x128xf32>
    %dot_general3A_2892 = tpu.matmul %get3A_2890, %get3A_2887, %dot_general3A_2891 {dimension_numbers = #tpu.dot_dimension_numbers<[1], [1], [0], [0], [0, 0, 1, 0], [], []>, transpose_lhs_hint = false} : vector<1x128xf32>, vector<128x128xf32>, vector<1x128xf32> -> vector<1x128xf32>
    %get3A_2893 = arith.constant 0 : index
    %get3A_2894 = vector.load %arg3[%get3A_2893] : memref<1xf32, #tpu.memory_space<vmem>>, vector<1xf32>
    %get3A_2895 = vector.extract %get3A_2894[0] : f32 from vector<1xf32>
    %add3A_2896 = vector.broadcast %get3A_2895 : f32 to vector<1x128xf32>
    %add3A_2897 = arith.addf %dot_general3A_2892, %add3A_2896 : vector<1x128xf32>
    %bitcast_convert_type3A_2898 = tpu.bitcast %add3A_2897 : vector<1x128xf32> -> vector<1x128xi32>
    %add3A_2899 = arith.constant 32767 : i32
    %add3A_2900 = vector.broadcast %add3A_2899 : i32 to vector<1x128xi32>
    %add3A_2901 = arith.addi %bitcast_convert_type3A_2898, %add3A_2900 : vector<1x128xi32>
    %shift_right_logical3A_2902 = arith.constant 16 : i32
    %shift_right_logical3A_2903 = vector.broadcast %shift_right_logical3A_2902 : i32 to vector<1x128xi32>
    %shift_right_logical3A_2904 = arith.shrui %bitcast_convert_type3A_2898, %shift_right_logical3A_2903 : vector<1x128xi32>
    %and3A_2905 = arith.constant 1 : i32
    %and3A_2906 = vector.broadcast %and3A_2905 : i32 to vector<1x128xi32>
    %and3A_2907 = arith.andi %shift_right_logical3A_2904, %and3A_2906 : vector<1x128xi32>
    %add3A_2908 = arith.addi %add3A_2901, %and3A_2907 : vector<1x128xi32>
    %shift_right_logical3A_2909 = arith.constant 16 : i32
    %shift_right_logical3A_2910 = vector.broadcast %shift_right_logical3A_2909 : i32 to vector<1x128xi32>
    %shift_right_logical3A_2911 = arith.shrui %add3A_2908, %shift_right_logical3A_2910 : vector<1x128xi32>
    %shift_left3A_2912 = arith.constant 16 : i32
    %shift_left3A_2913 = vector.broadcast %shift_left3A_2912 : i32 to vector<1x128xi32>
    %shift_left3A_2914 = arith.shli %shift_right_logical3A_2911, %shift_left3A_2913 : vector<1x128xi32>
    %or3A_2915 = arith.ori %shift_right_logical3A_2884, %shift_left3A_2914 : vector<1x128xi32>
    %swap3A_2916 = arith.constant 47 : index
    %swap3A_2917 = arith.constant 0 : index
    %swap3A_2918 = vector.load %arg4[%swap3A_2916, %swap3A_2917] : memref<64x128xi32, #tpu.memory_space<vmem>>, vector<1x128xi32>
    tpu.vector_store %arg4[%swap3A_2916, %swap3A_2917], %or3A_2915 {strides = array<i32>} : memref<64x128xi32, #tpu.memory_space<vmem>>, vector<1x128xi32>,
    %get3A_2919 = arith.constant 6144 : index
    %get3A_2920 = arith.constant 0 : index
    %get3A_2921 = vector.load %arg1[%get3A_2919, %get3A_2920] : memref<16384x128xf32, #tpu.memory_space<vmem>>, vector<128x128xf32>
    %get3A_2922 = arith.constant 0 : index
    %get3A_2923 = arith.constant 0 : index
    %get3A_2924 = vector.load %arg2[%get3A_2922, %get3A_2923] : memref<1x128xf32, #tpu.memory_space<vmem>>, vector<1x128xf32>
    %dot_general3A_2925 = arith.constant dense<0.000000e+00> : vector<1x128xf32>
    %dot_general3A_2926 = tpu.matmul %get3A_2924, %get3A_2921, %dot_general3A_2925 {dimension_numbers = #tpu.dot_dimension_numbers<[1], [1], [0], [0], [0, 0, 1, 0], [], []>, transpose_lhs_hint = false} : vector<1x128xf32>, vector<128x128xf32>, vector<1x128xf32> -> vector<1x128xf32>
    %get3A_2927 = arith.constant 0 : index
    %get3A_2928 = vector.load %arg3[%get3A_2927] : memref<1xf32, #tpu.memory_space<vmem>>, vector<1xf32>
    %get3A_2929 = vector.extract %get3A_2928[0] : f32 from vector<1xf32>
    %add3A_2930 = vector.broadcast %get3A_2929 : f32 to vector<1x128xf32>
    %add3A_2931 = arith.addf %dot_general3A_2926, %add3A_2930 : vector<1x128xf32>
    %bitcast_convert_type3A_2932 = tpu.bitcast %add3A_2931 : vector<1x128xf32> -> vector<1x128xi32>
    %add3A_2933 = arith.constant 32767 : i32
    %add3A_2934 = vector.broadcast %add3A_2933 : i32 to vector<1x128xi32>
    %add3A_2935 = arith.addi %bitcast_convert_type3A_2932, %add3A_2934 : vector<1x128xi32>
    %shift_right_logical3A_2936 = arith.constant 16 : i32
    %shift_right_logical3A_2937 = vector.broadcast %shift_right_logical3A_2936 : i32 to vector<1x128xi32>
    %shift_right_logical3A_2938 = arith.shrui %bitcast_convert_type3A_2932, %shift_right_logical3A_2937 : vector<1x128xi32>
    %and3A_2939 = arith.constant 1 : i32
    %and3A_2940 = vector.broadcast %and3A_2939 : i32 to vector<1x128xi32>
    %and3A_2941 = arith.andi %shift_right_logical3A_2938, %and3A_2940 : vector<1x128xi32>
    %add3A_2942 = arith.addi %add3A_2935, %and3A_2941 : vector<1x128xi32>
    %shift_right_logical3A_2943 = arith.constant 16 : i32
    %shift_right_logical3A_2944 = vector.broadcast %shift_right_logical3A_2943 : i32 to vector<1x128xi32>
    %shift_right_logical3A_2945 = arith.shrui %add3A_2942, %shift_right_logical3A_2944 : vector<1x128xi32>
    %get3A_2946 = arith.constant 14336 : index
    %get3A_2947 = arith.constant 0 : index
    %get3A_2948 = vector.load %arg1[%get3A_2946, %get3A_2947] : memref<16384x128xf32, #tpu.memory_space<vmem>>, vector<128x128xf32>
    %get3A_2949 = arith.constant 0 : index
    %get3A_2950 = arith.constant 0 : index
    %get3A_2951 = vector.load %arg2[%get3A_2949, %get3A_2950] : memref<1x128xf32, #tpu.memory_space<vmem>>, vector<1x128xf32>
    %dot_general3A_2952 = arith.constant dense<0.000000e+00> : vector<1x128xf32>
    %dot_general3A_2953 = tpu.matmul %get3A_2951, %get3A_2948, %dot_general3A_2952 {dimension_numbers = #tpu.dot_dimension_numbers<[1], [1], [0], [0], [0, 0, 1, 0], [], []>, transpose_lhs_hint = false} : vector<1x128xf32>, vector<128x128xf32>, vector<1x128xf32> -> vector<1x128xf32>
    %get3A_2954 = arith.constant 0 : index
    %get3A_2955 = vector.load %arg3[%get3A_2954] : memref<1xf32, #tpu.memory_space<vmem>>, vector<1xf32>
    %get3A_2956 = vector.extract %get3A_2955[0] : f32 from vector<1xf32>
    %add3A_2957 = vector.broadcast %get3A_2956 : f32 to vector<1x128xf32>
    %add3A_2958 = arith.addf %dot_general3A_2953, %add3A_2957 : vector<1x128xf32>
    %bitcast_convert_type3A_2959 = tpu.bitcast %add3A_2958 : vector<1x128xf32> -> vector<1x128xi32>
    %add3A_2960 = arith.constant 32767 : i32
    %add3A_2961 = vector.broadcast %add3A_2960 : i32 to vector<1x128xi32>
    %add3A_2962 = arith.addi %bitcast_convert_type3A_2959, %add3A_2961 : vector<1x128xi32>
    %shift_right_logical3A_2963 = arith.constant 16 : i32
    %shift_right_logical3A_2964 = vector.broadcast %shift_right_logical3A_2963 : i32 to vector<1x128xi32>
    %shift_right_logical3A_2965 = arith.shrui %bitcast_convert_type3A_2959, %shift_right_logical3A_2964 : vector<1x128xi32>
    %and3A_2966 = arith.constant 1 : i32
    %and3A_2967 = vector.broadcast %and3A_2966 : i32 to vector<1x128xi32>
    %and3A_2968 = arith.andi %shift_right_logical3A_2965, %and3A_2967 : vector<1x128xi32>
    %add3A_2969 = arith.addi %add3A_2962, %and3A_2968 : vector<1x128xi32>
    %shift_right_logical3A_2970 = arith.constant 16 : i32
    %shift_right_logical3A_2971 = vector.broadcast %shift_right_logical3A_2970 : i32 to vector<1x128xi32>
    %shift_right_logical3A_2972 = arith.shrui %add3A_2969, %shift_right_logical3A_2971 : vector<1x128xi32>
    %shift_left3A_2973 = arith.constant 16 : i32
    %shift_left3A_2974 = vector.broadcast %shift_left3A_2973 : i32 to vector<1x128xi32>
    %shift_left3A_2975 = arith.shli %shift_right_logical3A_2972, %shift_left3A_2974 : vector<1x128xi32>
    %or3A_2976 = arith.ori %shift_right_logical3A_2945, %shift_left3A_2975 : vector<1x128xi32>
    %swap3A_2977 = arith.constant 48 : index
    %swap3A_2978 = arith.constant 0 : index
    %swap3A_2979 = vector.load %arg4[%swap3A_2977, %swap3A_2978] : memref<64x128xi32, #tpu.memory_space<vmem>>, vector<1x128xi32>
    tpu.vector_store %arg4[%swap3A_2977, %swap3A_2978], %or3A_2976 {strides = array<i32>} : memref<64x128xi32, #tpu.memory_space<vmem>>, vector<1x128xi32>,
    %get3A_2980 = arith.constant 6272 : index
    %get3A_2981 = arith.constant 0 : index
    %get3A_2982 = vector.load %arg1[%get3A_2980, %get3A_2981] : memref<16384x128xf32, #tpu.memory_space<vmem>>, vector<128x128xf32>
    %get3A_2983 = arith.constant 0 : index
    %get3A_2984 = arith.constant 0 : index
    %get3A_2985 = vector.load %arg2[%get3A_2983, %get3A_2984] : memref<1x128xf32, #tpu.memory_space<vmem>>, vector<1x128xf32>
    %dot_general3A_2986 = arith.constant dense<0.000000e+00> : vector<1x128xf32>
    %dot_general3A_2987 = tpu.matmul %get3A_2985, %get3A_2982, %dot_general3A_2986 {dimension_numbers = #tpu.dot_dimension_numbers<[1], [1], [0], [0], [0, 0, 1, 0], [], []>, transpose_lhs_hint = false} : vector<1x128xf32>, vector<128x128xf32>, vector<1x128xf32> -> vector<1x128xf32>
    %get3A_2988 = arith.constant 0 : index
    %get3A_2989 = vector.load %arg3[%get3A_2988] : memref<1xf32, #tpu.memory_space<vmem>>, vector<1xf32>
    %get3A_2990 = vector.extract %get3A_2989[0] : f32 from vector<1xf32>
    %add3A_2991 = vector.broadcast %get3A_2990 : f32 to vector<1x128xf32>
    %add3A_2992 = arith.addf %dot_general3A_2987, %add3A_2991 : vector<1x128xf32>
    %bitcast_convert_type3A_2993 = tpu.bitcast %add3A_2992 : vector<1x128xf32> -> vector<1x128xi32>
    %add3A_2994 = arith.constant 32767 : i32
    %add3A_2995 = vector.broadcast %add3A_2994 : i32 to vector<1x128xi32>
    %add3A_2996 = arith.addi %bitcast_convert_type3A_2993, %add3A_2995 : vector<1x128xi32>
    %shift_right_logical3A_2997 = arith.constant 16 : i32
    %shift_right_logical3A_2998 = vector.broadcast %shift_right_logical3A_2997 : i32 to vector<1x128xi32>
    %shift_right_logical3A_2999 = arith.shrui %bitcast_convert_type3A_2993, %shift_right_logical3A_2998 : vector<1x128xi32>
    %and3A_3000 = arith.constant 1 : i32
    %and3A_3001 = vector.broadcast %and3A_3000 : i32 to vector<1x128xi32>
    %and3A_3002 = arith.andi %shift_right_logical3A_2999, %and3A_3001 : vector<1x128xi32>
    %add3A_3003 = arith.addi %add3A_2996, %and3A_3002 : vector<1x128xi32>
    %shift_right_logical3A_3004 = arith.constant 16 : i32
    %shift_right_logical3A_3005 = vector.broadcast %shift_right_logical3A_3004 : i32 to vector<1x128xi32>
    %shift_right_logical3A_3006 = arith.shrui %add3A_3003, %shift_right_logical3A_3005 : vector<1x128xi32>
    %get3A_3007 = arith.constant 14464 : index
    %get3A_3008 = arith.constant 0 : index
    %get3A_3009 = vector.load %arg1[%get3A_3007, %get3A_3008] : memref<16384x128xf32, #tpu.memory_space<vmem>>, vector<128x128xf32>
    %get3A_3010 = arith.constant 0 : index
    %get3A_3011 = arith.constant 0 : index
    %get3A_3012 = vector.load %arg2[%get3A_3010, %get3A_3011] : memref<1x128xf32, #tpu.memory_space<vmem>>, vector<1x128xf32>
    %dot_general3A_3013 = arith.constant dense<0.000000e+00> : vector<1x128xf32>
    %dot_general3A_3014 = tpu.matmul %get3A_3012, %get3A_3009, %dot_general3A_3013 {dimension_numbers = #tpu.dot_dimension_numbers<[1], [1], [0], [0], [0, 0, 1, 0], [], []>, transpose_lhs_hint = false} : vector<1x128xf32>, vector<128x128xf32>, vector<1x128xf32> -> vector<1x128xf32>
    %get3A_3015 = arith.constant 0 : index
    %get3A_3016 = vector.load %arg3[%get3A_3015] : memref<1xf32, #tpu.memory_space<vmem>>, vector<1xf32>
    %get3A_3017 = vector.extract %get3A_3016[0] : f32 from vector<1xf32>
    %add3A_3018 = vector.broadcast %get3A_3017 : f32 to vector<1x128xf32>
    %add3A_3019 = arith.addf %dot_general3A_3014, %add3A_3018 : vector<1x128xf32>
    %bitcast_convert_type3A_3020 = tpu.bitcast %add3A_3019 : vector<1x128xf32> -> vector<1x128xi32>
    %add3A_3021 = arith.constant 32767 : i32
    %add3A_3022 = vector.broadcast %add3A_3021 : i32 to vector<1x128xi32>
    %add3A_3023 = arith.addi %bitcast_convert_type3A_3020, %add3A_3022 : vector<1x128xi32>
    %shift_right_logical3A_3024 = arith.constant 16 : i32
    %shift_right_logical3A_3025 = vector.broadcast %shift_right_logical3A_3024 : i32 to vector<1x128xi32>
    %shift_right_logical3A_3026 = arith.shrui %bitcast_convert_type3A_3020, %shift_right_logical3A_3025 : vector<1x128xi32>
    %and3A_3027 = arith.constant 1 : i32
    %and3A_3028 = vector.broadcast %and3A_3027 : i32 to vector<1x128xi32>
    %and3A_3029 = arith.andi %shift_right_logical3A_3026, %and3A_3028 : vector<1x128xi32>
    %add3A_3030 = arith.addi %add3A_3023, %and3A_3029 : vector<1x128xi32>
    %shift_right_logical3A_3031 = arith.constant 16 : i32
    %shift_right_logical3A_3032 = vector.broadcast %shift_right_logical3A_3031 : i32 to vector<1x128xi32>
    %shift_right_logical3A_3033 = arith.shrui %add3A_3030, %shift_right_logical3A_3032 : vector<1x128xi32>
    %shift_left3A_3034 = arith.constant 16 : i32
    %shift_left3A_3035 = vector.broadcast %shift_left3A_3034 : i32 to vector<1x128xi32>
    %shift_left3A_3036 = arith.shli %shift_right_logical3A_3033, %shift_left3A_3035 : vector<1x128xi32>
    %or3A_3037 = arith.ori %shift_right_logical3A_3006, %shift_left3A_3036 : vector<1x128xi32>
    %swap3A_3038 = arith.constant 49 : index
    %swap3A_3039 = arith.constant 0 : index
    %swap3A_3040 = vector.load %arg4[%swap3A_3038, %swap3A_3039] : memref<64x128xi32, #tpu.memory_space<vmem>>, vector<1x128xi32>
    tpu.vector_store %arg4[%swap3A_3038, %swap3A_3039], %or3A_3037 {strides = array<i32>} : memref<64x128xi32, #tpu.memory_space<vmem>>, vector<1x128xi32>,
    %get3A_3041 = arith.constant 6400 : index
    %get3A_3042 = arith.constant 0 : index
    %get3A_3043 = vector.load %arg1[%get3A_3041, %get3A_3042] : memref<16384x128xf32, #tpu.memory_space<vmem>>, vector<128x128xf32>
    %get3A_3044 = arith.constant 0 : index
    %get3A_3045 = arith.constant 0 : index
    %get3A_3046 = vector.load %arg2[%get3A_3044, %get3A_3045] : memref<1x128xf32, #tpu.memory_space<vmem>>, vector<1x128xf32>
    %dot_general3A_3047 = arith.constant dense<0.000000e+00> : vector<1x128xf32>
    %dot_general3A_3048 = tpu.matmul %get3A_3046, %get3A_3043, %dot_general3A_3047 {dimension_numbers = #tpu.dot_dimension_numbers<[1], [1], [0], [0], [0, 0, 1, 0], [], []>, transpose_lhs_hint = false} : vector<1x128xf32>, vector<128x128xf32>, vector<1x128xf32> -> vector<1x128xf32>
    %get3A_3049 = arith.constant 0 : index
    %get3A_3050 = vector.load %arg3[%get3A_3049] : memref<1xf32, #tpu.memory_space<vmem>>, vector<1xf32>
    %get3A_3051 = vector.extract %get3A_3050[0] : f32 from vector<1xf32>
    %add3A_3052 = vector.broadcast %get3A_3051 : f32 to vector<1x128xf32>
    %add3A_3053 = arith.addf %dot_general3A_3048, %add3A_3052 : vector<1x128xf32>
    %bitcast_convert_type3A_3054 = tpu.bitcast %add3A_3053 : vector<1x128xf32> -> vector<1x128xi32>
    %add3A_3055 = arith.constant 32767 : i32
    %add3A_3056 = vector.broadcast %add3A_3055 : i32 to vector<1x128xi32>
    %add3A_3057 = arith.addi %bitcast_convert_type3A_3054, %add3A_3056 : vector<1x128xi32>
    %shift_right_logical3A_3058 = arith.constant 16 : i32
    %shift_right_logical3A_3059 = vector.broadcast %shift_right_logical3A_3058 : i32 to vector<1x128xi32>
    %shift_right_logical3A_3060 = arith.shrui %bitcast_convert_type3A_3054, %shift_right_logical3A_3059 : vector<1x128xi32>
    %and3A_3061 = arith.constant 1 : i32
    %and3A_3062 = vector.broadcast %and3A_3061 : i32 to vector<1x128xi32>
    %and3A_3063 = arith.andi %shift_right_logical3A_3060, %and3A_3062 : vector<1x128xi32>
    %add3A_3064 = arith.addi %add3A_3057, %and3A_3063 : vector<1x128xi32>
    %shift_right_logical3A_3065 = arith.constant 16 : i32
    %shift_right_logical3A_3066 = vector.broadcast %shift_right_logical3A_3065 : i32 to vector<1x128xi32>
    %shift_right_logical3A_3067 = arith.shrui %add3A_3064, %shift_right_logical3A_3066 : vector<1x128xi32>
    %get3A_3068 = arith.constant 14592 : index
    %get3A_3069 = arith.constant 0 : index
    %get3A_3070 = vector.load %arg1[%get3A_3068, %get3A_3069] : memref<16384x128xf32, #tpu.memory_space<vmem>>, vector<128x128xf32>
    %get3A_3071 = arith.constant 0 : index
    %get3A_3072 = arith.constant 0 : index
    %get3A_3073 = vector.load %arg2[%get3A_3071, %get3A_3072] : memref<1x128xf32, #tpu.memory_space<vmem>>, vector<1x128xf32>
    %dot_general3A_3074 = arith.constant dense<0.000000e+00> : vector<1x128xf32>
    %dot_general3A_3075 = tpu.matmul %get3A_3073, %get3A_3070, %dot_general3A_3074 {dimension_numbers = #tpu.dot_dimension_numbers<[1], [1], [0], [0], [0, 0, 1, 0], [], []>, transpose_lhs_hint = false} : vector<1x128xf32>, vector<128x128xf32>, vector<1x128xf32> -> vector<1x128xf32>
    %get3A_3076 = arith.constant 0 : index
    %get3A_3077 = vector.load %arg3[%get3A_3076] : memref<1xf32, #tpu.memory_space<vmem>>, vector<1xf32>
    %get3A_3078 = vector.extract %get3A_3077[0] : f32 from vector<1xf32>
    %add3A_3079 = vector.broadcast %get3A_3078 : f32 to vector<1x128xf32>
    %add3A_3080 = arith.addf %dot_general3A_3075, %add3A_3079 : vector<1x128xf32>
    %bitcast_convert_type3A_3081 = tpu.bitcast %add3A_3080 : vector<1x128xf32> -> vector<1x128xi32>
    %add3A_3082 = arith.constant 32767 : i32
    %add3A_3083 = vector.broadcast %add3A_3082 : i32 to vector<1x128xi32>
    %add3A_3084 = arith.addi %bitcast_convert_type3A_3081, %add3A_3083 : vector<1x128xi32>
    %shift_right_logical3A_3085 = arith.constant 16 : i32
    %shift_right_logical3A_3086 = vector.broadcast %shift_right_logical3A_3085 : i32 to vector<1x128xi32>
    %shift_right_logical3A_3087 = arith.shrui %bitcast_convert_type3A_3081, %shift_right_logical3A_3086 : vector<1x128xi32>
    %and3A_3088 = arith.constant 1 : i32
    %and3A_3089 = vector.broadcast %and3A_3088 : i32 to vector<1x128xi32>
    %and3A_3090 = arith.andi %shift_right_logical3A_3087, %and3A_3089 : vector<1x128xi32>
    %add3A_3091 = arith.addi %add3A_3084, %and3A_3090 : vector<1x128xi32>
    %shift_right_logical3A_3092 = arith.constant 16 : i32
    %shift_right_logical3A_3093 = vector.broadcast %shift_right_logical3A_3092 : i32 to vector<1x128xi32>
    %shift_right_logical3A_3094 = arith.shrui %add3A_3091, %shift_right_logical3A_3093 : vector<1x128xi32>
    %shift_left3A_3095 = arith.constant 16 : i32
    %shift_left3A_3096 = vector.broadcast %shift_left3A_3095 : i32 to vector<1x128xi32>
    %shift_left3A_3097 = arith.shli %shift_right_logical3A_3094, %shift_left3A_3096 : vector<1x128xi32>
    %or3A_3098 = arith.ori %shift_right_logical3A_3067, %shift_left3A_3097 : vector<1x128xi32>
    %swap3A_3099 = arith.constant 50 : index
    %swap3A_3100 = arith.constant 0 : index
    %swap3A_3101 = vector.load %arg4[%swap3A_3099, %swap3A_3100] : memref<64x128xi32, #tpu.memory_space<vmem>>, vector<1x128xi32>
    tpu.vector_store %arg4[%swap3A_3099, %swap3A_3100], %or3A_3098 {strides = array<i32>} : memref<64x128xi32, #tpu.memory_space<vmem>>, vector<1x128xi32>,
    %get3A_3102 = arith.constant 6528 : index
    %get3A_3103 = arith.constant 0 : index
    %get3A_3104 = vector.load %arg1[%get3A_3102, %get3A_3103] : memref<16384x128xf32, #tpu.memory_space<vmem>>, vector<128x128xf32>
    %get3A_3105 = arith.constant 0 : index
    %get3A_3106 = arith.constant 0 : index
    %get3A_3107 = vector.load %arg2[%get3A_3105, %get3A_3106] : memref<1x128xf32, #tpu.memory_space<vmem>>, vector<1x128xf32>
    %dot_general3A_3108 = arith.constant dense<0.000000e+00> : vector<1x128xf32>
    %dot_general3A_3109 = tpu.matmul %get3A_3107, %get3A_3104, %dot_general3A_3108 {dimension_numbers = #tpu.dot_dimension_numbers<[1], [1], [0], [0], [0, 0, 1, 0], [], []>, transpose_lhs_hint = false} : vector<1x128xf32>, vector<128x128xf32>, vector<1x128xf32> -> vector<1x128xf32>
    %get3A_3110 = arith.constant 0 : index
    %get3A_3111 = vector.load %arg3[%get3A_3110] : memref<1xf32, #tpu.memory_space<vmem>>, vector<1xf32>
    %get3A_3112 = vector.extract %get3A_3111[0] : f32 from vector<1xf32>
    %add3A_3113 = vector.broadcast %get3A_3112 : f32 to vector<1x128xf32>
    %add3A_3114 = arith.addf %dot_general3A_3109, %add3A_3113 : vector<1x128xf32>
    %bitcast_convert_type3A_3115 = tpu.bitcast %add3A_3114 : vector<1x128xf32> -> vector<1x128xi32>
    %add3A_3116 = arith.constant 32767 : i32
    %add3A_3117 = vector.broadcast %add3A_3116 : i32 to vector<1x128xi32>
    %add3A_3118 = arith.addi %bitcast_convert_type3A_3115, %add3A_3117 : vector<1x128xi32>
    %shift_right_logical3A_3119 = arith.constant 16 : i32
    %shift_right_logical3A_3120 = vector.broadcast %shift_right_logical3A_3119 : i32 to vector<1x128xi32>
    %shift_right_logical3A_3121 = arith.shrui %bitcast_convert_type3A_3115, %shift_right_logical3A_3120 : vector<1x128xi32>
    %and3A_3122 = arith.constant 1 : i32
    %and3A_3123 = vector.broadcast %and3A_3122 : i32 to vector<1x128xi32>
    %and3A_3124 = arith.andi %shift_right_logical3A_3121, %and3A_3123 : vector<1x128xi32>
    %add3A_3125 = arith.addi %add3A_3118, %and3A_3124 : vector<1x128xi32>
    %shift_right_logical3A_3126 = arith.constant 16 : i32
    %shift_right_logical3A_3127 = vector.broadcast %shift_right_logical3A_3126 : i32 to vector<1x128xi32>
    %shift_right_logical3A_3128 = arith.shrui %add3A_3125, %shift_right_logical3A_3127 : vector<1x128xi32>
    %get3A_3129 = arith.constant 14720 : index
    %get3A_3130 = arith.constant 0 : index
    %get3A_3131 = vector.load %arg1[%get3A_3129, %get3A_3130] : memref<16384x128xf32, #tpu.memory_space<vmem>>, vector<128x128xf32>
    %get3A_3132 = arith.constant 0 : index
    %get3A_3133 = arith.constant 0 : index
    %get3A_3134 = vector.load %arg2[%get3A_3132, %get3A_3133] : memref<1x128xf32, #tpu.memory_space<vmem>>, vector<1x128xf32>
    %dot_general3A_3135 = arith.constant dense<0.000000e+00> : vector<1x128xf32>
    %dot_general3A_3136 = tpu.matmul %get3A_3134, %get3A_3131, %dot_general3A_3135 {dimension_numbers = #tpu.dot_dimension_numbers<[1], [1], [0], [0], [0, 0, 1, 0], [], []>, transpose_lhs_hint = false} : vector<1x128xf32>, vector<128x128xf32>, vector<1x128xf32> -> vector<1x128xf32>
    %get3A_3137 = arith.constant 0 : index
    %get3A_3138 = vector.load %arg3[%get3A_3137] : memref<1xf32, #tpu.memory_space<vmem>>, vector<1xf32>
    %get3A_3139 = vector.extract %get3A_3138[0] : f32 from vector<1xf32>
    %add3A_3140 = vector.broadcast %get3A_3139 : f32 to vector<1x128xf32>
    %add3A_3141 = arith.addf %dot_general3A_3136, %add3A_3140 : vector<1x128xf32>
    %bitcast_convert_type3A_3142 = tpu.bitcast %add3A_3141 : vector<1x128xf32> -> vector<1x128xi32>
    %add3A_3143 = arith.constant 32767 : i32
    %add3A_3144 = vector.broadcast %add3A_3143 : i32 to vector<1x128xi32>
    %add3A_3145 = arith.addi %bitcast_convert_type3A_3142, %add3A_3144 : vector<1x128xi32>
    %shift_right_logical3A_3146 = arith.constant 16 : i32
    %shift_right_logical3A_3147 = vector.broadcast %shift_right_logical3A_3146 : i32 to vector<1x128xi32>
    %shift_right_logical3A_3148 = arith.shrui %bitcast_convert_type3A_3142, %shift_right_logical3A_3147 : vector<1x128xi32>
    %and3A_3149 = arith.constant 1 : i32
    %and3A_3150 = vector.broadcast %and3A_3149 : i32 to vector<1x128xi32>
    %and3A_3151 = arith.andi %shift_right_logical3A_3148, %and3A_3150 : vector<1x128xi32>
    %add3A_3152 = arith.addi %add3A_3145, %and3A_3151 : vector<1x128xi32>
    %shift_right_logical3A_3153 = arith.constant 16 : i32
    %shift_right_logical3A_3154 = vector.broadcast %shift_right_logical3A_3153 : i32 to vector<1x128xi32>
    %shift_right_logical3A_3155 = arith.shrui %add3A_3152, %shift_right_logical3A_3154 : vector<1x128xi32>
    %shift_left3A_3156 = arith.constant 16 : i32
    %shift_left3A_3157 = vector.broadcast %shift_left3A_3156 : i32 to vector<1x128xi32>
    %shift_left3A_3158 = arith.shli %shift_right_logical3A_3155, %shift_left3A_3157 : vector<1x128xi32>
    %or3A_3159 = arith.ori %shift_right_logical3A_3128, %shift_left3A_3158 : vector<1x128xi32>
    %swap3A_3160 = arith.constant 51 : index
    %swap3A_3161 = arith.constant 0 : index
    %swap3A_3162 = vector.load %arg4[%swap3A_3160, %swap3A_3161] : memref<64x128xi32, #tpu.memory_space<vmem>>, vector<1x128xi32>
    tpu.vector_store %arg4[%swap3A_3160, %swap3A_3161], %or3A_3159 {strides = array<i32>} : memref<64x128xi32, #tpu.memory_space<vmem>>, vector<1x128xi32>,
    %get3A_3163 = arith.constant 6656 : index
    %get3A_3164 = arith.constant 0 : index
    %get3A_3165 = vector.load %arg1[%get3A_3163, %get3A_3164] : memref<16384x128xf32, #tpu.memory_space<vmem>>, vector<128x128xf32>
    %get3A_3166 = arith.constant 0 : index
    %get3A_3167 = arith.constant 0 : index
    %get3A_3168 = vector.load %arg2[%get3A_3166, %get3A_3167] : memref<1x128xf32, #tpu.memory_space<vmem>>, vector<1x128xf32>
    %dot_general3A_3169 = arith.constant dense<0.000000e+00> : vector<1x128xf32>
    %dot_general3A_3170 = tpu.matmul %get3A_3168, %get3A_3165, %dot_general3A_3169 {dimension_numbers = #tpu.dot_dimension_numbers<[1], [1], [0], [0], [0, 0, 1, 0], [], []>, transpose_lhs_hint = false} : vector<1x128xf32>, vector<128x128xf32>, vector<1x128xf32> -> vector<1x128xf32>
    %get3A_3171 = arith.constant 0 : index
    %get3A_3172 = vector.load %arg3[%get3A_3171] : memref<1xf32, #tpu.memory_space<vmem>>, vector<1xf32>
    %get3A_3173 = vector.extract %get3A_3172[0] : f32 from vector<1xf32>
    %add3A_3174 = vector.broadcast %get3A_3173 : f32 to vector<1x128xf32>
    %add3A_3175 = arith.addf %dot_general3A_3170, %add3A_3174 : vector<1x128xf32>
    %bitcast_convert_type3A_3176 = tpu.bitcast %add3A_3175 : vector<1x128xf32> -> vector<1x128xi32>
    %add3A_3177 = arith.constant 32767 : i32
    %add3A_3178 = vector.broadcast %add3A_3177 : i32 to vector<1x128xi32>
    %add3A_3179 = arith.addi %bitcast_convert_type3A_3176, %add3A_3178 : vector<1x128xi32>
    %shift_right_logical3A_3180 = arith.constant 16 : i32
    %shift_right_logical3A_3181 = vector.broadcast %shift_right_logical3A_3180 : i32 to vector<1x128xi32>
    %shift_right_logical3A_3182 = arith.shrui %bitcast_convert_type3A_3176, %shift_right_logical3A_3181 : vector<1x128xi32>
    %and3A_3183 = arith.constant 1 : i32
    %and3A_3184 = vector.broadcast %and3A_3183 : i32 to vector<1x128xi32>
    %and3A_3185 = arith.andi %shift_right_logical3A_3182, %and3A_3184 : vector<1x128xi32>
    %add3A_3186 = arith.addi %add3A_3179, %and3A_3185 : vector<1x128xi32>
    %shift_right_logical3A_3187 = arith.constant 16 : i32
    %shift_right_logical3A_3188 = vector.broadcast %shift_right_logical3A_3187 : i32 to vector<1x128xi32>
    %shift_right_logical3A_3189 = arith.shrui %add3A_3186, %shift_right_logical3A_3188 : vector<1x128xi32>
    %get3A_3190 = arith.constant 14848 : index
    %get3A_3191 = arith.constant 0 : index
    %get3A_3192 = vector.load %arg1[%get3A_3190, %get3A_3191] : memref<16384x128xf32, #tpu.memory_space<vmem>>, vector<128x128xf32>
    %get3A_3193 = arith.constant 0 : index
    %get3A_3194 = arith.constant 0 : index
    %get3A_3195 = vector.load %arg2[%get3A_3193, %get3A_3194] : memref<1x128xf32, #tpu.memory_space<vmem>>, vector<1x128xf32>
    %dot_general3A_3196 = arith.constant dense<0.000000e+00> : vector<1x128xf32>
    %dot_general3A_3197 = tpu.matmul %get3A_3195, %get3A_3192, %dot_general3A_3196 {dimension_numbers = #tpu.dot_dimension_numbers<[1], [1], [0], [0], [0, 0, 1, 0], [], []>, transpose_lhs_hint = false} : vector<1x128xf32>, vector<128x128xf32>, vector<1x128xf32> -> vector<1x128xf32>
    %get3A_3198 = arith.constant 0 : index
    %get3A_3199 = vector.load %arg3[%get3A_3198] : memref<1xf32, #tpu.memory_space<vmem>>, vector<1xf32>
    %get3A_3200 = vector.extract %get3A_3199[0] : f32 from vector<1xf32>
    %add3A_3201 = vector.broadcast %get3A_3200 : f32 to vector<1x128xf32>
    %add3A_3202 = arith.addf %dot_general3A_3197, %add3A_3201 : vector<1x128xf32>
    %bitcast_convert_type3A_3203 = tpu.bitcast %add3A_3202 : vector<1x128xf32> -> vector<1x128xi32>
    %add3A_3204 = arith.constant 32767 : i32
    %add3A_3205 = vector.broadcast %add3A_3204 : i32 to vector<1x128xi32>
    %add3A_3206 = arith.addi %bitcast_convert_type3A_3203, %add3A_3205 : vector<1x128xi32>
    %shift_right_logical3A_3207 = arith.constant 16 : i32
    %shift_right_logical3A_3208 = vector.broadcast %shift_right_logical3A_3207 : i32 to vector<1x128xi32>
    %shift_right_logical3A_3209 = arith.shrui %bitcast_convert_type3A_3203, %shift_right_logical3A_3208 : vector<1x128xi32>
    %and3A_3210 = arith.constant 1 : i32
    %and3A_3211 = vector.broadcast %and3A_3210 : i32 to vector<1x128xi32>
    %and3A_3212 = arith.andi %shift_right_logical3A_3209, %and3A_3211 : vector<1x128xi32>
    %add3A_3213 = arith.addi %add3A_3206, %and3A_3212 : vector<1x128xi32>
    %shift_right_logical3A_3214 = arith.constant 16 : i32
    %shift_right_logical3A_3215 = vector.broadcast %shift_right_logical3A_3214 : i32 to vector<1x128xi32>
    %shift_right_logical3A_3216 = arith.shrui %add3A_3213, %shift_right_logical3A_3215 : vector<1x128xi32>
    %shift_left3A_3217 = arith.constant 16 : i32
    %shift_left3A_3218 = vector.broadcast %shift_left3A_3217 : i32 to vector<1x128xi32>
    %shift_left3A_3219 = arith.shli %shift_right_logical3A_3216, %shift_left3A_3218 : vector<1x128xi32>
    %or3A_3220 = arith.ori %shift_right_logical3A_3189, %shift_left3A_3219 : vector<1x128xi32>
    %swap3A_3221 = arith.constant 52 : index
    %swap3A_3222 = arith.constant 0 : index
    %swap3A_3223 = vector.load %arg4[%swap3A_3221, %swap3A_3222] : memref<64x128xi32, #tpu.memory_space<vmem>>, vector<1x128xi32>
    tpu.vector_store %arg4[%swap3A_3221, %swap3A_3222], %or3A_3220 {strides = array<i32>} : memref<64x128xi32, #tpu.memory_space<vmem>>, vector<1x128xi32>,
    %get3A_3224 = arith.constant 6784 : index
    %get3A_3225 = arith.constant 0 : index
    %get3A_3226 = vector.load %arg1[%get3A_3224, %get3A_3225] : memref<16384x128xf32, #tpu.memory_space<vmem>>, vector<128x128xf32>
    %get3A_3227 = arith.constant 0 : index
    %get3A_3228 = arith.constant 0 : index
    %get3A_3229 = vector.load %arg2[%get3A_3227, %get3A_3228] : memref<1x128xf32, #tpu.memory_space<vmem>>, vector<1x128xf32>
    %dot_general3A_3230 = arith.constant dense<0.000000e+00> : vector<1x128xf32>
    %dot_general3A_3231 = tpu.matmul %get3A_3229, %get3A_3226, %dot_general3A_3230 {dimension_numbers = #tpu.dot_dimension_numbers<[1], [1], [0], [0], [0, 0, 1, 0], [], []>, transpose_lhs_hint = false} : vector<1x128xf32>, vector<128x128xf32>, vector<1x128xf32> -> vector<1x128xf32>
    %get3A_3232 = arith.constant 0 : index
    %get3A_3233 = vector.load %arg3[%get3A_3232] : memref<1xf32, #tpu.memory_space<vmem>>, vector<1xf32>
    %get3A_3234 = vector.extract %get3A_3233[0] : f32 from vector<1xf32>
    %add3A_3235 = vector.broadcast %get3A_3234 : f32 to vector<1x128xf32>
    %add3A_3236 = arith.addf %dot_general3A_3231, %add3A_3235 : vector<1x128xf32>
    %bitcast_convert_type3A_3237 = tpu.bitcast %add3A_3236 : vector<1x128xf32> -> vector<1x128xi32>
    %add3A_3238 = arith.constant 32767 : i32
    %add3A_3239 = vector.broadcast %add3A_3238 : i32 to vector<1x128xi32>
    %add3A_3240 = arith.addi %bitcast_convert_type3A_3237, %add3A_3239 : vector<1x128xi32>
    %shift_right_logical3A_3241 = arith.constant 16 : i32
    %shift_right_logical3A_3242 = vector.broadcast %shift_right_logical3A_3241 : i32 to vector<1x128xi32>
    %shift_right_logical3A_3243 = arith.shrui %bitcast_convert_type3A_3237, %shift_right_logical3A_3242 : vector<1x128xi32>
    %and3A_3244 = arith.constant 1 : i32
    %and3A_3245 = vector.broadcast %and3A_3244 : i32 to vector<1x128xi32>
    %and3A_3246 = arith.andi %shift_right_logical3A_3243, %and3A_3245 : vector<1x128xi32>
    %add3A_3247 = arith.addi %add3A_3240, %and3A_3246 : vector<1x128xi32>
    %shift_right_logical3A_3248 = arith.constant 16 : i32
    %shift_right_logical3A_3249 = vector.broadcast %shift_right_logical3A_3248 : i32 to vector<1x128xi32>
    %shift_right_logical3A_3250 = arith.shrui %add3A_3247, %shift_right_logical3A_3249 : vector<1x128xi32>
    %get3A_3251 = arith.constant 14976 : index
    %get3A_3252 = arith.constant 0 : index
    %get3A_3253 = vector.load %arg1[%get3A_3251, %get3A_3252] : memref<16384x128xf32, #tpu.memory_space<vmem>>, vector<128x128xf32>
    %get3A_3254 = arith.constant 0 : index
    %get3A_3255 = arith.constant 0 : index
    %get3A_3256 = vector.load %arg2[%get3A_3254, %get3A_3255] : memref<1x128xf32, #tpu.memory_space<vmem>>, vector<1x128xf32>
    %dot_general3A_3257 = arith.constant dense<0.000000e+00> : vector<1x128xf32>
    %dot_general3A_3258 = tpu.matmul %get3A_3256, %get3A_3253, %dot_general3A_3257 {dimension_numbers = #tpu.dot_dimension_numbers<[1], [1], [0], [0], [0, 0, 1, 0], [], []>, transpose_lhs_hint = false} : vector<1x128xf32>, vector<128x128xf32>, vector<1x128xf32> -> vector<1x128xf32>
    %get3A_3259 = arith.constant 0 : index
    %get3A_3260 = vector.load %arg3[%get3A_3259] : memref<1xf32, #tpu.memory_space<vmem>>, vector<1xf32>
    %get3A_3261 = vector.extract %get3A_3260[0] : f32 from vector<1xf32>
    %add3A_3262 = vector.broadcast %get3A_3261 : f32 to vector<1x128xf32>
    %add3A_3263 = arith.addf %dot_general3A_3258, %add3A_3262 : vector<1x128xf32>
    %bitcast_convert_type3A_3264 = tpu.bitcast %add3A_3263 : vector<1x128xf32> -> vector<1x128xi32>
    %add3A_3265 = arith.constant 32767 : i32
    %add3A_3266 = vector.broadcast %add3A_3265 : i32 to vector<1x128xi32>
    %add3A_3267 = arith.addi %bitcast_convert_type3A_3264, %add3A_3266 : vector<1x128xi32>
    %shift_right_logical3A_3268 = arith.constant 16 : i32
    %shift_right_logical3A_3269 = vector.broadcast %shift_right_logical3A_3268 : i32 to vector<1x128xi32>
    %shift_right_logical3A_3270 = arith.shrui %bitcast_convert_type3A_3264, %shift_right_logical3A_3269 : vector<1x128xi32>
    %and3A_3271 = arith.constant 1 : i32
    %and3A_3272 = vector.broadcast %and3A_3271 : i32 to vector<1x128xi32>
    %and3A_3273 = arith.andi %shift_right_logical3A_3270, %and3A_3272 : vector<1x128xi32>
    %add3A_3274 = arith.addi %add3A_3267, %and3A_3273 : vector<1x128xi32>
    %shift_right_logical3A_3275 = arith.constant 16 : i32
    %shift_right_logical3A_3276 = vector.broadcast %shift_right_logical3A_3275 : i32 to vector<1x128xi32>
    %shift_right_logical3A_3277 = arith.shrui %add3A_3274, %shift_right_logical3A_3276 : vector<1x128xi32>
    %shift_left3A_3278 = arith.constant 16 : i32
    %shift_left3A_3279 = vector.broadcast %shift_left3A_3278 : i32 to vector<1x128xi32>
    %shift_left3A_3280 = arith.shli %shift_right_logical3A_3277, %shift_left3A_3279 : vector<1x128xi32>
    %or3A_3281 = arith.ori %shift_right_logical3A_3250, %shift_left3A_3280 : vector<1x128xi32>
    %swap3A_3282 = arith.constant 53 : index
    %swap3A_3283 = arith.constant 0 : index
    %swap3A_3284 = vector.load %arg4[%swap3A_3282, %swap3A_3283] : memref<64x128xi32, #tpu.memory_space<vmem>>, vector<1x128xi32>
    tpu.vector_store %arg4[%swap3A_3282, %swap3A_3283], %or3A_3281 {strides = array<i32>} : memref<64x128xi32, #tpu.memory_space<vmem>>, vector<1x128xi32>,
    %get3A_3285 = arith.constant 6912 : index
    %get3A_3286 = arith.constant 0 : index
    %get3A_3287 = vector.load %arg1[%get3A_3285, %get3A_3286] : memref<16384x128xf32, #tpu.memory_space<vmem>>, vector<128x128xf32>
    %get3A_3288 = arith.constant 0 : index
    %get3A_3289 = arith.constant 0 : index
    %get3A_3290 = vector.load %arg2[%get3A_3288, %get3A_3289] : memref<1x128xf32, #tpu.memory_space<vmem>>, vector<1x128xf32>
    %dot_general3A_3291 = arith.constant dense<0.000000e+00> : vector<1x128xf32>
    %dot_general3A_3292 = tpu.matmul %get3A_3290, %get3A_3287, %dot_general3A_3291 {dimension_numbers = #tpu.dot_dimension_numbers<[1], [1], [0], [0], [0, 0, 1, 0], [], []>, transpose_lhs_hint = false} : vector<1x128xf32>, vector<128x128xf32>, vector<1x128xf32> -> vector<1x128xf32>
    %get3A_3293 = arith.constant 0 : index
    %get3A_3294 = vector.load %arg3[%get3A_3293] : memref<1xf32, #tpu.memory_space<vmem>>, vector<1xf32>
    %get3A_3295 = vector.extract %get3A_3294[0] : f32 from vector<1xf32>
    %add3A_3296 = vector.broadcast %get3A_3295 : f32 to vector<1x128xf32>
    %add3A_3297 = arith.addf %dot_general3A_3292, %add3A_3296 : vector<1x128xf32>
    %bitcast_convert_type3A_3298 = tpu.bitcast %add3A_3297 : vector<1x128xf32> -> vector<1x128xi32>
    %add3A_3299 = arith.constant 32767 : i32
    %add3A_3300 = vector.broadcast %add3A_3299 : i32 to vector<1x128xi32>
    %add3A_3301 = arith.addi %bitcast_convert_type3A_3298, %add3A_3300 : vector<1x128xi32>
    %shift_right_logical3A_3302 = arith.constant 16 : i32
    %shift_right_logical3A_3303 = vector.broadcast %shift_right_logical3A_3302 : i32 to vector<1x128xi32>
    %shift_right_logical3A_3304 = arith.shrui %bitcast_convert_type3A_3298, %shift_right_logical3A_3303 : vector<1x128xi32>
    %and3A_3305 = arith.constant 1 : i32
    %and3A_3306 = vector.broadcast %and3A_3305 : i32 to vector<1x128xi32>
    %and3A_3307 = arith.andi %shift_right_logical3A_3304, %and3A_3306 : vector<1x128xi32>
    %add3A_3308 = arith.addi %add3A_3301, %and3A_3307 : vector<1x128xi32>
    %shift_right_logical3A_3309 = arith.constant 16 : i32
    %shift_right_logical3A_3310 = vector.broadcast %shift_right_logical3A_3309 : i32 to vector<1x128xi32>
    %shift_right_logical3A_3311 = arith.shrui %add3A_3308, %shift_right_logical3A_3310 : vector<1x128xi32>
    %get3A_3312 = arith.constant 15104 : index
    %get3A_3313 = arith.constant 0 : index
    %get3A_3314 = vector.load %arg1[%get3A_3312, %get3A_3313] : memref<16384x128xf32, #tpu.memory_space<vmem>>, vector<128x128xf32>
    %get3A_3315 = arith.constant 0 : index
    %get3A_3316 = arith.constant 0 : index
    %get3A_3317 = vector.load %arg2[%get3A_3315, %get3A_3316] : memref<1x128xf32, #tpu.memory_space<vmem>>, vector<1x128xf32>
    %dot_general3A_3318 = arith.constant dense<0.000000e+00> : vector<1x128xf32>
    %dot_general3A_3319 = tpu.matmul %get3A_3317, %get3A_3314, %dot_general3A_3318 {dimension_numbers = #tpu.dot_dimension_numbers<[1], [1], [0], [0], [0, 0, 1, 0], [], []>, transpose_lhs_hint = false} : vector<1x128xf32>, vector<128x128xf32>, vector<1x128xf32> -> vector<1x128xf32>
    %get3A_3320 = arith.constant 0 : index
    %get3A_3321 = vector.load %arg3[%get3A_3320] : memref<1xf32, #tpu.memory_space<vmem>>, vector<1xf32>
    %get3A_3322 = vector.extract %get3A_3321[0] : f32 from vector<1xf32>
    %add3A_3323 = vector.broadcast %get3A_3322 : f32 to vector<1x128xf32>
    %add3A_3324 = arith.addf %dot_general3A_3319, %add3A_3323 : vector<1x128xf32>
    %bitcast_convert_type3A_3325 = tpu.bitcast %add3A_3324 : vector<1x128xf32> -> vector<1x128xi32>
    %add3A_3326 = arith.constant 32767 : i32
    %add3A_3327 = vector.broadcast %add3A_3326 : i32 to vector<1x128xi32>
    %add3A_3328 = arith.addi %bitcast_convert_type3A_3325, %add3A_3327 : vector<1x128xi32>
    %shift_right_logical3A_3329 = arith.constant 16 : i32
    %shift_right_logical3A_3330 = vector.broadcast %shift_right_logical3A_3329 : i32 to vector<1x128xi32>
    %shift_right_logical3A_3331 = arith.shrui %bitcast_convert_type3A_3325, %shift_right_logical3A_3330 : vector<1x128xi32>
    %and3A_3332 = arith.constant 1 : i32
    %and3A_3333 = vector.broadcast %and3A_3332 : i32 to vector<1x128xi32>
    %and3A_3334 = arith.andi %shift_right_logical3A_3331, %and3A_3333 : vector<1x128xi32>
    %add3A_3335 = arith.addi %add3A_3328, %and3A_3334 : vector<1x128xi32>
    %shift_right_logical3A_3336 = arith.constant 16 : i32
    %shift_right_logical3A_3337 = vector.broadcast %shift_right_logical3A_3336 : i32 to vector<1x128xi32>
    %shift_right_logical3A_3338 = arith.shrui %add3A_3335, %shift_right_logical3A_3337 : vector<1x128xi32>
    %shift_left3A_3339 = arith.constant 16 : i32
    %shift_left3A_3340 = vector.broadcast %shift_left3A_3339 : i32 to vector<1x128xi32>
    %shift_left3A_3341 = arith.shli %shift_right_logical3A_3338, %shift_left3A_3340 : vector<1x128xi32>
    %or3A_3342 = arith.ori %shift_right_logical3A_3311, %shift_left3A_3341 : vector<1x128xi32>
    %swap3A_3343 = arith.constant 54 : index
    %swap3A_3344 = arith.constant 0 : index
    %swap3A_3345 = vector.load %arg4[%swap3A_3343, %swap3A_3344] : memref<64x128xi32, #tpu.memory_space<vmem>>, vector<1x128xi32>
    tpu.vector_store %arg4[%swap3A_3343, %swap3A_3344], %or3A_3342 {strides = array<i32>} : memref<64x128xi32, #tpu.memory_space<vmem>>, vector<1x128xi32>,
    %get3A_3346 = arith.constant 7040 : index
    %get3A_3347 = arith.constant 0 : index
    %get3A_3348 = vector.load %arg1[%get3A_3346, %get3A_3347] : memref<16384x128xf32, #tpu.memory_space<vmem>>, vector<128x128xf32>
    %get3A_3349 = arith.constant 0 : index
    %get3A_3350 = arith.constant 0 : index
    %get3A_3351 = vector.load %arg2[%get3A_3349, %get3A_3350] : memref<1x128xf32, #tpu.memory_space<vmem>>, vector<1x128xf32>
    %dot_general3A_3352 = arith.constant dense<0.000000e+00> : vector<1x128xf32>
    %dot_general3A_3353 = tpu.matmul %get3A_3351, %get3A_3348, %dot_general3A_3352 {dimension_numbers = #tpu.dot_dimension_numbers<[1], [1], [0], [0], [0, 0, 1, 0], [], []>, transpose_lhs_hint = false} : vector<1x128xf32>, vector<128x128xf32>, vector<1x128xf32> -> vector<1x128xf32>
    %get3A_3354 = arith.constant 0 : index
    %get3A_3355 = vector.load %arg3[%get3A_3354] : memref<1xf32, #tpu.memory_space<vmem>>, vector<1xf32>
    %get3A_3356 = vector.extract %get3A_3355[0] : f32 from vector<1xf32>
    %add3A_3357 = vector.broadcast %get3A_3356 : f32 to vector<1x128xf32>
    %add3A_3358 = arith.addf %dot_general3A_3353, %add3A_3357 : vector<1x128xf32>
    %bitcast_convert_type3A_3359 = tpu.bitcast %add3A_3358 : vector<1x128xf32> -> vector<1x128xi32>
    %add3A_3360 = arith.constant 32767 : i32
    %add3A_3361 = vector.broadcast %add3A_3360 : i32 to vector<1x128xi32>
    %add3A_3362 = arith.addi %bitcast_convert_type3A_3359, %add3A_3361 : vector<1x128xi32>
    %shift_right_logical3A_3363 = arith.constant 16 : i32
    %shift_right_logical3A_3364 = vector.broadcast %shift_right_logical3A_3363 : i32 to vector<1x128xi32>
    %shift_right_logical3A_3365 = arith.shrui %bitcast_convert_type3A_3359, %shift_right_logical3A_3364 : vector<1x128xi32>
    %and3A_3366 = arith.constant 1 : i32
    %and3A_3367 = vector.broadcast %and3A_3366 : i32 to vector<1x128xi32>
    %and3A_3368 = arith.andi %shift_right_logical3A_3365, %and3A_3367 : vector<1x128xi32>
    %add3A_3369 = arith.addi %add3A_3362, %and3A_3368 : vector<1x128xi32>
    %shift_right_logical3A_3370 = arith.constant 16 : i32
    %shift_right_logical3A_3371 = vector.broadcast %shift_right_logical3A_3370 : i32 to vector<1x128xi32>
    %shift_right_logical3A_3372 = arith.shrui %add3A_3369, %shift_right_logical3A_3371 : vector<1x128xi32>
    %get3A_3373 = arith.constant 15232 : index
    %get3A_3374 = arith.constant 0 : index
    %get3A_3375 = vector.load %arg1[%get3A_3373, %get3A_3374] : memref<16384x128xf32, #tpu.memory_space<vmem>>, vector<128x128xf32>
    %get3A_3376 = arith.constant 0 : index
    %get3A_3377 = arith.constant 0 : index
    %get3A_3378 = vector.load %arg2[%get3A_3376, %get3A_3377] : memref<1x128xf32, #tpu.memory_space<vmem>>, vector<1x128xf32>
    %dot_general3A_3379 = arith.constant dense<0.000000e+00> : vector<1x128xf32>
    %dot_general3A_3380 = tpu.matmul %get3A_3378, %get3A_3375, %dot_general3A_3379 {dimension_numbers = #tpu.dot_dimension_numbers<[1], [1], [0], [0], [0, 0, 1, 0], [], []>, transpose_lhs_hint = false} : vector<1x128xf32>, vector<128x128xf32>, vector<1x128xf32> -> vector<1x128xf32>
    %get3A_3381 = arith.constant 0 : index
    %get3A_3382 = vector.load %arg3[%get3A_3381] : memref<1xf32, #tpu.memory_space<vmem>>, vector<1xf32>
    %get3A_3383 = vector.extract %get3A_3382[0] : f32 from vector<1xf32>
    %add3A_3384 = vector.broadcast %get3A_3383 : f32 to vector<1x128xf32>
    %add3A_3385 = arith.addf %dot_general3A_3380, %add3A_3384 : vector<1x128xf32>
    %bitcast_convert_type3A_3386 = tpu.bitcast %add3A_3385 : vector<1x128xf32> -> vector<1x128xi32>
    %add3A_3387 = arith.constant 32767 : i32
    %add3A_3388 = vector.broadcast %add3A_3387 : i32 to vector<1x128xi32>
    %add3A_3389 = arith.addi %bitcast_convert_type3A_3386, %add3A_3388 : vector<1x128xi32>
    %shift_right_logical3A_3390 = arith.constant 16 : i32
    %shift_right_logical3A_3391 = vector.broadcast %shift_right_logical3A_3390 : i32 to vector<1x128xi32>
    %shift_right_logical3A_3392 = arith.shrui %bitcast_convert_type3A_3386, %shift_right_logical3A_3391 : vector<1x128xi32>
    %and3A_3393 = arith.constant 1 : i32
    %and3A_3394 = vector.broadcast %and3A_3393 : i32 to vector<1x128xi32>
    %and3A_3395 = arith.andi %shift_right_logical3A_3392, %and3A_3394 : vector<1x128xi32>
    %add3A_3396 = arith.addi %add3A_3389, %and3A_3395 : vector<1x128xi32>
    %shift_right_logical3A_3397 = arith.constant 16 : i32
    %shift_right_logical3A_3398 = vector.broadcast %shift_right_logical3A_3397 : i32 to vector<1x128xi32>
    %shift_right_logical3A_3399 = arith.shrui %add3A_3396, %shift_right_logical3A_3398 : vector<1x128xi32>
    %shift_left3A_3400 = arith.constant 16 : i32
    %shift_left3A_3401 = vector.broadcast %shift_left3A_3400 : i32 to vector<1x128xi32>
    %shift_left3A_3402 = arith.shli %shift_right_logical3A_3399, %shift_left3A_3401 : vector<1x128xi32>
    %or3A_3403 = arith.ori %shift_right_logical3A_3372, %shift_left3A_3402 : vector<1x128xi32>
    %swap3A_3404 = arith.constant 55 : index
    %swap3A_3405 = arith.constant 0 : index
    %swap3A_3406 = vector.load %arg4[%swap3A_3404, %swap3A_3405] : memref<64x128xi32, #tpu.memory_space<vmem>>, vector<1x128xi32>
    tpu.vector_store %arg4[%swap3A_3404, %swap3A_3405], %or3A_3403 {strides = array<i32>} : memref<64x128xi32, #tpu.memory_space<vmem>>, vector<1x128xi32>,
    %get3A_3407 = arith.constant 7168 : index
    %get3A_3408 = arith.constant 0 : index
    %get3A_3409 = vector.load %arg1[%get3A_3407, %get3A_3408] : memref<16384x128xf32, #tpu.memory_space<vmem>>, vector<128x128xf32>
    %get3A_3410 = arith.constant 0 : index
    %get3A_3411 = arith.constant 0 : index
    %get3A_3412 = vector.load %arg2[%get3A_3410, %get3A_3411] : memref<1x128xf32, #tpu.memory_space<vmem>>, vector<1x128xf32>
    %dot_general3A_3413 = arith.constant dense<0.000000e+00> : vector<1x128xf32>
    %dot_general3A_3414 = tpu.matmul %get3A_3412, %get3A_3409, %dot_general3A_3413 {dimension_numbers = #tpu.dot_dimension_numbers<[1], [1], [0], [0], [0, 0, 1, 0], [], []>, transpose_lhs_hint = false} : vector<1x128xf32>, vector<128x128xf32>, vector<1x128xf32> -> vector<1x128xf32>
    %get3A_3415 = arith.constant 0 : index
    %get3A_3416 = vector.load %arg3[%get3A_3415] : memref<1xf32, #tpu.memory_space<vmem>>, vector<1xf32>
    %get3A_3417 = vector.extract %get3A_3416[0] : f32 from vector<1xf32>
    %add3A_3418 = vector.broadcast %get3A_3417 : f32 to vector<1x128xf32>
    %add3A_3419 = arith.addf %dot_general3A_3414, %add3A_3418 : vector<1x128xf32>
    %bitcast_convert_type3A_3420 = tpu.bitcast %add3A_3419 : vector<1x128xf32> -> vector<1x128xi32>
    %add3A_3421 = arith.constant 32767 : i32
    %add3A_3422 = vector.broadcast %add3A_3421 : i32 to vector<1x128xi32>
    %add3A_3423 = arith.addi %bitcast_convert_type3A_3420, %add3A_3422 : vector<1x128xi32>
    %shift_right_logical3A_3424 = arith.constant 16 : i32
    %shift_right_logical3A_3425 = vector.broadcast %shift_right_logical3A_3424 : i32 to vector<1x128xi32>
    %shift_right_logical3A_3426 = arith.shrui %bitcast_convert_type3A_3420, %shift_right_logical3A_3425 : vector<1x128xi32>
    %and3A_3427 = arith.constant 1 : i32
    %and3A_3428 = vector.broadcast %and3A_3427 : i32 to vector<1x128xi32>
    %and3A_3429 = arith.andi %shift_right_logical3A_3426, %and3A_3428 : vector<1x128xi32>
    %add3A_3430 = arith.addi %add3A_3423, %and3A_3429 : vector<1x128xi32>
    %shift_right_logical3A_3431 = arith.constant 16 : i32
    %shift_right_logical3A_3432 = vector.broadcast %shift_right_logical3A_3431 : i32 to vector<1x128xi32>
    %shift_right_logical3A_3433 = arith.shrui %add3A_3430, %shift_right_logical3A_3432 : vector<1x128xi32>
    %get3A_3434 = arith.constant 15360 : index
    %get3A_3435 = arith.constant 0 : index
    %get3A_3436 = vector.load %arg1[%get3A_3434, %get3A_3435] : memref<16384x128xf32, #tpu.memory_space<vmem>>, vector<128x128xf32>
    %get3A_3437 = arith.constant 0 : index
    %get3A_3438 = arith.constant 0 : index
    %get3A_3439 = vector.load %arg2[%get3A_3437, %get3A_3438] : memref<1x128xf32, #tpu.memory_space<vmem>>, vector<1x128xf32>
    %dot_general3A_3440 = arith.constant dense<0.000000e+00> : vector<1x128xf32>
    %dot_general3A_3441 = tpu.matmul %get3A_3439, %get3A_3436, %dot_general3A_3440 {dimension_numbers = #tpu.dot_dimension_numbers<[1], [1], [0], [0], [0, 0, 1, 0], [], []>, transpose_lhs_hint = false} : vector<1x128xf32>, vector<128x128xf32>, vector<1x128xf32> -> vector<1x128xf32>
    %get3A_3442 = arith.constant 0 : index
    %get3A_3443 = vector.load %arg3[%get3A_3442] : memref<1xf32, #tpu.memory_space<vmem>>, vector<1xf32>
    %get3A_3444 = vector.extract %get3A_3443[0] : f32 from vector<1xf32>
    %add3A_3445 = vector.broadcast %get3A_3444 : f32 to vector<1x128xf32>
    %add3A_3446 = arith.addf %dot_general3A_3441, %add3A_3445 : vector<1x128xf32>
    %bitcast_convert_type3A_3447 = tpu.bitcast %add3A_3446 : vector<1x128xf32> -> vector<1x128xi32>
    %add3A_3448 = arith.constant 32767 : i32
    %add3A_3449 = vector.broadcast %add3A_3448 : i32 to vector<1x128xi32>
    %add3A_3450 = arith.addi %bitcast_convert_type3A_3447, %add3A_3449 : vector<1x128xi32>
    %shift_right_logical3A_3451 = arith.constant 16 : i32
    %shift_right_logical3A_3452 = vector.broadcast %shift_right_logical3A_3451 : i32 to vector<1x128xi32>
    %shift_right_logical3A_3453 = arith.shrui %bitcast_convert_type3A_3447, %shift_right_logical3A_3452 : vector<1x128xi32>
    %and3A_3454 = arith.constant 1 : i32
    %and3A_3455 = vector.broadcast %and3A_3454 : i32 to vector<1x128xi32>
    %and3A_3456 = arith.andi %shift_right_logical3A_3453, %and3A_3455 : vector<1x128xi32>
    %add3A_3457 = arith.addi %add3A_3450, %and3A_3456 : vector<1x128xi32>
    %shift_right_logical3A_3458 = arith.constant 16 : i32
    %shift_right_logical3A_3459 = vector.broadcast %shift_right_logical3A_3458 : i32 to vector<1x128xi32>
    %shift_right_logical3A_3460 = arith.shrui %add3A_3457, %shift_right_logical3A_3459 : vector<1x128xi32>
    %shift_left3A_3461 = arith.constant 16 : i32
    %shift_left3A_3462 = vector.broadcast %shift_left3A_3461 : i32 to vector<1x128xi32>
    %shift_left3A_3463 = arith.shli %shift_right_logical3A_3460, %shift_left3A_3462 : vector<1x128xi32>
    %or3A_3464 = arith.ori %shift_right_logical3A_3433, %shift_left3A_3463 : vector<1x128xi32>
    %swap3A_3465 = arith.constant 56 : index
    %swap3A_3466 = arith.constant 0 : index
    %swap3A_3467 = vector.load %arg4[%swap3A_3465, %swap3A_3466] : memref<64x128xi32, #tpu.memory_space<vmem>>, vector<1x128xi32>
    tpu.vector_store %arg4[%swap3A_3465, %swap3A_3466], %or3A_3464 {strides = array<i32>} : memref<64x128xi32, #tpu.memory_space<vmem>>, vector<1x128xi32>,
    %get3A_3468 = arith.constant 7296 : index
    %get3A_3469 = arith.constant 0 : index
    %get3A_3470 = vector.load %arg1[%get3A_3468, %get3A_3469] : memref<16384x128xf32, #tpu.memory_space<vmem>>, vector<128x128xf32>
    %get3A_3471 = arith.constant 0 : index
    %get3A_3472 = arith.constant 0 : index
    %get3A_3473 = vector.load %arg2[%get3A_3471, %get3A_3472] : memref<1x128xf32, #tpu.memory_space<vmem>>, vector<1x128xf32>
    %dot_general3A_3474 = arith.constant dense<0.000000e+00> : vector<1x128xf32>
    %dot_general3A_3475 = tpu.matmul %get3A_3473, %get3A_3470, %dot_general3A_3474 {dimension_numbers = #tpu.dot_dimension_numbers<[1], [1], [0], [0], [0, 0, 1, 0], [], []>, transpose_lhs_hint = false} : vector<1x128xf32>, vector<128x128xf32>, vector<1x128xf32> -> vector<1x128xf32>
    %get3A_3476 = arith.constant 0 : index
    %get3A_3477 = vector.load %arg3[%get3A_3476] : memref<1xf32, #tpu.memory_space<vmem>>, vector<1xf32>
    %get3A_3478 = vector.extract %get3A_3477[0] : f32 from vector<1xf32>
    %add3A_3479 = vector.broadcast %get3A_3478 : f32 to vector<1x128xf32>
    %add3A_3480 = arith.addf %dot_general3A_3475, %add3A_3479 : vector<1x128xf32>
    %bitcast_convert_type3A_3481 = tpu.bitcast %add3A_3480 : vector<1x128xf32> -> vector<1x128xi32>
    %add3A_3482 = arith.constant 32767 : i32
    %add3A_3483 = vector.broadcast %add3A_3482 : i32 to vector<1x128xi32>
    %add3A_3484 = arith.addi %bitcast_convert_type3A_3481, %add3A_3483 : vector<1x128xi32>
    %shift_right_logical3A_3485 = arith.constant 16 : i32
    %shift_right_logical3A_3486 = vector.broadcast %shift_right_logical3A_3485 : i32 to vector<1x128xi32>
    %shift_right_logical3A_3487 = arith.shrui %bitcast_convert_type3A_3481, %shift_right_logical3A_3486 : vector<1x128xi32>
    %and3A_3488 = arith.constant 1 : i32
    %and3A_3489 = vector.broadcast %and3A_3488 : i32 to vector<1x128xi32>
    %and3A_3490 = arith.andi %shift_right_logical3A_3487, %and3A_3489 : vector<1x128xi32>
    %add3A_3491 = arith.addi %add3A_3484, %and3A_3490 : vector<1x128xi32>
    %shift_right_logical3A_3492 = arith.constant 16 : i32
    %shift_right_logical3A_3493 = vector.broadcast %shift_right_logical3A_3492 : i32 to vector<1x128xi32>
    %shift_right_logical3A_3494 = arith.shrui %add3A_3491, %shift_right_logical3A_3493 : vector<1x128xi32>
    %get3A_3495 = arith.constant 15488 : index
    %get3A_3496 = arith.constant 0 : index
    %get3A_3497 = vector.load %arg1[%get3A_3495, %get3A_3496] : memref<16384x128xf32, #tpu.memory_space<vmem>>, vector<128x128xf32>
    %get3A_3498 = arith.constant 0 : index
    %get3A_3499 = arith.constant 0 : index
    %get3A_3500 = vector.load %arg2[%get3A_3498, %get3A_3499] : memref<1x128xf32, #tpu.memory_space<vmem>>, vector<1x128xf32>
    %dot_general3A_3501 = arith.constant dense<0.000000e+00> : vector<1x128xf32>
    %dot_general3A_3502 = tpu.matmul %get3A_3500, %get3A_3497, %dot_general3A_3501 {dimension_numbers = #tpu.dot_dimension_numbers<[1], [1], [0], [0], [0, 0, 1, 0], [], []>, transpose_lhs_hint = false} : vector<1x128xf32>, vector<128x128xf32>, vector<1x128xf32> -> vector<1x128xf32>
    %get3A_3503 = arith.constant 0 : index
    %get3A_3504 = vector.load %arg3[%get3A_3503] : memref<1xf32, #tpu.memory_space<vmem>>, vector<1xf32>
    %get3A_3505 = vector.extract %get3A_3504[0] : f32 from vector<1xf32>
    %add3A_3506 = vector.broadcast %get3A_3505 : f32 to vector<1x128xf32>
    %add3A_3507 = arith.addf %dot_general3A_3502, %add3A_3506 : vector<1x128xf32>
    %bitcast_convert_type3A_3508 = tpu.bitcast %add3A_3507 : vector<1x128xf32> -> vector<1x128xi32>
    %add3A_3509 = arith.constant 32767 : i32
    %add3A_3510 = vector.broadcast %add3A_3509 : i32 to vector<1x128xi32>
    %add3A_3511 = arith.addi %bitcast_convert_type3A_3508, %add3A_3510 : vector<1x128xi32>
    %shift_right_logical3A_3512 = arith.constant 16 : i32
    %shift_right_logical3A_3513 = vector.broadcast %shift_right_logical3A_3512 : i32 to vector<1x128xi32>
    %shift_right_logical3A_3514 = arith.shrui %bitcast_convert_type3A_3508, %shift_right_logical3A_3513 : vector<1x128xi32>
    %and3A_3515 = arith.constant 1 : i32
    %and3A_3516 = vector.broadcast %and3A_3515 : i32 to vector<1x128xi32>
    %and3A_3517 = arith.andi %shift_right_logical3A_3514, %and3A_3516 : vector<1x128xi32>
    %add3A_3518 = arith.addi %add3A_3511, %and3A_3517 : vector<1x128xi32>
    %shift_right_logical3A_3519 = arith.constant 16 : i32
    %shift_right_logical3A_3520 = vector.broadcast %shift_right_logical3A_3519 : i32 to vector<1x128xi32>
    %shift_right_logical3A_3521 = arith.shrui %add3A_3518, %shift_right_logical3A_3520 : vector<1x128xi32>
    %shift_left3A_3522 = arith.constant 16 : i32
    %shift_left3A_3523 = vector.broadcast %shift_left3A_3522 : i32 to vector<1x128xi32>
    %shift_left3A_3524 = arith.shli %shift_right_logical3A_3521, %shift_left3A_3523 : vector<1x128xi32>
    %or3A_3525 = arith.ori %shift_right_logical3A_3494, %shift_left3A_3524 : vector<1x128xi32>
    %swap3A_3526 = arith.constant 57 : index
    %swap3A_3527 = arith.constant 0 : index
    %swap3A_3528 = vector.load %arg4[%swap3A_3526, %swap3A_3527] : memref<64x128xi32, #tpu.memory_space<vmem>>, vector<1x128xi32>
    tpu.vector_store %arg4[%swap3A_3526, %swap3A_3527], %or3A_3525 {strides = array<i32>} : memref<64x128xi32, #tpu.memory_space<vmem>>, vector<1x128xi32>,
    %get3A_3529 = arith.constant 7424 : index
    %get3A_3530 = arith.constant 0 : index
    %get3A_3531 = vector.load %arg1[%get3A_3529, %get3A_3530] : memref<16384x128xf32, #tpu.memory_space<vmem>>, vector<128x128xf32>
    %get3A_3532 = arith.constant 0 : index
    %get3A_3533 = arith.constant 0 : index
    %get3A_3534 = vector.load %arg2[%get3A_3532, %get3A_3533] : memref<1x128xf32, #tpu.memory_space<vmem>>, vector<1x128xf32>
    %dot_general3A_3535 = arith.constant dense<0.000000e+00> : vector<1x128xf32>
    %dot_general3A_3536 = tpu.matmul %get3A_3534, %get3A_3531, %dot_general3A_3535 {dimension_numbers = #tpu.dot_dimension_numbers<[1], [1], [0], [0], [0, 0, 1, 0], [], []>, transpose_lhs_hint = false} : vector<1x128xf32>, vector<128x128xf32>, vector<1x128xf32> -> vector<1x128xf32>
    %get3A_3537 = arith.constant 0 : index
    %get3A_3538 = vector.load %arg3[%get3A_3537] : memref<1xf32, #tpu.memory_space<vmem>>, vector<1xf32>
    %get3A_3539 = vector.extract %get3A_3538[0] : f32 from vector<1xf32>
    %add3A_3540 = vector.broadcast %get3A_3539 : f32 to vector<1x128xf32>
    %add3A_3541 = arith.addf %dot_general3A_3536, %add3A_3540 : vector<1x128xf32>
    %bitcast_convert_type3A_3542 = tpu.bitcast %add3A_3541 : vector<1x128xf32> -> vector<1x128xi32>
    %add3A_3543 = arith.constant 32767 : i32
    %add3A_3544 = vector.broadcast %add3A_3543 : i32 to vector<1x128xi32>
    %add3A_3545 = arith.addi %bitcast_convert_type3A_3542, %add3A_3544 : vector<1x128xi32>
    %shift_right_logical3A_3546 = arith.constant 16 : i32
    %shift_right_logical3A_3547 = vector.broadcast %shift_right_logical3A_3546 : i32 to vector<1x128xi32>
    %shift_right_logical3A_3548 = arith.shrui %bitcast_convert_type3A_3542, %shift_right_logical3A_3547 : vector<1x128xi32>
    %and3A_3549 = arith.constant 1 : i32
    %and3A_3550 = vector.broadcast %and3A_3549 : i32 to vector<1x128xi32>
    %and3A_3551 = arith.andi %shift_right_logical3A_3548, %and3A_3550 : vector<1x128xi32>
    %add3A_3552 = arith.addi %add3A_3545, %and3A_3551 : vector<1x128xi32>
    %shift_right_logical3A_3553 = arith.constant 16 : i32
    %shift_right_logical3A_3554 = vector.broadcast %shift_right_logical3A_3553 : i32 to vector<1x128xi32>
    %shift_right_logical3A_3555 = arith.shrui %add3A_3552, %shift_right_logical3A_3554 : vector<1x128xi32>
    %get3A_3556 = arith.constant 15616 : index
    %get3A_3557 = arith.constant 0 : index
    %get3A_3558 = vector.load %arg1[%get3A_3556, %get3A_3557] : memref<16384x128xf32, #tpu.memory_space<vmem>>, vector<128x128xf32>
    %get3A_3559 = arith.constant 0 : index
    %get3A_3560 = arith.constant 0 : index
    %get3A_3561 = vector.load %arg2[%get3A_3559, %get3A_3560] : memref<1x128xf32, #tpu.memory_space<vmem>>, vector<1x128xf32>
    %dot_general3A_3562 = arith.constant dense<0.000000e+00> : vector<1x128xf32>
    %dot_general3A_3563 = tpu.matmul %get3A_3561, %get3A_3558, %dot_general3A_3562 {dimension_numbers = #tpu.dot_dimension_numbers<[1], [1], [0], [0], [0, 0, 1, 0], [], []>, transpose_lhs_hint = false} : vector<1x128xf32>, vector<128x128xf32>, vector<1x128xf32> -> vector<1x128xf32>
    %get3A_3564 = arith.constant 0 : index
    %get3A_3565 = vector.load %arg3[%get3A_3564] : memref<1xf32, #tpu.memory_space<vmem>>, vector<1xf32>
    %get3A_3566 = vector.extract %get3A_3565[0] : f32 from vector<1xf32>
    %add3A_3567 = vector.broadcast %get3A_3566 : f32 to vector<1x128xf32>
    %add3A_3568 = arith.addf %dot_general3A_3563, %add3A_3567 : vector<1x128xf32>
    %bitcast_convert_type3A_3569 = tpu.bitcast %add3A_3568 : vector<1x128xf32> -> vector<1x128xi32>
    %add3A_3570 = arith.constant 32767 : i32
    %add3A_3571 = vector.broadcast %add3A_3570 : i32 to vector<1x128xi32>
    %add3A_3572 = arith.addi %bitcast_convert_type3A_3569, %add3A_3571 : vector<1x128xi32>
    %shift_right_logical3A_3573 = arith.constant 16 : i32
    %shift_right_logical3A_3574 = vector.broadcast %shift_right_logical3A_3573 : i32 to vector<1x128xi32>
    %shift_right_logical3A_3575 = arith.shrui %bitcast_convert_type3A_3569, %shift_right_logical3A_3574 : vector<1x128xi32>
    %and3A_3576 = arith.constant 1 : i32
    %and3A_3577 = vector.broadcast %and3A_3576 : i32 to vector<1x128xi32>
    %and3A_3578 = arith.andi %shift_right_logical3A_3575, %and3A_3577 : vector<1x128xi32>
    %add3A_3579 = arith.addi %add3A_3572, %and3A_3578 : vector<1x128xi32>
    %shift_right_logical3A_3580 = arith.constant 16 : i32
    %shift_right_logical3A_3581 = vector.broadcast %shift_right_logical3A_3580 : i32 to vector<1x128xi32>
    %shift_right_logical3A_3582 = arith.shrui %add3A_3579, %shift_right_logical3A_3581 : vector<1x128xi32>
    %shift_left3A_3583 = arith.constant 16 : i32
    %shift_left3A_3584 = vector.broadcast %shift_left3A_3583 : i32 to vector<1x128xi32>
    %shift_left3A_3585 = arith.shli %shift_right_logical3A_3582, %shift_left3A_3584 : vector<1x128xi32>
    %or3A_3586 = arith.ori %shift_right_logical3A_3555, %shift_left3A_3585 : vector<1x128xi32>
    %swap3A_3587 = arith.constant 58 : index
    %swap3A_3588 = arith.constant 0 : index
    %swap3A_3589 = vector.load %arg4[%swap3A_3587, %swap3A_3588] : memref<64x128xi32, #tpu.memory_space<vmem>>, vector<1x128xi32>
    tpu.vector_store %arg4[%swap3A_3587, %swap3A_3588], %or3A_3586 {strides = array<i32>} : memref<64x128xi32, #tpu.memory_space<vmem>>, vector<1x128xi32>,
    %get3A_3590 = arith.constant 7552 : index
    %get3A_3591 = arith.constant 0 : index
    %get3A_3592 = vector.load %arg1[%get3A_3590, %get3A_3591] : memref<16384x128xf32, #tpu.memory_space<vmem>>, vector<128x128xf32>
    %get3A_3593 = arith.constant 0 : index
    %get3A_3594 = arith.constant 0 : index
    %get3A_3595 = vector.load %arg2[%get3A_3593, %get3A_3594] : memref<1x128xf32, #tpu.memory_space<vmem>>, vector<1x128xf32>
    %dot_general3A_3596 = arith.constant dense<0.000000e+00> : vector<1x128xf32>
    %dot_general3A_3597 = tpu.matmul %get3A_3595, %get3A_3592, %dot_general3A_3596 {dimension_numbers = #tpu.dot_dimension_numbers<[1], [1], [0], [0], [0, 0, 1, 0], [], []>, transpose_lhs_hint = false} : vector<1x128xf32>, vector<128x128xf32>, vector<1x128xf32> -> vector<1x128xf32>
    %get3A_3598 = arith.constant 0 : index
    %get3A_3599 = vector.load %arg3[%get3A_3598] : memref<1xf32, #tpu.memory_space<vmem>>, vector<1xf32>
    %get3A_3600 = vector.extract %get3A_3599[0] : f32 from vector<1xf32>
    %add3A_3601 = vector.broadcast %get3A_3600 : f32 to vector<1x128xf32>
    %add3A_3602 = arith.addf %dot_general3A_3597, %add3A_3601 : vector<1x128xf32>
    %bitcast_convert_type3A_3603 = tpu.bitcast %add3A_3602 : vector<1x128xf32> -> vector<1x128xi32>
    %add3A_3604 = arith.constant 32767 : i32
    %add3A_3605 = vector.broadcast %add3A_3604 : i32 to vector<1x128xi32>
    %add3A_3606 = arith.addi %bitcast_convert_type3A_3603, %add3A_3605 : vector<1x128xi32>
    %shift_right_logical3A_3607 = arith.constant 16 : i32
    %shift_right_logical3A_3608 = vector.broadcast %shift_right_logical3A_3607 : i32 to vector<1x128xi32>
    %shift_right_logical3A_3609 = arith.shrui %bitcast_convert_type3A_3603, %shift_right_logical3A_3608 : vector<1x128xi32>
    %and3A_3610 = arith.constant 1 : i32
    %and3A_3611 = vector.broadcast %and3A_3610 : i32 to vector<1x128xi32>
    %and3A_3612 = arith.andi %shift_right_logical3A_3609, %and3A_3611 : vector<1x128xi32>
    %add3A_3613 = arith.addi %add3A_3606, %and3A_3612 : vector<1x128xi32>
    %shift_right_logical3A_3614 = arith.constant 16 : i32
    %shift_right_logical3A_3615 = vector.broadcast %shift_right_logical3A_3614 : i32 to vector<1x128xi32>
    %shift_right_logical3A_3616 = arith.shrui %add3A_3613, %shift_right_logical3A_3615 : vector<1x128xi32>
    %get3A_3617 = arith.constant 15744 : index
    %get3A_3618 = arith.constant 0 : index
    %get3A_3619 = vector.load %arg1[%get3A_3617, %get3A_3618] : memref<16384x128xf32, #tpu.memory_space<vmem>>, vector<128x128xf32>
    %get3A_3620 = arith.constant 0 : index
    %get3A_3621 = arith.constant 0 : index
    %get3A_3622 = vector.load %arg2[%get3A_3620, %get3A_3621] : memref<1x128xf32, #tpu.memory_space<vmem>>, vector<1x128xf32>
    %dot_general3A_3623 = arith.constant dense<0.000000e+00> : vector<1x128xf32>
    %dot_general3A_3624 = tpu.matmul %get3A_3622, %get3A_3619, %dot_general3A_3623 {dimension_numbers = #tpu.dot_dimension_numbers<[1], [1], [0], [0], [0, 0, 1, 0], [], []>, transpose_lhs_hint = false} : vector<1x128xf32>, vector<128x128xf32>, vector<1x128xf32> -> vector<1x128xf32>
    %get3A_3625 = arith.constant 0 : index
    %get3A_3626 = vector.load %arg3[%get3A_3625] : memref<1xf32, #tpu.memory_space<vmem>>, vector<1xf32>
    %get3A_3627 = vector.extract %get3A_3626[0] : f32 from vector<1xf32>
    %add3A_3628 = vector.broadcast %get3A_3627 : f32 to vector<1x128xf32>
    %add3A_3629 = arith.addf %dot_general3A_3624, %add3A_3628 : vector<1x128xf32>
    %bitcast_convert_type3A_3630 = tpu.bitcast %add3A_3629 : vector<1x128xf32> -> vector<1x128xi32>
    %add3A_3631 = arith.constant 32767 : i32
    %add3A_3632 = vector.broadcast %add3A_3631 : i32 to vector<1x128xi32>
    %add3A_3633 = arith.addi %bitcast_convert_type3A_3630, %add3A_3632 : vector<1x128xi32>
    %shift_right_logical3A_3634 = arith.constant 16 : i32
    %shift_right_logical3A_3635 = vector.broadcast %shift_right_logical3A_3634 : i32 to vector<1x128xi32>
    %shift_right_logical3A_3636 = arith.shrui %bitcast_convert_type3A_3630, %shift_right_logical3A_3635 : vector<1x128xi32>
    %and3A_3637 = arith.constant 1 : i32
    %and3A_3638 = vector.broadcast %and3A_3637 : i32 to vector<1x128xi32>
    %and3A_3639 = arith.andi %shift_right_logical3A_3636, %and3A_3638 : vector<1x128xi32>
    %add3A_3640 = arith.addi %add3A_3633, %and3A_3639 : vector<1x128xi32>
    %shift_right_logical3A_3641 = arith.constant 16 : i32
    %shift_right_logical3A_3642 = vector.broadcast %shift_right_logical3A_3641 : i32 to vector<1x128xi32>
    %shift_right_logical3A_3643 = arith.shrui %add3A_3640, %shift_right_logical3A_3642 : vector<1x128xi32>
    %shift_left3A_3644 = arith.constant 16 : i32
    %shift_left3A_3645 = vector.broadcast %shift_left3A_3644 : i32 to vector<1x128xi32>
    %shift_left3A_3646 = arith.shli %shift_right_logical3A_3643, %shift_left3A_3645 : vector<1x128xi32>
    %or3A_3647 = arith.ori %shift_right_logical3A_3616, %shift_left3A_3646 : vector<1x128xi32>
    %swap3A_3648 = arith.constant 59 : index
    %swap3A_3649 = arith.constant 0 : index
    %swap3A_3650 = vector.load %arg4[%swap3A_3648, %swap3A_3649] : memref<64x128xi32, #tpu.memory_space<vmem>>, vector<1x128xi32>
    tpu.vector_store %arg4[%swap3A_3648, %swap3A_3649], %or3A_3647 {strides = array<i32>} : memref<64x128xi32, #tpu.memory_space<vmem>>, vector<1x128xi32>,
    %get3A_3651 = arith.constant 7680 : index
    %get3A_3652 = arith.constant 0 : index
    %get3A_3653 = vector.load %arg1[%get3A_3651, %get3A_3652] : memref<16384x128xf32, #tpu.memory_space<vmem>>, vector<128x128xf32>
    %get3A_3654 = arith.constant 0 : index
    %get3A_3655 = arith.constant 0 : index
    %get3A_3656 = vector.load %arg2[%get3A_3654, %get3A_3655] : memref<1x128xf32, #tpu.memory_space<vmem>>, vector<1x128xf32>
    %dot_general3A_3657 = arith.constant dense<0.000000e+00> : vector<1x128xf32>
    %dot_general3A_3658 = tpu.matmul %get3A_3656, %get3A_3653, %dot_general3A_3657 {dimension_numbers = #tpu.dot_dimension_numbers<[1], [1], [0], [0], [0, 0, 1, 0], [], []>, transpose_lhs_hint = false} : vector<1x128xf32>, vector<128x128xf32>, vector<1x128xf32> -> vector<1x128xf32>
    %get3A_3659 = arith.constant 0 : index
    %get3A_3660 = vector.load %arg3[%get3A_3659] : memref<1xf32, #tpu.memory_space<vmem>>, vector<1xf32>
    %get3A_3661 = vector.extract %get3A_3660[0] : f32 from vector<1xf32>
    %add3A_3662 = vector.broadcast %get3A_3661 : f32 to vector<1x128xf32>
    %add3A_3663 = arith.addf %dot_general3A_3658, %add3A_3662 : vector<1x128xf32>
    %bitcast_convert_type3A_3664 = tpu.bitcast %add3A_3663 : vector<1x128xf32> -> vector<1x128xi32>
    %add3A_3665 = arith.constant 32767 : i32
    %add3A_3666 = vector.broadcast %add3A_3665 : i32 to vector<1x128xi32>
    %add3A_3667 = arith.addi %bitcast_convert_type3A_3664, %add3A_3666 : vector<1x128xi32>
    %shift_right_logical3A_3668 = arith.constant 16 : i32
    %shift_right_logical3A_3669 = vector.broadcast %shift_right_logical3A_3668 : i32 to vector<1x128xi32>
    %shift_right_logical3A_3670 = arith.shrui %bitcast_convert_type3A_3664, %shift_right_logical3A_3669 : vector<1x128xi32>
    %and3A_3671 = arith.constant 1 : i32
    %and3A_3672 = vector.broadcast %and3A_3671 : i32 to vector<1x128xi32>
    %and3A_3673 = arith.andi %shift_right_logical3A_3670, %and3A_3672 : vector<1x128xi32>
    %add3A_3674 = arith.addi %add3A_3667, %and3A_3673 : vector<1x128xi32>
    %shift_right_logical3A_3675 = arith.constant 16 : i32
    %shift_right_logical3A_3676 = vector.broadcast %shift_right_logical3A_3675 : i32 to vector<1x128xi32>
    %shift_right_logical3A_3677 = arith.shrui %add3A_3674, %shift_right_logical3A_3676 : vector<1x128xi32>
    %get3A_3678 = arith.constant 15872 : index
    %get3A_3679 = arith.constant 0 : index
    %get3A_3680 = vector.load %arg1[%get3A_3678, %get3A_3679] : memref<16384x128xf32, #tpu.memory_space<vmem>>, vector<128x128xf32>
    %get3A_3681 = arith.constant 0 : index
    %get3A_3682 = arith.constant 0 : index
    %get3A_3683 = vector.load %arg2[%get3A_3681, %get3A_3682] : memref<1x128xf32, #tpu.memory_space<vmem>>, vector<1x128xf32>
    %dot_general3A_3684 = arith.constant dense<0.000000e+00> : vector<1x128xf32>
    %dot_general3A_3685 = tpu.matmul %get3A_3683, %get3A_3680, %dot_general3A_3684 {dimension_numbers = #tpu.dot_dimension_numbers<[1], [1], [0], [0], [0, 0, 1, 0], [], []>, transpose_lhs_hint = false} : vector<1x128xf32>, vector<128x128xf32>, vector<1x128xf32> -> vector<1x128xf32>
    %get3A_3686 = arith.constant 0 : index
    %get3A_3687 = vector.load %arg3[%get3A_3686] : memref<1xf32, #tpu.memory_space<vmem>>, vector<1xf32>
    %get3A_3688 = vector.extract %get3A_3687[0] : f32 from vector<1xf32>
    %add3A_3689 = vector.broadcast %get3A_3688 : f32 to vector<1x128xf32>
    %add3A_3690 = arith.addf %dot_general3A_3685, %add3A_3689 : vector<1x128xf32>
    %bitcast_convert_type3A_3691 = tpu.bitcast %add3A_3690 : vector<1x128xf32> -> vector<1x128xi32>
    %add3A_3692 = arith.constant 32767 : i32
    %add3A_3693 = vector.broadcast %add3A_3692 : i32 to vector<1x128xi32>
    %add3A_3694 = arith.addi %bitcast_convert_type3A_3691, %add3A_3693 : vector<1x128xi32>
    %shift_right_logical3A_3695 = arith.constant 16 : i32
    %shift_right_logical3A_3696 = vector.broadcast %shift_right_logical3A_3695 : i32 to vector<1x128xi32>
    %shift_right_logical3A_3697 = arith.shrui %bitcast_convert_type3A_3691, %shift_right_logical3A_3696 : vector<1x128xi32>
    %and3A_3698 = arith.constant 1 : i32
    %and3A_3699 = vector.broadcast %and3A_3698 : i32 to vector<1x128xi32>
    %and3A_3700 = arith.andi %shift_right_logical3A_3697, %and3A_3699 : vector<1x128xi32>
    %add3A_3701 = arith.addi %add3A_3694, %and3A_3700 : vector<1x128xi32>
    %shift_right_logical3A_3702 = arith.constant 16 : i32
    %shift_right_logical3A_3703 = vector.broadcast %shift_right_logical3A_3702 : i32 to vector<1x128xi32>
    %shift_right_logical3A_3704 = arith.shrui %add3A_3701, %shift_right_logical3A_3703 : vector<1x128xi32>
    %shift_left3A_3705 = arith.constant 16 : i32
    %shift_left3A_3706 = vector.broadcast %shift_left3A_3705 : i32 to vector<1x128xi32>
    %shift_left3A_3707 = arith.shli %shift_right_logical3A_3704, %shift_left3A_3706 : vector<1x128xi32>
    %or3A_3708 = arith.ori %shift_right_logical3A_3677, %shift_left3A_3707 : vector<1x128xi32>
    %swap3A_3709 = arith.constant 60 : index
    %swap3A_3710 = arith.constant 0 : index
    %swap3A_3711 = vector.load %arg4[%swap3A_3709, %swap3A_3710] : memref<64x128xi32, #tpu.memory_space<vmem>>, vector<1x128xi32>
    tpu.vector_store %arg4[%swap3A_3709, %swap3A_3710], %or3A_3708 {strides = array<i32>} : memref<64x128xi32, #tpu.memory_space<vmem>>, vector<1x128xi32>,
    %get3A_3712 = arith.constant 7808 : index
    %get3A_3713 = arith.constant 0 : index
    %get3A_3714 = vector.load %arg1[%get3A_3712, %get3A_3713] : memref<16384x128xf32, #tpu.memory_space<vmem>>, vector<128x128xf32>
    %get3A_3715 = arith.constant 0 : index
    %get3A_3716 = arith.constant 0 : index
    %get3A_3717 = vector.load %arg2[%get3A_3715, %get3A_3716] : memref<1x128xf32, #tpu.memory_space<vmem>>, vector<1x128xf32>
    %dot_general3A_3718 = arith.constant dense<0.000000e+00> : vector<1x128xf32>
    %dot_general3A_3719 = tpu.matmul %get3A_3717, %get3A_3714, %dot_general3A_3718 {dimension_numbers = #tpu.dot_dimension_numbers<[1], [1], [0], [0], [0, 0, 1, 0], [], []>, transpose_lhs_hint = false} : vector<1x128xf32>, vector<128x128xf32>, vector<1x128xf32> -> vector<1x128xf32>
    %get3A_3720 = arith.constant 0 : index
    %get3A_3721 = vector.load %arg3[%get3A_3720] : memref<1xf32, #tpu.memory_space<vmem>>, vector<1xf32>
    %get3A_3722 = vector.extract %get3A_3721[0] : f32 from vector<1xf32>
    %add3A_3723 = vector.broadcast %get3A_3722 : f32 to vector<1x128xf32>
    %add3A_3724 = arith.addf %dot_general3A_3719, %add3A_3723 : vector<1x128xf32>
    %bitcast_convert_type3A_3725 = tpu.bitcast %add3A_3724 : vector<1x128xf32> -> vector<1x128xi32>
    %add3A_3726 = arith.constant 32767 : i32
    %add3A_3727 = vector.broadcast %add3A_3726 : i32 to vector<1x128xi32>
    %add3A_3728 = arith.addi %bitcast_convert_type3A_3725, %add3A_3727 : vector<1x128xi32>
    %shift_right_logical3A_3729 = arith.constant 16 : i32
    %shift_right_logical3A_3730 = vector.broadcast %shift_right_logical3A_3729 : i32 to vector<1x128xi32>
    %shift_right_logical3A_3731 = arith.shrui %bitcast_convert_type3A_3725, %shift_right_logical3A_3730 : vector<1x128xi32>
    %and3A_3732 = arith.constant 1 : i32
    %and3A_3733 = vector.broadcast %and3A_3732 : i32 to vector<1x128xi32>
    %and3A_3734 = arith.andi %shift_right_logical3A_3731, %and3A_3733 : vector<1x128xi32>
    %add3A_3735 = arith.addi %add3A_3728, %and3A_3734 : vector<1x128xi32>
    %shift_right_logical3A_3736 = arith.constant 16 : i32
    %shift_right_logical3A_3737 = vector.broadcast %shift_right_logical3A_3736 : i32 to vector<1x128xi32>
    %shift_right_logical3A_3738 = arith.shrui %add3A_3735, %shift_right_logical3A_3737 : vector<1x128xi32>
    %get3A_3739 = arith.constant 16000 : index
    %get3A_3740 = arith.constant 0 : index
    %get3A_3741 = vector.load %arg1[%get3A_3739, %get3A_3740] : memref<16384x128xf32, #tpu.memory_space<vmem>>, vector<128x128xf32>
    %get3A_3742 = arith.constant 0 : index
    %get3A_3743 = arith.constant 0 : index
    %get3A_3744 = vector.load %arg2[%get3A_3742, %get3A_3743] : memref<1x128xf32, #tpu.memory_space<vmem>>, vector<1x128xf32>
    %dot_general3A_3745 = arith.constant dense<0.000000e+00> : vector<1x128xf32>
    %dot_general3A_3746 = tpu.matmul %get3A_3744, %get3A_3741, %dot_general3A_3745 {dimension_numbers = #tpu.dot_dimension_numbers<[1], [1], [0], [0], [0, 0, 1, 0], [], []>, transpose_lhs_hint = false} : vector<1x128xf32>, vector<128x128xf32>, vector<1x128xf32> -> vector<1x128xf32>
    %get3A_3747 = arith.constant 0 : index
    %get3A_3748 = vector.load %arg3[%get3A_3747] : memref<1xf32, #tpu.memory_space<vmem>>, vector<1xf32>
    %get3A_3749 = vector.extract %get3A_3748[0] : f32 from vector<1xf32>
    %add3A_3750 = vector.broadcast %get3A_3749 : f32 to vector<1x128xf32>
    %add3A_3751 = arith.addf %dot_general3A_3746, %add3A_3750 : vector<1x128xf32>
    %bitcast_convert_type3A_3752 = tpu.bitcast %add3A_3751 : vector<1x128xf32> -> vector<1x128xi32>
    %add3A_3753 = arith.constant 32767 : i32
    %add3A_3754 = vector.broadcast %add3A_3753 : i32 to vector<1x128xi32>
    %add3A_3755 = arith.addi %bitcast_convert_type3A_3752, %add3A_3754 : vector<1x128xi32>
    %shift_right_logical3A_3756 = arith.constant 16 : i32
    %shift_right_logical3A_3757 = vector.broadcast %shift_right_logical3A_3756 : i32 to vector<1x128xi32>
    %shift_right_logical3A_3758 = arith.shrui %bitcast_convert_type3A_3752, %shift_right_logical3A_3757 : vector<1x128xi32>
    %and3A_3759 = arith.constant 1 : i32
    %and3A_3760 = vector.broadcast %and3A_3759 : i32 to vector<1x128xi32>
    %and3A_3761 = arith.andi %shift_right_logical3A_3758, %and3A_3760 : vector<1x128xi32>
    %add3A_3762 = arith.addi %add3A_3755, %and3A_3761 : vector<1x128xi32>
    %shift_right_logical3A_3763 = arith.constant 16 : i32
    %shift_right_logical3A_3764 = vector.broadcast %shift_right_logical3A_3763 : i32 to vector<1x128xi32>
    %shift_right_logical3A_3765 = arith.shrui %add3A_3762, %shift_right_logical3A_3764 : vector<1x128xi32>
    %shift_left3A_3766 = arith.constant 16 : i32
    %shift_left3A_3767 = vector.broadcast %shift_left3A_3766 : i32 to vector<1x128xi32>
    %shift_left3A_3768 = arith.shli %shift_right_logical3A_3765, %shift_left3A_3767 : vector<1x128xi32>
    %or3A_3769 = arith.ori %shift_right_logical3A_3738, %shift_left3A_3768 : vector<1x128xi32>
    %swap3A_3770 = arith.constant 61 : index
    %swap3A_3771 = arith.constant 0 : index
    %swap3A_3772 = vector.load %arg4[%swap3A_3770, %swap3A_3771] : memref<64x128xi32, #tpu.memory_space<vmem>>, vector<1x128xi32>
    tpu.vector_store %arg4[%swap3A_3770, %swap3A_3771], %or3A_3769 {strides = array<i32>} : memref<64x128xi32, #tpu.memory_space<vmem>>, vector<1x128xi32>,
    %get3A_3773 = arith.constant 7936 : index
    %get3A_3774 = arith.constant 0 : index
    %get3A_3775 = vector.load %arg1[%get3A_3773, %get3A_3774] : memref<16384x128xf32, #tpu.memory_space<vmem>>, vector<128x128xf32>
    %get3A_3776 = arith.constant 0 : index
    %get3A_3777 = arith.constant 0 : index
    %get3A_3778 = vector.load %arg2[%get3A_3776, %get3A_3777] : memref<1x128xf32, #tpu.memory_space<vmem>>, vector<1x128xf32>
    %dot_general3A_3779 = arith.constant dense<0.000000e+00> : vector<1x128xf32>
    %dot_general3A_3780 = tpu.matmul %get3A_3778, %get3A_3775, %dot_general3A_3779 {dimension_numbers = #tpu.dot_dimension_numbers<[1], [1], [0], [0], [0, 0, 1, 0], [], []>, transpose_lhs_hint = false} : vector<1x128xf32>, vector<128x128xf32>, vector<1x128xf32> -> vector<1x128xf32>
    %get3A_3781 = arith.constant 0 : index
    %get3A_3782 = vector.load %arg3[%get3A_3781] : memref<1xf32, #tpu.memory_space<vmem>>, vector<1xf32>
    %get3A_3783 = vector.extract %get3A_3782[0] : f32 from vector<1xf32>
    %add3A_3784 = vector.broadcast %get3A_3783 : f32 to vector<1x128xf32>
    %add3A_3785 = arith.addf %dot_general3A_3780, %add3A_3784 : vector<1x128xf32>
    %bitcast_convert_type3A_3786 = tpu.bitcast %add3A_3785 : vector<1x128xf32> -> vector<1x128xi32>
    %add3A_3787 = arith.constant 32767 : i32
    %add3A_3788 = vector.broadcast %add3A_3787 : i32 to vector<1x128xi32>
    %add3A_3789 = arith.addi %bitcast_convert_type3A_3786, %add3A_3788 : vector<1x128xi32>
    %shift_right_logical3A_3790 = arith.constant 16 : i32
    %shift_right_logical3A_3791 = vector.broadcast %shift_right_logical3A_3790 : i32 to vector<1x128xi32>
    %shift_right_logical3A_3792 = arith.shrui %bitcast_convert_type3A_3786, %shift_right_logical3A_3791 : vector<1x128xi32>
    %and3A_3793 = arith.constant 1 : i32
    %and3A_3794 = vector.broadcast %and3A_3793 : i32 to vector<1x128xi32>
    %and3A_3795 = arith.andi %shift_right_logical3A_3792, %and3A_3794 : vector<1x128xi32>
    %add3A_3796 = arith.addi %add3A_3789, %and3A_3795 : vector<1x128xi32>
    %shift_right_logical3A_3797 = arith.constant 16 : i32
    %shift_right_logical3A_3798 = vector.broadcast %shift_right_logical3A_3797 : i32 to vector<1x128xi32>
    %shift_right_logical3A_3799 = arith.shrui %add3A_3796, %shift_right_logical3A_3798 : vector<1x128xi32>
    %get3A_3800 = arith.constant 16128 : index
    %get3A_3801 = arith.constant 0 : index
    %get3A_3802 = vector.load %arg1[%get3A_3800, %get3A_3801] : memref<16384x128xf32, #tpu.memory_space<vmem>>, vector<128x128xf32>
    %get3A_3803 = arith.constant 0 : index
    %get3A_3804 = arith.constant 0 : index
    %get3A_3805 = vector.load %arg2[%get3A_3803, %get3A_3804] : memref<1x128xf32, #tpu.memory_space<vmem>>, vector<1x128xf32>
    %dot_general3A_3806 = arith.constant dense<0.000000e+00> : vector<1x128xf32>
    %dot_general3A_3807 = tpu.matmul %get3A_3805, %get3A_3802, %dot_general3A_3806 {dimension_numbers = #tpu.dot_dimension_numbers<[1], [1], [0], [0], [0, 0, 1, 0], [], []>, transpose_lhs_hint = false} : vector<1x128xf32>, vector<128x128xf32>, vector<1x128xf32> -> vector<1x128xf32>
    %get3A_3808 = arith.constant 0 : index
    %get3A_3809 = vector.load %arg3[%get3A_3808] : memref<1xf32, #tpu.memory_space<vmem>>, vector<1xf32>
    %get3A_3810 = vector.extract %get3A_3809[0] : f32 from vector<1xf32>
    %add3A_3811 = vector.broadcast %get3A_3810 : f32 to vector<1x128xf32>
    %add3A_3812 = arith.addf %dot_general3A_3807, %add3A_3811 : vector<1x128xf32>
    %bitcast_convert_type3A_3813 = tpu.bitcast %add3A_3812 : vector<1x128xf32> -> vector<1x128xi32>
    %add3A_3814 = arith.constant 32767 : i32
    %add3A_3815 = vector.broadcast %add3A_3814 : i32 to vector<1x128xi32>
    %add3A_3816 = arith.addi %bitcast_convert_type3A_3813, %add3A_3815 : vector<1x128xi32>
    %shift_right_logical3A_3817 = arith.constant 16 : i32
    %shift_right_logical3A_3818 = vector.broadcast %shift_right_logical3A_3817 : i32 to vector<1x128xi32>
    %shift_right_logical3A_3819 = arith.shrui %bitcast_convert_type3A_3813, %shift_right_logical3A_3818 : vector<1x128xi32>
    %and3A_3820 = arith.constant 1 : i32
    %and3A_3821 = vector.broadcast %and3A_3820 : i32 to vector<1x128xi32>
    %and3A_3822 = arith.andi %shift_right_logical3A_3819, %and3A_3821 : vector<1x128xi32>
    %add3A_3823 = arith.addi %add3A_3816, %and3A_3822 : vector<1x128xi32>
    %shift_right_logical3A_3824 = arith.constant 16 : i32
    %shift_right_logical3A_3825 = vector.broadcast %shift_right_logical3A_3824 : i32 to vector<1x128xi32>
    %shift_right_logical3A_3826 = arith.shrui %add3A_3823, %shift_right_logical3A_3825 : vector<1x128xi32>
    %shift_left3A_3827 = arith.constant 16 : i32
    %shift_left3A_3828 = vector.broadcast %shift_left3A_3827 : i32 to vector<1x128xi32>
    %shift_left3A_3829 = arith.shli %shift_right_logical3A_3826, %shift_left3A_3828 : vector<1x128xi32>
    %or3A_3830 = arith.ori %shift_right_logical3A_3799, %shift_left3A_3829 : vector<1x128xi32>
    %swap3A_3831 = arith.constant 62 : index
    %swap3A_3832 = arith.constant 0 : index
    %swap3A_3833 = vector.load %arg4[%swap3A_3831, %swap3A_3832] : memref<64x128xi32, #tpu.memory_space<vmem>>, vector<1x128xi32>
    tpu.vector_store %arg4[%swap3A_3831, %swap3A_3832], %or3A_3830 {strides = array<i32>} : memref<64x128xi32, #tpu.memory_space<vmem>>, vector<1x128xi32>,
    %get3A_3834 = arith.constant 8064 : index
    %get3A_3835 = arith.constant 0 : index
    %get3A_3836 = vector.load %arg1[%get3A_3834, %get3A_3835] : memref<16384x128xf32, #tpu.memory_space<vmem>>, vector<128x128xf32>
    %get3A_3837 = arith.constant 0 : index
    %get3A_3838 = arith.constant 0 : index
    %get3A_3839 = vector.load %arg2[%get3A_3837, %get3A_3838] : memref<1x128xf32, #tpu.memory_space<vmem>>, vector<1x128xf32>
    %dot_general3A_3840 = arith.constant dense<0.000000e+00> : vector<1x128xf32>
    %dot_general3A_3841 = tpu.matmul %get3A_3839, %get3A_3836, %dot_general3A_3840 {dimension_numbers = #tpu.dot_dimension_numbers<[1], [1], [0], [0], [0, 0, 1, 0], [], []>, transpose_lhs_hint = false} : vector<1x128xf32>, vector<128x128xf32>, vector<1x128xf32> -> vector<1x128xf32>
    %get3A_3842 = arith.constant 0 : index
    %get3A_3843 = vector.load %arg3[%get3A_3842] : memref<1xf32, #tpu.memory_space<vmem>>, vector<1xf32>
    %get3A_3844 = vector.extract %get3A_3843[0] : f32 from vector<1xf32>
    %add3A_3845 = vector.broadcast %get3A_3844 : f32 to vector<1x128xf32>
    %add3A_3846 = arith.addf %dot_general3A_3841, %add3A_3845 : vector<1x128xf32>
    %bitcast_convert_type3A_3847 = tpu.bitcast %add3A_3846 : vector<1x128xf32> -> vector<1x128xi32>
    %add3A_3848 = arith.constant 32767 : i32
    %add3A_3849 = vector.broadcast %add3A_3848 : i32 to vector<1x128xi32>
    %add3A_3850 = arith.addi %bitcast_convert_type3A_3847, %add3A_3849 : vector<1x128xi32>
    %shift_right_logical3A_3851 = arith.constant 16 : i32
    %shift_right_logical3A_3852 = vector.broadcast %shift_right_logical3A_3851 : i32 to vector<1x128xi32>
    %shift_right_logical3A_3853 = arith.shrui %bitcast_convert_type3A_3847, %shift_right_logical3A_3852 : vector<1x128xi32>
    %and3A_3854 = arith.constant 1 : i32
    %and3A_3855 = vector.broadcast %and3A_3854 : i32 to vector<1x128xi32>
    %and3A_3856 = arith.andi %shift_right_logical3A_3853, %and3A_3855 : vector<1x128xi32>
    %add3A_3857 = arith.addi %add3A_3850, %and3A_3856 : vector<1x128xi32>
    %shift_right_logical3A_3858 = arith.constant 16 : i32
    %shift_right_logical3A_3859 = vector.broadcast %shift_right_logical3A_3858 : i32 to vector<1x128xi32>
    %shift_right_logical3A_3860 = arith.shrui %add3A_3857, %shift_right_logical3A_3859 : vector<1x128xi32>
    %get3A_3861 = arith.constant 16256 : index
    %get3A_3862 = arith.constant 0 : index
    %get3A_3863 = vector.load %arg1[%get3A_3861, %get3A_3862] : memref<16384x128xf32, #tpu.memory_space<vmem>>, vector<128x128xf32>
    %get3A_3864 = arith.constant 0 : index
    %get3A_3865 = arith.constant 0 : index
    %get3A_3866 = vector.load %arg2[%get3A_3864, %get3A_3865] : memref<1x128xf32, #tpu.memory_space<vmem>>, vector<1x128xf32>
    %dot_general3A_3867 = arith.constant dense<0.000000e+00> : vector<1x128xf32>
    %dot_general3A_3868 = tpu.matmul %get3A_3866, %get3A_3863, %dot_general3A_3867 {dimension_numbers = #tpu.dot_dimension_numbers<[1], [1], [0], [0], [0, 0, 1, 0], [], []>, transpose_lhs_hint = false} : vector<1x128xf32>, vector<128x128xf32>, vector<1x128xf32> -> vector<1x128xf32>
    %get3A_3869 = arith.constant 0 : index
    %get3A_3870 = vector.load %arg3[%get3A_3869] : memref<1xf32, #tpu.memory_space<vmem>>, vector<1xf32>
    %get3A_3871 = vector.extract %get3A_3870[0] : f32 from vector<1xf32>
    %add3A_3872 = vector.broadcast %get3A_3871 : f32 to vector<1x128xf32>
    %add3A_3873 = arith.addf %dot_general3A_3868, %add3A_3872 : vector<1x128xf32>
    %bitcast_convert_type3A_3874 = tpu.bitcast %add3A_3873 : vector<1x128xf32> -> vector<1x128xi32>
    %add3A_3875 = arith.constant 32767 : i32
    %add3A_3876 = vector.broadcast %add3A_3875 : i32 to vector<1x128xi32>
    %add3A_3877 = arith.addi %bitcast_convert_type3A_3874, %add3A_3876 : vector<1x128xi32>
    %shift_right_logical3A_3878 = arith.constant 16 : i32
    %shift_right_logical3A_3879 = vector.broadcast %shift_right_logical3A_3878 : i32 to vector<1x128xi32>
    %shift_right_logical3A_3880 = arith.shrui %bitcast_convert_type3A_3874, %shift_right_logical3A_3879 : vector<1x128xi32>
    %and3A_3881 = arith.constant 1 : i32
    %and3A_3882 = vector.broadcast %and3A_3881 : i32 to vector<1x128xi32>
    %and3A_3883 = arith.andi %shift_right_logical3A_3880, %and3A_3882 : vector<1x128xi32>
    %add3A_3884 = arith.addi %add3A_3877, %and3A_3883 : vector<1x128xi32>
    %shift_right_logical3A_3885 = arith.constant 16 : i32
    %shift_right_logical3A_3886 = vector.broadcast %shift_right_logical3A_3885 : i32 to vector<1x128xi32>
    %shift_right_logical3A_3887 = arith.shrui %add3A_3884, %shift_right_logical3A_3886 : vector<1x128xi32>
    %shift_left3A_3888 = arith.constant 16 : i32
    %shift_left3A_3889 = vector.broadcast %shift_left3A_3888 : i32 to vector<1x128xi32>
    %shift_left3A_3890 = arith.shli %shift_right_logical3A_3887, %shift_left3A_3889 : vector<1x128xi32>
    %or3A_3891 = arith.ori %shift_right_logical3A_3860, %shift_left3A_3890 : vector<1x128xi32>
    %swap3A_3892 = arith.constant 63 : index
    %swap3A_3893 = arith.constant 0 : index
    %swap3A_3894 = vector.load %arg4[%swap3A_3892, %swap3A_3893] : memref<64x128xi32, #tpu.memory_space<vmem>>, vector<1x128xi32>
    tpu.vector_store %arg4[%swap3A_3892, %swap3A_3893], %or3A_3891 {strides = array<i32>} : memref<64x128xi32, #tpu.memory_space<vmem>>, vector<1x128xi32>,
    return
  }
  func.func @transform_0(%arg0: i32) -> (i32, i32) {
    %c0_i32 = arith.constant 0 : i32
    %c0_i32_0 = arith.constant 0 : i32
    return %arg0, %c0_i32 : i32, i32
  }
  func.func @transform_1(%arg0: i32) -> (i32, i32) {
    %c0_i32 = arith.constant 0 : i32
    %c0_i32_0 = arith.constant 0 : i32
    %c0_i32_1 = arith.constant 0 : i32
    return %c0_i32, %c0_i32_0 : i32, i32
  }
  func.func @transform_2(%arg0: i32) -> i32 {
    %c0_i32 = arith.constant 0 : i32
    %c0_i32_0 = arith.constant 0 : i32
    return %c0_i32 : i32
  }
  func.func @transform_3(%arg0: i32) -> (i32, i32) {
    %c0_i32 = arith.constant 0 : i32
    %c0_i32_0 = arith.constant 0 : i32
    return %arg0, %c0_i32 : i32, i32
  }
}

module attributes {stable_mosaic.version = 14 : i64} {
  func.func @_finalize_body(%arg0: memref<32x64xf32, #tpu.memory_space<vmem>>, %arg1: memref<64xf32, #tpu.memory_space<vmem>>) attributes {dimension_semantics = [], scalar_prefetch = 0 : i64, scratch_operands = 0 : i64, tpu.core_type = #tpu.core_type<tc>} {
    %get3A = arith.constant 0 : index
    %get3A_0 = arith.constant 0 : index
    %get3A_1 = vector.load %arg0[%get3A, %get3A_0] : memref<32x64xf32, #tpu.memory_space<vmem>>, vector<32x64xf32>
    %reduce_sum3A = arith.constant dense<0.000000e+00> : vector<64xf32>
    %reduce_sum3A_2 = vector.multi_reduction <add>, %get3A_1, %reduce_sum3A [0] : vector<32x64xf32> to vector<64xf32>
    %mul3A = arith.constant 2.44140625E-4 : f32
    %mul3A_3 = vector.broadcast %mul3A : f32 to vector<64xf32>
    %mul3A_4 = arith.mulf %reduce_sum3A_2, %mul3A_3 : vector<64xf32>
    %logistic3A = arith.negf %mul3A_4 : vector<64xf32>
    %logistic3A_5 = math.exp %logistic3A : vector<64xf32>
    %logistic3A_6 = arith.constant 1.000000e+00 : f32
    %logistic3A_7 = vector.broadcast %logistic3A_6 : f32 to vector<64xf32>
    %logistic3A_8 = arith.addf %logistic3A_7, %logistic3A_5 : vector<64xf32>
    %logistic3A_9 = arith.divf %logistic3A_7, %logistic3A_8 : vector<64xf32>
    %swap3A = arith.constant 0 : index
    %swap3A_10 = vector.load %arg1[%swap3A] : memref<64xf32, #tpu.memory_space<vmem>>, vector<64xf32>
    tpu.vector_store %arg1[%swap3A], %logistic3A_9 {strides = array<i32>} : memref<64xf32, #tpu.memory_space<vmem>>, vector<64xf32>,
    return
  }
}

</mosaic_0001>

<sc_bundles>
// kernel: kernel.5.cloned.1.call-start
scs
__scs_entry_jumppad:
0x0: {  	(pc) =	sbr.rel $0x88, $3  }
0x1: {  	(tag) =	ssettag $0x0;
	lr =	simm.s32 $0x1  }
0x2: {  	[smem:$0x3F9D] =	sst lr;
	_ =	strace $0xD0000000  }
0x3: {  	_ = 	snop  }
0x4: {  	_ = 	snop  }
0x5: {  	_ = 	snop  }
0x6: {  	_ = 	snop  }
0x7: {  	_ = 	snop  }
__scs_overlays_trampoline_lowered:
0x8: {  	[smem:$0x3FAC] =	sst s0  }
0x9: {  	[smem:$0x3FAD] =	sst s1  }
0xa: {  	[smem:$0x3FAE] =	sst s2  }
0xb: {  	[smem:$0x3FAF] =	sst s3  }
0xc: {  	[smem:$0x3FB0] =	sst s4  }
0xd: {  	[smem:$0x3FB1] =	sst s5  }
0xe: {  	[smem:$0x3FB2] =	sst s6  }
0xf: {  	[smem:$0x3FB3] =	sst s7  }
0x10: {  	[smem:$0x3FB4] =	sst s8  }
0x11: {  	[smem:$0x3FB5] =	sst s9;
	s0 =	simm.s32 @!p0 $0x0  }
0x12: {  	s1 =	sld [smem:$0x3F9B];
	s0 =	simm.s32 @p0 $0x1  }
0x13: {  	[smem:$0x3FB6] =	sst s0;
	s0 =	simm.s32 @!p1 $0x0  }
0x14: {  	s2 =	sld [smem:$0x3F9A];
	s0 =	simm.s32 @p1 $0x1  }
0x15: {  	[smem:$0x3FB7] =	sst s0;
	s0 =	simm.s32 @!p2 $0x0  }
0x16: {  	s3 =	sld [smem:$0x3FDB];
	s0 =	simm.s32 @p2 $0x1  }
0x17: {  	s4 =	simm.s32 $0x1BF5;
	[smem:$0x3FB9] =	sst s0  }
0x18: {  	s0 =	sld [smem:$0x3F9C];
	_ =	swait.ge [sflag:s4], $0x0  }
0x19: {  	s7 =	sld [smem:$0x3F9D]  }
0x1a: {  	s8 =	sadd.s32 $0xFFFFE003, lr  }
0x1b: {  	s9 =	sadd.s32 $0xFFFFFEF7, lr;
	s5 =	simm.s32 $0xFFFFFFFF;
	p2 =	slt.u32 s8, $0xFFFFF086  }
0x1c: {  	p1 =	slt.u32 s9, $0xF7A;
	s5 =	simm.s32 @!p2 $0x0  }
0x1d: {  	s5 =	simm.s32 @p1 $0x1;
	p0 =	seq.s32 s7, s2  }
0x1e: {  	s7 =	smul.u32 @!p0 $0xF7A, s2;
	p2 =	seq.s32 @!p0 s5, $0x0  }
0x1f: {  	s9 =	smul.u32 $0xF7A, s1;
	s8 =	simm.s32 @!p0 $0x1BF5;
	p2 =	por !p2, p0  }
0x20: {  	[sflag:s8] =	ssyncset.s32 @!p0 $0xFFFFF086;
	s6 =	sadd.s32 @!p0 s3, s7;
	s7 =	simm.s32 @!p0 $0x108  }
0x21: {  	s3 =	sadd.s32 s3, s9;
	s6 =	sadd.s32 @!p0 $0x88, s6;
	s7 =	simm.s32 @p2 $0x1082  }
0x22: {  	[simem:s7], [sflag:s8] =	dma.local @!p0 [hbm:s6], $0xF7A  }
0x23: {  	s9 =	sor.u32 $0xD0000000, s2;
	s6 =	simm.s32 $0x108;
	_ =	swait.ge @!p0 [sflag:s8], $0x0  }
0x24: {  	s3 =	sadd.s32 $0x88, s3;
	s6 =	simm.s32 @!p1 $0x1082;
	[sflag:s4] =	ssyncset.s32 $0xFFFFF086  }
0x25: {  	[simem:s6], [sflag:s4] =	dma.local [hbm:s3], $0xF7A  }
0x26: {  	[smem:$0x3F9D] =	sst s1;
	(tag) =	ssettag s2;
	_ =	strace s9  }
0x27: {  	s1 =	sld [smem:$0x3FAD]  }
0x28: {  	s2 =	sld [smem:$0x3FAE]  }
0x29: {  	s4 =	sld [smem:$0x3FB0]  }
0x2a: {  	p0 =	seq.s32 s5, $0x0;
	s5 =	sld [smem:$0x3FB1]  }
0x2b: {  	s6 =	sld [smem:$0x3FB2]  }
0x2c: {  	s7 =	sld [smem:$0x3FB3]  }
0x2d: {  	s3 =	simm.s32 $0x108;
	s8 =	sld [smem:$0x3FB4]  }
0x2e: {  	s3 =	simm.s32 @!p0 $0x1082;
	s9 =	sld [smem:$0x3FB5]  }
0x2f: {  	lr =	sadd.s32 s0, s3;
	s0 =	sld [smem:$0x3FAC]  }
0x30: {  	s3 =	sld [smem:$0x3FAF]  }
0x31: {  	[smem:$0x3FB8] =	sst s10  }
0x32: {  	s10 =	sld [smem:$0x3FB6];
	_ =	sdelay $0x3  }
0x33: {  	p0 =	seq.s32 s10, $0x1;
	s10 =	sld [smem:$0x3FB8];
	_ =	sdelay $0x3  }
0x34: {  	[smem:$0x3FB8] =	sst s10  }
0x35: {  	s10 =	sld [smem:$0x3FB7];
	_ =	sdelay $0x3  }
0x36: {  	p1 =	seq.s32 s10, $0x1;
	s10 =	sld [smem:$0x3FB8];
	_ =	sdelay $0x3  }
0x37: {  	[smem:$0x3FB8] =	sst s10  }
0x38: {  	s10 =	sld [smem:$0x3FB9]  }
0x39: {  	_ = 	snop;
	(pc) =	sbr.ind lr, $3  }
0x3a: {  	_ = 	snop  }
0x3b: {  	_ = 	snop  }
0x3c: {  	p2 =	seq.s32 s10, $0x1;
	s10 =	sld [smem:$0x3FB8]  }
0x3d: {  	_ =	shalt  }
0x3e: {  	_ =	shalt  }
0x3f: {  	_ =	shalt  }
0x40: {  	_ =	shalt  }
0x41: {  	_ =	shalt  }
0x42: {  	_ =	shalt  }
0x43: {  	_ =	shalt  }
0x44: {  	_ =	shalt  }
0x45: {  	_ =	shalt  }
0x46: {  	_ =	shalt  }
0x47: {  	_ =	shalt  }
0x48: {  	_ =	shalt  }
0x49: {  	_ =	shalt  }
0x4a: {  	_ =	shalt  }
0x4b: {  	_ =	shalt  }
0x4c: {  	_ =	shalt  }
0x4d: {  	_ =	shalt  }
0x4e: {  	_ =	shalt  }
0x4f: {  	_ =	shalt  }
0x50: {  	_ =	shalt  }
0x51: {  	_ =	shalt  }
0x52: {  	_ =	shalt  }
0x53: {  	_ =	shalt  }
0x54: {  	_ =	shalt  }
0x55: {  	_ =	shalt  }
0x56: {  	_ =	shalt  }
0x57: {  	_ =	shalt  }
0x58: {  	_ =	shalt  }
0x59: {  	_ =	shalt  }
0x5a: {  	_ =	shalt  }
0x5b: {  	_ =	shalt  }
0x5c: {  	_ =	shalt  }
0x5d: {  	_ =	shalt  }
0x5e: {  	_ =	shalt  }
0x5f: {  	_ =	shalt  }
0x60: {  	_ =	shalt  }
0x61: {  	_ =	shalt  }
0x62: {  	_ =	shalt  }
0x63: {  	_ =	shalt  }
0x64: {  	_ =	shalt  }
0x65: {  	_ =	shalt  }
0x66: {  	_ =	shalt  }
0x67: {  	_ =	shalt  }
0x68: {  	_ =	shalt  }
0x69: {  	_ =	shalt  }
0x6a: {  	_ =	shalt  }
0x6b: {  	_ =	shalt  }
0x6c: {  	_ =	shalt  }
0x6d: {  	_ =	shalt  }
0x6e: {  	_ =	shalt  }
0x6f: {  	_ =	shalt  }
0x70: {  	_ =	shalt  }
0x71: {  	_ =	shalt  }
0x72: {  	_ =	shalt  }
0x73: {  	_ =	shalt  }
0x74: {  	_ =	shalt  }
0x75: {  	_ =	shalt  }
0x76: {  	_ =	shalt  }
0x77: {  	_ =	shalt  }
0x78: {  	_ =	shalt  }
0x79: {  	_ =	shalt  }
0x7a: {  	_ =	shalt  }
0x7b: {  	_ =	shalt  }
0x7c: {  	_ =	shalt  }
0x7d: {  	_ =	shalt  }
0x7e: {  	_ =	shalt  }
0x7f: {  	_ =	shalt  }
0x80: {  	_ =	shalt  }
0x81: {  	_ =	shalt  }
0x82: {  	_ =	shalt  }
0x83: {  	_ =	shalt  }
0x84: {  	_ =	shalt  }
0x85: {  	_ =	shalt  }
0x86: {  	_ =	shalt  }
0x87: {  	_ =	shalt  }
.Lfunc_end0:
.L_simem_size_0:
called_computation_lowered:
.L_overlay_start_0:
0x88: {  	s2 =	sld [smem:$0x3FD9]  }
0x89: {  	s3 =	sld [smem:$0x3FFE];
	_ =	sdelay $0x1  }
0x8a: {  	s1 =	srdreg.scid  }
0x8b: {  	s0 =	sand.u32 $0x1, s1  }
0x8c: {  	s16 =	sshll.u32 s0, $0xA;
	s2 =	sadd.s32 s3, s2  }
0x8d: {  	s2 =	sadd.s32 s2, s16  }
0x8e: {  	[smem:$0x3FC4] =	sst s2  }
0x8f: {  	_ = 	snop  }
0x90: {  	(tm) =	ssettm $0x1  }
0x91: {  	s17 =	sld [smem:$0x3FFB];
	_ =	sdelay $0x3  }
0x92: {  	_ =	strace s17  }
0x93: {  	s2 =	sld [smem:$0x3FFC];
	_ =	sdelay $0x3  }
0x94: {  	_ =	strace s2  }
0x95: {  	s2 =	sld [smem:$0x3FFD];
	_ =	sdelay $0x3  }
0x96: {  	_ =	strace s2  }
0x97: {  	_ =	strace $0x8FFFFFFF  }
0x98: {  	s18 =	sld [smem:$0x3FDB];
	_ =	sdelay $0x1  }
0x99: {  	s19 =	simm.s32 $_scs_section_size  }
0x9a: {  	s4 =	simm.s32 $_size__tile_overlayer_lowered;
	s5 =	simm.s32 $_tile_overlayer_lowered  }
0x9b: {  	s22 =	simm.s32 $0x1BFF;
	s21 =	sshll.u32 s5, $0x1;
	s2 =	sadd.s32 s19, s18  }
0x9c: {  	s6 =	simm.s32 $0x0;
	s20 =	sshll.u32 s4, $0x1;
	s4 =	sadd.s32 s21, s2  }
0x9d: {  	[timem:s6], [sflag:s22] =	dma.local [hbm:s4], s20  }
0x9e: {  	_ =	swait.ge [sflag:s22], s20  }
0x9f: {  	s3 =	ssub.s32 $0x0, s20;
	[sflag:s22] =	ssyncset.done $0x0  }
0xa0: {  	[sflag:s22] =	ssyncadd.s32 s3;
	_ =	sdelay $0x1  }
0xa1: {  	s23 =	simm.s32 $0x1B8B  }
0xa2: {  	_ =	swait.ge [sflag:s23], $0x1  }
0xa3: {  	[sflag:s23] =	ssyncset.done $0x0  }
0xa4: {  	s25 =	simm.s32 $0x1B8E;
	s24 =	sld [smem:$0x3FFE];
	[sflag:s23] =	ssyncadd.s32 $0xFFFFFFFF  }
0xa5: {  	s26 =	simm.s32 $execute0_lowered;
	[smem:$0x3FD2] =	sst s25  }
0xa6: {  	s4 =	sshll.u32 s26, $0x1;
	_ =	strace $0x80000046;
	[dreg:$0x1] =	wrdreg $0xFFFFFFFF  }
0xa7: {  	s28 =	simm.s32 $_size_execute0_lowered;
	s2 =	sadd.s32 s2, s4;
	[dreg:$0x0] =	wrdreg $0x0  }
0xa8: {  	s4 =	sshll.u32 s28, $0x1;
	[dreg:$0x2] =	wrdreg s2  }
0xa9: {  	[dreg:$0x3] =	wrdreg s4  }
0xaa: {  	[dreg:$0x4] =	wrdreg $0xC0  }
0xab: {  	_ =	task [dreg:s6], $0x5FFFF  }
0xac: {  	[dreg:$0x1] =	wrdreg $0xFFFFFFFF  }
0xad: {  	[dreg:$0x0] =	wrdreg $0x60  }
0xae: {  	[dreg:$0x2] =	wrdreg s24  }
0xaf: {  	[dreg:$0x3] =	wrdreg $0x0  }
0xb0: {  	[dreg:$0x4] =	wrdreg $0x9  }
0xb1: {  	_ =	task.clear_ibuf [dreg:s6], $0x5FFFF;
	_ =	strace $0x90000046  }
0xb2: {  	s29 =	simm.s32 $0x9;
	_ =	strace $0x80000048  }
0xb3: {  	_ =	swait.ge [sflag:s29], $0x1  }
0xb4: {  	[sflag:s29] =	ssyncadd.s32 $0xFFFFFFFF  }
0xb5: {  	_ =	strace $0x90000048  }
0xb6: {  	_ =	sfence  }
0xb7: {  	s30 =	sld [smem:$0x0];
	_ =	sdelay $0x2  }
0xb8: {  	s31 =	sshll.u32 s1, $0xD;
	s1 =	sshrl.u32 s1, $0x2  }
0xb9: {  	s3 =	sand.u32 $0x4000, s31;
	s1 =	sadd.s32 s1, s30  }
0xba: {  	s0 =	sor.u32 s3, s0;
	s1 =	sshll.u32 s1, $0x11  }
0xbb: {  	s0 =	sor.u32 s1, s0  }
0xbc: {  	s0 =	sadd.s32 $0x8F2B, s0  }
0xbd: {  	[sflag:s0] =	ssyncadd.remote.s32 $0x1  }
0xbe: {  	_ =	sfence.sel $0xFFFF  }
0xbf: {  	[dreg:$0x0] =	wrdreg $0xFFFFFFFF;
	(pc) =	sbr.abs _section_cstart, $3  }
0xc0: {  	[dreg:$0x1] =	wrdreg $0xFFFFFFFF  }
0xc1: {  	_ =	task.clear_ibuf [dreg:s6], $0x2FFFF;
	_ =	strace $0x9FFFFFFF  }
0xc2: {  	(tm) =	ssettm $0x7FFFFFFF  }
0xc3: {  	_ =	shalt  }
tec
execute0_lowered:
.L_overlay_start_1:
0x0: {  	(tag) =	ssettag $0x1  }
0x1: {  	v1 =	vimm.s32 $0x380;
	vm0 =	vcmask $0x3700  }
0x2: {  	v2 =	vimm.s32 $0x300;
	vm9 =	vcmask $0x2F00;
	v3 =	vimm.s32 $0x280  }
0x3: {  	vm10 =	vcmask $0x2700;
	v4 =	vimm.s32 $0x180;
	vm11 =	vcmask $0x1700  }
0x4: {  	v6 =	vimm.s32 $0x100;
	v19 =	vlaneseq.u32;
	vm12 =	vcmask $0xF00  }
0x5: {  	v7 =	vimm.s32 $0x80;
	vm1 =	vcmask $0x700;
	v9 =	vimm.s32 $0x54329876  }
0x6: {  	v12 =	vimm.s32 $0x1003130;
	v13 =	vimm.s32 $0x32107654;
	vm13 =	vcmask $0x2F10  }
0x7: {  	vm14 =	vcmask $0x3F30;
	v14 =	vimm.s32 $0x98765432;
	v16 =	vimm.s32 $0x2F2E2D2C  }
0x8: {  	vm15 =	vcmask $0x1F10;
	v24 =	vimm.s32 $0x76543210;
	v25 =	vimm.s32 $0x2D2C2B2A  }
0x9: {  	v27 =	vimm.s32 $0x2B2A2928;
	v62 =	vimm.s32 $0x29282726;
	v37 =	vimm.s32 $0x27262524  }
0xa: {  	v0 =	vsel vm0, $0x300, v1;
	v49 =	vsel vm9, $0x280, v2;
	v50 =	vsel vm10, $0x200, v3  }
0xb: {  	v58 =	vsel vm11, $0x100, v4;
	v8 =	vshrl.u32 v19, $0x3;
	v20 =	vsel vm12, $0x80, v6  }
0xc: {  	v21 =	vsel vm1, $0x0, v7;
	v11 =	vunpack.c.l.s4.s8 v9;
	v51 =	vor.u32 $0x10, v19  }
0xd: {  	v10 =	vor.u32 $0x20, v19;
	v28 =	vunpack.c.0.s8.s32 v12;
	v12 =	vimm.s32 $0xD0C0B0A  }
0xe: {  	v13 =	vunpack.c.l.s4.s8 v13;
	v23 =	vadd.s32 $0x8E, v19;
	v14 =	vunpack.c.l.s4.s8 v14  }
0xf: {  	v29 =	vunpack.c.0.s8.s32 v16;
	v54 =	vadd.s32 $0x9E, v19;
	v56 =	vadd.s32 $0x10C, v19  }
0x10: {  	v57 =	vadd.s32 $0x11C, v19;
	v59 =	vadd.s32 $0x18A, v19;
	v61 =	vadd.s32 $0x19A, v19  }
0x11: {  	v52 =	vadd.s32 $0xE, v19;
	v53 =	vadd.s32 $0x1E, v19;
	v55 =	vadd.s32 $0xC, v19  }
0x12: {  	v60 =	vadd.s32 $0x1C, v19;
	v26 =	vunpack.c.l.s4.s8 v24;
	v24 =	vadd.s32 $0xA, v19  }
0x13: {  	v32 =	vunpack.c.0.s8.s32 v25;
	v25 =	vimm.s32 $0x5040302;
	v38 =	vadd.s32 $0x1A, v19  }
0x14: {  	v34 =	vunpack.c.0.s8.s32 v27;
	v39 =	vadd.s32 $0x208, v19;
	v40 =	vadd.s32 $0x218, v19  }
0x15: {  	v37 =	vunpack.c.0.s8.s32 v37;
	v41 =	vadd.s32 $0x286, v19;
	v42 =	vadd.s32 $0x296, v19  }
0x16: {  	v43 =	vadd.s32 $0x304, v19;
	v44 =	vadd.s32 $0x314, v19;
	v45 =	vadd.s32 $0x382, v19  }
0x17: {  	v46 =	vadd.s32 $0x392, v19;
	v47 =	vadd.s32 $0x3A2, v19;
	v16 =	vadd.s32 $0x18, v19  }
0x18: {  	v27 =	vadd.s32 $0x12, v19;
	v8 =	vmul.u32 $0x80, v8;
	v12 =	vunpack.c.0.s8.s32 v12  }
0x19: {  	s4 =	rddreg [dreg:$0x0];
	v30 =	vunpack.c.0.s8.s32 v25;
	v25 =	vadd.s32 $0x16, v19;
	v11 =	vunpack.c.0.s8.s32 v11  }
0x1a: {  	s1 =	rddreg [dreg:$0x1];
	v13 =	vunpack.c.0.s8.s32 v13;
	v18 =	vunpack.c.0.s8.s32 v14;
	v35 =	vsel vm15, v28, v29  }
0x1b: {  	s0 =	rddreg [dreg:$0x2];
	[tilespmem:$0x1FF60] =	vst v0;
	v26 =	vunpack.c.0.s8.s32 v26;
	v29 =	vsel vm15, v29, v34;
	v63 =	vsel vm15, v34, v37  }
0x1c: {  	s2 =	simm.s32 $0x0;
	s3 =	srdreg.scid;
	s5 =	stileid.u32;
	[tilespmem:$0x1FF70] =	vst v49;
	v37 =	vadd.s32 $0x14, v19;
	v34 =	vadd.s32 $0x22, v19;
	v22 =	vadd.s32 $0x180, v8  }
0x1d: {  	s9 =	simm.s32 $0x2;
	s10 =	simm.s32 $0xE00;
	s12 =	simm.s32 $0x12E00;
	[tilespmem:$0x1FF80] =	vst v50;
	v30 =	vsel vm15, v30, v28;
	v15 =	vand.u32 $0xF, v13;
	v13 =	vimm.s32 $0x31302F2E  }
0x1e: {  	s13 =	simm.s32 $0x12E80;
	s14 =	simm.s32 $0x12F00;
	s15 =	simm.s32 $0x12F80;
	[tilespmem:$0x1FF90] =	vst v52;
	v11 =	vand.u32 $0xF, v11;
	v29 =	vcombine.low v29, v30;
	v31 =	vunpack.c.0.s8.s32 v13  }
0x1f: {  	s11 =	simm.s32 $0x1;
	s16 =	simm.s32 $0x0;
	[smem:$0x7FF] =	sst s2;
	[tilespmem:$0x1FFA0] =	vst v53;
	v11 =	vsel vm13, v11, v28;
	v13 =	vimm.s32 $0xB0A0908;
	v28 =	vimm.s32 $0x3020100  }
0x20: {  	s6 =	sand.u32 $0x1, s3;
	s7 =	sshll.u32 s5, $0x1;
	s3 =	sadd.s32 $0x10A00, s4;
	[tilespmem:$0x1FFB0] =	vst v55;
	v11 =	vsel vm14, v12, v11;
	v17 =	vunpack.c.0.s8.s32 v13;
	v33 =	vsel vm15, v31, v32  }
0x21: {  	p0 =	sne.s32 s5, $0x0;
	[tilespmem:$0x1FFC0] =	vst v60;
	s7 =	sor.u32 s6, s7;
	s6 =	ssub.s32 $0x2, s6;
	v36 =	vunpack.c.0.s8.s32 v28;
	v26 =	vcombine.low v33, v26;
	v33 =	vunpack.c.0.s8.s32 v62  }
0x22: {  	_ =	strace $0x80000047;
	s8 =	sshll.u32 s7, $0xB;
	s7 =	sshll.u32 s7, $0x4;
	v28 =	vadd.s32 $0x4, v19;
	v14 =	vsel vm13, v15, v31;
	v15 =	vadd.s32 $0x8, v19  }
0x23: {  	s31 =	sshrl.u32 s6, $0x1;
	[tilespmem:$0x1FFD0] =	vst v25;
	s8 =	sadd.s32 s8, s4;
	s7 =	sadd.s32 s7, s4;
	v14 =	vsel vm14, v17, v14;
	v17 =	vand.u32 $0xF, v18;
	v36 =	vsel vm15, v36, v31  }
0x24: {  	[tilespmem:$0x1FFE0] =	vst v27;
	s6 =	ssub.s32 s6, s31;
	s4 =	sadd.s32 $0xA00, s8;
	s5 =	sadd.s32 $0x12600, s7;
	v18 =	vadd.s32 $0x6, v19;
	v17 =	vcombine.low v35, v17;
	v32 =	vsel vm15, v32, v33  }
0x25: {  	s6 =	smax.u32 s6, $0x1;
	s7 =	sshrl.u32 @!p0 s1, $0x3;
	s8 =	simm.s32 $0xEE00;
	[tilespmem:$0x1FFF0] =	vst v28;
	v35 =	vcombine.low v63, v35;
	v32 =	vcombine.low v32, v36;
	v36 =	vadd.s32 $0x2, v19;
	v33 =	vmovc v51  }
.LBB2_1:
0x26: {  	s17 =	simm.s32 @!p0 $0x1C02  }
0x27: {  	[spmem:s7], [sflag:s17] =	dma.local @!p0 [hbm:s3], $0x1C00  }
0x28: {  	s17 =	simm.s32 @!p0 $0x2  }
0x29: {  	_ =	swait.ge @!p0 [sflag:s17], $0x1C00  }
0x2a: {  	[sflag:s17] =	ssyncset.done @!p0 $0x0  }
0x2b: {  	[sflag:s17] =	ssyncadd.s32 @!p0 $0xFFFFE400  }
0x2c: {  	[tilespmem:s8], [sflag:$0x2] =	stream.linear.gather [hbm4b:s4+s2], $0x4000, $0x38;
	[tilespmem:$0x13000] =	vst v63  }
0x2d: {  	_ =	swait.ge [sflag:s9], $0x4000  }
0x2e: {  	[sflag:s9] =	ssyncset.done $0x0  }
0x2f: {  	[sflag:s9] =	ssyncadd.s32 $0xFFFFC000  }
0x30: {  	[bflag:$0x0] =	sbarrier.arrive $0xFFFF  }
0x31: {  	v0 =	vimm.f32 $0.0e+00;
	[tilespmem:s10], [sflag:$0x1] =	stream.linear.gather [spmem:s1], $0xE000, $0x38;
	[tilespmem:$0x13000] =	vst v63  }
0x32: {  	[tilespmem:$0x12E00] =	vst v0  }
0x33: {  	[tilespmem:$0x12E10] =	vst v0  }
0x34: {  	[tilespmem:$0x12E20] =	vst v0  }
0x35: {  	[tilespmem:$0x12E30] =	vst v0  }
0x36: {  	[tilespmem:$0x12E80] =	vst v0  }
0x37: {  	[tilespmem:$0x12E90] =	vst v0  }
0x38: {  	[tilespmem:$0x12EA0] =	vst v0  }
0x39: {  	[tilespmem:$0x12EB0] =	vst v0  }
0x3a: {  	[tilespmem:$0x12F00] =	vst v0  }
0x3b: {  	[tilespmem:$0x12F10] =	vst v0  }
0x3c: {  	[tilespmem:$0x12F20] =	vst v0  }
0x3d: {  	[tilespmem:$0x12F30] =	vst v0  }
0x3e: {  	[tilespmem:$0x12F80] =	vst v0  }
0x3f: {  	[tilespmem:$0x12F90] =	vst v0  }
0x40: {  	[tilespmem:$0x12FA0] =	vst v0  }
0x41: {  	[tilespmem:$0x12FB0] =	vst v0  }
0x42: {  	_ =	swait.ge [sflag:s11], $0xE000  }
0x43: {  	[sflag:s11] =	ssyncset.done $0x0  }
0x44: {  	s17 =	simm.s32 $0x0;
	[sflag:s11] =	ssyncadd.s32 $0xFFFF2000  }
.LBB2_2:
0x45: {  	v48 =	vmov s17  }
0x46: {  	v48 =	vshll.u32 v48, $0x7  }
0x47: {  	v49 =	vor.u32 v19, v48  }
0x48: {  	v50 =	vor.u32 v33, v48  }
0x49: {  	v51 =	vor.u32 v10, v48  }
0x4a: {  	v53 =	vor.u32 v23, v48  }
0x4b: {  	v52 =	vor.u32 v21, v48;
	v5 =	vor.u32 v54, v48  }
0x4c: {  	v3 =	vor.u32 v58, v48;
	v52 =	vor.u32 v11, v52;
	v49 =	vld.idx.msk [tilespmem:v49+s8+$0x0], $0xffff  }
0x4d: {  	v19 =	vmov v58;
	v58 =	vor.u32 v17, v3;
	v50 =	vld.idx.msk [tilespmem:v50+s8+$0x0], $0xffff  }
0x4e: {  	v55 =	vor.u32 v20, v48;
	v51 =	vld.idx.msk [tilespmem:v51+s8+$0x0], $0xffff  }
0x4f: {  	v55 =	vor.u32 v14, v55;
	v53 =	vld.idx.msk [tilespmem:v53+s8+$0x0], $0xffff  }
0x50: {  	v25 =	vmov v54;
	v6 =	vor.u32 v56, v48;
	v54 =	vld.idx.msk [tilespmem:v5+s8+$0x0], $0xffff  }
0x51: {  	v7 =	vor.u32 v57, v48;
	v52 =	vld.idx.msk [tilespmem:v52+s8+$0x0], $0xffff  }
0x52: {  	v30 =	vmov v59;
	v59 =	vor.u32 v59, v48;
	v58 =	vld.idx.msk [tilespmem:v58+s8+$0x0], $0xffff  }
0x53: {  	v31 =	vmovc v61;
	v61 =	vor.u32 v61, v48;
	v60 =	vshrl.u32 v49, $0x1;
	v62 =	vshrl.u32 v50, $0x1  }
0x54: {  	v55 =	vld.idx.msk [tilespmem:v55+s8+$0x0], $0xffff;
	v63 =	vand.u32 $0x1FFF, v49;
	v0 =	vand.u32 $0x1FFF, v50;
	v4 =	vshrl.u32 v51, $0x1  }
0x55: {  	v27 =	vmovc v56;
	v56 =	vld.idx.msk [tilespmem:v6+s8+$0x0], $0xffff;
	v5 =	vand.u32 $0x1FFF, v51;
	v6 =	vshrl.u32 v53, $0x1;
	v3 =	vand.u32 $0x1FFF, v53  }
0x56: {  	v28 =	vmovc v57;
	v57 =	vld.idx.msk [tilespmem:v7+s8+$0x0], $0xffff;
	v7 =	vshrl.u32 v54, $0x1;
	v60 =	vand.u32 $0x7FFFE000, v60;
	v62 =	vand.u32 $0x7FFFE000, v62  }
0x57: {  	v1 =	vshrl.u32 v52, $0x1;
	v2 =	vand.u32 $0x1FFF, v52;
	v8 =	vand.u32 $0x1FFF, v58  }
0x58: {  	v60 =	vor.u32 v63, v60;
	v0 =	vor.u32 v0, v62;
	v62 =	vand.u32 $0x7FFFE000, v4  }
0x59: {  	v1 =	vand.u32 $0x7FFFE000, v1;
	v63 =	vand.u32 $0x7FFFE000, v6;
	v4 =	vshrl.u32 v55, $0x1  }
0x5a: {  	v6 =	vand.u32 $0x1FFF, v55;
	v62 =	vor.u32 v5, v62;
	v1 =	vor.u32 v2, v1  }
0x5b: {  	v59 =	vld.idx.msk [tilespmem:v59+s8+$0x0], $0xffff;
	v2 =	vor.u32 v3, v63;
	v3 =	vand.u32 $0x7FFFE000, v7;
	v63 =	vand.u32 $0x1FFF, v54  }
0x5c: {  	v4 =	vand.u32 $0x7FFFE000, v4;
	v3 =	vor.u32 v63, v3;
	v63 =	vshrl.u32 v56, $0x1  }
0x5d: {  	v61 =	vld.idx.msk [tilespmem:v61+s8+$0x0], $0xffff;
	v7 =	vand.u32 $0x1FFF, v56;
	v5 =	vshrl.u32 v58, $0x1;
	v63 =	vand.u32 $0x7FFFE000, v63  }
0x5e: {  	v4 =	vor.u32 v6, v4;
	v6 =	vor.u32 v7, v63;
	v7 =	vshrl.u32 v57, $0x1;
	v60 =	vld.idx.msk [tilespmem:v60+s10+$0x0], $0xffff  }
0x5f: {  	v5 =	vand.u32 $0x7FFFE000, v5;
	v63 =	vand.u32 $0x1FFF, v57;
	v7 =	vand.u32 $0x7FFFE000, v7;
	v0 =	vld.idx.msk [tilespmem:v0+s10+$0x0], $0xffff  }
0x60: {  	v5 =	vor.u32 v8, v5;
	v7 =	vor.u32 v63, v7;
	v63 =	vshrl.u32 v59, $0x1;
	v62 =	vld.idx.msk [tilespmem:v62+s10+$0x0], $0xffff  }
0x61: {  	v12 =	vand.u32 $0x1FFF, v59;
	v1 =	vld.idx.msk [tilespmem:v1+s10+$0x0], $0xffff;
	v63 =	vand.u32 $0x7FFFE000, v63  }
0x62: {  	v2 =	vld.idx.msk [tilespmem:v2+s10+$0x0], $0xffff;
	v8 =	vor.u32 v12, v63;
	v12 =	vshrl.u32 v61, $0x1  }
0x63: {  	v3 =	vld.idx.msk [tilespmem:v3+s10+$0x0], $0xffff;
	v63 =	vand.u32 $0x1FFF, v61;
	v12 =	vand.u32 $0x7FFFE000, v12  }
0x64: {  	v4 =	vld.idx.msk [tilespmem:v4+s10+$0x0], $0xffff;
	v12 =	vor.u32 v63, v12  }
0x65: {  	v9 =	vlaneseq.u32;
	v5 =	vld.idx.msk [tilespmem:v5+s10+$0x0], $0xffff  }
0x66: {  	v49 =	vand.u32 $0x2000, v49;
	v54 =	vand.u32 $0x2000, v54;
	v6 =	vld.idx.msk [tilespmem:v6+s10+$0x0], $0xffff  }
0x67: {  	vm0 =	veq.s32 v49, $0x0;
	vm8 =	veq.s32 v54, $0x0;
	v7 =	vld.idx.msk [tilespmem:v7+s10+$0x0], $0xffff  }
0x68: {  	v13 =	vand.u32 $0xFFFF0000, v60;
	v60 =	vshll.u32 v60, $0x10;
	v63 =	vand.u32 $0x2000, v50;
	v8 =	vld.idx.msk [tilespmem:v8+s10+$0x0], $0xffff  }
0x69: {  	v13 =	vsel vm0, v60, v13;
	v60 =	vand.u32 $0xFFFF0000, v0;
	v0 =	vshll.u32 v0, $0x10;
	v12 =	vld.idx.msk [tilespmem:v12+s10+$0x0], $0xffff  }
0x6a: {  	vm5 =	veq.s32 v63, $0x0;
	v49 =	vand.u32 $0xFFFF0000, v62;
	v63 =	vand.u32 $0x2000, v51;
	[tilespmem:v9+s12+$0x0] =	vst.idx.add.f32.msk $0xffff, v13  }
0x6b: {  	v0 =	vsel vm5, v0, v60;
	v60 =	vshll.u32 v62, $0x10;
	vm6 =	veq.s32 v63, $0x0;
	v9 =	vld [tilespmem:$0x1FF90]  }
0x6c: {  	v54 =	vld [tilespmem:$0x1FFA0];
	v62 =	vand.u32 $0x2000, v52;
	v63 =	vand.u32 $0xFFFF0000, v1;
	v1 =	vshll.u32 v1, $0x10  }
0x6d: {  	vm1 =	veq.s32 v62, $0x0;
	v49 =	vsel vm6, v60, v49;
	v60 =	vand.u32 $0x2000, v53  }
0x6e: {  	v1 =	vsel vm1, v1, v63;
	v63 =	vand.u32 $0xFFFF0000, v3;
	v3 =	vshll.u32 v3, $0x10  }
0x6f: {  	vm7 =	veq.s32 v60, $0x0;
	v60 =	vsel vm8, v3, v63;
	v63 =	vand.u32 $0x2000, v56;
	v56 =	vld [tilespmem:$0x1FFB0]  }
0x70: {  	[tilespmem:v33+s13+$0x0] =	vst.idx.add.f32.msk $0xffff, v0  }
0x71: {  	v62 =	vand.u32 $0xFFFF0000, v2;
	v2 =	vshll.u32 v2, $0x10;
	[tilespmem:v10+s14+$0x0] =	vst.idx.add.f32.msk $0xffff, v49  }
0x72: {  	v2 =	vsel vm7, v2, v62;
	[tilespmem:v11+s15+$0x0] =	vst.idx.add.f32.msk $0xffff, v1  }
0x73: {  	v55 =	vand.u32 $0x2000, v55;
	[tilespmem:v9+s12+$0x0] =	vst.idx.add.f32.msk $0xffff, v2  }
0x74: {  	vm9 =	veq.s32 v55, $0x0;
	v51 =	vand.u32 $0x2000, v57;
	[tilespmem:v54+s13+$0x0] =	vst.idx.add.f32.msk $0xffff, v60  }
0x75: {  	vm11 =	veq.s32 v51, $0x0;
	v53 =	vand.u32 $0x2000, v58;
	v55 =	vand.u32 $0xFFFF0000, v5;
	v60 =	vld [tilespmem:$0x1FFC0]  }
0x76: {  	v5 =	vshll.u32 v5, $0x10;
	v58 =	vand.u32 $0x2000, v59;
	v59 =	vor.u32 v22, v48  }
0x77: {  	vm12 =	veq.s32 v53, $0x0;
	v13 =	vand.u32 $0xFFFF0000, v4;
	v4 =	vshll.u32 v4, $0x10  }
0x78: {  	vm13 =	veq.s32 v58, $0x0;
	v53 =	vor.u32 v40, v48;
	v58 =	vld [tilespmem:$0x1FF70];
	v62 =	vsel vm9, v4, v13  }
0x79: {  	v13 =	vand.u32 $0xFFFF0000, v6;
	v6 =	vshll.u32 v6, $0x10;
	vm10 =	veq.s32 v63, $0x0;
	v54 =	vld [tilespmem:$0x1FF80]  }
0x7a: {  	v50 =	vand.u32 $0xFFFF0000, v7;
	v52 =	vshll.u32 v7, $0x10;
	v0 =	vsel vm12, v5, v55;
	v9 =	vld [tilespmem:$0x1FF60]  }
0x7b: {  	v63 =	vor.u32 v26, v59;
	v49 =	vsel vm10, v6, v13;
	v57 =	vand.u32 $0xFFFF0000, v8;
	[tilespmem:v14+s14+$0x0] =	vst.idx.add.f32.msk $0xffff, v62  }
0x7c: {  	v51 =	vshll.u32 v12, $0x10;
	v2 =	vsel vm11, v52, v50;
	v50 =	vand.u32 $0x2000, v61;
	[tilespmem:v56+s15+$0x0] =	vst.idx.add.f32.msk $0xffff, v49  }
0x7d: {  	v52 =	vor.u32 v39, v48;
	vm14 =	veq.s32 v50, $0x0;
	v62 =	vshll.u32 v8, $0x10;
	[tilespmem:v60+s12+$0x0] =	vst.idx.add.f32.msk $0xffff, v2  }
0x7e: {  	v7 =	vsel vm13, v62, v57;
	v49 =	vand.u32 $0xFFFF0000, v12;
	v4 =	vor.u32 v54, v48;
	[tilespmem:v17+s13+$0x0] =	vst.idx.add.f32.msk $0xffff, v0  }
0x7f: {  	v55 =	vor.u32 v29, v4;
	v0 =	vsel vm14, v51, v49;
	[tilespmem:v24+s14+$0x0] =	vst.idx.add.f32.msk $0xffff, v7  }
0x80: {  	[tilespmem:v38+s15+$0x0] =	vst.idx.add.f32.msk $0xffff, v0  }
0x81: {  	v3 =	vld.idx.msk [tilespmem:v63+s8+$0x0], $0xffff  }
0x82: {  	v2 =	vld.idx.msk [tilespmem:v52+s8+$0x0], $0xffff  }
0x83: {  	v56 =	vor.u32 v41, v48;
	v1 =	vld.idx.msk [tilespmem:v53+s8+$0x0], $0xffff  }
0x84: {  	v57 =	vor.u32 v42, v48;
	v0 =	vld.idx.msk [tilespmem:v55+s8+$0x0], $0xffff  }
0x85: {  	v59 =	vor.u32 v43, v48;
	v6 =	vor.u32 v58, v48;
	v12 =	vor.u32 v9, v48  }
0x86: {  	v13 =	vor.u32 v45, v48;
	v6 =	vor.u32 v32, v6;
	v12 =	vor.u32 v35, v12  }
0x87: {  	v50 =	vor.u32 v46, v48;
	v8 =	vor.u32 v44, v48;
	v48 =	vor.u32 v47, v48  }
0x88: {  	v4 =	vld.idx.msk [tilespmem:v56+s8+$0x0], $0xffff;
	v60 =	vshrl.u32 v3, $0x1;
	v61 =	vand.u32 $0x1FFF, v3;
	v62 =	vshrl.u32 v2, $0x1  }
0x89: {  	v5 =	vld.idx.msk [tilespmem:v57+s8+$0x0], $0xffff;
	v63 =	vand.u32 $0x1FFF, v2;
	v56 =	vshrl.u32 v1, $0x1;
	v58 =	vshrl.u32 v0, $0x1  }
0x8a: {  	v7 =	vld.idx.msk [tilespmem:v59+s8+$0x0], $0xffff;
	v59 =	vand.u32 $0x1FFF, v1;
	v3 =	vand.u32 $0x2000, v3;
	v2 =	vand.u32 $0x2000, v2  }
0x8b: {  	v12 =	vld.idx.msk [tilespmem:v12+s8+$0x0], $0xffff;
	v1 =	vand.u32 $0x2000, v1;
	v49 =	vand.u32 $0x7FFFE000, v60;
	v51 =	vand.u32 $0x7FFFE000, v62  }
0x8c: {  	v6 =	vld.idx.msk [tilespmem:v6+s8+$0x0], $0xffff;
	v57 =	vand.u32 $0x7FFFE000, v56;
	v53 =	vand.u32 $0x7FFFE000, v58;
	v60 =	vand.u32 $0x1FFF, v0  }
0x8d: {  	v62 =	vand.u32 $0x1FFF, v4;
	vm15 =	veq.s32 v3, $0x0;
	vm4 =	veq.s32 v2, $0x0  }
0x8e: {  	vm5 =	veq.s32 v1, $0x0;
	v0 =	vand.u32 $0x2000, v0;
	v49 =	vor.u32 v61, v49  }
0x8f: {  	v8 =	vld.idx.msk [tilespmem:v8+s8+$0x0], $0xffff;
	v51 =	vor.u32 v63, v51;
	v52 =	vor.u32 v59, v57;
	v53 =	vor.u32 v60, v53  }
0x90: {  	v61 =	vshrl.u32 v4, $0x1;
	v63 =	vshrl.u32 v5, $0x1;
	v59 =	vshrl.u32 v12, $0x1  }
0x91: {  	v50 =	vld.idx.msk [tilespmem:v50+s8+$0x0], $0xffff;
	v54 =	vand.u32 $0x7FFFE000, v61;
	v60 =	vand.u32 $0x7FFFE000, v63;
	v61 =	vshrl.u32 v6, $0x1  }
0x92: {  	v13 =	vld.idx.msk [tilespmem:v13+s8+$0x0], $0xffff;
	v63 =	vand.u32 $0x1FFF, v6;
	v59 =	vand.u32 $0x7FFFE000, v59;
	v54 =	vor.u32 v62, v54  }
0x93: {  	v62 =	vand.u32 $0x1FFF, v5;
	v56 =	vand.u32 $0x7FFFE000, v61;
	v61 =	vand.u32 $0x1FFF, v7  }
0x94: {  	v55 =	vor.u32 v62, v60;
	v60 =	vshrl.u32 v7, $0x1;
	v62 =	vshrl.u32 v8, $0x1  }
0x95: {  	v56 =	vor.u32 v63, v56;
	v57 =	vand.u32 $0x7FFFE000, v60;
	v58 =	vand.u32 $0x7FFFE000, v62;
	v49 =	vld.idx.msk [tilespmem:v49+s10+$0x0], $0xffff  }
0x96: {  	v48 =	vld.idx.msk [tilespmem:v48+s8+$0x0], $0xffff;
	v60 =	vand.u32 $0x1FFF, v8;
	v62 =	vshrl.u32 v50, $0x1;
	v57 =	vor.u32 v61, v57  }
0x97: {  	v61 =	vand.u32 $0x1FFF, v12;
	v58 =	vor.u32 v60, v58;
	v60 =	vshrl.u32 v13, $0x1;
	v51 =	vld.idx.msk [tilespmem:v51+s10+$0x0], $0xffff  }
0x98: {  	v52 =	vld.idx.msk [tilespmem:v52+s10+$0x0], $0xffff;
	v59 =	vor.u32 v61, v59;
	v60 =	vand.u32 $0x7FFFE000, v60;
	v61 =	vand.u32 $0x1FFF, v13  }
0x99: {  	vm6 =	veq.s32 v0, $0x0;
	v3 =	vld.idx.msk [tilespmem:v53+s10+$0x0], $0xffff;
	v60 =	vor.u32 v61, v60;
	v61 =	vand.u32 $0x7FFFE000, v62  }
0x9a: {  	v62 =	vand.u32 $0x1FFF, v50;
	v2 =	vld.idx.msk [tilespmem:v55+s10+$0x0], $0xffff;
	v53 =	vand.u32 $0xFFFF0000, v49;
	v49 =	vshll.u32 v49, $0x10  }
0x9b: {  	v61 =	vor.u32 v62, v61;
	v62 =	vshrl.u32 v48, $0x1;
	v49 =	vsel vm15, v49, v53;
	v53 =	vld.idx.msk [tilespmem:v54+s10+$0x0], $0xffff  }
0x9c: {  	v4 =	vand.u32 $0x2000, v4;
	v63 =	vand.u32 $0x1FFF, v48;
	v62 =	vand.u32 $0x7FFFE000, v62;
	v54 =	vld.idx.msk [tilespmem:v56+s10+$0x0], $0xffff  }
0x9d: {  	vm7 =	veq.s32 v4, $0x0;
	v5 =	vand.u32 $0x2000, v5;
	v62 =	vor.u32 v63, v62;
	v1 =	vld.idx.msk [tilespmem:v57+s10+$0x0], $0xffff  }
0x9e: {  	vm8 =	veq.s32 v5, $0x0;
	v55 =	vand.u32 $0xFFFF0000, v52;
	v52 =	vshll.u32 v52, $0x10;
	v0 =	vld.idx.msk [tilespmem:v58+s10+$0x0], $0xffff  }
0x9f: {  	v63 =	vand.u32 $0xFFFF0000, v51;
	v51 =	vshll.u32 v51, $0x10;
	v52 =	vsel vm5, v52, v55;
	v55 =	vld.idx.msk [tilespmem:v59+s10+$0x0], $0xffff  }
0xa0: {  	v51 =	vsel vm4, v51, v63;
	v63 =	vand.u32 $0xFFFF0000, v3;
	v3 =	vshll.u32 v3, $0x10;
	v4 =	vld.idx.msk [tilespmem:v60+s10+$0x0], $0xffff  }
0xa1: {  	v3 =	vsel vm6, v3, v63;
	v5 =	vld.idx.msk [tilespmem:v61+s10+$0x0], $0xffff;
	v63 =	vand.u32 $0xFFFF0000, v54;
	v54 =	vshll.u32 v54, $0x10  }
0xa2: {  	v6 =	vand.u32 $0x2000, v6;
	v56 =	vld.idx.msk [tilespmem:v62+s10+$0x0], $0xffff  }
0xa3: {  	vm9 =	veq.s32 v6, $0x0;
	[tilespmem:v26+s12+$0x0] =	vst.idx.add.f32.msk $0xffff, v49  }
0xa4: {  	v49 =	vsel vm9, v54, v63;
	v54 =	vmov v25;
	v25 =	vld [tilespmem:$0x1FFD0];
	_ =	sdelay $0x2  }
0xa5: {  	v57 =	vmov v28;
	v28 =	vld [tilespmem:$0x1FFF0]  }
0xa6: {  	[tilespmem:v15+s13+$0x0] =	vst.idx.add.f32.msk $0xffff, v51  }
0xa7: {  	v7 =	vand.u32 $0x2000, v7;
	v60 =	vand.u32 $0xFFFF0000, v53;
	v53 =	vshll.u32 v53, $0x10;
	[tilespmem:v16+s14+$0x0] =	vst.idx.add.f32.msk $0xffff, v52  }
0xa8: {  	v62 =	vand.u32 $0xFFFF0000, v2;
	v2 =	vshll.u32 v2, $0x10;
	v53 =	vsel vm7, v53, v60;
	[tilespmem:v29+s15+$0x0] =	vst.idx.add.f32.msk $0xffff, v3  }
0xa9: {  	v8 =	vand.u32 $0x2000, v8;
	v2 =	vsel vm8, v2, v62;
	v52 =	vand.u32 $0x2000, v12;
	[tilespmem:v18+s12+$0x0] =	vst.idx.add.f32.msk $0xffff, v53  }
0xaa: {  	v62 =	vshll.u32 v55, $0x10;
	v60 =	vand.u32 $0xFFFF0000, v55;
	vm12 =	veq.s32 v52, $0x0;
	[tilespmem:v25+s13+$0x0] =	vst.idx.add.f32.msk $0xffff, v2  }
0xab: {  	v2 =	vsel vm12, v62, v60;
	v60 =	vand.u32 $0xFFFF0000, v56;
	v62 =	vshll.u32 v56, $0x10;
	v56 =	vmovc v27;
	v27 =	vld [tilespmem:$0x1FFE0]  }
0xac: {  	vm10 =	veq.s32 v7, $0x0;
	vm11 =	veq.s32 v8, $0x0;
	v8 =	vand.u32 $0x2000, v13  }
0xad: {  	vm13 =	veq.s32 v8, $0x0;
	v51 =	vand.u32 $0xFFFF0000, v1;
	v1 =	vshll.u32 v1, $0x10  }
0xae: {  	v1 =	vsel vm10, v1, v51;
	v53 =	vand.u32 $0xFFFF0000, v0;
	v0 =	vshll.u32 v0, $0x10;
	[tilespmem:v32+s14+$0x0] =	vst.idx.add.f32.msk $0xffff, v49  }
0xaf: {  	p1 =	sne.s32 s17, $0x78;
	v63 =	vand.u32 $0xFFFF0000, v4;
	v51 =	vand.u32 $0x2000, v50;
	v0 =	vsel vm11, v0, v53;
	[tilespmem:v28+s15+$0x0] =	vst.idx.add.f32.msk $0xffff, v1  }
.Ltmp0:
0xb0: {  	v55 =	vand.u32 $0x2000, v48;
	vm14 =	veq.s32 v51, $0x0;
	v49 =	vshll.u32 v4, $0x10;
	[tilespmem:v37+s12+$0x0] =	vst.idx.add.f32.msk $0xffff, v0;
	(pc) =	sbr.rel @p1 .LBB2_2-.Ltmp0, $4  }
0xb1: {  	v52 =	vand.u32 $0xFFFF0000, v5;
	v53 =	vshll.u32 v5, $0x10;
	v1 =	vsel vm13, v49, v63;
	[tilespmem:v35+s13+$0x0] =	vst.idx.add.f32.msk $0xffff, v2  }
0xb2: {  	vm15 =	veq.s32 v55, $0x0;
	v0 =	vsel vm14, v53, v52;
	[tilespmem:v36+s14+$0x0] =	vst.idx.add.f32.msk $0xffff, v1  }
0xb3: {  	v63 =	vsel vm15, v62, v60;
	[tilespmem:v27+s15+$0x0] =	vst.idx.add.f32.msk $0xffff, v0  }
0xb4: {  	s17 =	sadd.s32 $0x8, s17;
	v58 =	vmovc v19;
	v19 =	vlaneseq.u32;
	v59 =	vmov v30;
	v61 =	vmov v31;
	[tilespmem:v34+s12+$0x0] =	vst.idx.add.f32.msk $0xffff, v63  }
0xb5: {  	v0 =	vld [tilespmem:$0x12E00]  }
0xb6: {  	v1 =	vld [tilespmem:$0x12E80]  }
0xb7: {  	v2 =	vld [tilespmem:$0x12F00]  }
0xb8: {  	v3 =	vld [tilespmem:$0x12F80]  }
0xb9: {  	v4 =	vld [tilespmem:$0x12E10]  }
0xba: {  	v5 =	vld [tilespmem:$0x12E90]  }
0xbb: {  	v6 =	vld [tilespmem:$0x12F10]  }
0xbc: {  	v7 =	vld [tilespmem:$0x12F90]  }
0xbd: {  	v8 =	vld [tilespmem:$0x12E20]  }
0xbe: {  	v12 =	vld [tilespmem:$0x12EA0]  }
0xbf: {  	v13 =	vld [tilespmem:$0x12E30]  }
0xc0: {  	v48 =	vld [tilespmem:$0x12EB0]  }
0xc1: {  	v49 =	vld [tilespmem:$0x12F20]  }
0xc2: {  	v52 =	vld [tilespmem:$0x12F30];
	v0 =	vadd.f32 v1, v0  }
0xc3: {  	v53 =	vld [tilespmem:$0x12FA0];
	v4 =	vadd.f32 v5, v4  }
0xc4: {  	v55 =	vadd.f32 v12, v8;
	v8 =	vld [tilespmem:$0x12FB0];
	v0 =	vadd.f32 v2, v0  }
0xc5: {  	v60 =	vadd.f32 v48, v13;
	v4 =	vadd.f32 v6, v4  }
0xc6: {  	v2 =	vadd.f32 v49, v55;
	v0 =	vadd.f32 v3, v0  }
0xc7: {  	v1 =	vadd.f32 v52, v60;
	v62 =	vadd.f32 v7, v4  }
0xc8: {  	v63 =	vadd.f32 v53, v2;
	[tilespmem:$0x12E00] =	vst v0  }
0xc9: {  	s16 =	sadd.s32 $0x1, s16;
	v1 =	vadd.f32 v8, v1;
	[tilespmem:$0x12E10] =	vst v62  }
0xca: {  	p1 =	sne.s32 s16, s6;
	[tilespmem:$0x12E20] =	vst v63  }
.Ltmp1:
0xcb: {  	[tilespmem:$0x12E30] =	vst v1;
	(pc) =	sbr.rel @p1 .LBB2_1-.Ltmp1, $4  }
0xcc: {  	[hbm4b:s5+s2] =	stream.linear.scatter [tilespmem:s12], [sflag:$0x2], $0x80, $0x38;
	[tilespmem:$0x13000] =	vst v63  }
0xcd: {  	_ =	swait.ge [sflag:s9], $0x80  }
0xce: {  	[sflag:s9] =	ssyncset.done $0x0  }
0xcf: {  	[sflag:s9] =	ssyncadd.s32 $0xFFFFFF80  }
0xd0: {  	_ =	sfence.sel $0x180000  }
0xd1: {  	[bflag:$0x0] =	sbarrier.arrive $0xFFFF  }
0xd2: {  	_ =	strace $0x90000047  }
0xd3: {  	s0 =	sadd.s32 @!p0 $0x100000, s0;
	[bflag:$0x2] =	sbarrier.arrive $0xFFFF  }
0xd4: {  	[sflag:s0] =	ssyncadd.tile.s32 @!p0 $0x1;
	_ =	shalt  }
.Lfunc_end2:
_tile_overlayer_lowered:
.L_overlay_start_2:
0xd5: {  	(tag) =	ssettag $0x2  }
0xd6: {  	s0 =	rddreg [dreg:$0x0];
	s2 =	stileid.u32  }
0xd7: {  	s1 =	rddreg [dreg:$0x1];
	p0 =	sne.s32 s2, $0x0  }
0xd8: {  	s3 =	rddreg [dreg:$0x2];
	[bflag:$0x3] =	sbarrier.arrive $0xFFFF;
	s2 =	simm.s32 @!p0 $0x1C02  }
0xd9: {  	[timem:s3], [sflag:s2] =	dma.local @!p0 [hbm:s0], s1  }
0xda: {  	s0 =	simm.s32 @!p0 $0x2  }
0xdb: {  	_ =	swait.ge @!p0 [sflag:s0], s1  }
0xdc: {  	s1 =	ssub.s32 @!p0 $0x0, s1;
	[sflag:s0] =	ssyncset.done @!p0 $0x0  }
0xdd: {  	[sflag:s0] =	ssyncadd.s32 @!p0 s1  }
0xde: {  	[bflag:$0x3] =	sbarrier.arrive $0xFFFF  }
0xdf: {  	_ =	shalt  }

</sc_bundles>
